<compile_context>
chip_gen: v7x
topology: tpu7x:2x2x1
jax: 0.10.2.dev20260603
libtpu: 0.0.44.dev20260713+nightly
codegen_flags: <defaults>
</compile_context>

<pallas_src>
import functools

import numpy as _np

import jax
import jax.numpy as jnp
from jax import lax
from jax.experimental import pallas as pl
from jax.experimental.pallas import tpu as pltpu
from jax.experimental.pallas import tpu_sc as plsc

NUM_CLASSES = 1024
FEAT = 256
ALPHA = 0.5
B = 16384

NC, NS = 2, 16
L = 16
HALF = B // NC
CPT = NUM_CLASSES // NS
CHUNK = 128
GRP = HALF // L
NCHK = HALF // CHUNK
LPAD = HALF + CHUNK + L
CPAD = 16
FG = FEAT // L
NSQ = 4

_mesh = plsc.VectorSubcoreMesh(core_axis_name="c", subcore_axis_name="s")


@functools.partial(
    pl.kernel,
    out_type=(
        jax.ShapeDtypeStruct((NC, NUM_CLASSES, FEAT), jnp.float32),
        jax.ShapeDtypeStruct((NC, NUM_CLASSES, CPAD), jnp.float32),
        jax.ShapeDtypeStruct((NC, NS, L), jnp.float32),
    ),
    mesh=_mesh,
    compiler_params=pltpu.CompilerParams(needs_layout_passes=False),
    scratch_types=[
        pltpu.VMEM((HALF,), jnp.int32),
        pltpu.VMEM((NCHK + 1, CHUNK), jnp.int32),
        pltpu.VMEM((LPAD,), jnp.int32),
        pltpu.VMEM((CHUNK, FEAT), jnp.float32),
        pltpu.VMEM((CHUNK, FEAT), jnp.float32),
        pltpu.VMEM((CPT, FEAT), jnp.float32),
        pltpu.VMEM((CPT, CPAD), jnp.float32),
        pltpu.VMEM((NSQ, L), jnp.float32),
        pltpu.SemaphoreType.DMA,
        pltpu.SemaphoreType.DMA,
    ],
)
def _segsum_sc(labels_hbm, ypred_hbm,
               sacc_hbm, cacc_hbm, sqacc_hbm,
               lab_v, rid_v, cls_v, rows_a, rows_b, acc_v, cnt_v, sq_v,
               sem_a, sem_b):
    c = lax.axis_index("c")
    s = lax.axis_index("s")
    i32 = jnp.int32
    lo = s * i32(CPT)
    base = c * i32(HALF)

    pltpu.sync_copy(labels_hbm.at[c], lab_v)

    lane = lax.iota(jnp.int32, L)
    one_col = jnp.where(lane == 0, jnp.float32(1.0), jnp.float32(0.0))
    zvec = jnp.zeros((L,), jnp.float32)
    for q in range(NSQ):
        sq_v[i32(q), pl.ds(0, L)] = zvec

    @plsc.parallel_loop(jnp.int32(0), jnp.int32(CPT), jnp.int32(1))
    def _zero_row(r):
        for g in range(FG):
            acc_v[r, pl.ds(g * L, L)] = zvec
        cnt_v[r, pl.ds(0, L)] = zvec

    def scan_body(g, n):
        lbl = lab_v[pl.ds(g * i32(L), L)]
        in_stripe = jnp.logical_and(lbl >= lo, lbl < lo + CPT)
        rows = base + g * i32(L) + lane
        inc = plsc.cumsum(in_stripe.astype(jnp.int32))
        pos = jnp.maximum(n + inc - 1, i32(0))
        prow = lax.shift_right_logical(pos, i32(7))
        pcol = jnp.bitwise_and(pos, i32(CHUNK - 1))
        plsc.store_scatter(rid_v, [prow, pcol], rows, mask=in_stripe)
        plsc.store_scatter(cls_v, [pos], lbl - lo, mask=in_stripe)
        pc = plsc.all_reduce_population_count(in_stripe)
        return n + pc[0]

    n = plsc.parallel_loop(jnp.int32(0), jnp.int32(GRP), jnp.int32(1),
                           unroll=4, carry=jnp.int32(0))(scan_body)

    dummy = base + lo + lane
    for t in range(CHUNK // L):
        pos = n + i32(t * L) + lane
        prow = lax.shift_right_logical(pos, i32(7))
        pcol = jnp.bitwise_and(pos, i32(CHUNK - 1))
        plsc.store_scatter(rid_v, [prow, pcol], dummy)

    nch = lax.shift_right_logical(n + i32(CHUNK - 1), i32(7))

    def start_gather(j, rows_v, sem):
        pltpu.make_async_copy(ypred_hbm.at[rid_v.at[j]], rows_v, sem).start()

    def wait_gather(j, rows_v, sem):
        pltpu.make_async_copy(ypred_hbm.at[rid_v.at[j]], rows_v, sem).wait()

    def add_row(k_loc, cl, rows_v, sqs):
        out = list(sqs)
        for g in range(FG):
            v = rows_v[k_loc, pl.ds(g * L, L)]
            plsc.addupdate(acc_v.at[cl, pl.ds(g * L, L)], v)
            out[g % NSQ] = out[g % NSQ] + v * v
        plsc.addupdate(cnt_v.at[cl, pl.ds(0, L)], one_col)
        return tuple(out)

    def accumulate(j, rows_v):
        k0 = j * i32(CHUNK)
        kn = jnp.maximum(jnp.minimum(n - k0, i32(CHUNK)), i32(0))
        zc = (zvec, zvec, zvec, zvec)

        def pair_rows(p, sqs):
            k = p * i32(2)
            clv = cls_v[pl.ds(k0 + k, L)]
            sqs = add_row(k, clv[0], rows_v, sqs)
            sqs = add_row(k + 1, clv[1], rows_v, sqs)
            return sqs

        sqs = plsc.parallel_loop(jnp.int32(0),
                                 lax.shift_right_logical(kn, i32(1)),
                                 jnp.int32(1), unroll=2, carry=zc)(pair_rows)
        for q in range(NSQ):
            plsc.addupdate(sq_v.at[i32(q), pl.ds(0, L)], sqs[q])

        @pl.when(jnp.bitwise_and(kn, i32(1)) == 1)
        def _():
            k = kn - 1
            clv = cls_v[pl.ds(k0 + k, L)]
            tail = add_row(k, clv[0], rows_v, (zvec, zvec, zvec, zvec))
            for q in range(NSQ):
                plsc.addupdate(sq_v.at[i32(q), pl.ds(0, L)], tail[q])

    @pl.when(nch > 0)
    def _():
        start_gather(i32(0), rows_a, sem_a)

    def pair_body(jp, carry):
        j0 = jp * i32(2)
        j1 = j0 + 1

        wait_gather(j0, rows_a, sem_a)

        @pl.when(j1 < nch)
        def _():
            start_gather(j1, rows_b, sem_b)

        accumulate(j0, rows_a)

        @pl.when(j1 < nch)
        def _():
            wait_gather(j1, rows_b, sem_b)

            @pl.when(j1 + 1 < nch)
            def _():
                start_gather(j1 + 1, rows_a, sem_a)

            accumulate(j1, rows_b)

        return carry

    npair = lax.shift_right_logical(nch + 1, i32(1))
    lax.fori_loop(jnp.int32(0), npair, pair_body, jnp.int32(0))

    sqt = (sq_v[i32(0), pl.ds(0, L)] + sq_v[i32(1), pl.ds(0, L)]
           + sq_v[i32(2), pl.ds(0, L)] + sq_v[i32(3), pl.ds(0, L)])
    sq_v[i32(0), pl.ds(0, L)] = sqt

    out1 = pltpu.make_async_copy(acc_v, sacc_hbm.at[c, pl.ds(lo, CPT)], sem_a)
    out2 = pltpu.make_async_copy(cnt_v, cacc_hbm.at[c, pl.ds(lo, CPT)], sem_b)
    out1.start()
    out2.start()
    pltpu.sync_copy(sq_v.at[i32(0)], sqacc_hbm.at[c, s])
    out1.wait()
    out2.wait()


_Z = _np.int32(0)


def _combine_tc(centers_ref, sacc_ref, cacc_ref, sqacc_ref,
                upd_ref, loss_ref):
    S = sacc_ref[0] + sacc_ref[1]
    cnt = (cacc_ref[0] + cacc_ref[1])[:, 0:1]
    inv = ALPHA / (1.0 + cnt)
    cen = centers_ref[...]
    upd_ref[...] = cen * (1.0 - inv * cnt) + inv * S
    loss = (0.5 * jnp.sum(sqacc_ref[...])
            + 0.5 * jnp.sum(cnt * (cen * cen)) - jnp.sum(S * cen))
    loss_ref[...] = jnp.reshape(loss, (1, 1))


_combine_call = pl.pallas_call(
    _combine_tc,
    in_specs=[
        pl.BlockSpec((NUM_CLASSES, FEAT), lambda: (_Z, _Z)),
        pl.BlockSpec((NC, NUM_CLASSES, FEAT), lambda: (_Z, _Z, _Z)),
        pl.BlockSpec((NC, NUM_CLASSES, CPAD), lambda: (_Z, _Z, _Z)),
        pl.BlockSpec((NC, NS, L), lambda: (_Z, _Z, _Z)),
    ],
    out_specs=[
        pl.BlockSpec((NUM_CLASSES, FEAT), lambda: (_Z, _Z)),
        pl.BlockSpec((1, 1), lambda: (_Z, _Z)),
    ],
    out_shape=[
        jax.ShapeDtypeStruct((NUM_CLASSES, FEAT), jnp.float32),
        jax.ShapeDtypeStruct((1, 1), jnp.float32),
    ],
)


def kernel(y_true, y_pred, centers):
    labels = jnp.reshape(y_true.astype(jnp.int32), (NC, HALF))
    y_pred = y_pred.astype(jnp.float32)
    sacc, cacc, sqacc = _segsum_sc(labels, y_pred)
    upd, loss = _combine_call(centers, sacc, cacc, sqacc)
    return (loss[0, 0], centers, upd)

# --- scband reference (transcript-rebuilt; emitter-appended) ---
"""Pipeline reference for scband-ctccenter-loss-19035295056206 (READ-ONLY COPY).

The authoritative reference and input builder live on the scoring server;
editing this copy changes nothing except your own understanding.
"""

import jax
jax.config.update("jax_enable_x64", True)
import jax.numpy as jnp
import numpy as np

NUM_CLASSES = 1024
FEAT = 256
ALPHA = 0.5
B = 16384

def setup_inputs(seed: int = 0) -> dict:
    key = jax.random.key(seed)
    k1, k2, k3 = jax.random.split(key, 3)
    y_true = jax.random.randint(k1, (B,), 0, NUM_CLASSES, dtype=jnp.int64)
    y_pred = jax.random.normal(k2, (B, FEAT), dtype=jnp.float32)
    # learned (non-trainable) parameter: class centers, RandomNormal init
    centers = jax.random.normal(k3, (NUM_CLASSES, FEAT), dtype=jnp.float32) * 0.05
    return {"y_true": y_true, "y_pred": y_pred, "centers": centers}

def reference(y_true, y_pred, centers):
    labels = jnp.reshape(y_true, (-1,))
    # gather per-sample class centers
    centers_batch = jnp.take(centers, labels, axis=0)
    # tf.nn.l2_loss = sum(t**2) / 2
    loss = 0.5 * jnp.sum(jnp.square(y_pred - centers_batch))
    diff = centers_batch - y_pred
    # unique_with_counts -> appear_times per element == bincount gathered by label
    counts = jnp.bincount(labels, length=NUM_CLASSES)
    appear_times = jnp.take(counts, labels).reshape(-1, 1)
    diff = diff / (1.0 + appear_times.astype(jnp.float32))
    diff = ALPHA * diff
    # tf.scatter_sub(centers, labels, diff) -> scatter-subtract with duplicate accumulation
    centers_updated = centers.at[labels].add(-diff)
    return (loss, centers, centers_updated)

if __name__ == "__main__":
    import jax
    _d = setup_inputs()
    print(jax.jit(kernel)(*tuple(_d.values())))

</pallas_src>

<mosaic_0001>
#map = affine_map<(d0, d1) -> (0, 0)>
#map1 = affine_map<(d0, d1) -> (0, 0, 0)>
module attributes {stable_mosaic.version = 14 : i64} {
  func.func @_segsum_sc(%arg0: i32, %arg1: i32, %arg2: memref<2x8192xi32, #tpu.memory_space<hbm>>, %arg3: memref<16384x256xf32, #tpu.memory_space<hbm>>, %arg4: memref<2x1024x256xf32, #tpu.memory_space<hbm>>, %arg5: memref<2x1024x16xf32, #tpu.memory_space<hbm>>, %arg6: memref<2x16x16xf32, #tpu.memory_space<hbm>>, %arg7: memref<8192xi32, #tpu.memory_space<vmem>>, %arg8: memref<65x128xi32, #tpu.memory_space<vmem>>, %arg9: memref<8336xi32, #tpu.memory_space<vmem>>, %arg10: memref<128x256xf32, #tpu.memory_space<vmem>>, %arg11: memref<128x256xf32, #tpu.memory_space<vmem>>, %arg12: memref<64x256xf32, #tpu.memory_space<vmem>>, %arg13: memref<64x16xf32, #tpu.memory_space<vmem>>, %arg14: memref<4x16xf32, #tpu.memory_space<vmem>>, %arg15: memref<!tpu.dma_semaphore, #tpu.memory_space<semaphore_mem>>, %arg16: memref<!tpu.dma_semaphore, #tpu.memory_space<semaphore_mem>>) attributes {dimension_semantics = [#tpu.dimension_semantics<core_parallel>, #tpu.dimension_semantics<subcore_parallel>], iteration_bounds = array<i64: 2, 16>, scalar_prefetch = 0 : i64, scratch_operands = 10 : i64, tpu.core_type = #tpu.core_type<sc_vector_subcore>, window_params = [{transform_indices = #map}, {transform_indices = #map}, {transform_indices = #map1}, {transform_indices = #map1}, {transform_indices = #map1}]} {
    %mul3A = arith.constant 64 : i32
    %mul3A_0 = arith.muli %arg1, %mul3A : i32
    %mul3A_1 = arith.constant 8192 : i32
    %mul3A_2 = arith.muli %arg0, %mul3A_1 : i32
    "tpu.region"() ({
      %run_scoped3A_174 = tpu.sem_alloc : memref<!tpu.dma_semaphore, #tpu.memory_space<semaphore_mem>>
      %dma_start3A_175 = arith.constant 0 : i32
      %dma_start3A_176 = tpu.memref_slice %arg2[%arg0, %dma_start3A_175] : memref<2x8192xi32, #tpu.memory_space<hbm>> -> memref<1x8192xi32, #tpu.memory_space<hbm>>
      %dma_start3A_177 = tpu.memref_squeeze %dma_start3A_176 : memref<1x8192xi32, #tpu.memory_space<hbm>> -> memref<8192xi32, #tpu.memory_space<hbm>>
      %dma_start3A_178 = arith.constant 0 : i32
      %dma_start3A_179 = tpu.memref_slice %arg2[%arg0, %dma_start3A_178] : memref<2x8192xi32, #tpu.memory_space<hbm>> -> memref<1x8192xi32, #tpu.memory_space<hbm>>
      %dma_start3A_180 = tpu.memref_squeeze %dma_start3A_179 : memref<1x8192xi32, #tpu.memory_space<hbm>> -> memref<8192xi32, #tpu.memory_space<hbm>>
      tpu.enqueue_dma source(%dma_start3A_180 : memref<8192xi32, #tpu.memory_space<hbm>>) target(%arg7 : memref<8192xi32, #tpu.memory_space<vmem>>) target_semaphore(%run_scoped3A_174 : memref<!tpu.dma_semaphore, #tpu.memory_space<semaphore_mem>>)
      %dma_wait3A_181 = arith.constant 0 : i32
      %dma_wait3A_182 = tpu.memref_slice %arg2[%arg0, %dma_wait3A_181] : memref<2x8192xi32, #tpu.memory_space<hbm>> -> memref<1x8192xi32, #tpu.memory_space<hbm>>
      %dma_wait3A_183 = tpu.memref_squeeze %dma_wait3A_182 : memref<1x8192xi32, #tpu.memory_space<hbm>> -> memref<8192xi32, #tpu.memory_space<hbm>>
      %dma_wait3A_184 = arith.constant 0 : i32
      %dma_wait3A_185 = tpu.memref_slice %arg2[%arg0, %dma_wait3A_184] : memref<2x8192xi32, #tpu.memory_space<hbm>> -> memref<1x8192xi32, #tpu.memory_space<hbm>>
      %dma_wait3A_186 = tpu.memref_squeeze %dma_wait3A_185 : memref<1x8192xi32, #tpu.memory_space<hbm>> -> memref<8192xi32, #tpu.memory_space<hbm>>
      tpu.wait_dma2 semaphore(%run_scoped3A_174 : memref<!tpu.dma_semaphore, #tpu.memory_space<semaphore_mem>>) src(%dma_wait3A_186 : memref<8192xi32, #tpu.memory_space<hbm>>) dst(%arg7 : memref<8192xi32, #tpu.memory_space<vmem>>)
      tpu.yield
    }) : () -> ()
    %iota3A = tpu.iota {dimensions = array<i32: 0>} : vector<16xi32>
    %eq3A = arith.constant 0 : i32
    %eq3A_3 = vector.broadcast %eq3A : i32 to vector<16xi32>
    %eq3A_4 = arith.cmpi eq, %iota3A, %eq3A_3 : vector<16xi32>
    %jit3A = arith.constant 1.000000e+00 : f32
    %jit3A_5 = arith.constant 0.000000e+00 : f32
    %broadcast_in_dim3A = vector.broadcast %jit3A : f32 to vector<16xf32>
    %broadcast_in_dim3A_6 = vector.broadcast %jit3A_5 : f32 to vector<16xf32>
    %select_n3A = arith.select %eq3A_4, %broadcast_in_dim3A, %broadcast_in_dim3A_6 : vector<16xi1>, vector<16xf32>
    %broadcast_in_dim3A_7 = arith.constant 0.000000e+00 : f32
    %broadcast_in_dim3A_8 = vector.broadcast %broadcast_in_dim3A_7 : f32 to vector<16xf32>
    %swap3A = arith.constant 0 : i32
    %swap3A_9 = arith.index_cast %swap3A : i32 to index
    %swap3A_10 = arith.constant 0 : index
    %swap3A_11 = tpu.vector_load %arg14[%swap3A_9, %swap3A_10] {strides = array<i32>} : memref<4x16xf32, #tpu.memory_space<vmem>>, vector<16xf32>,
    tpu.vector_store %arg14[%swap3A_9, %swap3A_10], %broadcast_in_dim3A_8 {strides = array<i32>} : memref<4x16xf32, #tpu.memory_space<vmem>>, vector<16xf32>,
    %swap3A_12 = arith.constant 1 : i32
    %swap3A_13 = arith.index_cast %swap3A_12 : i32 to index
    %swap3A_14 = arith.constant 0 : index
    %swap3A_15 = tpu.vector_load %arg14[%swap3A_13, %swap3A_14] {strides = array<i32>} : memref<4x16xf32, #tpu.memory_space<vmem>>, vector<16xf32>,
    tpu.vector_store %arg14[%swap3A_13, %swap3A_14], %broadcast_in_dim3A_8 {strides = array<i32>} : memref<4x16xf32, #tpu.memory_space<vmem>>, vector<16xf32>,
    %swap3A_16 = arith.constant 2 : i32
    %swap3A_17 = arith.index_cast %swap3A_16 : i32 to index
    %swap3A_18 = arith.constant 0 : index
    %swap3A_19 = tpu.vector_load %arg14[%swap3A_17, %swap3A_18] {strides = array<i32>} : memref<4x16xf32, #tpu.memory_space<vmem>>, vector<16xf32>,
    tpu.vector_store %arg14[%swap3A_17, %swap3A_18], %broadcast_in_dim3A_8 {strides = array<i32>} : memref<4x16xf32, #tpu.memory_space<vmem>>, vector<16xf32>,
    %swap3A_20 = arith.constant 3 : i32
    %swap3A_21 = arith.index_cast %swap3A_20 : i32 to index
    %swap3A_22 = arith.constant 0 : index
    %swap3A_23 = tpu.vector_load %arg14[%swap3A_21, %swap3A_22] {strides = array<i32>} : memref<4x16xf32, #tpu.memory_space<vmem>>, vector<16xf32>,
    tpu.vector_store %arg14[%swap3A_21, %swap3A_22], %broadcast_in_dim3A_8 {strides = array<i32>} : memref<4x16xf32, #tpu.memory_space<vmem>>, vector<16xf32>,
    %parallel_loop3A = arith.constant 0 : i32
    %parallel_loop3A_24 = arith.constant 64 : i32
    %parallel_loop3A_25 = arith.constant 1 : i32
    scf.for %parallel_loop3A_174 = %parallel_loop3A to %parallel_loop3A_24 step %parallel_loop3A_25  : i32 {
      %parallel_loop3A_175 = arith.index_cast %parallel_loop3A_174 : i32 to index
      %parallel_loop3A_176 = arith.constant 0 : index
      %parallel_loop3A_177 = tpu.vector_load %arg12[%parallel_loop3A_175, %parallel_loop3A_176] {strides = array<i32>} : memref<64x256xf32, #tpu.memory_space<vmem>>, vector<16xf32>,
      tpu.vector_store %arg12[%parallel_loop3A_175, %parallel_loop3A_176], %broadcast_in_dim3A_8 {strides = array<i32>} : memref<64x256xf32, #tpu.memory_space<vmem>>, vector<16xf32>,
      %parallel_loop3A_178 = arith.index_cast %parallel_loop3A_174 : i32 to index
      %parallel_loop3A_179 = arith.constant 16 : index
      %parallel_loop3A_180 = tpu.vector_load %arg12[%parallel_loop3A_178, %parallel_loop3A_179] {strides = array<i32>} : memref<64x256xf32, #tpu.memory_space<vmem>>, vector<16xf32>,
      tpu.vector_store %arg12[%parallel_loop3A_178, %parallel_loop3A_179], %broadcast_in_dim3A_8 {strides = array<i32>} : memref<64x256xf32, #tpu.memory_space<vmem>>, vector<16xf32>,
      %parallel_loop3A_181 = arith.index_cast %parallel_loop3A_174 : i32 to index
      %parallel_loop3A_182 = arith.constant 32 : index
      %parallel_loop3A_183 = tpu.vector_load %arg12[%parallel_loop3A_181, %parallel_loop3A_182] {strides = array<i32>} : memref<64x256xf32, #tpu.memory_space<vmem>>, vector<16xf32>,
      tpu.vector_store %arg12[%parallel_loop3A_181, %parallel_loop3A_182], %broadcast_in_dim3A_8 {strides = array<i32>} : memref<64x256xf32, #tpu.memory_space<vmem>>, vector<16xf32>,
      %parallel_loop3A_184 = arith.index_cast %parallel_loop3A_174 : i32 to index
      %parallel_loop3A_185 = arith.constant 48 : index
      %parallel_loop3A_186 = tpu.vector_load %arg12[%parallel_loop3A_184, %parallel_loop3A_185] {strides = array<i32>} : memref<64x256xf32, #tpu.memory_space<vmem>>, vector<16xf32>,
      tpu.vector_store %arg12[%parallel_loop3A_184, %parallel_loop3A_185], %broadcast_in_dim3A_8 {strides = array<i32>} : memref<64x256xf32, #tpu.memory_space<vmem>>, vector<16xf32>,
      %parallel_loop3A_187 = arith.index_cast %parallel_loop3A_174 : i32 to index
      %parallel_loop3A_188 = arith.constant 64 : index
      %parallel_loop3A_189 = tpu.vector_load %arg12[%parallel_loop3A_187, %parallel_loop3A_188] {strides = array<i32>} : memref<64x256xf32, #tpu.memory_space<vmem>>, vector<16xf32>,
      tpu.vector_store %arg12[%parallel_loop3A_187, %parallel_loop3A_188], %broadcast_in_dim3A_8 {strides = array<i32>} : memref<64x256xf32, #tpu.memory_space<vmem>>, vector<16xf32>,
      %parallel_loop3A_190 = arith.index_cast %parallel_loop3A_174 : i32 to index
      %parallel_loop3A_191 = arith.constant 80 : index
      %parallel_loop3A_192 = tpu.vector_load %arg12[%parallel_loop3A_190, %parallel_loop3A_191] {strides = array<i32>} : memref<64x256xf32, #tpu.memory_space<vmem>>, vector<16xf32>,
      tpu.vector_store %arg12[%parallel_loop3A_190, %parallel_loop3A_191], %broadcast_in_dim3A_8 {strides = array<i32>} : memref<64x256xf32, #tpu.memory_space<vmem>>, vector<16xf32>,
      %parallel_loop3A_193 = arith.index_cast %parallel_loop3A_174 : i32 to index
      %parallel_loop3A_194 = arith.constant 96 : index
      %parallel_loop3A_195 = tpu.vector_load %arg12[%parallel_loop3A_193, %parallel_loop3A_194] {strides = array<i32>} : memref<64x256xf32, #tpu.memory_space<vmem>>, vector<16xf32>,
      tpu.vector_store %arg12[%parallel_loop3A_193, %parallel_loop3A_194], %broadcast_in_dim3A_8 {strides = array<i32>} : memref<64x256xf32, #tpu.memory_space<vmem>>, vector<16xf32>,
      %parallel_loop3A_196 = arith.index_cast %parallel_loop3A_174 : i32 to index
      %parallel_loop3A_197 = arith.constant 112 : index
      %parallel_loop3A_198 = tpu.vector_load %arg12[%parallel_loop3A_196, %parallel_loop3A_197] {strides = array<i32>} : memref<64x256xf32, #tpu.memory_space<vmem>>, vector<16xf32>,
      tpu.vector_store %arg12[%parallel_loop3A_196, %parallel_loop3A_197], %broadcast_in_dim3A_8 {strides = array<i32>} : memref<64x256xf32, #tpu.memory_space<vmem>>, vector<16xf32>,
      %parallel_loop3A_199 = arith.index_cast %parallel_loop3A_174 : i32 to index
      %parallel_loop3A_200 = arith.constant 128 : index
      %parallel_loop3A_201 = tpu.vector_load %arg12[%parallel_loop3A_199, %parallel_loop3A_200] {strides = array<i32>} : memref<64x256xf32, #tpu.memory_space<vmem>>, vector<16xf32>,
      tpu.vector_store %arg12[%parallel_loop3A_199, %parallel_loop3A_200], %broadcast_in_dim3A_8 {strides = array<i32>} : memref<64x256xf32, #tpu.memory_space<vmem>>, vector<16xf32>,
      %parallel_loop3A_202 = arith.index_cast %parallel_loop3A_174 : i32 to index
      %parallel_loop3A_203 = arith.constant 144 : index
      %parallel_loop3A_204 = tpu.vector_load %arg12[%parallel_loop3A_202, %parallel_loop3A_203] {strides = array<i32>} : memref<64x256xf32, #tpu.memory_space<vmem>>, vector<16xf32>,
      tpu.vector_store %arg12[%parallel_loop3A_202, %parallel_loop3A_203], %broadcast_in_dim3A_8 {strides = array<i32>} : memref<64x256xf32, #tpu.memory_space<vmem>>, vector<16xf32>,
      %parallel_loop3A_205 = arith.index_cast %parallel_loop3A_174 : i32 to index
      %parallel_loop3A_206 = arith.constant 160 : index
      %parallel_loop3A_207 = tpu.vector_load %arg12[%parallel_loop3A_205, %parallel_loop3A_206] {strides = array<i32>} : memref<64x256xf32, #tpu.memory_space<vmem>>, vector<16xf32>,
      tpu.vector_store %arg12[%parallel_loop3A_205, %parallel_loop3A_206], %broadcast_in_dim3A_8 {strides = array<i32>} : memref<64x256xf32, #tpu.memory_space<vmem>>, vector<16xf32>,
      %parallel_loop3A_208 = arith.index_cast %parallel_loop3A_174 : i32 to index
      %parallel_loop3A_209 = arith.constant 176 : index
      %parallel_loop3A_210 = tpu.vector_load %arg12[%parallel_loop3A_208, %parallel_loop3A_209] {strides = array<i32>} : memref<64x256xf32, #tpu.memory_space<vmem>>, vector<16xf32>,
      tpu.vector_store %arg12[%parallel_loop3A_208, %parallel_loop3A_209], %broadcast_in_dim3A_8 {strides = array<i32>} : memref<64x256xf32, #tpu.memory_space<vmem>>, vector<16xf32>,
      %parallel_loop3A_211 = arith.index_cast %parallel_loop3A_174 : i32 to index
      %parallel_loop3A_212 = arith.constant 192 : index
      %parallel_loop3A_213 = tpu.vector_load %arg12[%parallel_loop3A_211, %parallel_loop3A_212] {strides = array<i32>} : memref<64x256xf32, #tpu.memory_space<vmem>>, vector<16xf32>,
      tpu.vector_store %arg12[%parallel_loop3A_211, %parallel_loop3A_212], %broadcast_in_dim3A_8 {strides = array<i32>} : memref<64x256xf32, #tpu.memory_space<vmem>>, vector<16xf32>,
      %parallel_loop3A_214 = arith.index_cast %parallel_loop3A_174 : i32 to index
      %parallel_loop3A_215 = arith.constant 208 : index
      %parallel_loop3A_216 = tpu.vector_load %arg12[%parallel_loop3A_214, %parallel_loop3A_215] {strides = array<i32>} : memref<64x256xf32, #tpu.memory_space<vmem>>, vector<16xf32>,
      tpu.vector_store %arg12[%parallel_loop3A_214, %parallel_loop3A_215], %broadcast_in_dim3A_8 {strides = array<i32>} : memref<64x256xf32, #tpu.memory_space<vmem>>, vector<16xf32>,
      %parallel_loop3A_217 = arith.index_cast %parallel_loop3A_174 : i32 to index
      %parallel_loop3A_218 = arith.constant 224 : index
      %parallel_loop3A_219 = tpu.vector_load %arg12[%parallel_loop3A_217, %parallel_loop3A_218] {strides = array<i32>} : memref<64x256xf32, #tpu.memory_space<vmem>>, vector<16xf32>,
      tpu.vector_store %arg12[%parallel_loop3A_217, %parallel_loop3A_218], %broadcast_in_dim3A_8 {strides = array<i32>} : memref<64x256xf32, #tpu.memory_space<vmem>>, vector<16xf32>,
      %parallel_loop3A_220 = arith.index_cast %parallel_loop3A_174 : i32 to index
      %parallel_loop3A_221 = arith.constant 240 : index
      %parallel_loop3A_222 = tpu.vector_load %arg12[%parallel_loop3A_220, %parallel_loop3A_221] {strides = array<i32>} : memref<64x256xf32, #tpu.memory_space<vmem>>, vector<16xf32>,
      tpu.vector_store %arg12[%parallel_loop3A_220, %parallel_loop3A_221], %broadcast_in_dim3A_8 {strides = array<i32>} : memref<64x256xf32, #tpu.memory_space<vmem>>, vector<16xf32>,
      %parallel_loop3A_223 = arith.index_cast %parallel_loop3A_174 : i32 to index
      %parallel_loop3A_224 = arith.constant 0 : index
      %parallel_loop3A_225 = tpu.vector_load %arg13[%parallel_loop3A_223, %parallel_loop3A_224] {strides = array<i32>} : memref<64x16xf32, #tpu.memory_space<vmem>>, vector<16xf32>,
      tpu.vector_store %arg13[%parallel_loop3A_223, %parallel_loop3A_224], %broadcast_in_dim3A_8 {strides = array<i32>} : memref<64x16xf32, #tpu.memory_space<vmem>>, vector<16xf32>,
    } {sc.loop_unroll_factor = 1 : i64, sc.parallel_access}
    %parallel_loop3A_26 = arith.constant 0 : i32
    %parallel_loop3A_27 = arith.constant 512 : i32
    %parallel_loop3A_28 = arith.constant 1 : i32
    %parallel_loop3A_29 = arith.constant 0 : i32
    %parallel_loop3A_30 = scf.for %parallel_loop3A_174 = %parallel_loop3A_26 to %parallel_loop3A_27 step %parallel_loop3A_28 iter_args(%parallel_loop3A_175 = %parallel_loop3A_29) -> (i32)  : i32 {
      %parallel_loop3A_176 = arith.constant 16 : i32
      %parallel_loop3A_177 = arith.muli %parallel_loop3A_174, %parallel_loop3A_176 : i32
      %parallel_loop3A_178 = arith.index_cast %parallel_loop3A_177 : i32 to index
      %parallel_loop3A_179 = tpu.vector_load %arg7[%parallel_loop3A_178] {strides = array<i32>} : memref<8192xi32, #tpu.memory_space<vmem>>, vector<16xi32>,
      %parallel_loop3A_180 = vector.broadcast %mul3A_0 : i32 to vector<16xi32>
      %parallel_loop3A_181 = arith.cmpi sge, %parallel_loop3A_179, %parallel_loop3A_180 : vector<16xi32>
      %parallel_loop3A_182 = arith.constant 64 : i32
      %parallel_loop3A_183 = arith.addi %mul3A_0, %parallel_loop3A_182 : i32
      %parallel_loop3A_184 = vector.broadcast %parallel_loop3A_183 : i32 to vector<16xi32>
      %parallel_loop3A_185 = arith.cmpi slt, %parallel_loop3A_179, %parallel_loop3A_184 : vector<16xi32>
      %parallel_loop3A_186 = arith.andi %parallel_loop3A_181, %parallel_loop3A_185 : vector<16xi1>
      %parallel_loop3A_187 = arith.constant 16 : i32
      %parallel_loop3A_188 = arith.muli %parallel_loop3A_174, %parallel_loop3A_187 : i32
      %parallel_loop3A_189 = arith.addi %mul3A_2, %parallel_loop3A_188 : i32
      %parallel_loop3A_190 = vector.broadcast %parallel_loop3A_189 : i32 to vector<16xi32>
      %parallel_loop3A_191 = arith.addi %parallel_loop3A_190, %iota3A : vector<16xi32>
      %parallel_loop3A_192 = arith.extui %parallel_loop3A_186 : vector<16xi1> to vector<16xi32>
      %parallel_loop3A_193 = arith.constant true
      %parallel_loop3A_194 = vector.broadcast %parallel_loop3A_193 : i1 to vector<16xi1>
      %parallel_loop3A_195 = tpu.scan <sum>, %parallel_loop3A_192 masked %parallel_loop3A_194 : vector<16xi32>, vector<16xi1> -> vector<16xi32>
      %parallel_loop3A_196 = vector.broadcast %parallel_loop3A_175 : i32 to vector<16xi32>
      %parallel_loop3A_197 = arith.addi %parallel_loop3A_196, %parallel_loop3A_195 : vector<16xi32>
      %parallel_loop3A_198 = arith.constant 1 : i32
      %parallel_loop3A_199 = vector.broadcast %parallel_loop3A_198 : i32 to vector<16xi32>
      %parallel_loop3A_200 = arith.subi %parallel_loop3A_197, %parallel_loop3A_199 : vector<16xi32>
      %parallel_loop3A_201 = arith.constant 0 : i32
      %parallel_loop3A_202 = vector.broadcast %parallel_loop3A_201 : i32 to vector<16xi32>
      %parallel_loop3A_203 = arith.maxsi %parallel_loop3A_200, %parallel_loop3A_202 : vector<16xi32>
      %parallel_loop3A_204 = arith.constant 7 : i32
      %parallel_loop3A_205 = vector.broadcast %parallel_loop3A_204 : i32 to vector<16xi32>
      %parallel_loop3A_206 = arith.shrui %parallel_loop3A_203, %parallel_loop3A_205 : vector<16xi32>
      %parallel_loop3A_207 = arith.constant 127 : i32
      %parallel_loop3A_208 = vector.broadcast %parallel_loop3A_207 : i32 to vector<16xi32>
      %parallel_loop3A_209 = arith.andi %parallel_loop3A_203, %parallel_loop3A_208 : vector<16xi32>
      tpu.vector_store_idx %arg8[%parallel_loop3A_206, %parallel_loop3A_209], %parallel_loop3A_191 masked %parallel_loop3A_186 : memref<65x128xi32, #tpu.memory_space<vmem>>[vector<16xi32>, vector<16xi32>], vector<16xi32>, vector<16xi1>
      %parallel_loop3A_210 = vector.broadcast %mul3A_0 : i32 to vector<16xi32>
      %parallel_loop3A_211 = arith.subi %parallel_loop3A_179, %parallel_loop3A_210 : vector<16xi32>
      tpu.vector_store_idx %arg9[%parallel_loop3A_203], %parallel_loop3A_211 masked %parallel_loop3A_186 : memref<8336xi32, #tpu.memory_space<vmem>>[vector<16xi32>], vector<16xi32>, vector<16xi1>
      %parallel_loop3A_212 = tpu.all_reduce %parallel_loop3A_186 {dim = 0 : i64, kind = #tpu.reduction_kind<sum>} : vector<16xi1> -> vector<16xi32>
      %parallel_loop3A_213 = vector.extract_strided_slice %parallel_loop3A_212 {offsets = [0], sizes = [1], strides = [1]} : vector<16xi32> to vector<1xi32>
      %parallel_loop3A_214 = vector.extract %parallel_loop3A_213[0] : i32 from vector<1xi32>
      %parallel_loop3A_215 = arith.addi %parallel_loop3A_175, %parallel_loop3A_214 : i32
      scf.yield %parallel_loop3A_215 : i32
    } {sc.loop_unroll_factor = 4 : i64, sc.parallel_access}
    %add3A = arith.addi %mul3A_2, %mul3A_0 : i32
    %add3A_31 = vector.broadcast %add3A : i32 to vector<16xi32>
    %add3A_32 = arith.addi %add3A_31, %iota3A : vector<16xi32>
    %add3A_33 = arith.constant 0 : i32
    %add3A_34 = arith.addi %parallel_loop3A_30, %add3A_33 : i32
    %add3A_35 = vector.broadcast %add3A_34 : i32 to vector<16xi32>
    %add3A_36 = arith.addi %add3A_35, %iota3A : vector<16xi32>
    %shift_right_logical3A = arith.constant 7 : i32
    %shift_right_logical3A_37 = vector.broadcast %shift_right_logical3A : i32 to vector<16xi32>
    %shift_right_logical3A_38 = arith.shrui %add3A_36, %shift_right_logical3A_37 : vector<16xi32>
    %and3A = arith.constant 127 : i32
    %and3A_39 = vector.broadcast %and3A : i32 to vector<16xi32>
    %and3A_40 = arith.andi %add3A_36, %and3A_39 : vector<16xi32>
    tpu.vector_store_idx %arg8[%shift_right_logical3A_38, %and3A_40], %add3A_32 : memref<65x128xi32, #tpu.memory_space<vmem>>[vector<16xi32>, vector<16xi32>], vector<16xi32>,
    %add3A_41 = arith.constant 16 : i32
    %add3A_42 = arith.addi %parallel_loop3A_30, %add3A_41 : i32
    %add3A_43 = vector.broadcast %add3A_42 : i32 to vector<16xi32>
    %add3A_44 = arith.addi %add3A_43, %iota3A : vector<16xi32>
    %shift_right_logical3A_45 = arith.constant 7 : i32
    %shift_right_logical3A_46 = vector.broadcast %shift_right_logical3A_45 : i32 to vector<16xi32>
    %shift_right_logical3A_47 = arith.shrui %add3A_44, %shift_right_logical3A_46 : vector<16xi32>
    %and3A_48 = arith.constant 127 : i32
    %and3A_49 = vector.broadcast %and3A_48 : i32 to vector<16xi32>
    %and3A_50 = arith.andi %add3A_44, %and3A_49 : vector<16xi32>
    tpu.vector_store_idx %arg8[%shift_right_logical3A_47, %and3A_50], %add3A_32 : memref<65x128xi32, #tpu.memory_space<vmem>>[vector<16xi32>, vector<16xi32>], vector<16xi32>,
    %add3A_51 = arith.constant 32 : i32
    %add3A_52 = arith.addi %parallel_loop3A_30, %add3A_51 : i32
    %add3A_53 = vector.broadcast %add3A_52 : i32 to vector<16xi32>
    %add3A_54 = arith.addi %add3A_53, %iota3A : vector<16xi32>
    %shift_right_logical3A_55 = arith.constant 7 : i32
    %shift_right_logical3A_56 = vector.broadcast %shift_right_logical3A_55 : i32 to vector<16xi32>
    %shift_right_logical3A_57 = arith.shrui %add3A_54, %shift_right_logical3A_56 : vector<16xi32>
    %and3A_58 = arith.constant 127 : i32
    %and3A_59 = vector.broadcast %and3A_58 : i32 to vector<16xi32>
    %and3A_60 = arith.andi %add3A_54, %and3A_59 : vector<16xi32>
    tpu.vector_store_idx %arg8[%shift_right_logical3A_57, %and3A_60], %add3A_32 : memref<65x128xi32, #tpu.memory_space<vmem>>[vector<16xi32>, vector<16xi32>], vector<16xi32>,
    %add3A_61 = arith.constant 48 : i32
    %add3A_62 = arith.addi %parallel_loop3A_30, %add3A_61 : i32
    %add3A_63 = vector.broadcast %add3A_62 : i32 to vector<16xi32>
    %add3A_64 = arith.addi %add3A_63, %iota3A : vector<16xi32>
    %shift_right_logical3A_65 = arith.constant 7 : i32
    %shift_right_logical3A_66 = vector.broadcast %shift_right_logical3A_65 : i32 to vector<16xi32>
    %shift_right_logical3A_67 = arith.shrui %add3A_64, %shift_right_logical3A_66 : vector<16xi32>
    %and3A_68 = arith.constant 127 : i32
    %and3A_69 = vector.broadcast %and3A_68 : i32 to vector<16xi32>
    %and3A_70 = arith.andi %add3A_64, %and3A_69 : vector<16xi32>
    tpu.vector_store_idx %arg8[%shift_right_logical3A_67, %and3A_70], %add3A_32 : memref<65x128xi32, #tpu.memory_space<vmem>>[vector<16xi32>, vector<16xi32>], vector<16xi32>,
    %add3A_71 = arith.constant 64 : i32
    %add3A_72 = arith.addi %parallel_loop3A_30, %add3A_71 : i32
    %add3A_73 = vector.broadcast %add3A_72 : i32 to vector<16xi32>
    %add3A_74 = arith.addi %add3A_73, %iota3A : vector<16xi32>
    %shift_right_logical3A_75 = arith.constant 7 : i32
    %shift_right_logical3A_76 = vector.broadcast %shift_right_logical3A_75 : i32 to vector<16xi32>
    %shift_right_logical3A_77 = arith.shrui %add3A_74, %shift_right_logical3A_76 : vector<16xi32>
    %and3A_78 = arith.constant 127 : i32
    %and3A_79 = vector.broadcast %and3A_78 : i32 to vector<16xi32>
    %and3A_80 = arith.andi %add3A_74, %and3A_79 : vector<16xi32>
    tpu.vector_store_idx %arg8[%shift_right_logical3A_77, %and3A_80], %add3A_32 : memref<65x128xi32, #tpu.memory_space<vmem>>[vector<16xi32>, vector<16xi32>], vector<16xi32>,
    %add3A_81 = arith.constant 80 : i32
    %add3A_82 = arith.addi %parallel_loop3A_30, %add3A_81 : i32
    %add3A_83 = vector.broadcast %add3A_82 : i32 to vector<16xi32>
    %add3A_84 = arith.addi %add3A_83, %iota3A : vector<16xi32>
    %shift_right_logical3A_85 = arith.constant 7 : i32
    %shift_right_logical3A_86 = vector.broadcast %shift_right_logical3A_85 : i32 to vector<16xi32>
    %shift_right_logical3A_87 = arith.shrui %add3A_84, %shift_right_logical3A_86 : vector<16xi32>
    %and3A_88 = arith.constant 127 : i32
    %and3A_89 = vector.broadcast %and3A_88 : i32 to vector<16xi32>
    %and3A_90 = arith.andi %add3A_84, %and3A_89 : vector<16xi32>
    tpu.vector_store_idx %arg8[%shift_right_logical3A_87, %and3A_90], %add3A_32 : memref<65x128xi32, #tpu.memory_space<vmem>>[vector<16xi32>, vector<16xi32>], vector<16xi32>,
    %add3A_91 = arith.constant 96 : i32
    %add3A_92 = arith.addi %parallel_loop3A_30, %add3A_91 : i32
    %add3A_93 = vector.broadcast %add3A_92 : i32 to vector<16xi32>
    %add3A_94 = arith.addi %add3A_93, %iota3A : vector<16xi32>
    %shift_right_logical3A_95 = arith.constant 7 : i32
    %shift_right_logical3A_96 = vector.broadcast %shift_right_logical3A_95 : i32 to vector<16xi32>
    %shift_right_logical3A_97 = arith.shrui %add3A_94, %shift_right_logical3A_96 : vector<16xi32>
    %and3A_98 = arith.constant 127 : i32
    %and3A_99 = vector.broadcast %and3A_98 : i32 to vector<16xi32>
    %and3A_100 = arith.andi %add3A_94, %and3A_99 : vector<16xi32>
    tpu.vector_store_idx %arg8[%shift_right_logical3A_97, %and3A_100], %add3A_32 : memref<65x128xi32, #tpu.memory_space<vmem>>[vector<16xi32>, vector<16xi32>], vector<16xi32>,
    %add3A_101 = arith.constant 112 : i32
    %add3A_102 = arith.addi %parallel_loop3A_30, %add3A_101 : i32
    %add3A_103 = vector.broadcast %add3A_102 : i32 to vector<16xi32>
    %add3A_104 = arith.addi %add3A_103, %iota3A : vector<16xi32>
    %shift_right_logical3A_105 = arith.constant 7 : i32
    %shift_right_logical3A_106 = vector.broadcast %shift_right_logical3A_105 : i32 to vector<16xi32>
    %shift_right_logical3A_107 = arith.shrui %add3A_104, %shift_right_logical3A_106 : vector<16xi32>
    %and3A_108 = arith.constant 127 : i32
    %and3A_109 = vector.broadcast %and3A_108 : i32 to vector<16xi32>
    %and3A_110 = arith.andi %add3A_104, %and3A_109 : vector<16xi32>
    tpu.vector_store_idx %arg8[%shift_right_logical3A_107, %and3A_110], %add3A_32 : memref<65x128xi32, #tpu.memory_space<vmem>>[vector<16xi32>, vector<16xi32>], vector<16xi32>,
    %add3A_111 = arith.constant 127 : i32
    %add3A_112 = arith.addi %parallel_loop3A_30, %add3A_111 : i32
    %shift_right_logical3A_113 = arith.constant 7 : i32
    %shift_right_logical3A_114 = arith.shrui %add3A_112, %shift_right_logical3A_113 : i32
    %gt3A = arith.constant 0 : i32
    %gt3A_115 = arith.cmpi sgt, %shift_right_logical3A_114, %gt3A : i32
    %convert_element_type3A = arith.extui %gt3A_115 : i1 to i32
    %cond3A = arith.constant 0 : i32
    %cond3A_116 = arith.cmpi ne, %convert_element_type3A, %cond3A : i32
    scf.if %cond3A_116 {
      %dma_start3A_174 = arith.constant 0 : i32
      %dma_start3A_175 = arith.constant 0 : i32
      %dma_start3A_176 = tpu.memref_slice %arg8[%dma_start3A_174, %dma_start3A_175] : memref<65x128xi32, #tpu.memory_space<vmem>> -> memref<1x128xi32, #tpu.memory_space<vmem>>
      %dma_start3A_177 = tpu.memref_squeeze %dma_start3A_176 : memref<1x128xi32, #tpu.memory_space<vmem>> -> memref<128xi32, #tpu.memory_space<vmem>>
      %dma_start3A_178 = arith.constant 0 : i32
      %dma_start3A_179 = arith.constant 0 : i32
      %dma_start3A_180 = tpu.memref_slice %arg3[%dma_start3A_178, %dma_start3A_179] : memref<16384x256xf32, #tpu.memory_space<hbm>> -> memref<16384x256xf32, #tpu.memory_space<hbm>>
      tpu.enqueue_indirect_dma source(%dma_start3A_180 : memref<16384x256xf32, #tpu.memory_space<hbm>>) target(%arg10 : memref<128x256xf32, #tpu.memory_space<vmem>>) offsets(%dma_start3A_177 : memref<128xi32, #tpu.memory_space<vmem>>) semaphore(%arg15 : memref<!tpu.dma_semaphore, #tpu.memory_space<semaphore_mem>>)
    } else {
    }
    %add3A_117 = arith.constant 1 : i32
    %add3A_118 = arith.addi %shift_right_logical3A_114, %add3A_117 : i32
    %shift_right_logical3A_119 = arith.constant 1 : i32
    %shift_right_logical3A_120 = arith.shrui %add3A_118, %shift_right_logical3A_119 : i32
    %while3A = arith.constant 0 : i32
    %while3A_121 = arith.constant 0 : i32
    %while3A_122 = arith.subi %shift_right_logical3A_120, %while3A_121 : i32
    %while3A_123 = arith.addi %while3A_121, %while3A_122 : i32
    %while3A_124 = arith.constant 1 : i32
    %while3A_125 = arith.divsi %while3A_122, %while3A_124 : i32
    %while3A_126 = arith.muli %while3A_125, %while3A_124 : i32
    %while3A_127 = arith.addi %while3A_121, %while3A_126 : i32
    %while3A_128 = arith.constant 1 : i32
    scf.for %while3A_174 = %while3A_121 to %while3A_127 step %while3A_128  : i32 {
      %mul3A_175 = arith.constant 2 : i32
      %mul3A_176 = arith.muli %while3A_174, %mul3A_175 : i32
      %add3A_177 = arith.constant 1 : i32
      %add3A_178 = arith.addi %mul3A_176, %add3A_177 : i32
      %dma_wait3A_179 = arith.constant 0 : i32
      %dma_wait3A_180 = tpu.memref_slice %arg8[%mul3A_176, %dma_wait3A_179] : memref<65x128xi32, #tpu.memory_space<vmem>> -> memref<1x128xi32, #tpu.memory_space<vmem>>
      %dma_wait3A_181 = tpu.memref_squeeze %dma_wait3A_180 : memref<1x128xi32, #tpu.memory_space<vmem>> -> memref<128xi32, #tpu.memory_space<vmem>>
      %dma_wait3A_182 = arith.constant 0 : i32
      %dma_wait3A_183 = arith.constant 0 : i32
      %dma_wait3A_184 = tpu.memref_slice %arg3[%dma_wait3A_182, %dma_wait3A_183] : memref<16384x256xf32, #tpu.memory_space<hbm>> -> memref<16384x256xf32, #tpu.memory_space<hbm>>
      tpu.wait_indirect_dma semaphore(%arg15 : memref<!tpu.dma_semaphore, #tpu.memory_space<semaphore_mem>>) src(%dma_wait3A_184 : memref<16384x256xf32, #tpu.memory_space<hbm>>) dst(%arg10 : memref<128x256xf32, #tpu.memory_space<vmem>>)
      %lt3A = arith.cmpi slt, %add3A_178, %shift_right_logical3A_114 : i32
      %convert_element_type3A_185 = arith.extui %lt3A : i1 to i32
      %cond3A_186 = arith.constant 0 : i32
      %cond3A_187 = arith.cmpi ne, %convert_element_type3A_185, %cond3A_186 : i32
      scf.if %cond3A_187 {
        %dma_start3A_224 = arith.constant 0 : i32
        %dma_start3A_225 = tpu.memref_slice %arg8[%add3A_178, %dma_start3A_224] : memref<65x128xi32, #tpu.memory_space<vmem>> -> memref<1x128xi32, #tpu.memory_space<vmem>>
        %dma_start3A_226 = tpu.memref_squeeze %dma_start3A_225 : memref<1x128xi32, #tpu.memory_space<vmem>> -> memref<128xi32, #tpu.memory_space<vmem>>
        %dma_start3A_227 = arith.constant 0 : i32
        %dma_start3A_228 = arith.constant 0 : i32
        %dma_start3A_229 = tpu.memref_slice %arg3[%dma_start3A_227, %dma_start3A_228] : memref<16384x256xf32, #tpu.memory_space<hbm>> -> memref<16384x256xf32, #tpu.memory_space<hbm>>
        tpu.enqueue_indirect_dma source(%dma_start3A_229 : memref<16384x256xf32, #tpu.memory_space<hbm>>) target(%arg11 : memref<128x256xf32, #tpu.memory_space<vmem>>) offsets(%dma_start3A_226 : memref<128xi32, #tpu.memory_space<vmem>>) semaphore(%arg16 : memref<!tpu.dma_semaphore, #tpu.memory_space<semaphore_mem>>)
      } else {
      }
      %mul3A_188 = arith.constant 128 : i32
      %mul3A_189 = arith.muli %mul3A_176, %mul3A_188 : i32
      %sub3A = arith.subi %parallel_loop3A_30, %mul3A_189 : i32
      %min3A = arith.constant 128 : i32
      %min3A_190 = arith.minsi %sub3A, %min3A : i32
      %max3A = arith.constant 0 : i32
      %max3A_191 = arith.maxsi %min3A_190, %max3A : i32
      %shift_right_logical3A_192 = arith.constant 1 : i32
      %shift_right_logical3A_193 = arith.shrui %max3A_191, %shift_right_logical3A_192 : i32
      %parallel_loop3A_194 = arith.constant 0 : i32
      %parallel_loop3A_195 = arith.constant 1 : i32
      %parallel_loop3A_196:4 = scf.for %parallel_loop3A_224 = %parallel_loop3A_194 to %shift_right_logical3A_193 step %parallel_loop3A_195 iter_args(%parallel_loop3A_225 = %broadcast_in_dim3A_8, %parallel_loop3A_226 = %broadcast_in_dim3A_8, %parallel_loop3A_227 = %broadcast_in_dim3A_8, %parallel_loop3A_228 = %broadcast_in_dim3A_8) -> (vector<16xf32>, vector<16xf32>, vector<16xf32>, vector<16xf32>)  : i32 {
        %parallel_loop3A_229 = arith.constant 2 : i32
        %parallel_loop3A_230 = arith.muli %parallel_loop3A_224, %parallel_loop3A_229 : i32
        %parallel_loop3A_231 = arith.addi %mul3A_189, %parallel_loop3A_230 : i32
        %parallel_loop3A_232 = arith.index_cast %parallel_loop3A_231 : i32 to index
        %parallel_loop3A_233 = tpu.vector_load %arg9[%parallel_loop3A_232] {strides = array<i32>} : memref<8336xi32, #tpu.memory_space<vmem>>, vector<16xi32>,
        %parallel_loop3A_234 = vector.extract_strided_slice %parallel_loop3A_233 {offsets = [0], sizes = [1], strides = [1]} : vector<16xi32> to vector<1xi32>
        %parallel_loop3A_235 = vector.extract %parallel_loop3A_234[0] : i32 from vector<1xi32>
        %parallel_loop3A_236 = arith.index_cast %parallel_loop3A_230 : i32 to index
        %parallel_loop3A_237 = arith.constant 0 : index
        %parallel_loop3A_238 = tpu.vector_load %arg10[%parallel_loop3A_236, %parallel_loop3A_237] {strides = array<i32>} : memref<128x256xf32, #tpu.memory_space<vmem>>, vector<16xf32>,
        %parallel_loop3A_239 = arith.index_cast %parallel_loop3A_235 : i32 to index
        %parallel_loop3A_240 = arith.constant 0 : index
        %parallel_loop3A_241 = tpu.vector_load %arg12[%parallel_loop3A_239, %parallel_loop3A_240] {strides = array<i32>} : memref<64x256xf32, #tpu.memory_space<vmem>>, vector<16xf32>,
        tpu.vector_store %arg12[%parallel_loop3A_239, %parallel_loop3A_240], %parallel_loop3A_238 {add = true, strides = array<i32>} : memref<64x256xf32, #tpu.memory_space<vmem>>, vector<16xf32>,
        %parallel_loop3A_242 = arith.mulf %parallel_loop3A_238, %parallel_loop3A_238 : vector<16xf32>
        %parallel_loop3A_243 = arith.addf %parallel_loop3A_225, %parallel_loop3A_242 : vector<16xf32>
        %parallel_loop3A_244 = arith.index_cast %parallel_loop3A_230 : i32 to index
        %parallel_loop3A_245 = arith.constant 16 : index
        %parallel_loop3A_246 = tpu.vector_load %arg10[%parallel_loop3A_244, %parallel_loop3A_245] {strides = array<i32>} : memref<128x256xf32, #tpu.memory_space<vmem>>, vector<16xf32>,
        %parallel_loop3A_247 = arith.index_cast %parallel_loop3A_235 : i32 to index
        %parallel_loop3A_248 = arith.constant 16 : index
        %parallel_loop3A_249 = tpu.vector_load %arg12[%parallel_loop3A_247, %parallel_loop3A_248] {strides = array<i32>} : memref<64x256xf32, #tpu.memory_space<vmem>>, vector<16xf32>,
        tpu.vector_store %arg12[%parallel_loop3A_247, %parallel_loop3A_248], %parallel_loop3A_246 {add = true, strides = array<i32>} : memref<64x256xf32, #tpu.memory_space<vmem>>, vector<16xf32>,
        %parallel_loop3A_250 = arith.mulf %parallel_loop3A_246, %parallel_loop3A_246 : vector<16xf32>
        %parallel_loop3A_251 = arith.addf %parallel_loop3A_226, %parallel_loop3A_250 : vector<16xf32>
        %parallel_loop3A_252 = arith.index_cast %parallel_loop3A_230 : i32 to index
        %parallel_loop3A_253 = arith.constant 32 : index
        %parallel_loop3A_254 = tpu.vector_load %arg10[%parallel_loop3A_252, %parallel_loop3A_253] {strides = array<i32>} : memref<128x256xf32, #tpu.memory_space<vmem>>, vector<16xf32>,
        %parallel_loop3A_255 = arith.index_cast %parallel_loop3A_235 : i32 to index
        %parallel_loop3A_256 = arith.constant 32 : index
        %parallel_loop3A_257 = tpu.vector_load %arg12[%parallel_loop3A_255, %parallel_loop3A_256] {strides = array<i32>} : memref<64x256xf32, #tpu.memory_space<vmem>>, vector<16xf32>,
        tpu.vector_store %arg12[%parallel_loop3A_255, %parallel_loop3A_256], %parallel_loop3A_254 {add = true, strides = array<i32>} : memref<64x256xf32, #tpu.memory_space<vmem>>, vector<16xf32>,
        %parallel_loop3A_258 = arith.mulf %parallel_loop3A_254, %parallel_loop3A_254 : vector<16xf32>
        %parallel_loop3A_259 = arith.addf %parallel_loop3A_227, %parallel_loop3A_258 : vector<16xf32>
        %parallel_loop3A_260 = arith.index_cast %parallel_loop3A_230 : i32 to index
        %parallel_loop3A_261 = arith.constant 48 : index
        %parallel_loop3A_262 = tpu.vector_load %arg10[%parallel_loop3A_260, %parallel_loop3A_261] {strides = array<i32>} : memref<128x256xf32, #tpu.memory_space<vmem>>, vector<16xf32>,
        %parallel_loop3A_263 = arith.index_cast %parallel_loop3A_235 : i32 to index
        %parallel_loop3A_264 = arith.constant 48 : index
        %parallel_loop3A_265 = tpu.vector_load %arg12[%parallel_loop3A_263, %parallel_loop3A_264] {strides = array<i32>} : memref<64x256xf32, #tpu.memory_space<vmem>>, vector<16xf32>,
        tpu.vector_store %arg12[%parallel_loop3A_263, %parallel_loop3A_264], %parallel_loop3A_262 {add = true, strides = array<i32>} : memref<64x256xf32, #tpu.memory_space<vmem>>, vector<16xf32>,
        %parallel_loop3A_266 = arith.mulf %parallel_loop3A_262, %parallel_loop3A_262 : vector<16xf32>
        %parallel_loop3A_267 = arith.addf %parallel_loop3A_228, %parallel_loop3A_266 : vector<16xf32>
        %parallel_loop3A_268 = arith.index_cast %parallel_loop3A_230 : i32 to index
        %parallel_loop3A_269 = arith.constant 64 : index
        %parallel_loop3A_270 = tpu.vector_load %arg10[%parallel_loop3A_268, %parallel_loop3A_269] {strides = array<i32>} : memref<128x256xf32, #tpu.memory_space<vmem>>, vector<16xf32>,
        %parallel_loop3A_271 = arith.index_cast %parallel_loop3A_235 : i32 to index
        %parallel_loop3A_272 = arith.constant 64 : index
        %parallel_loop3A_273 = tpu.vector_load %arg12[%parallel_loop3A_271, %parallel_loop3A_272] {strides = array<i32>} : memref<64x256xf32, #tpu.memory_space<vmem>>, vector<16xf32>,
        tpu.vector_store %arg12[%parallel_loop3A_271, %parallel_loop3A_272], %parallel_loop3A_270 {add = true, strides = array<i32>} : memref<64x256xf32, #tpu.memory_space<vmem>>, vector<16xf32>,
        %parallel_loop3A_274 = arith.mulf %parallel_loop3A_270, %parallel_loop3A_270 : vector<16xf32>
        %parallel_loop3A_275 = arith.addf %parallel_loop3A_243, %parallel_loop3A_274 : vector<16xf32>
        %parallel_loop3A_276 = arith.index_cast %parallel_loop3A_230 : i32 to index
        %parallel_loop3A_277 = arith.constant 80 : index
        %parallel_loop3A_278 = tpu.vector_load %arg10[%parallel_loop3A_276, %parallel_loop3A_277] {strides = array<i32>} : memref<128x256xf32, #tpu.memory_space<vmem>>, vector<16xf32>,
        %parallel_loop3A_279 = arith.index_cast %parallel_loop3A_235 : i32 to index
        %parallel_loop3A_280 = arith.constant 80 : index
        %parallel_loop3A_281 = tpu.vector_load %arg12[%parallel_loop3A_279, %parallel_loop3A_280] {strides = array<i32>} : memref<64x256xf32, #tpu.memory_space<vmem>>, vector<16xf32>,
        tpu.vector_store %arg12[%parallel_loop3A_279, %parallel_loop3A_280], %parallel_loop3A_278 {add = true, strides = array<i32>} : memref<64x256xf32, #tpu.memory_space<vmem>>, vector<16xf32>,
        %parallel_loop3A_282 = arith.mulf %parallel_loop3A_278, %parallel_loop3A_278 : vector<16xf32>
        %parallel_loop3A_283 = arith.addf %parallel_loop3A_251, %parallel_loop3A_282 : vector<16xf32>
        %parallel_loop3A_284 = arith.index_cast %parallel_loop3A_230 : i32 to index
        %parallel_loop3A_285 = arith.constant 96 : index
        %parallel_loop3A_286 = tpu.vector_load %arg10[%parallel_loop3A_284, %parallel_loop3A_285] {strides = array<i32>} : memref<128x256xf32, #tpu.memory_space<vmem>>, vector<16xf32>,
        %parallel_loop3A_287 = arith.index_cast %parallel_loop3A_235 : i32 to index
        %parallel_loop3A_288 = arith.constant 96 : index
        %parallel_loop3A_289 = tpu.vector_load %arg12[%parallel_loop3A_287, %parallel_loop3A_288] {strides = array<i32>} : memref<64x256xf32, #tpu.memory_space<vmem>>, vector<16xf32>,
        tpu.vector_store %arg12[%parallel_loop3A_287, %parallel_loop3A_288], %parallel_loop3A_286 {add = true, strides = array<i32>} : memref<64x256xf32, #tpu.memory_space<vmem>>, vector<16xf32>,
        %parallel_loop3A_290 = arith.mulf %parallel_loop3A_286, %parallel_loop3A_286 : vector<16xf32>
        %parallel_loop3A_291 = arith.addf %parallel_loop3A_259, %parallel_loop3A_290 : vector<16xf32>
        %parallel_loop3A_292 = arith.index_cast %parallel_loop3A_230 : i32 to index
        %parallel_loop3A_293 = arith.constant 112 : index
        %parallel_loop3A_294 = tpu.vector_load %arg10[%parallel_loop3A_292, %parallel_loop3A_293] {strides = array<i32>} : memref<128x256xf32, #tpu.memory_space<vmem>>, vector<16xf32>,
        %parallel_loop3A_295 = arith.index_cast %parallel_loop3A_235 : i32 to index
        %parallel_loop3A_296 = arith.constant 112 : index
        %parallel_loop3A_297 = tpu.vector_load %arg12[%parallel_loop3A_295, %parallel_loop3A_296] {strides = array<i32>} : memref<64x256xf32, #tpu.memory_space<vmem>>, vector<16xf32>,
        tpu.vector_store %arg12[%parallel_loop3A_295, %parallel_loop3A_296], %parallel_loop3A_294 {add = true, strides = array<i32>} : memref<64x256xf32, #tpu.memory_space<vmem>>, vector<16xf32>,
        %parallel_loop3A_298 = arith.mulf %parallel_loop3A_294, %parallel_loop3A_294 : vector<16xf32>
        %parallel_loop3A_299 = arith.addf %parallel_loop3A_267, %parallel_loop3A_298 : vector<16xf32>
        %parallel_loop3A_300 = arith.index_cast %parallel_loop3A_230 : i32 to index
        %parallel_loop3A_301 = arith.constant 128 : index
        %parallel_loop3A_302 = tpu.vector_load %arg10[%parallel_loop3A_300, %parallel_loop3A_301] {strides = array<i32>} : memref<128x256xf32, #tpu.memory_space<vmem>>, vector<16xf32>,
        %parallel_loop3A_303 = arith.index_cast %parallel_loop3A_235 : i32 to index
        %parallel_loop3A_304 = arith.constant 128 : index
        %parallel_loop3A_305 = tpu.vector_load %arg12[%parallel_loop3A_303, %parallel_loop3A_304] {strides = array<i32>} : memref<64x256xf32, #tpu.memory_space<vmem>>, vector<16xf32>,
        tpu.vector_store %arg12[%parallel_loop3A_303, %parallel_loop3A_304], %parallel_loop3A_302 {add = true, strides = array<i32>} : memref<64x256xf32, #tpu.memory_space<vmem>>, vector<16xf32>,
        %parallel_loop3A_306 = arith.mulf %parallel_loop3A_302, %parallel_loop3A_302 : vector<16xf32>
        %parallel_loop3A_307 = arith.addf %parallel_loop3A_275, %parallel_loop3A_306 : vector<16xf32>
        %parallel_loop3A_308 = arith.index_cast %parallel_loop3A_230 : i32 to index
        %parallel_loop3A_309 = arith.constant 144 : index
        %parallel_loop3A_310 = tpu.vector_load %arg10[%parallel_loop3A_308, %parallel_loop3A_309] {strides = array<i32>} : memref<128x256xf32, #tpu.memory_space<vmem>>, vector<16xf32>,
        %parallel_loop3A_311 = arith.index_cast %parallel_loop3A_235 : i32 to index
        %parallel_loop3A_312 = arith.constant 144 : index
        %parallel_loop3A_313 = tpu.vector_load %arg12[%parallel_loop3A_311, %parallel_loop3A_312] {strides = array<i32>} : memref<64x256xf32, #tpu.memory_space<vmem>>, vector<16xf32>,
        tpu.vector_store %arg12[%parallel_loop3A_311, %parallel_loop3A_312], %parallel_loop3A_310 {add = true, strides = array<i32>} : memref<64x256xf32, #tpu.memory_space<vmem>>, vector<16xf32>,
        %parallel_loop3A_314 = arith.mulf %parallel_loop3A_310, %parallel_loop3A_310 : vector<16xf32>
        %parallel_loop3A_315 = arith.addf %parallel_loop3A_283, %parallel_loop3A_314 : vector<16xf32>
        %parallel_loop3A_316 = arith.index_cast %parallel_loop3A_230 : i32 to index
        %parallel_loop3A_317 = arith.constant 160 : index
        %parallel_loop3A_318 = tpu.vector_load %arg10[%parallel_loop3A_316, %parallel_loop3A_317] {strides = array<i32>} : memref<128x256xf32, #tpu.memory_space<vmem>>, vector<16xf32>,
        %parallel_loop3A_319 = arith.index_cast %parallel_loop3A_235 : i32 to index
        %parallel_loop3A_320 = arith.constant 160 : index
        %parallel_loop3A_321 = tpu.vector_load %arg12[%parallel_loop3A_319, %parallel_loop3A_320] {strides = array<i32>} : memref<64x256xf32, #tpu.memory_space<vmem>>, vector<16xf32>,
        tpu.vector_store %arg12[%parallel_loop3A_319, %parallel_loop3A_320], %parallel_loop3A_318 {add = true, strides = array<i32>} : memref<64x256xf32, #tpu.memory_space<vmem>>, vector<16xf32>,
        %parallel_loop3A_322 = arith.mulf %parallel_loop3A_318, %parallel_loop3A_318 : vector<16xf32>
        %parallel_loop3A_323 = arith.addf %parallel_loop3A_291, %parallel_loop3A_322 : vector<16xf32>
        %parallel_loop3A_324 = arith.index_cast %parallel_loop3A_230 : i32 to index
        %parallel_loop3A_325 = arith.constant 176 : index
        %parallel_loop3A_326 = tpu.vector_load %arg10[%parallel_loop3A_324, %parallel_loop3A_325] {strides = array<i32>} : memref<128x256xf32, #tpu.memory_space<vmem>>, vector<16xf32>,
        %parallel_loop3A_327 = arith.index_cast %parallel_loop3A_235 : i32 to index
        %parallel_loop3A_328 = arith.constant 176 : index
        %parallel_loop3A_329 = tpu.vector_load %arg12[%parallel_loop3A_327, %parallel_loop3A_328] {strides = array<i32>} : memref<64x256xf32, #tpu.memory_space<vmem>>, vector<16xf32>,
        tpu.vector_store %arg12[%parallel_loop3A_327, %parallel_loop3A_328], %parallel_loop3A_326 {add = true, strides = array<i32>} : memref<64x256xf32, #tpu.memory_space<vmem>>, vector<16xf32>,
        %parallel_loop3A_330 = arith.mulf %parallel_loop3A_326, %parallel_loop3A_326 : vector<16xf32>
        %parallel_loop3A_331 = arith.addf %parallel_loop3A_299, %parallel_loop3A_330 : vector<16xf32>
        %parallel_loop3A_332 = arith.index_cast %parallel_loop3A_230 : i32 to index
        %parallel_loop3A_333 = arith.constant 192 : index
        %parallel_loop3A_334 = tpu.vector_load %arg10[%parallel_loop3A_332, %parallel_loop3A_333] {strides = array<i32>} : memref<128x256xf32, #tpu.memory_space<vmem>>, vector<16xf32>,
        %parallel_loop3A_335 = arith.index_cast %parallel_loop3A_235 : i32 to index
        %parallel_loop3A_336 = arith.constant 192 : index
        %parallel_loop3A_337 = tpu.vector_load %arg12[%parallel_loop3A_335, %parallel_loop3A_336] {strides = array<i32>} : memref<64x256xf32, #tpu.memory_space<vmem>>, vector<16xf32>,
        tpu.vector_store %arg12[%parallel_loop3A_335, %parallel_loop3A_336], %parallel_loop3A_334 {add = true, strides = array<i32>} : memref<64x256xf32, #tpu.memory_space<vmem>>, vector<16xf32>,
        %parallel_loop3A_338 = arith.mulf %parallel_loop3A_334, %parallel_loop3A_334 : vector<16xf32>
        %parallel_loop3A_339 = arith.addf %parallel_loop3A_307, %parallel_loop3A_338 : vector<16xf32>
        %parallel_loop3A_340 = arith.index_cast %parallel_loop3A_230 : i32 to index
        %parallel_loop3A_341 = arith.constant 208 : index
        %parallel_loop3A_342 = tpu.vector_load %arg10[%parallel_loop3A_340, %parallel_loop3A_341] {strides = array<i32>} : memref<128x256xf32, #tpu.memory_space<vmem>>, vector<16xf32>,
        %parallel_loop3A_343 = arith.index_cast %parallel_loop3A_235 : i32 to index
        %parallel_loop3A_344 = arith.constant 208 : index
        %parallel_loop3A_345 = tpu.vector_load %arg12[%parallel_loop3A_343, %parallel_loop3A_344] {strides = array<i32>} : memref<64x256xf32, #tpu.memory_space<vmem>>, vector<16xf32>,
        tpu.vector_store %arg12[%parallel_loop3A_343, %parallel_loop3A_344], %parallel_loop3A_342 {add = true, strides = array<i32>} : memref<64x256xf32, #tpu.memory_space<vmem>>, vector<16xf32>,
        %parallel_loop3A_346 = arith.mulf %parallel_loop3A_342, %parallel_loop3A_342 : vector<16xf32>
        %parallel_loop3A_347 = arith.addf %parallel_loop3A_315, %parallel_loop3A_346 : vector<16xf32>
        %parallel_loop3A_348 = arith.index_cast %parallel_loop3A_230 : i32 to index
        %parallel_loop3A_349 = arith.constant 224 : index
        %parallel_loop3A_350 = tpu.vector_load %arg10[%parallel_loop3A_348, %parallel_loop3A_349] {strides = array<i32>} : memref<128x256xf32, #tpu.memory_space<vmem>>, vector<16xf32>,
        %parallel_loop3A_351 = arith.index_cast %parallel_loop3A_235 : i32 to index
        %parallel_loop3A_352 = arith.constant 224 : index
        %parallel_loop3A_353 = tpu.vector_load %arg12[%parallel_loop3A_351, %parallel_loop3A_352] {strides = array<i32>} : memref<64x256xf32, #tpu.memory_space<vmem>>, vector<16xf32>,
        tpu.vector_store %arg12[%parallel_loop3A_351, %parallel_loop3A_352], %parallel_loop3A_350 {add = true, strides = array<i32>} : memref<64x256xf32, #tpu.memory_space<vmem>>, vector<16xf32>,
        %parallel_loop3A_354 = arith.mulf %parallel_loop3A_350, %parallel_loop3A_350 : vector<16xf32>
        %parallel_loop3A_355 = arith.addf %parallel_loop3A_323, %parallel_loop3A_354 : vector<16xf32>
        %parallel_loop3A_356 = arith.index_cast %parallel_loop3A_230 : i32 to index
        %parallel_loop3A_357 = arith.constant 240 : index
        %parallel_loop3A_358 = tpu.vector_load %arg10[%parallel_loop3A_356, %parallel_loop3A_357] {strides = array<i32>} : memref<128x256xf32, #tpu.memory_space<vmem>>, vector<16xf32>,
        %parallel_loop3A_359 = arith.index_cast %parallel_loop3A_235 : i32 to index
        %parallel_loop3A_360 = arith.constant 240 : index
        %parallel_loop3A_361 = tpu.vector_load %arg12[%parallel_loop3A_359, %parallel_loop3A_360] {strides = array<i32>} : memref<64x256xf32, #tpu.memory_space<vmem>>, vector<16xf32>,
        tpu.vector_store %arg12[%parallel_loop3A_359, %parallel_loop3A_360], %parallel_loop3A_358 {add = true, strides = array<i32>} : memref<64x256xf32, #tpu.memory_space<vmem>>, vector<16xf32>,
        %parallel_loop3A_362 = arith.mulf %parallel_loop3A_358, %parallel_loop3A_358 : vector<16xf32>
        %parallel_loop3A_363 = arith.addf %parallel_loop3A_331, %parallel_loop3A_362 : vector<16xf32>
        %parallel_loop3A_364 = arith.index_cast %parallel_loop3A_235 : i32 to index
        %parallel_loop3A_365 = arith.constant 0 : index
        %parallel_loop3A_366 = tpu.vector_load %arg13[%parallel_loop3A_364, %parallel_loop3A_365] {strides = array<i32>} : memref<64x16xf32, #tpu.memory_space<vmem>>, vector<16xf32>,
        tpu.vector_store %arg13[%parallel_loop3A_364, %parallel_loop3A_365], %select_n3A {add = true, strides = array<i32>} : memref<64x16xf32, #tpu.memory_space<vmem>>, vector<16xf32>,
        %parallel_loop3A_367 = arith.constant 1 : i32
        %parallel_loop3A_368 = arith.addi %parallel_loop3A_230, %parallel_loop3A_367 : i32
        %parallel_loop3A_369 = vector.extract_strided_slice %parallel_loop3A_233 {offsets = [1], sizes = [1], strides = [1]} : vector<16xi32> to vector<1xi32>
        %parallel_loop3A_370 = vector.extract %parallel_loop3A_369[0] : i32 from vector<1xi32>
        %parallel_loop3A_371 = arith.index_cast %parallel_loop3A_368 : i32 to index
        %parallel_loop3A_372 = arith.constant 0 : index
        %parallel_loop3A_373 = tpu.vector_load %arg10[%parallel_loop3A_371, %parallel_loop3A_372] {strides = array<i32>} : memref<128x256xf32, #tpu.memory_space<vmem>>, vector<16xf32>,
        %parallel_loop3A_374 = arith.index_cast %parallel_loop3A_370 : i32 to index
        %parallel_loop3A_375 = arith.constant 0 : index
        %parallel_loop3A_376 = tpu.vector_load %arg12[%parallel_loop3A_374, %parallel_loop3A_375] {strides = array<i32>} : memref<64x256xf32, #tpu.memory_space<vmem>>, vector<16xf32>,
        tpu.vector_store %arg12[%parallel_loop3A_374, %parallel_loop3A_375], %parallel_loop3A_373 {add = true, strides = array<i32>} : memref<64x256xf32, #tpu.memory_space<vmem>>, vector<16xf32>,
        %parallel_loop3A_377 = arith.mulf %parallel_loop3A_373, %parallel_loop3A_373 : vector<16xf32>
        %parallel_loop3A_378 = arith.addf %parallel_loop3A_339, %parallel_loop3A_377 : vector<16xf32>
        %parallel_loop3A_379 = arith.index_cast %parallel_loop3A_368 : i32 to index
        %parallel_loop3A_380 = arith.constant 16 : index
        %parallel_loop3A_381 = tpu.vector_load %arg10[%parallel_loop3A_379, %parallel_loop3A_380] {strides = array<i32>} : memref<128x256xf32, #tpu.memory_space<vmem>>, vector<16xf32>,
        %parallel_loop3A_382 = arith.index_cast %parallel_loop3A_370 : i32 to index
        %parallel_loop3A_383 = arith.constant 16 : index
        %parallel_loop3A_384 = tpu.vector_load %arg12[%parallel_loop3A_382, %parallel_loop3A_383] {strides = array<i32>} : memref<64x256xf32, #tpu.memory_space<vmem>>, vector<16xf32>,
        tpu.vector_store %arg12[%parallel_loop3A_382, %parallel_loop3A_383], %parallel_loop3A_381 {add = true, strides = array<i32>} : memref<64x256xf32, #tpu.memory_space<vmem>>, vector<16xf32>,
        %parallel_loop3A_385 = arith.mulf %parallel_loop3A_381, %parallel_loop3A_381 : vector<16xf32>
        %parallel_loop3A_386 = arith.addf %parallel_loop3A_347, %parallel_loop3A_385 : vector<16xf32>
        %parallel_loop3A_387 = arith.index_cast %parallel_loop3A_368 : i32 to index
        %parallel_loop3A_388 = arith.constant 32 : index
        %parallel_loop3A_389 = tpu.vector_load %arg10[%parallel_loop3A_387, %parallel_loop3A_388] {strides = array<i32>} : memref<128x256xf32, #tpu.memory_space<vmem>>, vector<16xf32>,
        %parallel_loop3A_390 = arith.index_cast %parallel_loop3A_370 : i32 to index
        %parallel_loop3A_391 = arith.constant 32 : index
        %parallel_loop3A_392 = tpu.vector_load %arg12[%parallel_loop3A_390, %parallel_loop3A_391] {strides = array<i32>} : memref<64x256xf32, #tpu.memory_space<vmem>>, vector<16xf32>,
        tpu.vector_store %arg12[%parallel_loop3A_390, %parallel_loop3A_391], %parallel_loop3A_389 {add = true, strides = array<i32>} : memref<64x256xf32, #tpu.memory_space<vmem>>, vector<16xf32>,
        %parallel_loop3A_393 = arith.mulf %parallel_loop3A_389, %parallel_loop3A_389 : vector<16xf32>
        %parallel_loop3A_394 = arith.addf %parallel_loop3A_355, %parallel_loop3A_393 : vector<16xf32>
        %parallel_loop3A_395 = arith.index_cast %parallel_loop3A_368 : i32 to index
        %parallel_loop3A_396 = arith.constant 48 : index
        %parallel_loop3A_397 = tpu.vector_load %arg10[%parallel_loop3A_395, %parallel_loop3A_396] {strides = array<i32>} : memref<128x256xf32, #tpu.memory_space<vmem>>, vector<16xf32>,
        %parallel_loop3A_398 = arith.index_cast %parallel_loop3A_370 : i32 to index
        %parallel_loop3A_399 = arith.constant 48 : index
        %parallel_loop3A_400 = tpu.vector_load %arg12[%parallel_loop3A_398, %parallel_loop3A_399] {strides = array<i32>} : memref<64x256xf32, #tpu.memory_space<vmem>>, vector<16xf32>,
        tpu.vector_store %arg12[%parallel_loop3A_398, %parallel_loop3A_399], %parallel_loop3A_397 {add = true, strides = array<i32>} : memref<64x256xf32, #tpu.memory_space<vmem>>, vector<16xf32>,
        %parallel_loop3A_401 = arith.mulf %parallel_loop3A_397, %parallel_loop3A_397 : vector<16xf32>
        %parallel_loop3A_402 = arith.addf %parallel_loop3A_363, %parallel_loop3A_401 : vector<16xf32>
        %parallel_loop3A_403 = arith.index_cast %parallel_loop3A_368 : i32 to index
        %parallel_loop3A_404 = arith.constant 64 : index
        %parallel_loop3A_405 = tpu.vector_load %arg10[%parallel_loop3A_403, %parallel_loop3A_404] {strides = array<i32>} : memref<128x256xf32, #tpu.memory_space<vmem>>, vector<16xf32>,
        %parallel_loop3A_406 = arith.index_cast %parallel_loop3A_370 : i32 to index
        %parallel_loop3A_407 = arith.constant 64 : index
        %parallel_loop3A_408 = tpu.vector_load %arg12[%parallel_loop3A_406, %parallel_loop3A_407] {strides = array<i32>} : memref<64x256xf32, #tpu.memory_space<vmem>>, vector<16xf32>,
        tpu.vector_store %arg12[%parallel_loop3A_406, %parallel_loop3A_407], %parallel_loop3A_405 {add = true, strides = array<i32>} : memref<64x256xf32, #tpu.memory_space<vmem>>, vector<16xf32>,
        %parallel_loop3A_409 = arith.mulf %parallel_loop3A_405, %parallel_loop3A_405 : vector<16xf32>
        %parallel_loop3A_410 = arith.addf %parallel_loop3A_378, %parallel_loop3A_409 : vector<16xf32>
        %parallel_loop3A_411 = arith.index_cast %parallel_loop3A_368 : i32 to index
        %parallel_loop3A_412 = arith.constant 80 : index
        %parallel_loop3A_413 = tpu.vector_load %arg10[%parallel_loop3A_411, %parallel_loop3A_412] {strides = array<i32>} : memref<128x256xf32, #tpu.memory_space<vmem>>, vector<16xf32>,
        %parallel_loop3A_414 = arith.index_cast %parallel_loop3A_370 : i32 to index
        %parallel_loop3A_415 = arith.constant 80 : index
        %parallel_loop3A_416 = tpu.vector_load %arg12[%parallel_loop3A_414, %parallel_loop3A_415] {strides = array<i32>} : memref<64x256xf32, #tpu.memory_space<vmem>>, vector<16xf32>,
        tpu.vector_store %arg12[%parallel_loop3A_414, %parallel_loop3A_415], %parallel_loop3A_413 {add = true, strides = array<i32>} : memref<64x256xf32, #tpu.memory_space<vmem>>, vector<16xf32>,
        %parallel_loop3A_417 = arith.mulf %parallel_loop3A_413, %parallel_loop3A_413 : vector<16xf32>
        %parallel_loop3A_418 = arith.addf %parallel_loop3A_386, %parallel_loop3A_417 : vector<16xf32>
        %parallel_loop3A_419 = arith.index_cast %parallel_loop3A_368 : i32 to index
        %parallel_loop3A_420 = arith.constant 96 : index
        %parallel_loop3A_421 = tpu.vector_load %arg10[%parallel_loop3A_419, %parallel_loop3A_420] {strides = array<i32>} : memref<128x256xf32, #tpu.memory_space<vmem>>, vector<16xf32>,
        %parallel_loop3A_422 = arith.index_cast %parallel_loop3A_370 : i32 to index
        %parallel_loop3A_423 = arith.constant 96 : index
        %parallel_loop3A_424 = tpu.vector_load %arg12[%parallel_loop3A_422, %parallel_loop3A_423] {strides = array<i32>} : memref<64x256xf32, #tpu.memory_space<vmem>>, vector<16xf32>,
        tpu.vector_store %arg12[%parallel_loop3A_422, %parallel_loop3A_423], %parallel_loop3A_421 {add = true, strides = array<i32>} : memref<64x256xf32, #tpu.memory_space<vmem>>, vector<16xf32>,
        %parallel_loop3A_425 = arith.mulf %parallel_loop3A_421, %parallel_loop3A_421 : vector<16xf32>
        %parallel_loop3A_426 = arith.addf %parallel_loop3A_394, %parallel_loop3A_425 : vector<16xf32>
        %parallel_loop3A_427 = arith.index_cast %parallel_loop3A_368 : i32 to index
        %parallel_loop3A_428 = arith.constant 112 : index
        %parallel_loop3A_429 = tpu.vector_load %arg10[%parallel_loop3A_427, %parallel_loop3A_428] {strides = array<i32>} : memref<128x256xf32, #tpu.memory_space<vmem>>, vector<16xf32>,
        %parallel_loop3A_430 = arith.index_cast %parallel_loop3A_370 : i32 to index
        %parallel_loop3A_431 = arith.constant 112 : index
        %parallel_loop3A_432 = tpu.vector_load %arg12[%parallel_loop3A_430, %parallel_loop3A_431] {strides = array<i32>} : memref<64x256xf32, #tpu.memory_space<vmem>>, vector<16xf32>,
        tpu.vector_store %arg12[%parallel_loop3A_430, %parallel_loop3A_431], %parallel_loop3A_429 {add = true, strides = array<i32>} : memref<64x256xf32, #tpu.memory_space<vmem>>, vector<16xf32>,
        %parallel_loop3A_433 = arith.mulf %parallel_loop3A_429, %parallel_loop3A_429 : vector<16xf32>
        %parallel_loop3A_434 = arith.addf %parallel_loop3A_402, %parallel_loop3A_433 : vector<16xf32>
        %parallel_loop3A_435 = arith.index_cast %parallel_loop3A_368 : i32 to index
        %parallel_loop3A_436 = arith.constant 128 : index
        %parallel_loop3A_437 = tpu.vector_load %arg10[%parallel_loop3A_435, %parallel_loop3A_436] {strides = array<i32>} : memref<128x256xf32, #tpu.memory_space<vmem>>, vector<16xf32>,
        %parallel_loop3A_438 = arith.index_cast %parallel_loop3A_370 : i32 to index
        %parallel_loop3A_439 = arith.constant 128 : index
        %parallel_loop3A_440 = tpu.vector_load %arg12[%parallel_loop3A_438, %parallel_loop3A_439] {strides = array<i32>} : memref<64x256xf32, #tpu.memory_space<vmem>>, vector<16xf32>,
        tpu.vector_store %arg12[%parallel_loop3A_438, %parallel_loop3A_439], %parallel_loop3A_437 {add = true, strides = array<i32>} : memref<64x256xf32, #tpu.memory_space<vmem>>, vector<16xf32>,
        %parallel_loop3A_441 = arith.mulf %parallel_loop3A_437, %parallel_loop3A_437 : vector<16xf32>
        %parallel_loop3A_442 = arith.addf %parallel_loop3A_410, %parallel_loop3A_441 : vector<16xf32>
        %parallel_loop3A_443 = arith.index_cast %parallel_loop3A_368 : i32 to index
        %parallel_loop3A_444 = arith.constant 144 : index
        %parallel_loop3A_445 = tpu.vector_load %arg10[%parallel_loop3A_443, %parallel_loop3A_444] {strides = array<i32>} : memref<128x256xf32, #tpu.memory_space<vmem>>, vector<16xf32>,
        %parallel_loop3A_446 = arith.index_cast %parallel_loop3A_370 : i32 to index
        %parallel_loop3A_447 = arith.constant 144 : index
        %parallel_loop3A_448 = tpu.vector_load %arg12[%parallel_loop3A_446, %parallel_loop3A_447] {strides = array<i32>} : memref<64x256xf32, #tpu.memory_space<vmem>>, vector<16xf32>,
        tpu.vector_store %arg12[%parallel_loop3A_446, %parallel_loop3A_447], %parallel_loop3A_445 {add = true, strides = array<i32>} : memref<64x256xf32, #tpu.memory_space<vmem>>, vector<16xf32>,
        %parallel_loop3A_449 = arith.mulf %parallel_loop3A_445, %parallel_loop3A_445 : vector<16xf32>
        %parallel_loop3A_450 = arith.addf %parallel_loop3A_418, %parallel_loop3A_449 : vector<16xf32>
        %parallel_loop3A_451 = arith.index_cast %parallel_loop3A_368 : i32 to index
        %parallel_loop3A_452 = arith.constant 160 : index
        %parallel_loop3A_453 = tpu.vector_load %arg10[%parallel_loop3A_451, %parallel_loop3A_452] {strides = array<i32>} : memref<128x256xf32, #tpu.memory_space<vmem>>, vector<16xf32>,
        %parallel_loop3A_454 = arith.index_cast %parallel_loop3A_370 : i32 to index
        %parallel_loop3A_455 = arith.constant 160 : index
        %parallel_loop3A_456 = tpu.vector_load %arg12[%parallel_loop3A_454, %parallel_loop3A_455] {strides = array<i32>} : memref<64x256xf32, #tpu.memory_space<vmem>>, vector<16xf32>,
        tpu.vector_store %arg12[%parallel_loop3A_454, %parallel_loop3A_455], %parallel_loop3A_453 {add = true, strides = array<i32>} : memref<64x256xf32, #tpu.memory_space<vmem>>, vector<16xf32>,
        %parallel_loop3A_457 = arith.mulf %parallel_loop3A_453, %parallel_loop3A_453 : vector<16xf32>
        %parallel_loop3A_458 = arith.addf %parallel_loop3A_426, %parallel_loop3A_457 : vector<16xf32>
        %parallel_loop3A_459 = arith.index_cast %parallel_loop3A_368 : i32 to index
        %parallel_loop3A_460 = arith.constant 176 : index
        %parallel_loop3A_461 = tpu.vector_load %arg10[%parallel_loop3A_459, %parallel_loop3A_460] {strides = array<i32>} : memref<128x256xf32, #tpu.memory_space<vmem>>, vector<16xf32>,
        %parallel_loop3A_462 = arith.index_cast %parallel_loop3A_370 : i32 to index
        %parallel_loop3A_463 = arith.constant 176 : index
        %parallel_loop3A_464 = tpu.vector_load %arg12[%parallel_loop3A_462, %parallel_loop3A_463] {strides = array<i32>} : memref<64x256xf32, #tpu.memory_space<vmem>>, vector<16xf32>,
        tpu.vector_store %arg12[%parallel_loop3A_462, %parallel_loop3A_463], %parallel_loop3A_461 {add = true, strides = array<i32>} : memref<64x256xf32, #tpu.memory_space<vmem>>, vector<16xf32>,
        %parallel_loop3A_465 = arith.mulf %parallel_loop3A_461, %parallel_loop3A_461 : vector<16xf32>
        %parallel_loop3A_466 = arith.addf %parallel_loop3A_434, %parallel_loop3A_465 : vector<16xf32>
        %parallel_loop3A_467 = arith.index_cast %parallel_loop3A_368 : i32 to index
        %parallel_loop3A_468 = arith.constant 192 : index
        %parallel_loop3A_469 = tpu.vector_load %arg10[%parallel_loop3A_467, %parallel_loop3A_468] {strides = array<i32>} : memref<128x256xf32, #tpu.memory_space<vmem>>, vector<16xf32>,
        %parallel_loop3A_470 = arith.index_cast %parallel_loop3A_370 : i32 to index
        %parallel_loop3A_471 = arith.constant 192 : index
        %parallel_loop3A_472 = tpu.vector_load %arg12[%parallel_loop3A_470, %parallel_loop3A_471] {strides = array<i32>} : memref<64x256xf32, #tpu.memory_space<vmem>>, vector<16xf32>,
        tpu.vector_store %arg12[%parallel_loop3A_470, %parallel_loop3A_471], %parallel_loop3A_469 {add = true, strides = array<i32>} : memref<64x256xf32, #tpu.memory_space<vmem>>, vector<16xf32>,
        %parallel_loop3A_473 = arith.mulf %parallel_loop3A_469, %parallel_loop3A_469 : vector<16xf32>
        %parallel_loop3A_474 = arith.addf %parallel_loop3A_442, %parallel_loop3A_473 : vector<16xf32>
        %parallel_loop3A_475 = arith.index_cast %parallel_loop3A_368 : i32 to index
        %parallel_loop3A_476 = arith.constant 208 : index
        %parallel_loop3A_477 = tpu.vector_load %arg10[%parallel_loop3A_475, %parallel_loop3A_476] {strides = array<i32>} : memref<128x256xf32, #tpu.memory_space<vmem>>, vector<16xf32>,
        %parallel_loop3A_478 = arith.index_cast %parallel_loop3A_370 : i32 to index
        %parallel_loop3A_479 = arith.constant 208 : index
        %parallel_loop3A_480 = tpu.vector_load %arg12[%parallel_loop3A_478, %parallel_loop3A_479] {strides = array<i32>} : memref<64x256xf32, #tpu.memory_space<vmem>>, vector<16xf32>,
        tpu.vector_store %arg12[%parallel_loop3A_478, %parallel_loop3A_479], %parallel_loop3A_477 {add = true, strides = array<i32>} : memref<64x256xf32, #tpu.memory_space<vmem>>, vector<16xf32>,
        %parallel_loop3A_481 = arith.mulf %parallel_loop3A_477, %parallel_loop3A_477 : vector<16xf32>
        %parallel_loop3A_482 = arith.addf %parallel_loop3A_450, %parallel_loop3A_481 : vector<16xf32>
        %parallel_loop3A_483 = arith.index_cast %parallel_loop3A_368 : i32 to index
        %parallel_loop3A_484 = arith.constant 224 : index
        %parallel_loop3A_485 = tpu.vector_load %arg10[%parallel_loop3A_483, %parallel_loop3A_484] {strides = array<i32>} : memref<128x256xf32, #tpu.memory_space<vmem>>, vector<16xf32>,
        %parallel_loop3A_486 = arith.index_cast %parallel_loop3A_370 : i32 to index
        %parallel_loop3A_487 = arith.constant 224 : index
        %parallel_loop3A_488 = tpu.vector_load %arg12[%parallel_loop3A_486, %parallel_loop3A_487] {strides = array<i32>} : memref<64x256xf32, #tpu.memory_space<vmem>>, vector<16xf32>,
        tpu.vector_store %arg12[%parallel_loop3A_486, %parallel_loop3A_487], %parallel_loop3A_485 {add = true, strides = array<i32>} : memref<64x256xf32, #tpu.memory_space<vmem>>, vector<16xf32>,
        %parallel_loop3A_489 = arith.mulf %parallel_loop3A_485, %parallel_loop3A_485 : vector<16xf32>
        %parallel_loop3A_490 = arith.addf %parallel_loop3A_458, %parallel_loop3A_489 : vector<16xf32>
        %parallel_loop3A_491 = arith.index_cast %parallel_loop3A_368 : i32 to index
        %parallel_loop3A_492 = arith.constant 240 : index
        %parallel_loop3A_493 = tpu.vector_load %arg10[%parallel_loop3A_491, %parallel_loop3A_492] {strides = array<i32>} : memref<128x256xf32, #tpu.memory_space<vmem>>, vector<16xf32>,
        %parallel_loop3A_494 = arith.index_cast %parallel_loop3A_370 : i32 to index
        %parallel_loop3A_495 = arith.constant 240 : index
        %parallel_loop3A_496 = tpu.vector_load %arg12[%parallel_loop3A_494, %parallel_loop3A_495] {strides = array<i32>} : memref<64x256xf32, #tpu.memory_space<vmem>>, vector<16xf32>,
        tpu.vector_store %arg12[%parallel_loop3A_494, %parallel_loop3A_495], %parallel_loop3A_493 {add = true, strides = array<i32>} : memref<64x256xf32, #tpu.memory_space<vmem>>, vector<16xf32>,
        %parallel_loop3A_497 = arith.mulf %parallel_loop3A_493, %parallel_loop3A_493 : vector<16xf32>
        %parallel_loop3A_498 = arith.addf %parallel_loop3A_466, %parallel_loop3A_497 : vector<16xf32>
        %parallel_loop3A_499 = arith.index_cast %parallel_loop3A_370 : i32 to index
        %parallel_loop3A_500 = arith.constant 0 : index
        %parallel_loop3A_501 = tpu.vector_load %arg13[%parallel_loop3A_499, %parallel_loop3A_500] {strides = array<i32>} : memref<64x16xf32, #tpu.memory_space<vmem>>, vector<16xf32>,
        tpu.vector_store %arg13[%parallel_loop3A_499, %parallel_loop3A_500], %select_n3A {add = true, strides = array<i32>} : memref<64x16xf32, #tpu.memory_space<vmem>>, vector<16xf32>,
        scf.yield %parallel_loop3A_474, %parallel_loop3A_482, %parallel_loop3A_490, %parallel_loop3A_498 : vector<16xf32>, vector<16xf32>, vector<16xf32>, vector<16xf32>
      } {sc.loop_unroll_factor = 2 : i64, sc.parallel_access}
      %swap3A_197 = arith.constant 0 : i32
      %swap3A_198 = arith.index_cast %swap3A_197 : i32 to index
      %swap3A_199 = arith.constant 0 : index
      %swap3A_200 = tpu.vector_load %arg14[%swap3A_198, %swap3A_199] {strides = array<i32>} : memref<4x16xf32, #tpu.memory_space<vmem>>, vector<16xf32>,
      tpu.vector_store %arg14[%swap3A_198, %swap3A_199], %parallel_loop3A_196#0 {add = true, strides = array<i32>} : memref<4x16xf32, #tpu.memory_space<vmem>>, vector<16xf32>,
      %swap3A_201 = arith.constant 1 : i32
      %swap3A_202 = arith.index_cast %swap3A_201 : i32 to index
      %swap3A_203 = arith.constant 0 : index
      %swap3A_204 = tpu.vector_load %arg14[%swap3A_202, %swap3A_203] {strides = array<i32>} : memref<4x16xf32, #tpu.memory_space<vmem>>, vector<16xf32>,
      tpu.vector_store %arg14[%swap3A_202, %swap3A_203], %parallel_loop3A_196#1 {add = true, strides = array<i32>} : memref<4x16xf32, #tpu.memory_space<vmem>>, vector<16xf32>,
      %swap3A_205 = arith.constant 2 : i32
      %swap3A_206 = arith.index_cast %swap3A_205 : i32 to index
      %swap3A_207 = arith.constant 0 : index
      %swap3A_208 = tpu.vector_load %arg14[%swap3A_206, %swap3A_207] {strides = array<i32>} : memref<4x16xf32, #tpu.memory_space<vmem>>, vector<16xf32>,
      tpu.vector_store %arg14[%swap3A_206, %swap3A_207], %parallel_loop3A_196#2 {add = true, strides = array<i32>} : memref<4x16xf32, #tpu.memory_space<vmem>>, vector<16xf32>,
      %swap3A_209 = arith.constant 3 : i32
      %swap3A_210 = arith.index_cast %swap3A_209 : i32 to index
      %swap3A_211 = arith.constant 0 : index
      %swap3A_212 = tpu.vector_load %arg14[%swap3A_210, %swap3A_211] {strides = array<i32>} : memref<4x16xf32, #tpu.memory_space<vmem>>, vector<16xf32>,
      tpu.vector_store %arg14[%swap3A_210, %swap3A_211], %parallel_loop3A_196#3 {add = true, strides = array<i32>} : memref<4x16xf32, #tpu.memory_space<vmem>>, vector<16xf32>,
      %and3A_213 = arith.constant 1 : i32
      %and3A_214 = arith.andi %max3A_191, %and3A_213 : i32
      %eq3A_215 = arith.constant 1 : i32
      %eq3A_216 = arith.cmpi eq, %and3A_214, %eq3A_215 : i32
      %convert_element_type3A_217 = arith.extui %eq3A_216 : i1 to i32
      %cond3A_218 = arith.constant 0 : i32
      %cond3A_219 = arith.cmpi ne, %convert_element_type3A_217, %cond3A_218 : i32
      scf.if %cond3A_219 {
        %sub3A_224 = arith.constant 1 : i32
        %sub3A_225 = arith.subi %max3A_191, %sub3A_224 : i32
        %add3A_226 = arith.addi %mul3A_189, %sub3A_225 : i32
        %get3A_227 = arith.index_cast %add3A_226 : i32 to index
        %get3A_228 = tpu.vector_load %arg9[%get3A_227] {strides = array<i32>} : memref<8336xi32, #tpu.memory_space<vmem>>, vector<16xi32>,
        %slice3A = vector.extract_strided_slice %get3A_228 {offsets = [0], sizes = [1], strides = [1]} : vector<16xi32> to vector<1xi32>
        %squeeze3A = vector.extract %slice3A[0] : i32 from vector<1xi32>
        %get3A_229 = arith.index_cast %sub3A_225 : i32 to index
        %get3A_230 = arith.constant 0 : index
        %get3A_231 = tpu.vector_load %arg10[%get3A_229, %get3A_230] {strides = array<i32>} : memref<128x256xf32, #tpu.memory_space<vmem>>, vector<16xf32>,
        %swap3A_232 = arith.index_cast %squeeze3A : i32 to index
        %swap3A_233 = arith.constant 0 : index
        %swap3A_234 = tpu.vector_load %arg12[%swap3A_232, %swap3A_233] {strides = array<i32>} : memref<64x256xf32, #tpu.memory_space<vmem>>, vector<16xf32>,
        tpu.vector_store %arg12[%swap3A_232, %swap3A_233], %get3A_231 {add = true, strides = array<i32>} : memref<64x256xf32, #tpu.memory_space<vmem>>, vector<16xf32>,
        %mul3A_235 = arith.mulf %get3A_231, %get3A_231 : vector<16xf32>
        %add3A_236 = arith.addf %broadcast_in_dim3A_8, %mul3A_235 : vector<16xf32>
        %get3A_237 = arith.index_cast %sub3A_225 : i32 to index
        %get3A_238 = arith.constant 16 : index
        %get3A_239 = tpu.vector_load %arg10[%get3A_237, %get3A_238] {strides = array<i32>} : memref<128x256xf32, #tpu.memory_space<vmem>>, vector<16xf32>,
        %swap3A_240 = arith.index_cast %squeeze3A : i32 to index
        %swap3A_241 = arith.constant 16 : index
        %swap3A_242 = tpu.vector_load %arg12[%swap3A_240, %swap3A_241] {strides = array<i32>} : memref<64x256xf32, #tpu.memory_space<vmem>>, vector<16xf32>,
        tpu.vector_store %arg12[%swap3A_240, %swap3A_241], %get3A_239 {add = true, strides = array<i32>} : memref<64x256xf32, #tpu.memory_space<vmem>>, vector<16xf32>,
        %mul3A_243 = arith.mulf %get3A_239, %get3A_239 : vector<16xf32>
        %add3A_244 = arith.addf %broadcast_in_dim3A_8, %mul3A_243 : vector<16xf32>
        %get3A_245 = arith.index_cast %sub3A_225 : i32 to index
        %get3A_246 = arith.constant 32 : index
        %get3A_247 = tpu.vector_load %arg10[%get3A_245, %get3A_246] {strides = array<i32>} : memref<128x256xf32, #tpu.memory_space<vmem>>, vector<16xf32>,
        %swap3A_248 = arith.index_cast %squeeze3A : i32 to index
        %swap3A_249 = arith.constant 32 : index
        %swap3A_250 = tpu.vector_load %arg12[%swap3A_248, %swap3A_249] {strides = array<i32>} : memref<64x256xf32, #tpu.memory_space<vmem>>, vector<16xf32>,
        tpu.vector_store %arg12[%swap3A_248, %swap3A_249], %get3A_247 {add = true, strides = array<i32>} : memref<64x256xf32, #tpu.memory_space<vmem>>, vector<16xf32>,
        %mul3A_251 = arith.mulf %get3A_247, %get3A_247 : vector<16xf32>
        %add3A_252 = arith.addf %broadcast_in_dim3A_8, %mul3A_251 : vector<16xf32>
        %get3A_253 = arith.index_cast %sub3A_225 : i32 to index
        %get3A_254 = arith.constant 48 : index
        %get3A_255 = tpu.vector_load %arg10[%get3A_253, %get3A_254] {strides = array<i32>} : memref<128x256xf32, #tpu.memory_space<vmem>>, vector<16xf32>,
        %swap3A_256 = arith.index_cast %squeeze3A : i32 to index
        %swap3A_257 = arith.constant 48 : index
        %swap3A_258 = tpu.vector_load %arg12[%swap3A_256, %swap3A_257] {strides = array<i32>} : memref<64x256xf32, #tpu.memory_space<vmem>>, vector<16xf32>,
        tpu.vector_store %arg12[%swap3A_256, %swap3A_257], %get3A_255 {add = true, strides = array<i32>} : memref<64x256xf32, #tpu.memory_space<vmem>>, vector<16xf32>,
        %mul3A_259 = arith.mulf %get3A_255, %get3A_255 : vector<16xf32>
        %add3A_260 = arith.addf %broadcast_in_dim3A_8, %mul3A_259 : vector<16xf32>
        %get3A_261 = arith.index_cast %sub3A_225 : i32 to index
        %get3A_262 = arith.constant 64 : index
        %get3A_263 = tpu.vector_load %arg10[%get3A_261, %get3A_262] {strides = array<i32>} : memref<128x256xf32, #tpu.memory_space<vmem>>, vector<16xf32>,
        %swap3A_264 = arith.index_cast %squeeze3A : i32 to index
        %swap3A_265 = arith.constant 64 : index
        %swap3A_266 = tpu.vector_load %arg12[%swap3A_264, %swap3A_265] {strides = array<i32>} : memref<64x256xf32, #tpu.memory_space<vmem>>, vector<16xf32>,
        tpu.vector_store %arg12[%swap3A_264, %swap3A_265], %get3A_263 {add = true, strides = array<i32>} : memref<64x256xf32, #tpu.memory_space<vmem>>, vector<16xf32>,
        %mul3A_267 = arith.mulf %get3A_263, %get3A_263 : vector<16xf32>
        %add3A_268 = arith.addf %add3A_236, %mul3A_267 : vector<16xf32>
        %get3A_269 = arith.index_cast %sub3A_225 : i32 to index
        %get3A_270 = arith.constant 80 : index
        %get3A_271 = tpu.vector_load %arg10[%get3A_269, %get3A_270] {strides = array<i32>} : memref<128x256xf32, #tpu.memory_space<vmem>>, vector<16xf32>,
        %swap3A_272 = arith.index_cast %squeeze3A : i32 to index
        %swap3A_273 = arith.constant 80 : index
        %swap3A_274 = tpu.vector_load %arg12[%swap3A_272, %swap3A_273] {strides = array<i32>} : memref<64x256xf32, #tpu.memory_space<vmem>>, vector<16xf32>,
        tpu.vector_store %arg12[%swap3A_272, %swap3A_273], %get3A_271 {add = true, strides = array<i32>} : memref<64x256xf32, #tpu.memory_space<vmem>>, vector<16xf32>,
        %mul3A_275 = arith.mulf %get3A_271, %get3A_271 : vector<16xf32>
        %add3A_276 = arith.addf %add3A_244, %mul3A_275 : vector<16xf32>
        %get3A_277 = arith.index_cast %sub3A_225 : i32 to index
        %get3A_278 = arith.constant 96 : index
        %get3A_279 = tpu.vector_load %arg10[%get3A_277, %get3A_278] {strides = array<i32>} : memref<128x256xf32, #tpu.memory_space<vmem>>, vector<16xf32>,
        %swap3A_280 = arith.index_cast %squeeze3A : i32 to index
        %swap3A_281 = arith.constant 96 : index
        %swap3A_282 = tpu.vector_load %arg12[%swap3A_280, %swap3A_281] {strides = array<i32>} : memref<64x256xf32, #tpu.memory_space<vmem>>, vector<16xf32>,
        tpu.vector_store %arg12[%swap3A_280, %swap3A_281], %get3A_279 {add = true, strides = array<i32>} : memref<64x256xf32, #tpu.memory_space<vmem>>, vector<16xf32>,
        %mul3A_283 = arith.mulf %get3A_279, %get3A_279 : vector<16xf32>
        %add3A_284 = arith.addf %add3A_252, %mul3A_283 : vector<16xf32>
        %get3A_285 = arith.index_cast %sub3A_225 : i32 to index
        %get3A_286 = arith.constant 112 : index
        %get3A_287 = tpu.vector_load %arg10[%get3A_285, %get3A_286] {strides = array<i32>} : memref<128x256xf32, #tpu.memory_space<vmem>>, vector<16xf32>,
        %swap3A_288 = arith.index_cast %squeeze3A : i32 to index
        %swap3A_289 = arith.constant 112 : index
        %swap3A_290 = tpu.vector_load %arg12[%swap3A_288, %swap3A_289] {strides = array<i32>} : memref<64x256xf32, #tpu.memory_space<vmem>>, vector<16xf32>,
        tpu.vector_store %arg12[%swap3A_288, %swap3A_289], %get3A_287 {add = true, strides = array<i32>} : memref<64x256xf32, #tpu.memory_space<vmem>>, vector<16xf32>,
        %mul3A_291 = arith.mulf %get3A_287, %get3A_287 : vector<16xf32>
        %add3A_292 = arith.addf %add3A_260, %mul3A_291 : vector<16xf32>
        %get3A_293 = arith.index_cast %sub3A_225 : i32 to index
        %get3A_294 = arith.constant 128 : index
        %get3A_295 = tpu.vector_load %arg10[%get3A_293, %get3A_294] {strides = array<i32>} : memref<128x256xf32, #tpu.memory_space<vmem>>, vector<16xf32>,
        %swap3A_296 = arith.index_cast %squeeze3A : i32 to index
        %swap3A_297 = arith.constant 128 : index
        %swap3A_298 = tpu.vector_load %arg12[%swap3A_296, %swap3A_297] {strides = array<i32>} : memref<64x256xf32, #tpu.memory_space<vmem>>, vector<16xf32>,
        tpu.vector_store %arg12[%swap3A_296, %swap3A_297], %get3A_295 {add = true, strides = array<i32>} : memref<64x256xf32, #tpu.memory_space<vmem>>, vector<16xf32>,
        %mul3A_299 = arith.mulf %get3A_295, %get3A_295 : vector<16xf32>
        %add3A_300 = arith.addf %add3A_268, %mul3A_299 : vector<16xf32>
        %get3A_301 = arith.index_cast %sub3A_225 : i32 to index
        %get3A_302 = arith.constant 144 : index
        %get3A_303 = tpu.vector_load %arg10[%get3A_301, %get3A_302] {strides = array<i32>} : memref<128x256xf32, #tpu.memory_space<vmem>>, vector<16xf32>,
        %swap3A_304 = arith.index_cast %squeeze3A : i32 to index
        %swap3A_305 = arith.constant 144 : index
        %swap3A_306 = tpu.vector_load %arg12[%swap3A_304, %swap3A_305] {strides = array<i32>} : memref<64x256xf32, #tpu.memory_space<vmem>>, vector<16xf32>,
        tpu.vector_store %arg12[%swap3A_304, %swap3A_305], %get3A_303 {add = true, strides = array<i32>} : memref<64x256xf32, #tpu.memory_space<vmem>>, vector<16xf32>,
        %mul3A_307 = arith.mulf %get3A_303, %get3A_303 : vector<16xf32>
        %add3A_308 = arith.addf %add3A_276, %mul3A_307 : vector<16xf32>
        %get3A_309 = arith.index_cast %sub3A_225 : i32 to index
        %get3A_310 = arith.constant 160 : index
        %get3A_311 = tpu.vector_load %arg10[%get3A_309, %get3A_310] {strides = array<i32>} : memref<128x256xf32, #tpu.memory_space<vmem>>, vector<16xf32>,
        %swap3A_312 = arith.index_cast %squeeze3A : i32 to index
        %swap3A_313 = arith.constant 160 : index
        %swap3A_314 = tpu.vector_load %arg12[%swap3A_312, %swap3A_313] {strides = array<i32>} : memref<64x256xf32, #tpu.memory_space<vmem>>, vector<16xf32>,
        tpu.vector_store %arg12[%swap3A_312, %swap3A_313], %get3A_311 {add = true, strides = array<i32>} : memref<64x256xf32, #tpu.memory_space<vmem>>, vector<16xf32>,
        %mul3A_315 = arith.mulf %get3A_311, %get3A_311 : vector<16xf32>
        %add3A_316 = arith.addf %add3A_284, %mul3A_315 : vector<16xf32>
        %get3A_317 = arith.index_cast %sub3A_225 : i32 to index
        %get3A_318 = arith.constant 176 : index
        %get3A_319 = tpu.vector_load %arg10[%get3A_317, %get3A_318] {strides = array<i32>} : memref<128x256xf32, #tpu.memory_space<vmem>>, vector<16xf32>,
        %swap3A_320 = arith.index_cast %squeeze3A : i32 to index
        %swap3A_321 = arith.constant 176 : index
        %swap3A_322 = tpu.vector_load %arg12[%swap3A_320, %swap3A_321] {strides = array<i32>} : memref<64x256xf32, #tpu.memory_space<vmem>>, vector<16xf32>,
        tpu.vector_store %arg12[%swap3A_320, %swap3A_321], %get3A_319 {add = true, strides = array<i32>} : memref<64x256xf32, #tpu.memory_space<vmem>>, vector<16xf32>,
        %mul3A_323 = arith.mulf %get3A_319, %get3A_319 : vector<16xf32>
        %add3A_324 = arith.addf %add3A_292, %mul3A_323 : vector<16xf32>
        %get3A_325 = arith.index_cast %sub3A_225 : i32 to index
        %get3A_326 = arith.constant 192 : index
        %get3A_327 = tpu.vector_load %arg10[%get3A_325, %get3A_326] {strides = array<i32>} : memref<128x256xf32, #tpu.memory_space<vmem>>, vector<16xf32>,
        %swap3A_328 = arith.index_cast %squeeze3A : i32 to index
        %swap3A_329 = arith.constant 192 : index
        %swap3A_330 = tpu.vector_load %arg12[%swap3A_328, %swap3A_329] {strides = array<i32>} : memref<64x256xf32, #tpu.memory_space<vmem>>, vector<16xf32>,
        tpu.vector_store %arg12[%swap3A_328, %swap3A_329], %get3A_327 {add = true, strides = array<i32>} : memref<64x256xf32, #tpu.memory_space<vmem>>, vector<16xf32>,
        %mul3A_331 = arith.mulf %get3A_327, %get3A_327 : vector<16xf32>
        %add3A_332 = arith.addf %add3A_300, %mul3A_331 : vector<16xf32>
        %get3A_333 = arith.index_cast %sub3A_225 : i32 to index
        %get3A_334 = arith.constant 208 : index
        %get3A_335 = tpu.vector_load %arg10[%get3A_333, %get3A_334] {strides = array<i32>} : memref<128x256xf32, #tpu.memory_space<vmem>>, vector<16xf32>,
        %swap3A_336 = arith.index_cast %squeeze3A : i32 to index
        %swap3A_337 = arith.constant 208 : index
        %swap3A_338 = tpu.vector_load %arg12[%swap3A_336, %swap3A_337] {strides = array<i32>} : memref<64x256xf32, #tpu.memory_space<vmem>>, vector<16xf32>,
        tpu.vector_store %arg12[%swap3A_336, %swap3A_337], %get3A_335 {add = true, strides = array<i32>} : memref<64x256xf32, #tpu.memory_space<vmem>>, vector<16xf32>,
        %mul3A_339 = arith.mulf %get3A_335, %get3A_335 : vector<16xf32>
        %add3A_340 = arith.addf %add3A_308, %mul3A_339 : vector<16xf32>
        %get3A_341 = arith.index_cast %sub3A_225 : i32 to index
        %get3A_342 = arith.constant 224 : index
        %get3A_343 = tpu.vector_load %arg10[%get3A_341, %get3A_342] {strides = array<i32>} : memref<128x256xf32, #tpu.memory_space<vmem>>, vector<16xf32>,
        %swap3A_344 = arith.index_cast %squeeze3A : i32 to index
        %swap3A_345 = arith.constant 224 : index
        %swap3A_346 = tpu.vector_load %arg12[%swap3A_344, %swap3A_345] {strides = array<i32>} : memref<64x256xf32, #tpu.memory_space<vmem>>, vector<16xf32>,
        tpu.vector_store %arg12[%swap3A_344, %swap3A_345], %get3A_343 {add = true, strides = array<i32>} : memref<64x256xf32, #tpu.memory_space<vmem>>, vector<16xf32>,
        %mul3A_347 = arith.mulf %get3A_343, %get3A_343 : vector<16xf32>
        %add3A_348 = arith.addf %add3A_316, %mul3A_347 : vector<16xf32>
        %get3A_349 = arith.index_cast %sub3A_225 : i32 to index
        %get3A_350 = arith.constant 240 : index
        %get3A_351 = tpu.vector_load %arg10[%get3A_349, %get3A_350] {strides = array<i32>} : memref<128x256xf32, #tpu.memory_space<vmem>>, vector<16xf32>,
        %swap3A_352 = arith.index_cast %squeeze3A : i32 to index
        %swap3A_353 = arith.constant 240 : index
        %swap3A_354 = tpu.vector_load %arg12[%swap3A_352, %swap3A_353] {strides = array<i32>} : memref<64x256xf32, #tpu.memory_space<vmem>>, vector<16xf32>,
        tpu.vector_store %arg12[%swap3A_352, %swap3A_353], %get3A_351 {add = true, strides = array<i32>} : memref<64x256xf32, #tpu.memory_space<vmem>>, vector<16xf32>,
        %mul3A_355 = arith.mulf %get3A_351, %get3A_351 : vector<16xf32>
        %add3A_356 = arith.addf %add3A_324, %mul3A_355 : vector<16xf32>
        %swap3A_357 = arith.index_cast %squeeze3A : i32 to index
        %swap3A_358 = arith.constant 0 : index
        %swap3A_359 = tpu.vector_load %arg13[%swap3A_357, %swap3A_358] {strides = array<i32>} : memref<64x16xf32, #tpu.memory_space<vmem>>, vector<16xf32>,
        tpu.vector_store %arg13[%swap3A_357, %swap3A_358], %select_n3A {add = true, strides = array<i32>} : memref<64x16xf32, #tpu.memory_space<vmem>>, vector<16xf32>,
        %swap3A_360 = arith.constant 0 : i32
        %swap3A_361 = arith.index_cast %swap3A_360 : i32 to index
        %swap3A_362 = arith.constant 0 : index
        %swap3A_363 = tpu.vector_load %arg14[%swap3A_361, %swap3A_362] {strides = array<i32>} : memref<4x16xf32, #tpu.memory_space<vmem>>, vector<16xf32>,
        tpu.vector_store %arg14[%swap3A_361, %swap3A_362], %add3A_332 {add = true, strides = array<i32>} : memref<4x16xf32, #tpu.memory_space<vmem>>, vector<16xf32>,
        %swap3A_364 = arith.constant 1 : i32
        %swap3A_365 = arith.index_cast %swap3A_364 : i32 to index
        %swap3A_366 = arith.constant 0 : index
        %swap3A_367 = tpu.vector_load %arg14[%swap3A_365, %swap3A_366] {strides = array<i32>} : memref<4x16xf32, #tpu.memory_space<vmem>>, vector<16xf32>,
        tpu.vector_store %arg14[%swap3A_365, %swap3A_366], %add3A_340 {add = true, strides = array<i32>} : memref<4x16xf32, #tpu.memory_space<vmem>>, vector<16xf32>,
        %swap3A_368 = arith.constant 2 : i32
        %swap3A_369 = arith.index_cast %swap3A_368 : i32 to index
        %swap3A_370 = arith.constant 0 : index
        %swap3A_371 = tpu.vector_load %arg14[%swap3A_369, %swap3A_370] {strides = array<i32>} : memref<4x16xf32, #tpu.memory_space<vmem>>, vector<16xf32>,
        tpu.vector_store %arg14[%swap3A_369, %swap3A_370], %add3A_348 {add = true, strides = array<i32>} : memref<4x16xf32, #tpu.memory_space<vmem>>, vector<16xf32>,
        %swap3A_372 = arith.constant 3 : i32
        %swap3A_373 = arith.index_cast %swap3A_372 : i32 to index
        %swap3A_374 = arith.constant 0 : index
        %swap3A_375 = tpu.vector_load %arg14[%swap3A_373, %swap3A_374] {strides = array<i32>} : memref<4x16xf32, #tpu.memory_space<vmem>>, vector<16xf32>,
        tpu.vector_store %arg14[%swap3A_373, %swap3A_374], %add3A_356 {add = true, strides = array<i32>} : memref<4x16xf32, #tpu.memory_space<vmem>>, vector<16xf32>,
      } else {
      }
      %lt3A_220 = arith.cmpi slt, %add3A_178, %shift_right_logical3A_114 : i32
      %convert_element_type3A_221 = arith.extui %lt3A_220 : i1 to i32
      %cond3A_222 = arith.constant 0 : i32
      %cond3A_223 = arith.cmpi ne, %convert_element_type3A_221, %cond3A_222 : i32
      scf.if %cond3A_223 {
        %dma_wait3A_224 = arith.constant 0 : i32
        %dma_wait3A_225 = tpu.memref_slice %arg8[%add3A_178, %dma_wait3A_224] : memref<65x128xi32, #tpu.memory_space<vmem>> -> memref<1x128xi32, #tpu.memory_space<vmem>>
        %dma_wait3A_226 = tpu.memref_squeeze %dma_wait3A_225 : memref<1x128xi32, #tpu.memory_space<vmem>> -> memref<128xi32, #tpu.memory_space<vmem>>
        %dma_wait3A_227 = arith.constant 0 : i32
        %dma_wait3A_228 = arith.constant 0 : i32
        %dma_wait3A_229 = tpu.memref_slice %arg3[%dma_wait3A_227, %dma_wait3A_228] : memref<16384x256xf32, #tpu.memory_space<hbm>> -> memref<16384x256xf32, #tpu.memory_space<hbm>>
        tpu.wait_indirect_dma semaphore(%arg16 : memref<!tpu.dma_semaphore, #tpu.memory_space<semaphore_mem>>) src(%dma_wait3A_229 : memref<16384x256xf32, #tpu.memory_space<hbm>>) dst(%arg11 : memref<128x256xf32, #tpu.memory_space<vmem>>)
        %add3A_230 = arith.constant 1 : i32
        %add3A_231 = arith.addi %add3A_178, %add3A_230 : i32
        %lt3A_232 = arith.cmpi slt, %add3A_231, %shift_right_logical3A_114 : i32
        %convert_element_type3A_233 = arith.extui %lt3A_232 : i1 to i32
        %cond3A_234 = arith.constant 0 : i32
        %cond3A_235 = arith.cmpi ne, %convert_element_type3A_233, %cond3A_234 : i32
        scf.if %cond3A_235 {
          %add3A_271 = arith.constant 1 : i32
          %add3A_272 = arith.addi %add3A_178, %add3A_271 : i32
          %dma_start3A_273 = arith.constant 0 : i32
          %dma_start3A_274 = tpu.memref_slice %arg8[%add3A_272, %dma_start3A_273] : memref<65x128xi32, #tpu.memory_space<vmem>> -> memref<1x128xi32, #tpu.memory_space<vmem>>
          %dma_start3A_275 = tpu.memref_squeeze %dma_start3A_274 : memref<1x128xi32, #tpu.memory_space<vmem>> -> memref<128xi32, #tpu.memory_space<vmem>>
          %dma_start3A_276 = arith.constant 0 : i32
          %dma_start3A_277 = arith.constant 0 : i32
          %dma_start3A_278 = tpu.memref_slice %arg3[%dma_start3A_276, %dma_start3A_277] : memref<16384x256xf32, #tpu.memory_space<hbm>> -> memref<16384x256xf32, #tpu.memory_space<hbm>>
          tpu.enqueue_indirect_dma source(%dma_start3A_278 : memref<16384x256xf32, #tpu.memory_space<hbm>>) target(%arg10 : memref<128x256xf32, #tpu.memory_space<vmem>>) offsets(%dma_start3A_275 : memref<128xi32, #tpu.memory_space<vmem>>) semaphore(%arg15 : memref<!tpu.dma_semaphore, #tpu.memory_space<semaphore_mem>>)
        } else {
        }
        %mul3A_236 = arith.constant 128 : i32
        %mul3A_237 = arith.muli %add3A_178, %mul3A_236 : i32
        %sub3A_238 = arith.subi %parallel_loop3A_30, %mul3A_237 : i32
        %min3A_239 = arith.constant 128 : i32
        %min3A_240 = arith.minsi %sub3A_238, %min3A_239 : i32
        %max3A_241 = arith.constant 0 : i32
        %max3A_242 = arith.maxsi %min3A_240, %max3A_241 : i32
        %shift_right_logical3A_243 = arith.constant 1 : i32
        %shift_right_logical3A_244 = arith.shrui %max3A_242, %shift_right_logical3A_243 : i32
        %parallel_loop3A_245 = arith.constant 0 : i32
        %parallel_loop3A_246 = arith.constant 1 : i32
        %parallel_loop3A_247:4 = scf.for %parallel_loop3A_271 = %parallel_loop3A_245 to %shift_right_logical3A_244 step %parallel_loop3A_246 iter_args(%parallel_loop3A_272 = %broadcast_in_dim3A_8, %parallel_loop3A_273 = %broadcast_in_dim3A_8, %parallel_loop3A_274 = %broadcast_in_dim3A_8, %parallel_loop3A_275 = %broadcast_in_dim3A_8) -> (vector<16xf32>, vector<16xf32>, vector<16xf32>, vector<16xf32>)  : i32 {
          %parallel_loop3A_276 = arith.constant 2 : i32
          %parallel_loop3A_277 = arith.muli %parallel_loop3A_271, %parallel_loop3A_276 : i32
          %parallel_loop3A_278 = arith.addi %mul3A_237, %parallel_loop3A_277 : i32
          %parallel_loop3A_279 = arith.index_cast %parallel_loop3A_278 : i32 to index
          %parallel_loop3A_280 = tpu.vector_load %arg9[%parallel_loop3A_279] {strides = array<i32>} : memref<8336xi32, #tpu.memory_space<vmem>>, vector<16xi32>,
          %parallel_loop3A_281 = vector.extract_strided_slice %parallel_loop3A_280 {offsets = [0], sizes = [1], strides = [1]} : vector<16xi32> to vector<1xi32>
          %parallel_loop3A_282 = vector.extract %parallel_loop3A_281[0] : i32 from vector<1xi32>
          %parallel_loop3A_283 = arith.index_cast %parallel_loop3A_277 : i32 to index
          %parallel_loop3A_284 = arith.constant 0 : index
          %parallel_loop3A_285 = tpu.vector_load %arg11[%parallel_loop3A_283, %parallel_loop3A_284] {strides = array<i32>} : memref<128x256xf32, #tpu.memory_space<vmem>>, vector<16xf32>,
          %parallel_loop3A_286 = arith.index_cast %parallel_loop3A_282 : i32 to index
          %parallel_loop3A_287 = arith.constant 0 : index
          %parallel_loop3A_288 = tpu.vector_load %arg12[%parallel_loop3A_286, %parallel_loop3A_287] {strides = array<i32>} : memref<64x256xf32, #tpu.memory_space<vmem>>, vector<16xf32>,
          tpu.vector_store %arg12[%parallel_loop3A_286, %parallel_loop3A_287], %parallel_loop3A_285 {add = true, strides = array<i32>} : memref<64x256xf32, #tpu.memory_space<vmem>>, vector<16xf32>,
          %parallel_loop3A_289 = arith.mulf %parallel_loop3A_285, %parallel_loop3A_285 : vector<16xf32>
          %parallel_loop3A_290 = arith.addf %parallel_loop3A_272, %parallel_loop3A_289 : vector<16xf32>
          %parallel_loop3A_291 = arith.index_cast %parallel_loop3A_277 : i32 to index
          %parallel_loop3A_292 = arith.constant 16 : index
          %parallel_loop3A_293 = tpu.vector_load %arg11[%parallel_loop3A_291, %parallel_loop3A_292] {strides = array<i32>} : memref<128x256xf32, #tpu.memory_space<vmem>>, vector<16xf32>,
          %parallel_loop3A_294 = arith.index_cast %parallel_loop3A_282 : i32 to index
          %parallel_loop3A_295 = arith.constant 16 : index
          %parallel_loop3A_296 = tpu.vector_load %arg12[%parallel_loop3A_294, %parallel_loop3A_295] {strides = array<i32>} : memref<64x256xf32, #tpu.memory_space<vmem>>, vector<16xf32>,
          tpu.vector_store %arg12[%parallel_loop3A_294, %parallel_loop3A_295], %parallel_loop3A_293 {add = true, strides = array<i32>} : memref<64x256xf32, #tpu.memory_space<vmem>>, vector<16xf32>,
          %parallel_loop3A_297 = arith.mulf %parallel_loop3A_293, %parallel_loop3A_293 : vector<16xf32>
          %parallel_loop3A_298 = arith.addf %parallel_loop3A_273, %parallel_loop3A_297 : vector<16xf32>
          %parallel_loop3A_299 = arith.index_cast %parallel_loop3A_277 : i32 to index
          %parallel_loop3A_300 = arith.constant 32 : index
          %parallel_loop3A_301 = tpu.vector_load %arg11[%parallel_loop3A_299, %parallel_loop3A_300] {strides = array<i32>} : memref<128x256xf32, #tpu.memory_space<vmem>>, vector<16xf32>,
          %parallel_loop3A_302 = arith.index_cast %parallel_loop3A_282 : i32 to index
          %parallel_loop3A_303 = arith.constant 32 : index
          %parallel_loop3A_304 = tpu.vector_load %arg12[%parallel_loop3A_302, %parallel_loop3A_303] {strides = array<i32>} : memref<64x256xf32, #tpu.memory_space<vmem>>, vector<16xf32>,
          tpu.vector_store %arg12[%parallel_loop3A_302, %parallel_loop3A_303], %parallel_loop3A_301 {add = true, strides = array<i32>} : memref<64x256xf32, #tpu.memory_space<vmem>>, vector<16xf32>,
          %parallel_loop3A_305 = arith.mulf %parallel_loop3A_301, %parallel_loop3A_301 : vector<16xf32>
          %parallel_loop3A_306 = arith.addf %parallel_loop3A_274, %parallel_loop3A_305 : vector<16xf32>
          %parallel_loop3A_307 = arith.index_cast %parallel_loop3A_277 : i32 to index
          %parallel_loop3A_308 = arith.constant 48 : index
          %parallel_loop3A_309 = tpu.vector_load %arg11[%parallel_loop3A_307, %parallel_loop3A_308] {strides = array<i32>} : memref<128x256xf32, #tpu.memory_space<vmem>>, vector<16xf32>,
          %parallel_loop3A_310 = arith.index_cast %parallel_loop3A_282 : i32 to index
          %parallel_loop3A_311 = arith.constant 48 : index
          %parallel_loop3A_312 = tpu.vector_load %arg12[%parallel_loop3A_310, %parallel_loop3A_311] {strides = array<i32>} : memref<64x256xf32, #tpu.memory_space<vmem>>, vector<16xf32>,
          tpu.vector_store %arg12[%parallel_loop3A_310, %parallel_loop3A_311], %parallel_loop3A_309 {add = true, strides = array<i32>} : memref<64x256xf32, #tpu.memory_space<vmem>>, vector<16xf32>,
          %parallel_loop3A_313 = arith.mulf %parallel_loop3A_309, %parallel_loop3A_309 : vector<16xf32>
          %parallel_loop3A_314 = arith.addf %parallel_loop3A_275, %parallel_loop3A_313 : vector<16xf32>
          %parallel_loop3A_315 = arith.index_cast %parallel_loop3A_277 : i32 to index
          %parallel_loop3A_316 = arith.constant 64 : index
          %parallel_loop3A_317 = tpu.vector_load %arg11[%parallel_loop3A_315, %parallel_loop3A_316] {strides = array<i32>} : memref<128x256xf32, #tpu.memory_space<vmem>>, vector<16xf32>,
          %parallel_loop3A_318 = arith.index_cast %parallel_loop3A_282 : i32 to index
          %parallel_loop3A_319 = arith.constant 64 : index
          %parallel_loop3A_320 = tpu.vector_load %arg12[%parallel_loop3A_318, %parallel_loop3A_319] {strides = array<i32>} : memref<64x256xf32, #tpu.memory_space<vmem>>, vector<16xf32>,
          tpu.vector_store %arg12[%parallel_loop3A_318, %parallel_loop3A_319], %parallel_loop3A_317 {add = true, strides = array<i32>} : memref<64x256xf32, #tpu.memory_space<vmem>>, vector<16xf32>,
          %parallel_loop3A_321 = arith.mulf %parallel_loop3A_317, %parallel_loop3A_317 : vector<16xf32>
          %parallel_loop3A_322 = arith.addf %parallel_loop3A_290, %parallel_loop3A_321 : vector<16xf32>
          %parallel_loop3A_323 = arith.index_cast %parallel_loop3A_277 : i32 to index
          %parallel_loop3A_324 = arith.constant 80 : index
          %parallel_loop3A_325 = tpu.vector_load %arg11[%parallel_loop3A_323, %parallel_loop3A_324] {strides = array<i32>} : memref<128x256xf32, #tpu.memory_space<vmem>>, vector<16xf32>,
          %parallel_loop3A_326 = arith.index_cast %parallel_loop3A_282 : i32 to index
          %parallel_loop3A_327 = arith.constant 80 : index
          %parallel_loop3A_328 = tpu.vector_load %arg12[%parallel_loop3A_326, %parallel_loop3A_327] {strides = array<i32>} : memref<64x256xf32, #tpu.memory_space<vmem>>, vector<16xf32>,
          tpu.vector_store %arg12[%parallel_loop3A_326, %parallel_loop3A_327], %parallel_loop3A_325 {add = true, strides = array<i32>} : memref<64x256xf32, #tpu.memory_space<vmem>>, vector<16xf32>,
          %parallel_loop3A_329 = arith.mulf %parallel_loop3A_325, %parallel_loop3A_325 : vector<16xf32>
          %parallel_loop3A_330 = arith.addf %parallel_loop3A_298, %parallel_loop3A_329 : vector<16xf32>
          %parallel_loop3A_331 = arith.index_cast %parallel_loop3A_277 : i32 to index
          %parallel_loop3A_332 = arith.constant 96 : index
          %parallel_loop3A_333 = tpu.vector_load %arg11[%parallel_loop3A_331, %parallel_loop3A_332] {strides = array<i32>} : memref<128x256xf32, #tpu.memory_space<vmem>>, vector<16xf32>,
          %parallel_loop3A_334 = arith.index_cast %parallel_loop3A_282 : i32 to index
          %parallel_loop3A_335 = arith.constant 96 : index
          %parallel_loop3A_336 = tpu.vector_load %arg12[%parallel_loop3A_334, %parallel_loop3A_335] {strides = array<i32>} : memref<64x256xf32, #tpu.memory_space<vmem>>, vector<16xf32>,
          tpu.vector_store %arg12[%parallel_loop3A_334, %parallel_loop3A_335], %parallel_loop3A_333 {add = true, strides = array<i32>} : memref<64x256xf32, #tpu.memory_space<vmem>>, vector<16xf32>,
          %parallel_loop3A_337 = arith.mulf %parallel_loop3A_333, %parallel_loop3A_333 : vector<16xf32>
          %parallel_loop3A_338 = arith.addf %parallel_loop3A_306, %parallel_loop3A_337 : vector<16xf32>
          %parallel_loop3A_339 = arith.index_cast %parallel_loop3A_277 : i32 to index
          %parallel_loop3A_340 = arith.constant 112 : index
          %parallel_loop3A_341 = tpu.vector_load %arg11[%parallel_loop3A_339, %parallel_loop3A_340] {strides = array<i32>} : memref<128x256xf32, #tpu.memory_space<vmem>>, vector<16xf32>,
          %parallel_loop3A_342 = arith.index_cast %parallel_loop3A_282 : i32 to index
          %parallel_loop3A_343 = arith.constant 112 : index
          %parallel_loop3A_344 = tpu.vector_load %arg12[%parallel_loop3A_342, %parallel_loop3A_343] {strides = array<i32>} : memref<64x256xf32, #tpu.memory_space<vmem>>, vector<16xf32>,
          tpu.vector_store %arg12[%parallel_loop3A_342, %parallel_loop3A_343], %parallel_loop3A_341 {add = true, strides = array<i32>} : memref<64x256xf32, #tpu.memory_space<vmem>>, vector<16xf32>,
          %parallel_loop3A_345 = arith.mulf %parallel_loop3A_341, %parallel_loop3A_341 : vector<16xf32>
          %parallel_loop3A_346 = arith.addf %parallel_loop3A_314, %parallel_loop3A_345 : vector<16xf32>
          %parallel_loop3A_347 = arith.index_cast %parallel_loop3A_277 : i32 to index
          %parallel_loop3A_348 = arith.constant 128 : index
          %parallel_loop3A_349 = tpu.vector_load %arg11[%parallel_loop3A_347, %parallel_loop3A_348] {strides = array<i32>} : memref<128x256xf32, #tpu.memory_space<vmem>>, vector<16xf32>,
          %parallel_loop3A_350 = arith.index_cast %parallel_loop3A_282 : i32 to index
          %parallel_loop3A_351 = arith.constant 128 : index
          %parallel_loop3A_352 = tpu.vector_load %arg12[%parallel_loop3A_350, %parallel_loop3A_351] {strides = array<i32>} : memref<64x256xf32, #tpu.memory_space<vmem>>, vector<16xf32>,
          tpu.vector_store %arg12[%parallel_loop3A_350, %parallel_loop3A_351], %parallel_loop3A_349 {add = true, strides = array<i32>} : memref<64x256xf32, #tpu.memory_space<vmem>>, vector<16xf32>,
          %parallel_loop3A_353 = arith.mulf %parallel_loop3A_349, %parallel_loop3A_349 : vector<16xf32>
          %parallel_loop3A_354 = arith.addf %parallel_loop3A_322, %parallel_loop3A_353 : vector<16xf32>
          %parallel_loop3A_355 = arith.index_cast %parallel_loop3A_277 : i32 to index
          %parallel_loop3A_356 = arith.constant 144 : index
          %parallel_loop3A_357 = tpu.vector_load %arg11[%parallel_loop3A_355, %parallel_loop3A_356] {strides = array<i32>} : memref<128x256xf32, #tpu.memory_space<vmem>>, vector<16xf32>,
          %parallel_loop3A_358 = arith.index_cast %parallel_loop3A_282 : i32 to index
          %parallel_loop3A_359 = arith.constant 144 : index
          %parallel_loop3A_360 = tpu.vector_load %arg12[%parallel_loop3A_358, %parallel_loop3A_359] {strides = array<i32>} : memref<64x256xf32, #tpu.memory_space<vmem>>, vector<16xf32>,
          tpu.vector_store %arg12[%parallel_loop3A_358, %parallel_loop3A_359], %parallel_loop3A_357 {add = true, strides = array<i32>} : memref<64x256xf32, #tpu.memory_space<vmem>>, vector<16xf32>,
          %parallel_loop3A_361 = arith.mulf %parallel_loop3A_357, %parallel_loop3A_357 : vector<16xf32>
          %parallel_loop3A_362 = arith.addf %parallel_loop3A_330, %parallel_loop3A_361 : vector<16xf32>
          %parallel_loop3A_363 = arith.index_cast %parallel_loop3A_277 : i32 to index
          %parallel_loop3A_364 = arith.constant 160 : index
          %parallel_loop3A_365 = tpu.vector_load %arg11[%parallel_loop3A_363, %parallel_loop3A_364] {strides = array<i32>} : memref<128x256xf32, #tpu.memory_space<vmem>>, vector<16xf32>,
          %parallel_loop3A_366 = arith.index_cast %parallel_loop3A_282 : i32 to index
          %parallel_loop3A_367 = arith.constant 160 : index
          %parallel_loop3A_368 = tpu.vector_load %arg12[%parallel_loop3A_366, %parallel_loop3A_367] {strides = array<i32>} : memref<64x256xf32, #tpu.memory_space<vmem>>, vector<16xf32>,
          tpu.vector_store %arg12[%parallel_loop3A_366, %parallel_loop3A_367], %parallel_loop3A_365 {add = true, strides = array<i32>} : memref<64x256xf32, #tpu.memory_space<vmem>>, vector<16xf32>,
          %parallel_loop3A_369 = arith.mulf %parallel_loop3A_365, %parallel_loop3A_365 : vector<16xf32>
          %parallel_loop3A_370 = arith.addf %parallel_loop3A_338, %parallel_loop3A_369 : vector<16xf32>
          %parallel_loop3A_371 = arith.index_cast %parallel_loop3A_277 : i32 to index
          %parallel_loop3A_372 = arith.constant 176 : index
          %parallel_loop3A_373 = tpu.vector_load %arg11[%parallel_loop3A_371, %parallel_loop3A_372] {strides = array<i32>} : memref<128x256xf32, #tpu.memory_space<vmem>>, vector<16xf32>,
          %parallel_loop3A_374 = arith.index_cast %parallel_loop3A_282 : i32 to index
          %parallel_loop3A_375 = arith.constant 176 : index
          %parallel_loop3A_376 = tpu.vector_load %arg12[%parallel_loop3A_374, %parallel_loop3A_375] {strides = array<i32>} : memref<64x256xf32, #tpu.memory_space<vmem>>, vector<16xf32>,
          tpu.vector_store %arg12[%parallel_loop3A_374, %parallel_loop3A_375], %parallel_loop3A_373 {add = true, strides = array<i32>} : memref<64x256xf32, #tpu.memory_space<vmem>>, vector<16xf32>,
          %parallel_loop3A_377 = arith.mulf %parallel_loop3A_373, %parallel_loop3A_373 : vector<16xf32>
          %parallel_loop3A_378 = arith.addf %parallel_loop3A_346, %parallel_loop3A_377 : vector<16xf32>
          %parallel_loop3A_379 = arith.index_cast %parallel_loop3A_277 : i32 to index
          %parallel_loop3A_380 = arith.constant 192 : index
          %parallel_loop3A_381 = tpu.vector_load %arg11[%parallel_loop3A_379, %parallel_loop3A_380] {strides = array<i32>} : memref<128x256xf32, #tpu.memory_space<vmem>>, vector<16xf32>,
          %parallel_loop3A_382 = arith.index_cast %parallel_loop3A_282 : i32 to index
          %parallel_loop3A_383 = arith.constant 192 : index
          %parallel_loop3A_384 = tpu.vector_load %arg12[%parallel_loop3A_382, %parallel_loop3A_383] {strides = array<i32>} : memref<64x256xf32, #tpu.memory_space<vmem>>, vector<16xf32>,
          tpu.vector_store %arg12[%parallel_loop3A_382, %parallel_loop3A_383], %parallel_loop3A_381 {add = true, strides = array<i32>} : memref<64x256xf32, #tpu.memory_space<vmem>>, vector<16xf32>,
          %parallel_loop3A_385 = arith.mulf %parallel_loop3A_381, %parallel_loop3A_381 : vector<16xf32>
          %parallel_loop3A_386 = arith.addf %parallel_loop3A_354, %parallel_loop3A_385 : vector<16xf32>
          %parallel_loop3A_387 = arith.index_cast %parallel_loop3A_277 : i32 to index
          %parallel_loop3A_388 = arith.constant 208 : index
          %parallel_loop3A_389 = tpu.vector_load %arg11[%parallel_loop3A_387, %parallel_loop3A_388] {strides = array<i32>} : memref<128x256xf32, #tpu.memory_space<vmem>>, vector<16xf32>,
          %parallel_loop3A_390 = arith.index_cast %parallel_loop3A_282 : i32 to index
          %parallel_loop3A_391 = arith.constant 208 : index
          %parallel_loop3A_392 = tpu.vector_load %arg12[%parallel_loop3A_390, %parallel_loop3A_391] {strides = array<i32>} : memref<64x256xf32, #tpu.memory_space<vmem>>, vector<16xf32>,
          tpu.vector_store %arg12[%parallel_loop3A_390, %parallel_loop3A_391], %parallel_loop3A_389 {add = true, strides = array<i32>} : memref<64x256xf32, #tpu.memory_space<vmem>>, vector<16xf32>,
          %parallel_loop3A_393 = arith.mulf %parallel_loop3A_389, %parallel_loop3A_389 : vector<16xf32>
          %parallel_loop3A_394 = arith.addf %parallel_loop3A_362, %parallel_loop3A_393 : vector<16xf32>
          %parallel_loop3A_395 = arith.index_cast %parallel_loop3A_277 : i32 to index
          %parallel_loop3A_396 = arith.constant 224 : index
          %parallel_loop3A_397 = tpu.vector_load %arg11[%parallel_loop3A_395, %parallel_loop3A_396] {strides = array<i32>} : memref<128x256xf32, #tpu.memory_space<vmem>>, vector<16xf32>,
          %parallel_loop3A_398 = arith.index_cast %parallel_loop3A_282 : i32 to index
          %parallel_loop3A_399 = arith.constant 224 : index
          %parallel_loop3A_400 = tpu.vector_load %arg12[%parallel_loop3A_398, %parallel_loop3A_399] {strides = array<i32>} : memref<64x256xf32, #tpu.memory_space<vmem>>, vector<16xf32>,
          tpu.vector_store %arg12[%parallel_loop3A_398, %parallel_loop3A_399], %parallel_loop3A_397 {add = true, strides = array<i32>} : memref<64x256xf32, #tpu.memory_space<vmem>>, vector<16xf32>,
          %parallel_loop3A_401 = arith.mulf %parallel_loop3A_397, %parallel_loop3A_397 : vector<16xf32>
          %parallel_loop3A_402 = arith.addf %parallel_loop3A_370, %parallel_loop3A_401 : vector<16xf32>
          %parallel_loop3A_403 = arith.index_cast %parallel_loop3A_277 : i32 to index
          %parallel_loop3A_404 = arith.constant 240 : index
          %parallel_loop3A_405 = tpu.vector_load %arg11[%parallel_loop3A_403, %parallel_loop3A_404] {strides = array<i32>} : memref<128x256xf32, #tpu.memory_space<vmem>>, vector<16xf32>,
          %parallel_loop3A_406 = arith.index_cast %parallel_loop3A_282 : i32 to index
          %parallel_loop3A_407 = arith.constant 240 : index
          %parallel_loop3A_408 = tpu.vector_load %arg12[%parallel_loop3A_406, %parallel_loop3A_407] {strides = array<i32>} : memref<64x256xf32, #tpu.memory_space<vmem>>, vector<16xf32>,
          tpu.vector_store %arg12[%parallel_loop3A_406, %parallel_loop3A_407], %parallel_loop3A_405 {add = true, strides = array<i32>} : memref<64x256xf32, #tpu.memory_space<vmem>>, vector<16xf32>,
          %parallel_loop3A_409 = arith.mulf %parallel_loop3A_405, %parallel_loop3A_405 : vector<16xf32>
          %parallel_loop3A_410 = arith.addf %parallel_loop3A_378, %parallel_loop3A_409 : vector<16xf32>
          %parallel_loop3A_411 = arith.index_cast %parallel_loop3A_282 : i32 to index
          %parallel_loop3A_412 = arith.constant 0 : index
          %parallel_loop3A_413 = tpu.vector_load %arg13[%parallel_loop3A_411, %parallel_loop3A_412] {strides = array<i32>} : memref<64x16xf32, #tpu.memory_space<vmem>>, vector<16xf32>,
          tpu.vector_store %arg13[%parallel_loop3A_411, %parallel_loop3A_412], %select_n3A {add = true, strides = array<i32>} : memref<64x16xf32, #tpu.memory_space<vmem>>, vector<16xf32>,
          %parallel_loop3A_414 = arith.constant 1 : i32
          %parallel_loop3A_415 = arith.addi %parallel_loop3A_277, %parallel_loop3A_414 : i32
          %parallel_loop3A_416 = vector.extract_strided_slice %parallel_loop3A_280 {offsets = [1], sizes = [1], strides = [1]} : vector<16xi32> to vector<1xi32>
          %parallel_loop3A_417 = vector.extract %parallel_loop3A_416[0] : i32 from vector<1xi32>
          %parallel_loop3A_418 = arith.index_cast %parallel_loop3A_415 : i32 to index
          %parallel_loop3A_419 = arith.constant 0 : index
          %parallel_loop3A_420 = tpu.vector_load %arg11[%parallel_loop3A_418, %parallel_loop3A_419] {strides = array<i32>} : memref<128x256xf32, #tpu.memory_space<vmem>>, vector<16xf32>,
          %parallel_loop3A_421 = arith.index_cast %parallel_loop3A_417 : i32 to index
          %parallel_loop3A_422 = arith.constant 0 : index
          %parallel_loop3A_423 = tpu.vector_load %arg12[%parallel_loop3A_421, %parallel_loop3A_422] {strides = array<i32>} : memref<64x256xf32, #tpu.memory_space<vmem>>, vector<16xf32>,
          tpu.vector_store %arg12[%parallel_loop3A_421, %parallel_loop3A_422], %parallel_loop3A_420 {add = true, strides = array<i32>} : memref<64x256xf32, #tpu.memory_space<vmem>>, vector<16xf32>,
          %parallel_loop3A_424 = arith.mulf %parallel_loop3A_420, %parallel_loop3A_420 : vector<16xf32>
          %parallel_loop3A_425 = arith.addf %parallel_loop3A_386, %parallel_loop3A_424 : vector<16xf32>
          %parallel_loop3A_426 = arith.index_cast %parallel_loop3A_415 : i32 to index
          %parallel_loop3A_427 = arith.constant 16 : index
          %parallel_loop3A_428 = tpu.vector_load %arg11[%parallel_loop3A_426, %parallel_loop3A_427] {strides = array<i32>} : memref<128x256xf32, #tpu.memory_space<vmem>>, vector<16xf32>,
          %parallel_loop3A_429 = arith.index_cast %parallel_loop3A_417 : i32 to index
          %parallel_loop3A_430 = arith.constant 16 : index
          %parallel_loop3A_431 = tpu.vector_load %arg12[%parallel_loop3A_429, %parallel_loop3A_430] {strides = array<i32>} : memref<64x256xf32, #tpu.memory_space<vmem>>, vector<16xf32>,
          tpu.vector_store %arg12[%parallel_loop3A_429, %parallel_loop3A_430], %parallel_loop3A_428 {add = true, strides = array<i32>} : memref<64x256xf32, #tpu.memory_space<vmem>>, vector<16xf32>,
          %parallel_loop3A_432 = arith.mulf %parallel_loop3A_428, %parallel_loop3A_428 : vector<16xf32>
          %parallel_loop3A_433 = arith.addf %parallel_loop3A_394, %parallel_loop3A_432 : vector<16xf32>
          %parallel_loop3A_434 = arith.index_cast %parallel_loop3A_415 : i32 to index
          %parallel_loop3A_435 = arith.constant 32 : index
          %parallel_loop3A_436 = tpu.vector_load %arg11[%parallel_loop3A_434, %parallel_loop3A_435] {strides = array<i32>} : memref<128x256xf32, #tpu.memory_space<vmem>>, vector<16xf32>,
          %parallel_loop3A_437 = arith.index_cast %parallel_loop3A_417 : i32 to index
          %parallel_loop3A_438 = arith.constant 32 : index
          %parallel_loop3A_439 = tpu.vector_load %arg12[%parallel_loop3A_437, %parallel_loop3A_438] {strides = array<i32>} : memref<64x256xf32, #tpu.memory_space<vmem>>, vector<16xf32>,
          tpu.vector_store %arg12[%parallel_loop3A_437, %parallel_loop3A_438], %parallel_loop3A_436 {add = true, strides = array<i32>} : memref<64x256xf32, #tpu.memory_space<vmem>>, vector<16xf32>,
          %parallel_loop3A_440 = arith.mulf %parallel_loop3A_436, %parallel_loop3A_436 : vector<16xf32>
          %parallel_loop3A_441 = arith.addf %parallel_loop3A_402, %parallel_loop3A_440 : vector<16xf32>
          %parallel_loop3A_442 = arith.index_cast %parallel_loop3A_415 : i32 to index
          %parallel_loop3A_443 = arith.constant 48 : index
          %parallel_loop3A_444 = tpu.vector_load %arg11[%parallel_loop3A_442, %parallel_loop3A_443] {strides = array<i32>} : memref<128x256xf32, #tpu.memory_space<vmem>>, vector<16xf32>,
          %parallel_loop3A_445 = arith.index_cast %parallel_loop3A_417 : i32 to index
          %parallel_loop3A_446 = arith.constant 48 : index
          %parallel_loop3A_447 = tpu.vector_load %arg12[%parallel_loop3A_445, %parallel_loop3A_446] {strides = array<i32>} : memref<64x256xf32, #tpu.memory_space<vmem>>, vector<16xf32>,
          tpu.vector_store %arg12[%parallel_loop3A_445, %parallel_loop3A_446], %parallel_loop3A_444 {add = true, strides = array<i32>} : memref<64x256xf32, #tpu.memory_space<vmem>>, vector<16xf32>,
          %parallel_loop3A_448 = arith.mulf %parallel_loop3A_444, %parallel_loop3A_444 : vector<16xf32>
          %parallel_loop3A_449 = arith.addf %parallel_loop3A_410, %parallel_loop3A_448 : vector<16xf32>
          %parallel_loop3A_450 = arith.index_cast %parallel_loop3A_415 : i32 to index
          %parallel_loop3A_451 = arith.constant 64 : index
          %parallel_loop3A_452 = tpu.vector_load %arg11[%parallel_loop3A_450, %parallel_loop3A_451] {strides = array<i32>} : memref<128x256xf32, #tpu.memory_space<vmem>>, vector<16xf32>,
          %parallel_loop3A_453 = arith.index_cast %parallel_loop3A_417 : i32 to index
          %parallel_loop3A_454 = arith.constant 64 : index
          %parallel_loop3A_455 = tpu.vector_load %arg12[%parallel_loop3A_453, %parallel_loop3A_454] {strides = array<i32>} : memref<64x256xf32, #tpu.memory_space<vmem>>, vector<16xf32>,
          tpu.vector_store %arg12[%parallel_loop3A_453, %parallel_loop3A_454], %parallel_loop3A_452 {add = true, strides = array<i32>} : memref<64x256xf32, #tpu.memory_space<vmem>>, vector<16xf32>,
          %parallel_loop3A_456 = arith.mulf %parallel_loop3A_452, %parallel_loop3A_452 : vector<16xf32>
          %parallel_loop3A_457 = arith.addf %parallel_loop3A_425, %parallel_loop3A_456 : vector<16xf32>
          %parallel_loop3A_458 = arith.index_cast %parallel_loop3A_415 : i32 to index
          %parallel_loop3A_459 = arith.constant 80 : index
          %parallel_loop3A_460 = tpu.vector_load %arg11[%parallel_loop3A_458, %parallel_loop3A_459] {strides = array<i32>} : memref<128x256xf32, #tpu.memory_space<vmem>>, vector<16xf32>,
          %parallel_loop3A_461 = arith.index_cast %parallel_loop3A_417 : i32 to index
          %parallel_loop3A_462 = arith.constant 80 : index
          %parallel_loop3A_463 = tpu.vector_load %arg12[%parallel_loop3A_461, %parallel_loop3A_462] {strides = array<i32>} : memref<64x256xf32, #tpu.memory_space<vmem>>, vector<16xf32>,
          tpu.vector_store %arg12[%parallel_loop3A_461, %parallel_loop3A_462], %parallel_loop3A_460 {add = true, strides = array<i32>} : memref<64x256xf32, #tpu.memory_space<vmem>>, vector<16xf32>,
          %parallel_loop3A_464 = arith.mulf %parallel_loop3A_460, %parallel_loop3A_460 : vector<16xf32>
          %parallel_loop3A_465 = arith.addf %parallel_loop3A_433, %parallel_loop3A_464 : vector<16xf32>
          %parallel_loop3A_466 = arith.index_cast %parallel_loop3A_415 : i32 to index
          %parallel_loop3A_467 = arith.constant 96 : index
          %parallel_loop3A_468 = tpu.vector_load %arg11[%parallel_loop3A_466, %parallel_loop3A_467] {strides = array<i32>} : memref<128x256xf32, #tpu.memory_space<vmem>>, vector<16xf32>,
          %parallel_loop3A_469 = arith.index_cast %parallel_loop3A_417 : i32 to index
          %parallel_loop3A_470 = arith.constant 96 : index
          %parallel_loop3A_471 = tpu.vector_load %arg12[%parallel_loop3A_469, %parallel_loop3A_470] {strides = array<i32>} : memref<64x256xf32, #tpu.memory_space<vmem>>, vector<16xf32>,
          tpu.vector_store %arg12[%parallel_loop3A_469, %parallel_loop3A_470], %parallel_loop3A_468 {add = true, strides = array<i32>} : memref<64x256xf32, #tpu.memory_space<vmem>>, vector<16xf32>,
          %parallel_loop3A_472 = arith.mulf %parallel_loop3A_468, %parallel_loop3A_468 : vector<16xf32>
          %parallel_loop3A_473 = arith.addf %parallel_loop3A_441, %parallel_loop3A_472 : vector<16xf32>
          %parallel_loop3A_474 = arith.index_cast %parallel_loop3A_415 : i32 to index
          %parallel_loop3A_475 = arith.constant 112 : index
          %parallel_loop3A_476 = tpu.vector_load %arg11[%parallel_loop3A_474, %parallel_loop3A_475] {strides = array<i32>} : memref<128x256xf32, #tpu.memory_space<vmem>>, vector<16xf32>,
          %parallel_loop3A_477 = arith.index_cast %parallel_loop3A_417 : i32 to index
          %parallel_loop3A_478 = arith.constant 112 : index
          %parallel_loop3A_479 = tpu.vector_load %arg12[%parallel_loop3A_477, %parallel_loop3A_478] {strides = array<i32>} : memref<64x256xf32, #tpu.memory_space<vmem>>, vector<16xf32>,
          tpu.vector_store %arg12[%parallel_loop3A_477, %parallel_loop3A_478], %parallel_loop3A_476 {add = true, strides = array<i32>} : memref<64x256xf32, #tpu.memory_space<vmem>>, vector<16xf32>,
          %parallel_loop3A_480 = arith.mulf %parallel_loop3A_476, %parallel_loop3A_476 : vector<16xf32>
          %parallel_loop3A_481 = arith.addf %parallel_loop3A_449, %parallel_loop3A_480 : vector<16xf32>
          %parallel_loop3A_482 = arith.index_cast %parallel_loop3A_415 : i32 to index
          %parallel_loop3A_483 = arith.constant 128 : index
          %parallel_loop3A_484 = tpu.vector_load %arg11[%parallel_loop3A_482, %parallel_loop3A_483] {strides = array<i32>} : memref<128x256xf32, #tpu.memory_space<vmem>>, vector<16xf32>,
          %parallel_loop3A_485 = arith.index_cast %parallel_loop3A_417 : i32 to index
          %parallel_loop3A_486 = arith.constant 128 : index
          %parallel_loop3A_487 = tpu.vector_load %arg12[%parallel_loop3A_485, %parallel_loop3A_486] {strides = array<i32>} : memref<64x256xf32, #tpu.memory_space<vmem>>, vector<16xf32>,
          tpu.vector_store %arg12[%parallel_loop3A_485, %parallel_loop3A_486], %parallel_loop3A_484 {add = true, strides = array<i32>} : memref<64x256xf32, #tpu.memory_space<vmem>>, vector<16xf32>,
          %parallel_loop3A_488 = arith.mulf %parallel_loop3A_484, %parallel_loop3A_484 : vector<16xf32>
          %parallel_loop3A_489 = arith.addf %parallel_loop3A_457, %parallel_loop3A_488 : vector<16xf32>
          %parallel_loop3A_490 = arith.index_cast %parallel_loop3A_415 : i32 to index
          %parallel_loop3A_491 = arith.constant 144 : index
          %parallel_loop3A_492 = tpu.vector_load %arg11[%parallel_loop3A_490, %parallel_loop3A_491] {strides = array<i32>} : memref<128x256xf32, #tpu.memory_space<vmem>>, vector<16xf32>,
          %parallel_loop3A_493 = arith.index_cast %parallel_loop3A_417 : i32 to index
          %parallel_loop3A_494 = arith.constant 144 : index
          %parallel_loop3A_495 = tpu.vector_load %arg12[%parallel_loop3A_493, %parallel_loop3A_494] {strides = array<i32>} : memref<64x256xf32, #tpu.memory_space<vmem>>, vector<16xf32>,
          tpu.vector_store %arg12[%parallel_loop3A_493, %parallel_loop3A_494], %parallel_loop3A_492 {add = true, strides = array<i32>} : memref<64x256xf32, #tpu.memory_space<vmem>>, vector<16xf32>,
          %parallel_loop3A_496 = arith.mulf %parallel_loop3A_492, %parallel_loop3A_492 : vector<16xf32>
          %parallel_loop3A_497 = arith.addf %parallel_loop3A_465, %parallel_loop3A_496 : vector<16xf32>
          %parallel_loop3A_498 = arith.index_cast %parallel_loop3A_415 : i32 to index
          %parallel_loop3A_499 = arith.constant 160 : index
          %parallel_loop3A_500 = tpu.vector_load %arg11[%parallel_loop3A_498, %parallel_loop3A_499] {strides = array<i32>} : memref<128x256xf32, #tpu.memory_space<vmem>>, vector<16xf32>,
          %parallel_loop3A_501 = arith.index_cast %parallel_loop3A_417 : i32 to index
          %parallel_loop3A_502 = arith.constant 160 : index
          %parallel_loop3A_503 = tpu.vector_load %arg12[%parallel_loop3A_501, %parallel_loop3A_502] {strides = array<i32>} : memref<64x256xf32, #tpu.memory_space<vmem>>, vector<16xf32>,
          tpu.vector_store %arg12[%parallel_loop3A_501, %parallel_loop3A_502], %parallel_loop3A_500 {add = true, strides = array<i32>} : memref<64x256xf32, #tpu.memory_space<vmem>>, vector<16xf32>,
          %parallel_loop3A_504 = arith.mulf %parallel_loop3A_500, %parallel_loop3A_500 : vector<16xf32>
          %parallel_loop3A_505 = arith.addf %parallel_loop3A_473, %parallel_loop3A_504 : vector<16xf32>
          %parallel_loop3A_506 = arith.index_cast %parallel_loop3A_415 : i32 to index
          %parallel_loop3A_507 = arith.constant 176 : index
          %parallel_loop3A_508 = tpu.vector_load %arg11[%parallel_loop3A_506, %parallel_loop3A_507] {strides = array<i32>} : memref<128x256xf32, #tpu.memory_space<vmem>>, vector<16xf32>,
          %parallel_loop3A_509 = arith.index_cast %parallel_loop3A_417 : i32 to index
          %parallel_loop3A_510 = arith.constant 176 : index
          %parallel_loop3A_511 = tpu.vector_load %arg12[%parallel_loop3A_509, %parallel_loop3A_510] {strides = array<i32>} : memref<64x256xf32, #tpu.memory_space<vmem>>, vector<16xf32>,
          tpu.vector_store %arg12[%parallel_loop3A_509, %parallel_loop3A_510], %parallel_loop3A_508 {add = true, strides = array<i32>} : memref<64x256xf32, #tpu.memory_space<vmem>>, vector<16xf32>,
          %parallel_loop3A_512 = arith.mulf %parallel_loop3A_508, %parallel_loop3A_508 : vector<16xf32>
          %parallel_loop3A_513 = arith.addf %parallel_loop3A_481, %parallel_loop3A_512 : vector<16xf32>
          %parallel_loop3A_514 = arith.index_cast %parallel_loop3A_415 : i32 to index
          %parallel_loop3A_515 = arith.constant 192 : index
          %parallel_loop3A_516 = tpu.vector_load %arg11[%parallel_loop3A_514, %parallel_loop3A_515] {strides = array<i32>} : memref<128x256xf32, #tpu.memory_space<vmem>>, vector<16xf32>,
          %parallel_loop3A_517 = arith.index_cast %parallel_loop3A_417 : i32 to index
          %parallel_loop3A_518 = arith.constant 192 : index
          %parallel_loop3A_519 = tpu.vector_load %arg12[%parallel_loop3A_517, %parallel_loop3A_518] {strides = array<i32>} : memref<64x256xf32, #tpu.memory_space<vmem>>, vector<16xf32>,
          tpu.vector_store %arg12[%parallel_loop3A_517, %parallel_loop3A_518], %parallel_loop3A_516 {add = true, strides = array<i32>} : memref<64x256xf32, #tpu.memory_space<vmem>>, vector<16xf32>,
          %parallel_loop3A_520 = arith.mulf %parallel_loop3A_516, %parallel_loop3A_516 : vector<16xf32>
          %parallel_loop3A_521 = arith.addf %parallel_loop3A_489, %parallel_loop3A_520 : vector<16xf32>
          %parallel_loop3A_522 = arith.index_cast %parallel_loop3A_415 : i32 to index
          %parallel_loop3A_523 = arith.constant 208 : index
          %parallel_loop3A_524 = tpu.vector_load %arg11[%parallel_loop3A_522, %parallel_loop3A_523] {strides = array<i32>} : memref<128x256xf32, #tpu.memory_space<vmem>>, vector<16xf32>,
          %parallel_loop3A_525 = arith.index_cast %parallel_loop3A_417 : i32 to index
          %parallel_loop3A_526 = arith.constant 208 : index
          %parallel_loop3A_527 = tpu.vector_load %arg12[%parallel_loop3A_525, %parallel_loop3A_526] {strides = array<i32>} : memref<64x256xf32, #tpu.memory_space<vmem>>, vector<16xf32>,
          tpu.vector_store %arg12[%parallel_loop3A_525, %parallel_loop3A_526], %parallel_loop3A_524 {add = true, strides = array<i32>} : memref<64x256xf32, #tpu.memory_space<vmem>>, vector<16xf32>,
          %parallel_loop3A_528 = arith.mulf %parallel_loop3A_524, %parallel_loop3A_524 : vector<16xf32>
          %parallel_loop3A_529 = arith.addf %parallel_loop3A_497, %parallel_loop3A_528 : vector<16xf32>
          %parallel_loop3A_530 = arith.index_cast %parallel_loop3A_415 : i32 to index
          %parallel_loop3A_531 = arith.constant 224 : index
          %parallel_loop3A_532 = tpu.vector_load %arg11[%parallel_loop3A_530, %parallel_loop3A_531] {strides = array<i32>} : memref<128x256xf32, #tpu.memory_space<vmem>>, vector<16xf32>,
          %parallel_loop3A_533 = arith.index_cast %parallel_loop3A_417 : i32 to index
          %parallel_loop3A_534 = arith.constant 224 : index
          %parallel_loop3A_535 = tpu.vector_load %arg12[%parallel_loop3A_533, %parallel_loop3A_534] {strides = array<i32>} : memref<64x256xf32, #tpu.memory_space<vmem>>, vector<16xf32>,
          tpu.vector_store %arg12[%parallel_loop3A_533, %parallel_loop3A_534], %parallel_loop3A_532 {add = true, strides = array<i32>} : memref<64x256xf32, #tpu.memory_space<vmem>>, vector<16xf32>,
          %parallel_loop3A_536 = arith.mulf %parallel_loop3A_532, %parallel_loop3A_532 : vector<16xf32>
          %parallel_loop3A_537 = arith.addf %parallel_loop3A_505, %parallel_loop3A_536 : vector<16xf32>
          %parallel_loop3A_538 = arith.index_cast %parallel_loop3A_415 : i32 to index
          %parallel_loop3A_539 = arith.constant 240 : index
          %parallel_loop3A_540 = tpu.vector_load %arg11[%parallel_loop3A_538, %parallel_loop3A_539] {strides = array<i32>} : memref<128x256xf32, #tpu.memory_space<vmem>>, vector<16xf32>,
          %parallel_loop3A_541 = arith.index_cast %parallel_loop3A_417 : i32 to index
          %parallel_loop3A_542 = arith.constant 240 : index
          %parallel_loop3A_543 = tpu.vector_load %arg12[%parallel_loop3A_541, %parallel_loop3A_542] {strides = array<i32>} : memref<64x256xf32, #tpu.memory_space<vmem>>, vector<16xf32>,
          tpu.vector_store %arg12[%parallel_loop3A_541, %parallel_loop3A_542], %parallel_loop3A_540 {add = true, strides = array<i32>} : memref<64x256xf32, #tpu.memory_space<vmem>>, vector<16xf32>,
          %parallel_loop3A_544 = arith.mulf %parallel_loop3A_540, %parallel_loop3A_540 : vector<16xf32>
          %parallel_loop3A_545 = arith.addf %parallel_loop3A_513, %parallel_loop3A_544 : vector<16xf32>
          %parallel_loop3A_546 = arith.index_cast %parallel_loop3A_417 : i32 to index
          %parallel_loop3A_547 = arith.constant 0 : index
          %parallel_loop3A_548 = tpu.vector_load %arg13[%parallel_loop3A_546, %parallel_loop3A_547] {strides = array<i32>} : memref<64x16xf32, #tpu.memory_space<vmem>>, vector<16xf32>,
          tpu.vector_store %arg13[%parallel_loop3A_546, %parallel_loop3A_547], %select_n3A {add = true, strides = array<i32>} : memref<64x16xf32, #tpu.memory_space<vmem>>, vector<16xf32>,
          scf.yield %parallel_loop3A_521, %parallel_loop3A_529, %parallel_loop3A_537, %parallel_loop3A_545 : vector<16xf32>, vector<16xf32>, vector<16xf32>, vector<16xf32>
        } {sc.loop_unroll_factor = 2 : i64, sc.parallel_access}
        %swap3A_248 = arith.constant 0 : i32
        %swap3A_249 = arith.index_cast %swap3A_248 : i32 to index
        %swap3A_250 = arith.constant 0 : index
        %swap3A_251 = tpu.vector_load %arg14[%swap3A_249, %swap3A_250] {strides = array<i32>} : memref<4x16xf32, #tpu.memory_space<vmem>>, vector<16xf32>,
        tpu.vector_store %arg14[%swap3A_249, %swap3A_250], %parallel_loop3A_247#0 {add = true, strides = array<i32>} : memref<4x16xf32, #tpu.memory_space<vmem>>, vector<16xf32>,
        %swap3A_252 = arith.constant 1 : i32
        %swap3A_253 = arith.index_cast %swap3A_252 : i32 to index
        %swap3A_254 = arith.constant 0 : index
        %swap3A_255 = tpu.vector_load %arg14[%swap3A_253, %swap3A_254] {strides = array<i32>} : memref<4x16xf32, #tpu.memory_space<vmem>>, vector<16xf32>,
        tpu.vector_store %arg14[%swap3A_253, %swap3A_254], %parallel_loop3A_247#1 {add = true, strides = array<i32>} : memref<4x16xf32, #tpu.memory_space<vmem>>, vector<16xf32>,
        %swap3A_256 = arith.constant 2 : i32
        %swap3A_257 = arith.index_cast %swap3A_256 : i32 to index
        %swap3A_258 = arith.constant 0 : index
        %swap3A_259 = tpu.vector_load %arg14[%swap3A_257, %swap3A_258] {strides = array<i32>} : memref<4x16xf32, #tpu.memory_space<vmem>>, vector<16xf32>,
        tpu.vector_store %arg14[%swap3A_257, %swap3A_258], %parallel_loop3A_247#2 {add = true, strides = array<i32>} : memref<4x16xf32, #tpu.memory_space<vmem>>, vector<16xf32>,
        %swap3A_260 = arith.constant 3 : i32
        %swap3A_261 = arith.index_cast %swap3A_260 : i32 to index
        %swap3A_262 = arith.constant 0 : index
        %swap3A_263 = tpu.vector_load %arg14[%swap3A_261, %swap3A_262] {strides = array<i32>} : memref<4x16xf32, #tpu.memory_space<vmem>>, vector<16xf32>,
        tpu.vector_store %arg14[%swap3A_261, %swap3A_262], %parallel_loop3A_247#3 {add = true, strides = array<i32>} : memref<4x16xf32, #tpu.memory_space<vmem>>, vector<16xf32>,
        %and3A_264 = arith.constant 1 : i32
        %and3A_265 = arith.andi %max3A_242, %and3A_264 : i32
        %eq3A_266 = arith.constant 1 : i32
        %eq3A_267 = arith.cmpi eq, %and3A_265, %eq3A_266 : i32
        %convert_element_type3A_268 = arith.extui %eq3A_267 : i1 to i32
        %cond3A_269 = arith.constant 0 : i32
        %cond3A_270 = arith.cmpi ne, %convert_element_type3A_268, %cond3A_269 : i32
        scf.if %cond3A_270 {
          %sub3A_271 = arith.constant 1 : i32
          %sub3A_272 = arith.subi %max3A_242, %sub3A_271 : i32
          %add3A_273 = arith.addi %mul3A_237, %sub3A_272 : i32
          %get3A_274 = arith.index_cast %add3A_273 : i32 to index
          %get3A_275 = tpu.vector_load %arg9[%get3A_274] {strides = array<i32>} : memref<8336xi32, #tpu.memory_space<vmem>>, vector<16xi32>,
          %slice3A = vector.extract_strided_slice %get3A_275 {offsets = [0], sizes = [1], strides = [1]} : vector<16xi32> to vector<1xi32>
          %squeeze3A = vector.extract %slice3A[0] : i32 from vector<1xi32>
          %get3A_276 = arith.index_cast %sub3A_272 : i32 to index
          %get3A_277 = arith.constant 0 : index
          %get3A_278 = tpu.vector_load %arg11[%get3A_276, %get3A_277] {strides = array<i32>} : memref<128x256xf32, #tpu.memory_space<vmem>>, vector<16xf32>,
          %swap3A_279 = arith.index_cast %squeeze3A : i32 to index
          %swap3A_280 = arith.constant 0 : index
          %swap3A_281 = tpu.vector_load %arg12[%swap3A_279, %swap3A_280] {strides = array<i32>} : memref<64x256xf32, #tpu.memory_space<vmem>>, vector<16xf32>,
          tpu.vector_store %arg12[%swap3A_279, %swap3A_280], %get3A_278 {add = true, strides = array<i32>} : memref<64x256xf32, #tpu.memory_space<vmem>>, vector<16xf32>,
          %mul3A_282 = arith.mulf %get3A_278, %get3A_278 : vector<16xf32>
          %add3A_283 = arith.addf %broadcast_in_dim3A_8, %mul3A_282 : vector<16xf32>
          %get3A_284 = arith.index_cast %sub3A_272 : i32 to index
          %get3A_285 = arith.constant 16 : index
          %get3A_286 = tpu.vector_load %arg11[%get3A_284, %get3A_285] {strides = array<i32>} : memref<128x256xf32, #tpu.memory_space<vmem>>, vector<16xf32>,
          %swap3A_287 = arith.index_cast %squeeze3A : i32 to index
          %swap3A_288 = arith.constant 16 : index
          %swap3A_289 = tpu.vector_load %arg12[%swap3A_287, %swap3A_288] {strides = array<i32>} : memref<64x256xf32, #tpu.memory_space<vmem>>, vector<16xf32>,
          tpu.vector_store %arg12[%swap3A_287, %swap3A_288], %get3A_286 {add = true, strides = array<i32>} : memref<64x256xf32, #tpu.memory_space<vmem>>, vector<16xf32>,
          %mul3A_290 = arith.mulf %get3A_286, %get3A_286 : vector<16xf32>
          %add3A_291 = arith.addf %broadcast_in_dim3A_8, %mul3A_290 : vector<16xf32>
          %get3A_292 = arith.index_cast %sub3A_272 : i32 to index
          %get3A_293 = arith.constant 32 : index
          %get3A_294 = tpu.vector_load %arg11[%get3A_292, %get3A_293] {strides = array<i32>} : memref<128x256xf32, #tpu.memory_space<vmem>>, vector<16xf32>,
          %swap3A_295 = arith.index_cast %squeeze3A : i32 to index
          %swap3A_296 = arith.constant 32 : index
          %swap3A_297 = tpu.vector_load %arg12[%swap3A_295, %swap3A_296] {strides = array<i32>} : memref<64x256xf32, #tpu.memory_space<vmem>>, vector<16xf32>,
          tpu.vector_store %arg12[%swap3A_295, %swap3A_296], %get3A_294 {add = true, strides = array<i32>} : memref<64x256xf32, #tpu.memory_space<vmem>>, vector<16xf32>,
          %mul3A_298 = arith.mulf %get3A_294, %get3A_294 : vector<16xf32>
          %add3A_299 = arith.addf %broadcast_in_dim3A_8, %mul3A_298 : vector<16xf32>
          %get3A_300 = arith.index_cast %sub3A_272 : i32 to index
          %get3A_301 = arith.constant 48 : index
          %get3A_302 = tpu.vector_load %arg11[%get3A_300, %get3A_301] {strides = array<i32>} : memref<128x256xf32, #tpu.memory_space<vmem>>, vector<16xf32>,
          %swap3A_303 = arith.index_cast %squeeze3A : i32 to index
          %swap3A_304 = arith.constant 48 : index
          %swap3A_305 = tpu.vector_load %arg12[%swap3A_303, %swap3A_304] {strides = array<i32>} : memref<64x256xf32, #tpu.memory_space<vmem>>, vector<16xf32>,
          tpu.vector_store %arg12[%swap3A_303, %swap3A_304], %get3A_302 {add = true, strides = array<i32>} : memref<64x256xf32, #tpu.memory_space<vmem>>, vector<16xf32>,
          %mul3A_306 = arith.mulf %get3A_302, %get3A_302 : vector<16xf32>
          %add3A_307 = arith.addf %broadcast_in_dim3A_8, %mul3A_306 : vector<16xf32>
          %get3A_308 = arith.index_cast %sub3A_272 : i32 to index
          %get3A_309 = arith.constant 64 : index
          %get3A_310 = tpu.vector_load %arg11[%get3A_308, %get3A_309] {strides = array<i32>} : memref<128x256xf32, #tpu.memory_space<vmem>>, vector<16xf32>,
          %swap3A_311 = arith.index_cast %squeeze3A : i32 to index
          %swap3A_312 = arith.constant 64 : index
          %swap3A_313 = tpu.vector_load %arg12[%swap3A_311, %swap3A_312] {strides = array<i32>} : memref<64x256xf32, #tpu.memory_space<vmem>>, vector<16xf32>,
          tpu.vector_store %arg12[%swap3A_311, %swap3A_312], %get3A_310 {add = true, strides = array<i32>} : memref<64x256xf32, #tpu.memory_space<vmem>>, vector<16xf32>,
          %mul3A_314 = arith.mulf %get3A_310, %get3A_310 : vector<16xf32>
          %add3A_315 = arith.addf %add3A_283, %mul3A_314 : vector<16xf32>
          %get3A_316 = arith.index_cast %sub3A_272 : i32 to index
          %get3A_317 = arith.constant 80 : index
          %get3A_318 = tpu.vector_load %arg11[%get3A_316, %get3A_317] {strides = array<i32>} : memref<128x256xf32, #tpu.memory_space<vmem>>, vector<16xf32>,
          %swap3A_319 = arith.index_cast %squeeze3A : i32 to index
          %swap3A_320 = arith.constant 80 : index
          %swap3A_321 = tpu.vector_load %arg12[%swap3A_319, %swap3A_320] {strides = array<i32>} : memref<64x256xf32, #tpu.memory_space<vmem>>, vector<16xf32>,
          tpu.vector_store %arg12[%swap3A_319, %swap3A_320], %get3A_318 {add = true, strides = array<i32>} : memref<64x256xf32, #tpu.memory_space<vmem>>, vector<16xf32>,
          %mul3A_322 = arith.mulf %get3A_318, %get3A_318 : vector<16xf32>
          %add3A_323 = arith.addf %add3A_291, %mul3A_322 : vector<16xf32>
          %get3A_324 = arith.index_cast %sub3A_272 : i32 to index
          %get3A_325 = arith.constant 96 : index
          %get3A_326 = tpu.vector_load %arg11[%get3A_324, %get3A_325] {strides = array<i32>} : memref<128x256xf32, #tpu.memory_space<vmem>>, vector<16xf32>,
          %swap3A_327 = arith.index_cast %squeeze3A : i32 to index
          %swap3A_328 = arith.constant 96 : index
          %swap3A_329 = tpu.vector_load %arg12[%swap3A_327, %swap3A_328] {strides = array<i32>} : memref<64x256xf32, #tpu.memory_space<vmem>>, vector<16xf32>,
          tpu.vector_store %arg12[%swap3A_327, %swap3A_328], %get3A_326 {add = true, strides = array<i32>} : memref<64x256xf32, #tpu.memory_space<vmem>>, vector<16xf32>,
          %mul3A_330 = arith.mulf %get3A_326, %get3A_326 : vector<16xf32>
          %add3A_331 = arith.addf %add3A_299, %mul3A_330 : vector<16xf32>
          %get3A_332 = arith.index_cast %sub3A_272 : i32 to index
          %get3A_333 = arith.constant 112 : index
          %get3A_334 = tpu.vector_load %arg11[%get3A_332, %get3A_333] {strides = array<i32>} : memref<128x256xf32, #tpu.memory_space<vmem>>, vector<16xf32>,
          %swap3A_335 = arith.index_cast %squeeze3A : i32 to index
          %swap3A_336 = arith.constant 112 : index
          %swap3A_337 = tpu.vector_load %arg12[%swap3A_335, %swap3A_336] {strides = array<i32>} : memref<64x256xf32, #tpu.memory_space<vmem>>, vector<16xf32>,
          tpu.vector_store %arg12[%swap3A_335, %swap3A_336], %get3A_334 {add = true, strides = array<i32>} : memref<64x256xf32, #tpu.memory_space<vmem>>, vector<16xf32>,
          %mul3A_338 = arith.mulf %get3A_334, %get3A_334 : vector<16xf32>
          %add3A_339 = arith.addf %add3A_307, %mul3A_338 : vector<16xf32>
          %get3A_340 = arith.index_cast %sub3A_272 : i32 to index
          %get3A_341 = arith.constant 128 : index
          %get3A_342 = tpu.vector_load %arg11[%get3A_340, %get3A_341] {strides = array<i32>} : memref<128x256xf32, #tpu.memory_space<vmem>>, vector<16xf32>,
          %swap3A_343 = arith.index_cast %squeeze3A : i32 to index
          %swap3A_344 = arith.constant 128 : index
          %swap3A_345 = tpu.vector_load %arg12[%swap3A_343, %swap3A_344] {strides = array<i32>} : memref<64x256xf32, #tpu.memory_space<vmem>>, vector<16xf32>,
          tpu.vector_store %arg12[%swap3A_343, %swap3A_344], %get3A_342 {add = true, strides = array<i32>} : memref<64x256xf32, #tpu.memory_space<vmem>>, vector<16xf32>,
          %mul3A_346 = arith.mulf %get3A_342, %get3A_342 : vector<16xf32>
          %add3A_347 = arith.addf %add3A_315, %mul3A_346 : vector<16xf32>
          %get3A_348 = arith.index_cast %sub3A_272 : i32 to index
          %get3A_349 = arith.constant 144 : index
          %get3A_350 = tpu.vector_load %arg11[%get3A_348, %get3A_349] {strides = array<i32>} : memref<128x256xf32, #tpu.memory_space<vmem>>, vector<16xf32>,
          %swap3A_351 = arith.index_cast %squeeze3A : i32 to index
          %swap3A_352 = arith.constant 144 : index
          %swap3A_353 = tpu.vector_load %arg12[%swap3A_351, %swap3A_352] {strides = array<i32>} : memref<64x256xf32, #tpu.memory_space<vmem>>, vector<16xf32>,
          tpu.vector_store %arg12[%swap3A_351, %swap3A_352], %get3A_350 {add = true, strides = array<i32>} : memref<64x256xf32, #tpu.memory_space<vmem>>, vector<16xf32>,
          %mul3A_354 = arith.mulf %get3A_350, %get3A_350 : vector<16xf32>
          %add3A_355 = arith.addf %add3A_323, %mul3A_354 : vector<16xf32>
          %get3A_356 = arith.index_cast %sub3A_272 : i32 to index
          %get3A_357 = arith.constant 160 : index
          %get3A_358 = tpu.vector_load %arg11[%get3A_356, %get3A_357] {strides = array<i32>} : memref<128x256xf32, #tpu.memory_space<vmem>>, vector<16xf32>,
          %swap3A_359 = arith.index_cast %squeeze3A : i32 to index
          %swap3A_360 = arith.constant 160 : index
          %swap3A_361 = tpu.vector_load %arg12[%swap3A_359, %swap3A_360] {strides = array<i32>} : memref<64x256xf32, #tpu.memory_space<vmem>>, vector<16xf32>,
          tpu.vector_store %arg12[%swap3A_359, %swap3A_360], %get3A_358 {add = true, strides = array<i32>} : memref<64x256xf32, #tpu.memory_space<vmem>>, vector<16xf32>,
          %mul3A_362 = arith.mulf %get3A_358, %get3A_358 : vector<16xf32>
          %add3A_363 = arith.addf %add3A_331, %mul3A_362 : vector<16xf32>
          %get3A_364 = arith.index_cast %sub3A_272 : i32 to index
          %get3A_365 = arith.constant 176 : index
          %get3A_366 = tpu.vector_load %arg11[%get3A_364, %get3A_365] {strides = array<i32>} : memref<128x256xf32, #tpu.memory_space<vmem>>, vector<16xf32>,
          %swap3A_367 = arith.index_cast %squeeze3A : i32 to index
          %swap3A_368 = arith.constant 176 : index
          %swap3A_369 = tpu.vector_load %arg12[%swap3A_367, %swap3A_368] {strides = array<i32>} : memref<64x256xf32, #tpu.memory_space<vmem>>, vector<16xf32>,
          tpu.vector_store %arg12[%swap3A_367, %swap3A_368], %get3A_366 {add = true, strides = array<i32>} : memref<64x256xf32, #tpu.memory_space<vmem>>, vector<16xf32>,
          %mul3A_370 = arith.mulf %get3A_366, %get3A_366 : vector<16xf32>
          %add3A_371 = arith.addf %add3A_339, %mul3A_370 : vector<16xf32>
          %get3A_372 = arith.index_cast %sub3A_272 : i32 to index
          %get3A_373 = arith.constant 192 : index
          %get3A_374 = tpu.vector_load %arg11[%get3A_372, %get3A_373] {strides = array<i32>} : memref<128x256xf32, #tpu.memory_space<vmem>>, vector<16xf32>,
          %swap3A_375 = arith.index_cast %squeeze3A : i32 to index
          %swap3A_376 = arith.constant 192 : index
          %swap3A_377 = tpu.vector_load %arg12[%swap3A_375, %swap3A_376] {strides = array<i32>} : memref<64x256xf32, #tpu.memory_space<vmem>>, vector<16xf32>,
          tpu.vector_store %arg12[%swap3A_375, %swap3A_376], %get3A_374 {add = true, strides = array<i32>} : memref<64x256xf32, #tpu.memory_space<vmem>>, vector<16xf32>,
          %mul3A_378 = arith.mulf %get3A_374, %get3A_374 : vector<16xf32>
          %add3A_379 = arith.addf %add3A_347, %mul3A_378 : vector<16xf32>
          %get3A_380 = arith.index_cast %sub3A_272 : i32 to index
          %get3A_381 = arith.constant 208 : index
          %get3A_382 = tpu.vector_load %arg11[%get3A_380, %get3A_381] {strides = array<i32>} : memref<128x256xf32, #tpu.memory_space<vmem>>, vector<16xf32>,
          %swap3A_383 = arith.index_cast %squeeze3A : i32 to index
          %swap3A_384 = arith.constant 208 : index
          %swap3A_385 = tpu.vector_load %arg12[%swap3A_383, %swap3A_384] {strides = array<i32>} : memref<64x256xf32, #tpu.memory_space<vmem>>, vector<16xf32>,
          tpu.vector_store %arg12[%swap3A_383, %swap3A_384], %get3A_382 {add = true, strides = array<i32>} : memref<64x256xf32, #tpu.memory_space<vmem>>, vector<16xf32>,
          %mul3A_386 = arith.mulf %get3A_382, %get3A_382 : vector<16xf32>
          %add3A_387 = arith.addf %add3A_355, %mul3A_386 : vector<16xf32>
          %get3A_388 = arith.index_cast %sub3A_272 : i32 to index
          %get3A_389 = arith.constant 224 : index
          %get3A_390 = tpu.vector_load %arg11[%get3A_388, %get3A_389] {strides = array<i32>} : memref<128x256xf32, #tpu.memory_space<vmem>>, vector<16xf32>,
          %swap3A_391 = arith.index_cast %squeeze3A : i32 to index
          %swap3A_392 = arith.constant 224 : index
          %swap3A_393 = tpu.vector_load %arg12[%swap3A_391, %swap3A_392] {strides = array<i32>} : memref<64x256xf32, #tpu.memory_space<vmem>>, vector<16xf32>,
          tpu.vector_store %arg12[%swap3A_391, %swap3A_392], %get3A_390 {add = true, strides = array<i32>} : memref<64x256xf32, #tpu.memory_space<vmem>>, vector<16xf32>,
          %mul3A_394 = arith.mulf %get3A_390, %get3A_390 : vector<16xf32>
          %add3A_395 = arith.addf %add3A_363, %mul3A_394 : vector<16xf32>
          %get3A_396 = arith.index_cast %sub3A_272 : i32 to index
          %get3A_397 = arith.constant 240 : index
          %get3A_398 = tpu.vector_load %arg11[%get3A_396, %get3A_397] {strides = array<i32>} : memref<128x256xf32, #tpu.memory_space<vmem>>, vector<16xf32>,
          %swap3A_399 = arith.index_cast %squeeze3A : i32 to index
          %swap3A_400 = arith.constant 240 : index
          %swap3A_401 = tpu.vector_load %arg12[%swap3A_399, %swap3A_400] {strides = array<i32>} : memref<64x256xf32, #tpu.memory_space<vmem>>, vector<16xf32>,
          tpu.vector_store %arg12[%swap3A_399, %swap3A_400], %get3A_398 {add = true, strides = array<i32>} : memref<64x256xf32, #tpu.memory_space<vmem>>, vector<16xf32>,
          %mul3A_402 = arith.mulf %get3A_398, %get3A_398 : vector<16xf32>
          %add3A_403 = arith.addf %add3A_371, %mul3A_402 : vector<16xf32>
          %swap3A_404 = arith.index_cast %squeeze3A : i32 to index
          %swap3A_405 = arith.constant 0 : index
          %swap3A_406 = tpu.vector_load %arg13[%swap3A_404, %swap3A_405] {strides = array<i32>} : memref<64x16xf32, #tpu.memory_space<vmem>>, vector<16xf32>,
          tpu.vector_store %arg13[%swap3A_404, %swap3A_405], %select_n3A {add = true, strides = array<i32>} : memref<64x16xf32, #tpu.memory_space<vmem>>, vector<16xf32>,
          %swap3A_407 = arith.constant 0 : i32
          %swap3A_408 = arith.index_cast %swap3A_407 : i32 to index
          %swap3A_409 = arith.constant 0 : index
          %swap3A_410 = tpu.vector_load %arg14[%swap3A_408, %swap3A_409] {strides = array<i32>} : memref<4x16xf32, #tpu.memory_space<vmem>>, vector<16xf32>,
          tpu.vector_store %arg14[%swap3A_408, %swap3A_409], %add3A_379 {add = true, strides = array<i32>} : memref<4x16xf32, #tpu.memory_space<vmem>>, vector<16xf32>,
          %swap3A_411 = arith.constant 1 : i32
          %swap3A_412 = arith.index_cast %swap3A_411 : i32 to index
          %swap3A_413 = arith.constant 0 : index
          %swap3A_414 = tpu.vector_load %arg14[%swap3A_412, %swap3A_413] {strides = array<i32>} : memref<4x16xf32, #tpu.memory_space<vmem>>, vector<16xf32>,
          tpu.vector_store %arg14[%swap3A_412, %swap3A_413], %add3A_387 {add = true, strides = array<i32>} : memref<4x16xf32, #tpu.memory_space<vmem>>, vector<16xf32>,
          %swap3A_415 = arith.constant 2 : i32
          %swap3A_416 = arith.index_cast %swap3A_415 : i32 to index
          %swap3A_417 = arith.constant 0 : index
          %swap3A_418 = tpu.vector_load %arg14[%swap3A_416, %swap3A_417] {strides = array<i32>} : memref<4x16xf32, #tpu.memory_space<vmem>>, vector<16xf32>,
          tpu.vector_store %arg14[%swap3A_416, %swap3A_417], %add3A_395 {add = true, strides = array<i32>} : memref<4x16xf32, #tpu.memory_space<vmem>>, vector<16xf32>,
          %swap3A_419 = arith.constant 3 : i32
          %swap3A_420 = arith.index_cast %swap3A_419 : i32 to index
          %swap3A_421 = arith.constant 0 : index
          %swap3A_422 = tpu.vector_load %arg14[%swap3A_420, %swap3A_421] {strides = array<i32>} : memref<4x16xf32, #tpu.memory_space<vmem>>, vector<16xf32>,
          tpu.vector_store %arg14[%swap3A_420, %swap3A_421], %add3A_403 {add = true, strides = array<i32>} : memref<4x16xf32, #tpu.memory_space<vmem>>, vector<16xf32>,
        } else {
        }
      } else {
      }
    }
    %while3A_129 = arith.constant 1 : i32
    scf.for %while3A_174 = %while3A_127 to %while3A_123 step %while3A_129  : i32 {
      %mul3A_175 = arith.constant 2 : i32
      %mul3A_176 = arith.muli %while3A_174, %mul3A_175 : i32
      %add3A_177 = arith.constant 1 : i32
      %add3A_178 = arith.addi %mul3A_176, %add3A_177 : i32
      %dma_wait3A_179 = arith.constant 0 : i32
      %dma_wait3A_180 = tpu.memref_slice %arg8[%mul3A_176, %dma_wait3A_179] : memref<65x128xi32, #tpu.memory_space<vmem>> -> memref<1x128xi32, #tpu.memory_space<vmem>>
      %dma_wait3A_181 = tpu.memref_squeeze %dma_wait3A_180 : memref<1x128xi32, #tpu.memory_space<vmem>> -> memref<128xi32, #tpu.memory_space<vmem>>
      %dma_wait3A_182 = arith.constant 0 : i32
      %dma_wait3A_183 = arith.constant 0 : i32
      %dma_wait3A_184 = tpu.memref_slice %arg3[%dma_wait3A_182, %dma_wait3A_183] : memref<16384x256xf32, #tpu.memory_space<hbm>> -> memref<16384x256xf32, #tpu.memory_space<hbm>>
      tpu.wait_indirect_dma semaphore(%arg15 : memref<!tpu.dma_semaphore, #tpu.memory_space<semaphore_mem>>) src(%dma_wait3A_184 : memref<16384x256xf32, #tpu.memory_space<hbm>>) dst(%arg10 : memref<128x256xf32, #tpu.memory_space<vmem>>)
      %lt3A = arith.cmpi slt, %add3A_178, %shift_right_logical3A_114 : i32
      %convert_element_type3A_185 = arith.extui %lt3A : i1 to i32
      %cond3A_186 = arith.constant 0 : i32
      %cond3A_187 = arith.cmpi ne, %convert_element_type3A_185, %cond3A_186 : i32
      scf.if %cond3A_187 {
        %dma_start3A_224 = arith.constant 0 : i32
        %dma_start3A_225 = tpu.memref_slice %arg8[%add3A_178, %dma_start3A_224] : memref<65x128xi32, #tpu.memory_space<vmem>> -> memref<1x128xi32, #tpu.memory_space<vmem>>
        %dma_start3A_226 = tpu.memref_squeeze %dma_start3A_225 : memref<1x128xi32, #tpu.memory_space<vmem>> -> memref<128xi32, #tpu.memory_space<vmem>>
        %dma_start3A_227 = arith.constant 0 : i32
        %dma_start3A_228 = arith.constant 0 : i32
        %dma_start3A_229 = tpu.memref_slice %arg3[%dma_start3A_227, %dma_start3A_228] : memref<16384x256xf32, #tpu.memory_space<hbm>> -> memref<16384x256xf32, #tpu.memory_space<hbm>>
        tpu.enqueue_indirect_dma source(%dma_start3A_229 : memref<16384x256xf32, #tpu.memory_space<hbm>>) target(%arg11 : memref<128x256xf32, #tpu.memory_space<vmem>>) offsets(%dma_start3A_226 : memref<128xi32, #tpu.memory_space<vmem>>) semaphore(%arg16 : memref<!tpu.dma_semaphore, #tpu.memory_space<semaphore_mem>>)
      } else {
      }
      %mul3A_188 = arith.constant 128 : i32
      %mul3A_189 = arith.muli %mul3A_176, %mul3A_188 : i32
      %sub3A = arith.subi %parallel_loop3A_30, %mul3A_189 : i32
      %min3A = arith.constant 128 : i32
      %min3A_190 = arith.minsi %sub3A, %min3A : i32
      %max3A = arith.constant 0 : i32
      %max3A_191 = arith.maxsi %min3A_190, %max3A : i32
      %shift_right_logical3A_192 = arith.constant 1 : i32
      %shift_right_logical3A_193 = arith.shrui %max3A_191, %shift_right_logical3A_192 : i32
      %parallel_loop3A_194 = arith.constant 0 : i32
      %parallel_loop3A_195 = arith.constant 1 : i32
      %parallel_loop3A_196:4 = scf.for %parallel_loop3A_224 = %parallel_loop3A_194 to %shift_right_logical3A_193 step %parallel_loop3A_195 iter_args(%parallel_loop3A_225 = %broadcast_in_dim3A_8, %parallel_loop3A_226 = %broadcast_in_dim3A_8, %parallel_loop3A_227 = %broadcast_in_dim3A_8, %parallel_loop3A_228 = %broadcast_in_dim3A_8) -> (vector<16xf32>, vector<16xf32>, vector<16xf32>, vector<16xf32>)  : i32 {
        %parallel_loop3A_229 = arith.constant 2 : i32
        %parallel_loop3A_230 = arith.muli %parallel_loop3A_224, %parallel_loop3A_229 : i32
        %parallel_loop3A_231 = arith.addi %mul3A_189, %parallel_loop3A_230 : i32
        %parallel_loop3A_232 = arith.index_cast %parallel_loop3A_231 : i32 to index
        %parallel_loop3A_233 = tpu.vector_load %arg9[%parallel_loop3A_232] {strides = array<i32>} : memref<8336xi32, #tpu.memory_space<vmem>>, vector<16xi32>,
        %parallel_loop3A_234 = vector.extract_strided_slice %parallel_loop3A_233 {offsets = [0], sizes = [1], strides = [1]} : vector<16xi32> to vector<1xi32>
        %parallel_loop3A_235 = vector.extract %parallel_loop3A_234[0] : i32 from vector<1xi32>
        %parallel_loop3A_236 = arith.index_cast %parallel_loop3A_230 : i32 to index
        %parallel_loop3A_237 = arith.constant 0 : index
        %parallel_loop3A_238 = tpu.vector_load %arg10[%parallel_loop3A_236, %parallel_loop3A_237] {strides = array<i32>} : memref<128x256xf32, #tpu.memory_space<vmem>>, vector<16xf32>,
        %parallel_loop3A_239 = arith.index_cast %parallel_loop3A_235 : i32 to index
        %parallel_loop3A_240 = arith.constant 0 : index
        %parallel_loop3A_241 = tpu.vector_load %arg12[%parallel_loop3A_239, %parallel_loop3A_240] {strides = array<i32>} : memref<64x256xf32, #tpu.memory_space<vmem>>, vector<16xf32>,
        tpu.vector_store %arg12[%parallel_loop3A_239, %parallel_loop3A_240], %parallel_loop3A_238 {add = true, strides = array<i32>} : memref<64x256xf32, #tpu.memory_space<vmem>>, vector<16xf32>,
        %parallel_loop3A_242 = arith.mulf %parallel_loop3A_238, %parallel_loop3A_238 : vector<16xf32>
        %parallel_loop3A_243 = arith.addf %parallel_loop3A_225, %parallel_loop3A_242 : vector<16xf32>
        %parallel_loop3A_244 = arith.index_cast %parallel_loop3A_230 : i32 to index
        %parallel_loop3A_245 = arith.constant 16 : index
        %parallel_loop3A_246 = tpu.vector_load %arg10[%parallel_loop3A_244, %parallel_loop3A_245] {strides = array<i32>} : memref<128x256xf32, #tpu.memory_space<vmem>>, vector<16xf32>,
        %parallel_loop3A_247 = arith.index_cast %parallel_loop3A_235 : i32 to index
        %parallel_loop3A_248 = arith.constant 16 : index
        %parallel_loop3A_249 = tpu.vector_load %arg12[%parallel_loop3A_247, %parallel_loop3A_248] {strides = array<i32>} : memref<64x256xf32, #tpu.memory_space<vmem>>, vector<16xf32>,
        tpu.vector_store %arg12[%parallel_loop3A_247, %parallel_loop3A_248], %parallel_loop3A_246 {add = true, strides = array<i32>} : memref<64x256xf32, #tpu.memory_space<vmem>>, vector<16xf32>,
        %parallel_loop3A_250 = arith.mulf %parallel_loop3A_246, %parallel_loop3A_246 : vector<16xf32>
        %parallel_loop3A_251 = arith.addf %parallel_loop3A_226, %parallel_loop3A_250 : vector<16xf32>
        %parallel_loop3A_252 = arith.index_cast %parallel_loop3A_230 : i32 to index
        %parallel_loop3A_253 = arith.constant 32 : index
        %parallel_loop3A_254 = tpu.vector_load %arg10[%parallel_loop3A_252, %parallel_loop3A_253] {strides = array<i32>} : memref<128x256xf32, #tpu.memory_space<vmem>>, vector<16xf32>,
        %parallel_loop3A_255 = arith.index_cast %parallel_loop3A_235 : i32 to index
        %parallel_loop3A_256 = arith.constant 32 : index
        %parallel_loop3A_257 = tpu.vector_load %arg12[%parallel_loop3A_255, %parallel_loop3A_256] {strides = array<i32>} : memref<64x256xf32, #tpu.memory_space<vmem>>, vector<16xf32>,
        tpu.vector_store %arg12[%parallel_loop3A_255, %parallel_loop3A_256], %parallel_loop3A_254 {add = true, strides = array<i32>} : memref<64x256xf32, #tpu.memory_space<vmem>>, vector<16xf32>,
        %parallel_loop3A_258 = arith.mulf %parallel_loop3A_254, %parallel_loop3A_254 : vector<16xf32>
        %parallel_loop3A_259 = arith.addf %parallel_loop3A_227, %parallel_loop3A_258 : vector<16xf32>
        %parallel_loop3A_260 = arith.index_cast %parallel_loop3A_230 : i32 to index
        %parallel_loop3A_261 = arith.constant 48 : index
        %parallel_loop3A_262 = tpu.vector_load %arg10[%parallel_loop3A_260, %parallel_loop3A_261] {strides = array<i32>} : memref<128x256xf32, #tpu.memory_space<vmem>>, vector<16xf32>,
        %parallel_loop3A_263 = arith.index_cast %parallel_loop3A_235 : i32 to index
        %parallel_loop3A_264 = arith.constant 48 : index
        %parallel_loop3A_265 = tpu.vector_load %arg12[%parallel_loop3A_263, %parallel_loop3A_264] {strides = array<i32>} : memref<64x256xf32, #tpu.memory_space<vmem>>, vector<16xf32>,
        tpu.vector_store %arg12[%parallel_loop3A_263, %parallel_loop3A_264], %parallel_loop3A_262 {add = true, strides = array<i32>} : memref<64x256xf32, #tpu.memory_space<vmem>>, vector<16xf32>,
        %parallel_loop3A_266 = arith.mulf %parallel_loop3A_262, %parallel_loop3A_262 : vector<16xf32>
        %parallel_loop3A_267 = arith.addf %parallel_loop3A_228, %parallel_loop3A_266 : vector<16xf32>
        %parallel_loop3A_268 = arith.index_cast %parallel_loop3A_230 : i32 to index
        %parallel_loop3A_269 = arith.constant 64 : index
        %parallel_loop3A_270 = tpu.vector_load %arg10[%parallel_loop3A_268, %parallel_loop3A_269] {strides = array<i32>} : memref<128x256xf32, #tpu.memory_space<vmem>>, vector<16xf32>,
        %parallel_loop3A_271 = arith.index_cast %parallel_loop3A_235 : i32 to index
        %parallel_loop3A_272 = arith.constant 64 : index
        %parallel_loop3A_273 = tpu.vector_load %arg12[%parallel_loop3A_271, %parallel_loop3A_272] {strides = array<i32>} : memref<64x256xf32, #tpu.memory_space<vmem>>, vector<16xf32>,
        tpu.vector_store %arg12[%parallel_loop3A_271, %parallel_loop3A_272], %parallel_loop3A_270 {add = true, strides = array<i32>} : memref<64x256xf32, #tpu.memory_space<vmem>>, vector<16xf32>,
        %parallel_loop3A_274 = arith.mulf %parallel_loop3A_270, %parallel_loop3A_270 : vector<16xf32>
        %parallel_loop3A_275 = arith.addf %parallel_loop3A_243, %parallel_loop3A_274 : vector<16xf32>
        %parallel_loop3A_276 = arith.index_cast %parallel_loop3A_230 : i32 to index
        %parallel_loop3A_277 = arith.constant 80 : index
        %parallel_loop3A_278 = tpu.vector_load %arg10[%parallel_loop3A_276, %parallel_loop3A_277] {strides = array<i32>} : memref<128x256xf32, #tpu.memory_space<vmem>>, vector<16xf32>,
        %parallel_loop3A_279 = arith.index_cast %parallel_loop3A_235 : i32 to index
        %parallel_loop3A_280 = arith.constant 80 : index
        %parallel_loop3A_281 = tpu.vector_load %arg12[%parallel_loop3A_279, %parallel_loop3A_280] {strides = array<i32>} : memref<64x256xf32, #tpu.memory_space<vmem>>, vector<16xf32>,
        tpu.vector_store %arg12[%parallel_loop3A_279, %parallel_loop3A_280], %parallel_loop3A_278 {add = true, strides = array<i32>} : memref<64x256xf32, #tpu.memory_space<vmem>>, vector<16xf32>,
        %parallel_loop3A_282 = arith.mulf %parallel_loop3A_278, %parallel_loop3A_278 : vector<16xf32>
        %parallel_loop3A_283 = arith.addf %parallel_loop3A_251, %parallel_loop3A_282 : vector<16xf32>
        %parallel_loop3A_284 = arith.index_cast %parallel_loop3A_230 : i32 to index
        %parallel_loop3A_285 = arith.constant 96 : index
        %parallel_loop3A_286 = tpu.vector_load %arg10[%parallel_loop3A_284, %parallel_loop3A_285] {strides = array<i32>} : memref<128x256xf32, #tpu.memory_space<vmem>>, vector<16xf32>,
        %parallel_loop3A_287 = arith.index_cast %parallel_loop3A_235 : i32 to index
        %parallel_loop3A_288 = arith.constant 96 : index
        %parallel_loop3A_289 = tpu.vector_load %arg12[%parallel_loop3A_287, %parallel_loop3A_288] {strides = array<i32>} : memref<64x256xf32, #tpu.memory_space<vmem>>, vector<16xf32>,
        tpu.vector_store %arg12[%parallel_loop3A_287, %parallel_loop3A_288], %parallel_loop3A_286 {add = true, strides = array<i32>} : memref<64x256xf32, #tpu.memory_space<vmem>>, vector<16xf32>,
        %parallel_loop3A_290 = arith.mulf %parallel_loop3A_286, %parallel_loop3A_286 : vector<16xf32>
        %parallel_loop3A_291 = arith.addf %parallel_loop3A_259, %parallel_loop3A_290 : vector<16xf32>
        %parallel_loop3A_292 = arith.index_cast %parallel_loop3A_230 : i32 to index
        %parallel_loop3A_293 = arith.constant 112 : index
        %parallel_loop3A_294 = tpu.vector_load %arg10[%parallel_loop3A_292, %parallel_loop3A_293] {strides = array<i32>} : memref<128x256xf32, #tpu.memory_space<vmem>>, vector<16xf32>,
        %parallel_loop3A_295 = arith.index_cast %parallel_loop3A_235 : i32 to index
        %parallel_loop3A_296 = arith.constant 112 : index
        %parallel_loop3A_297 = tpu.vector_load %arg12[%parallel_loop3A_295, %parallel_loop3A_296] {strides = array<i32>} : memref<64x256xf32, #tpu.memory_space<vmem>>, vector<16xf32>,
        tpu.vector_store %arg12[%parallel_loop3A_295, %parallel_loop3A_296], %parallel_loop3A_294 {add = true, strides = array<i32>} : memref<64x256xf32, #tpu.memory_space<vmem>>, vector<16xf32>,
        %parallel_loop3A_298 = arith.mulf %parallel_loop3A_294, %parallel_loop3A_294 : vector<16xf32>
        %parallel_loop3A_299 = arith.addf %parallel_loop3A_267, %parallel_loop3A_298 : vector<16xf32>
        %parallel_loop3A_300 = arith.index_cast %parallel_loop3A_230 : i32 to index
        %parallel_loop3A_301 = arith.constant 128 : index
        %parallel_loop3A_302 = tpu.vector_load %arg10[%parallel_loop3A_300, %parallel_loop3A_301] {strides = array<i32>} : memref<128x256xf32, #tpu.memory_space<vmem>>, vector<16xf32>,
        %parallel_loop3A_303 = arith.index_cast %parallel_loop3A_235 : i32 to index
        %parallel_loop3A_304 = arith.constant 128 : index
        %parallel_loop3A_305 = tpu.vector_load %arg12[%parallel_loop3A_303, %parallel_loop3A_304] {strides = array<i32>} : memref<64x256xf32, #tpu.memory_space<vmem>>, vector<16xf32>,
        tpu.vector_store %arg12[%parallel_loop3A_303, %parallel_loop3A_304], %parallel_loop3A_302 {add = true, strides = array<i32>} : memref<64x256xf32, #tpu.memory_space<vmem>>, vector<16xf32>,
        %parallel_loop3A_306 = arith.mulf %parallel_loop3A_302, %parallel_loop3A_302 : vector<16xf32>
        %parallel_loop3A_307 = arith.addf %parallel_loop3A_275, %parallel_loop3A_306 : vector<16xf32>
        %parallel_loop3A_308 = arith.index_cast %parallel_loop3A_230 : i32 to index
        %parallel_loop3A_309 = arith.constant 144 : index
        %parallel_loop3A_310 = tpu.vector_load %arg10[%parallel_loop3A_308, %parallel_loop3A_309] {strides = array<i32>} : memref<128x256xf32, #tpu.memory_space<vmem>>, vector<16xf32>,
        %parallel_loop3A_311 = arith.index_cast %parallel_loop3A_235 : i32 to index
        %parallel_loop3A_312 = arith.constant 144 : index
        %parallel_loop3A_313 = tpu.vector_load %arg12[%parallel_loop3A_311, %parallel_loop3A_312] {strides = array<i32>} : memref<64x256xf32, #tpu.memory_space<vmem>>, vector<16xf32>,
        tpu.vector_store %arg12[%parallel_loop3A_311, %parallel_loop3A_312], %parallel_loop3A_310 {add = true, strides = array<i32>} : memref<64x256xf32, #tpu.memory_space<vmem>>, vector<16xf32>,
        %parallel_loop3A_314 = arith.mulf %parallel_loop3A_310, %parallel_loop3A_310 : vector<16xf32>
        %parallel_loop3A_315 = arith.addf %parallel_loop3A_283, %parallel_loop3A_314 : vector<16xf32>
        %parallel_loop3A_316 = arith.index_cast %parallel_loop3A_230 : i32 to index
        %parallel_loop3A_317 = arith.constant 160 : index
        %parallel_loop3A_318 = tpu.vector_load %arg10[%parallel_loop3A_316, %parallel_loop3A_317] {strides = array<i32>} : memref<128x256xf32, #tpu.memory_space<vmem>>, vector<16xf32>,
        %parallel_loop3A_319 = arith.index_cast %parallel_loop3A_235 : i32 to index
        %parallel_loop3A_320 = arith.constant 160 : index
        %parallel_loop3A_321 = tpu.vector_load %arg12[%parallel_loop3A_319, %parallel_loop3A_320] {strides = array<i32>} : memref<64x256xf32, #tpu.memory_space<vmem>>, vector<16xf32>,
        tpu.vector_store %arg12[%parallel_loop3A_319, %parallel_loop3A_320], %parallel_loop3A_318 {add = true, strides = array<i32>} : memref<64x256xf32, #tpu.memory_space<vmem>>, vector<16xf32>,
        %parallel_loop3A_322 = arith.mulf %parallel_loop3A_318, %parallel_loop3A_318 : vector<16xf32>
        %parallel_loop3A_323 = arith.addf %parallel_loop3A_291, %parallel_loop3A_322 : vector<16xf32>
        %parallel_loop3A_324 = arith.index_cast %parallel_loop3A_230 : i32 to index
        %parallel_loop3A_325 = arith.constant 176 : index
        %parallel_loop3A_326 = tpu.vector_load %arg10[%parallel_loop3A_324, %parallel_loop3A_325] {strides = array<i32>} : memref<128x256xf32, #tpu.memory_space<vmem>>, vector<16xf32>,
        %parallel_loop3A_327 = arith.index_cast %parallel_loop3A_235 : i32 to index
        %parallel_loop3A_328 = arith.constant 176 : index
        %parallel_loop3A_329 = tpu.vector_load %arg12[%parallel_loop3A_327, %parallel_loop3A_328] {strides = array<i32>} : memref<64x256xf32, #tpu.memory_space<vmem>>, vector<16xf32>,
        tpu.vector_store %arg12[%parallel_loop3A_327, %parallel_loop3A_328], %parallel_loop3A_326 {add = true, strides = array<i32>} : memref<64x256xf32, #tpu.memory_space<vmem>>, vector<16xf32>,
        %parallel_loop3A_330 = arith.mulf %parallel_loop3A_326, %parallel_loop3A_326 : vector<16xf32>
        %parallel_loop3A_331 = arith.addf %parallel_loop3A_299, %parallel_loop3A_330 : vector<16xf32>
        %parallel_loop3A_332 = arith.index_cast %parallel_loop3A_230 : i32 to index
        %parallel_loop3A_333 = arith.constant 192 : index
        %parallel_loop3A_334 = tpu.vector_load %arg10[%parallel_loop3A_332, %parallel_loop3A_333] {strides = array<i32>} : memref<128x256xf32, #tpu.memory_space<vmem>>, vector<16xf32>,
        %parallel_loop3A_335 = arith.index_cast %parallel_loop3A_235 : i32 to index
        %parallel_loop3A_336 = arith.constant 192 : index
        %parallel_loop3A_337 = tpu.vector_load %arg12[%parallel_loop3A_335, %parallel_loop3A_336] {strides = array<i32>} : memref<64x256xf32, #tpu.memory_space<vmem>>, vector<16xf32>,
        tpu.vector_store %arg12[%parallel_loop3A_335, %parallel_loop3A_336], %parallel_loop3A_334 {add = true, strides = array<i32>} : memref<64x256xf32, #tpu.memory_space<vmem>>, vector<16xf32>,
        %parallel_loop3A_338 = arith.mulf %parallel_loop3A_334, %parallel_loop3A_334 : vector<16xf32>
        %parallel_loop3A_339 = arith.addf %parallel_loop3A_307, %parallel_loop3A_338 : vector<16xf32>
        %parallel_loop3A_340 = arith.index_cast %parallel_loop3A_230 : i32 to index
        %parallel_loop3A_341 = arith.constant 208 : index
        %parallel_loop3A_342 = tpu.vector_load %arg10[%parallel_loop3A_340, %parallel_loop3A_341] {strides = array<i32>} : memref<128x256xf32, #tpu.memory_space<vmem>>, vector<16xf32>,
        %parallel_loop3A_343 = arith.index_cast %parallel_loop3A_235 : i32 to index
        %parallel_loop3A_344 = arith.constant 208 : index
        %parallel_loop3A_345 = tpu.vector_load %arg12[%parallel_loop3A_343, %parallel_loop3A_344] {strides = array<i32>} : memref<64x256xf32, #tpu.memory_space<vmem>>, vector<16xf32>,
        tpu.vector_store %arg12[%parallel_loop3A_343, %parallel_loop3A_344], %parallel_loop3A_342 {add = true, strides = array<i32>} : memref<64x256xf32, #tpu.memory_space<vmem>>, vector<16xf32>,
        %parallel_loop3A_346 = arith.mulf %parallel_loop3A_342, %parallel_loop3A_342 : vector<16xf32>
        %parallel_loop3A_347 = arith.addf %parallel_loop3A_315, %parallel_loop3A_346 : vector<16xf32>
        %parallel_loop3A_348 = arith.index_cast %parallel_loop3A_230 : i32 to index
        %parallel_loop3A_349 = arith.constant 224 : index
        %parallel_loop3A_350 = tpu.vector_load %arg10[%parallel_loop3A_348, %parallel_loop3A_349] {strides = array<i32>} : memref<128x256xf32, #tpu.memory_space<vmem>>, vector<16xf32>,
        %parallel_loop3A_351 = arith.index_cast %parallel_loop3A_235 : i32 to index
        %parallel_loop3A_352 = arith.constant 224 : index
        %parallel_loop3A_353 = tpu.vector_load %arg12[%parallel_loop3A_351, %parallel_loop3A_352] {strides = array<i32>} : memref<64x256xf32, #tpu.memory_space<vmem>>, vector<16xf32>,
        tpu.vector_store %arg12[%parallel_loop3A_351, %parallel_loop3A_352], %parallel_loop3A_350 {add = true, strides = array<i32>} : memref<64x256xf32, #tpu.memory_space<vmem>>, vector<16xf32>,
        %parallel_loop3A_354 = arith.mulf %parallel_loop3A_350, %parallel_loop3A_350 : vector<16xf32>
        %parallel_loop3A_355 = arith.addf %parallel_loop3A_323, %parallel_loop3A_354 : vector<16xf32>
        %parallel_loop3A_356 = arith.index_cast %parallel_loop3A_230 : i32 to index
        %parallel_loop3A_357 = arith.constant 240 : index
        %parallel_loop3A_358 = tpu.vector_load %arg10[%parallel_loop3A_356, %parallel_loop3A_357] {strides = array<i32>} : memref<128x256xf32, #tpu.memory_space<vmem>>, vector<16xf32>,
        %parallel_loop3A_359 = arith.index_cast %parallel_loop3A_235 : i32 to index
        %parallel_loop3A_360 = arith.constant 240 : index
        %parallel_loop3A_361 = tpu.vector_load %arg12[%parallel_loop3A_359, %parallel_loop3A_360] {strides = array<i32>} : memref<64x256xf32, #tpu.memory_space<vmem>>, vector<16xf32>,
        tpu.vector_store %arg12[%parallel_loop3A_359, %parallel_loop3A_360], %parallel_loop3A_358 {add = true, strides = array<i32>} : memref<64x256xf32, #tpu.memory_space<vmem>>, vector<16xf32>,
        %parallel_loop3A_362 = arith.mulf %parallel_loop3A_358, %parallel_loop3A_358 : vector<16xf32>
        %parallel_loop3A_363 = arith.addf %parallel_loop3A_331, %parallel_loop3A_362 : vector<16xf32>
        %parallel_loop3A_364 = arith.index_cast %parallel_loop3A_235 : i32 to index
        %parallel_loop3A_365 = arith.constant 0 : index
        %parallel_loop3A_366 = tpu.vector_load %arg13[%parallel_loop3A_364, %parallel_loop3A_365] {strides = array<i32>} : memref<64x16xf32, #tpu.memory_space<vmem>>, vector<16xf32>,
        tpu.vector_store %arg13[%parallel_loop3A_364, %parallel_loop3A_365], %select_n3A {add = true, strides = array<i32>} : memref<64x16xf32, #tpu.memory_space<vmem>>, vector<16xf32>,
        %parallel_loop3A_367 = arith.constant 1 : i32
        %parallel_loop3A_368 = arith.addi %parallel_loop3A_230, %parallel_loop3A_367 : i32
        %parallel_loop3A_369 = vector.extract_strided_slice %parallel_loop3A_233 {offsets = [1], sizes = [1], strides = [1]} : vector<16xi32> to vector<1xi32>
        %parallel_loop3A_370 = vector.extract %parallel_loop3A_369[0] : i32 from vector<1xi32>
        %parallel_loop3A_371 = arith.index_cast %parallel_loop3A_368 : i32 to index
        %parallel_loop3A_372 = arith.constant 0 : index
        %parallel_loop3A_373 = tpu.vector_load %arg10[%parallel_loop3A_371, %parallel_loop3A_372] {strides = array<i32>} : memref<128x256xf32, #tpu.memory_space<vmem>>, vector<16xf32>,
        %parallel_loop3A_374 = arith.index_cast %parallel_loop3A_370 : i32 to index
        %parallel_loop3A_375 = arith.constant 0 : index
        %parallel_loop3A_376 = tpu.vector_load %arg12[%parallel_loop3A_374, %parallel_loop3A_375] {strides = array<i32>} : memref<64x256xf32, #tpu.memory_space<vmem>>, vector<16xf32>,
        tpu.vector_store %arg12[%parallel_loop3A_374, %parallel_loop3A_375], %parallel_loop3A_373 {add = true, strides = array<i32>} : memref<64x256xf32, #tpu.memory_space<vmem>>, vector<16xf32>,
        %parallel_loop3A_377 = arith.mulf %parallel_loop3A_373, %parallel_loop3A_373 : vector<16xf32>
        %parallel_loop3A_378 = arith.addf %parallel_loop3A_339, %parallel_loop3A_377 : vector<16xf32>
        %parallel_loop3A_379 = arith.index_cast %parallel_loop3A_368 : i32 to index
        %parallel_loop3A_380 = arith.constant 16 : index
        %parallel_loop3A_381 = tpu.vector_load %arg10[%parallel_loop3A_379, %parallel_loop3A_380] {strides = array<i32>} : memref<128x256xf32, #tpu.memory_space<vmem>>, vector<16xf32>,
        %parallel_loop3A_382 = arith.index_cast %parallel_loop3A_370 : i32 to index
        %parallel_loop3A_383 = arith.constant 16 : index
        %parallel_loop3A_384 = tpu.vector_load %arg12[%parallel_loop3A_382, %parallel_loop3A_383] {strides = array<i32>} : memref<64x256xf32, #tpu.memory_space<vmem>>, vector<16xf32>,
        tpu.vector_store %arg12[%parallel_loop3A_382, %parallel_loop3A_383], %parallel_loop3A_381 {add = true, strides = array<i32>} : memref<64x256xf32, #tpu.memory_space<vmem>>, vector<16xf32>,
        %parallel_loop3A_385 = arith.mulf %parallel_loop3A_381, %parallel_loop3A_381 : vector<16xf32>
        %parallel_loop3A_386 = arith.addf %parallel_loop3A_347, %parallel_loop3A_385 : vector<16xf32>
        %parallel_loop3A_387 = arith.index_cast %parallel_loop3A_368 : i32 to index
        %parallel_loop3A_388 = arith.constant 32 : index
        %parallel_loop3A_389 = tpu.vector_load %arg10[%parallel_loop3A_387, %parallel_loop3A_388] {strides = array<i32>} : memref<128x256xf32, #tpu.memory_space<vmem>>, vector<16xf32>,
        %parallel_loop3A_390 = arith.index_cast %parallel_loop3A_370 : i32 to index
        %parallel_loop3A_391 = arith.constant 32 : index
        %parallel_loop3A_392 = tpu.vector_load %arg12[%parallel_loop3A_390, %parallel_loop3A_391] {strides = array<i32>} : memref<64x256xf32, #tpu.memory_space<vmem>>, vector<16xf32>,
        tpu.vector_store %arg12[%parallel_loop3A_390, %parallel_loop3A_391], %parallel_loop3A_389 {add = true, strides = array<i32>} : memref<64x256xf32, #tpu.memory_space<vmem>>, vector<16xf32>,
        %parallel_loop3A_393 = arith.mulf %parallel_loop3A_389, %parallel_loop3A_389 : vector<16xf32>
        %parallel_loop3A_394 = arith.addf %parallel_loop3A_355, %parallel_loop3A_393 : vector<16xf32>
        %parallel_loop3A_395 = arith.index_cast %parallel_loop3A_368 : i32 to index
        %parallel_loop3A_396 = arith.constant 48 : index
        %parallel_loop3A_397 = tpu.vector_load %arg10[%parallel_loop3A_395, %parallel_loop3A_396] {strides = array<i32>} : memref<128x256xf32, #tpu.memory_space<vmem>>, vector<16xf32>,
        %parallel_loop3A_398 = arith.index_cast %parallel_loop3A_370 : i32 to index
        %parallel_loop3A_399 = arith.constant 48 : index
        %parallel_loop3A_400 = tpu.vector_load %arg12[%parallel_loop3A_398, %parallel_loop3A_399] {strides = array<i32>} : memref<64x256xf32, #tpu.memory_space<vmem>>, vector<16xf32>,
        tpu.vector_store %arg12[%parallel_loop3A_398, %parallel_loop3A_399], %parallel_loop3A_397 {add = true, strides = array<i32>} : memref<64x256xf32, #tpu.memory_space<vmem>>, vector<16xf32>,
        %parallel_loop3A_401 = arith.mulf %parallel_loop3A_397, %parallel_loop3A_397 : vector<16xf32>
        %parallel_loop3A_402 = arith.addf %parallel_loop3A_363, %parallel_loop3A_401 : vector<16xf32>
        %parallel_loop3A_403 = arith.index_cast %parallel_loop3A_368 : i32 to index
        %parallel_loop3A_404 = arith.constant 64 : index
        %parallel_loop3A_405 = tpu.vector_load %arg10[%parallel_loop3A_403, %parallel_loop3A_404] {strides = array<i32>} : memref<128x256xf32, #tpu.memory_space<vmem>>, vector<16xf32>,
        %parallel_loop3A_406 = arith.index_cast %parallel_loop3A_370 : i32 to index
        %parallel_loop3A_407 = arith.constant 64 : index
        %parallel_loop3A_408 = tpu.vector_load %arg12[%parallel_loop3A_406, %parallel_loop3A_407] {strides = array<i32>} : memref<64x256xf32, #tpu.memory_space<vmem>>, vector<16xf32>,
        tpu.vector_store %arg12[%parallel_loop3A_406, %parallel_loop3A_407], %parallel_loop3A_405 {add = true, strides = array<i32>} : memref<64x256xf32, #tpu.memory_space<vmem>>, vector<16xf32>,
        %parallel_loop3A_409 = arith.mulf %parallel_loop3A_405, %parallel_loop3A_405 : vector<16xf32>
        %parallel_loop3A_410 = arith.addf %parallel_loop3A_378, %parallel_loop3A_409 : vector<16xf32>
        %parallel_loop3A_411 = arith.index_cast %parallel_loop3A_368 : i32 to index
        %parallel_loop3A_412 = arith.constant 80 : index
        %parallel_loop3A_413 = tpu.vector_load %arg10[%parallel_loop3A_411, %parallel_loop3A_412] {strides = array<i32>} : memref<128x256xf32, #tpu.memory_space<vmem>>, vector<16xf32>,
        %parallel_loop3A_414 = arith.index_cast %parallel_loop3A_370 : i32 to index
        %parallel_loop3A_415 = arith.constant 80 : index
        %parallel_loop3A_416 = tpu.vector_load %arg12[%parallel_loop3A_414, %parallel_loop3A_415] {strides = array<i32>} : memref<64x256xf32, #tpu.memory_space<vmem>>, vector<16xf32>,
        tpu.vector_store %arg12[%parallel_loop3A_414, %parallel_loop3A_415], %parallel_loop3A_413 {add = true, strides = array<i32>} : memref<64x256xf32, #tpu.memory_space<vmem>>, vector<16xf32>,
        %parallel_loop3A_417 = arith.mulf %parallel_loop3A_413, %parallel_loop3A_413 : vector<16xf32>
        %parallel_loop3A_418 = arith.addf %parallel_loop3A_386, %parallel_loop3A_417 : vector<16xf32>
        %parallel_loop3A_419 = arith.index_cast %parallel_loop3A_368 : i32 to index
        %parallel_loop3A_420 = arith.constant 96 : index
        %parallel_loop3A_421 = tpu.vector_load %arg10[%parallel_loop3A_419, %parallel_loop3A_420] {strides = array<i32>} : memref<128x256xf32, #tpu.memory_space<vmem>>, vector<16xf32>,
        %parallel_loop3A_422 = arith.index_cast %parallel_loop3A_370 : i32 to index
        %parallel_loop3A_423 = arith.constant 96 : index
        %parallel_loop3A_424 = tpu.vector_load %arg12[%parallel_loop3A_422, %parallel_loop3A_423] {strides = array<i32>} : memref<64x256xf32, #tpu.memory_space<vmem>>, vector<16xf32>,
        tpu.vector_store %arg12[%parallel_loop3A_422, %parallel_loop3A_423], %parallel_loop3A_421 {add = true, strides = array<i32>} : memref<64x256xf32, #tpu.memory_space<vmem>>, vector<16xf32>,
        %parallel_loop3A_425 = arith.mulf %parallel_loop3A_421, %parallel_loop3A_421 : vector<16xf32>
        %parallel_loop3A_426 = arith.addf %parallel_loop3A_394, %parallel_loop3A_425 : vector<16xf32>
        %parallel_loop3A_427 = arith.index_cast %parallel_loop3A_368 : i32 to index
        %parallel_loop3A_428 = arith.constant 112 : index
        %parallel_loop3A_429 = tpu.vector_load %arg10[%parallel_loop3A_427, %parallel_loop3A_428] {strides = array<i32>} : memref<128x256xf32, #tpu.memory_space<vmem>>, vector<16xf32>,
        %parallel_loop3A_430 = arith.index_cast %parallel_loop3A_370 : i32 to index
        %parallel_loop3A_431 = arith.constant 112 : index
        %parallel_loop3A_432 = tpu.vector_load %arg12[%parallel_loop3A_430, %parallel_loop3A_431] {strides = array<i32>} : memref<64x256xf32, #tpu.memory_space<vmem>>, vector<16xf32>,
        tpu.vector_store %arg12[%parallel_loop3A_430, %parallel_loop3A_431], %parallel_loop3A_429 {add = true, strides = array<i32>} : memref<64x256xf32, #tpu.memory_space<vmem>>, vector<16xf32>,
        %parallel_loop3A_433 = arith.mulf %parallel_loop3A_429, %parallel_loop3A_429 : vector<16xf32>
        %parallel_loop3A_434 = arith.addf %parallel_loop3A_402, %parallel_loop3A_433 : vector<16xf32>
        %parallel_loop3A_435 = arith.index_cast %parallel_loop3A_368 : i32 to index
        %parallel_loop3A_436 = arith.constant 128 : index
        %parallel_loop3A_437 = tpu.vector_load %arg10[%parallel_loop3A_435, %parallel_loop3A_436] {strides = array<i32>} : memref<128x256xf32, #tpu.memory_space<vmem>>, vector<16xf32>,
        %parallel_loop3A_438 = arith.index_cast %parallel_loop3A_370 : i32 to index
        %parallel_loop3A_439 = arith.constant 128 : index
        %parallel_loop3A_440 = tpu.vector_load %arg12[%parallel_loop3A_438, %parallel_loop3A_439] {strides = array<i32>} : memref<64x256xf32, #tpu.memory_space<vmem>>, vector<16xf32>,
        tpu.vector_store %arg12[%parallel_loop3A_438, %parallel_loop3A_439], %parallel_loop3A_437 {add = true, strides = array<i32>} : memref<64x256xf32, #tpu.memory_space<vmem>>, vector<16xf32>,
        %parallel_loop3A_441 = arith.mulf %parallel_loop3A_437, %parallel_loop3A_437 : vector<16xf32>
        %parallel_loop3A_442 = arith.addf %parallel_loop3A_410, %parallel_loop3A_441 : vector<16xf32>
        %parallel_loop3A_443 = arith.index_cast %parallel_loop3A_368 : i32 to index
        %parallel_loop3A_444 = arith.constant 144 : index
        %parallel_loop3A_445 = tpu.vector_load %arg10[%parallel_loop3A_443, %parallel_loop3A_444] {strides = array<i32>} : memref<128x256xf32, #tpu.memory_space<vmem>>, vector<16xf32>,
        %parallel_loop3A_446 = arith.index_cast %parallel_loop3A_370 : i32 to index
        %parallel_loop3A_447 = arith.constant 144 : index
        %parallel_loop3A_448 = tpu.vector_load %arg12[%parallel_loop3A_446, %parallel_loop3A_447] {strides = array<i32>} : memref<64x256xf32, #tpu.memory_space<vmem>>, vector<16xf32>,
        tpu.vector_store %arg12[%parallel_loop3A_446, %parallel_loop3A_447], %parallel_loop3A_445 {add = true, strides = array<i32>} : memref<64x256xf32, #tpu.memory_space<vmem>>, vector<16xf32>,
        %parallel_loop3A_449 = arith.mulf %parallel_loop3A_445, %parallel_loop3A_445 : vector<16xf32>
        %parallel_loop3A_450 = arith.addf %parallel_loop3A_418, %parallel_loop3A_449 : vector<16xf32>
        %parallel_loop3A_451 = arith.index_cast %parallel_loop3A_368 : i32 to index
        %parallel_loop3A_452 = arith.constant 160 : index
        %parallel_loop3A_453 = tpu.vector_load %arg10[%parallel_loop3A_451, %parallel_loop3A_452] {strides = array<i32>} : memref<128x256xf32, #tpu.memory_space<vmem>>, vector<16xf32>,
        %parallel_loop3A_454 = arith.index_cast %parallel_loop3A_370 : i32 to index
        %parallel_loop3A_455 = arith.constant 160 : index
        %parallel_loop3A_456 = tpu.vector_load %arg12[%parallel_loop3A_454, %parallel_loop3A_455] {strides = array<i32>} : memref<64x256xf32, #tpu.memory_space<vmem>>, vector<16xf32>,
        tpu.vector_store %arg12[%parallel_loop3A_454, %parallel_loop3A_455], %parallel_loop3A_453 {add = true, strides = array<i32>} : memref<64x256xf32, #tpu.memory_space<vmem>>, vector<16xf32>,
        %parallel_loop3A_457 = arith.mulf %parallel_loop3A_453, %parallel_loop3A_453 : vector<16xf32>
        %parallel_loop3A_458 = arith.addf %parallel_loop3A_426, %parallel_loop3A_457 : vector<16xf32>
        %parallel_loop3A_459 = arith.index_cast %parallel_loop3A_368 : i32 to index
        %parallel_loop3A_460 = arith.constant 176 : index
        %parallel_loop3A_461 = tpu.vector_load %arg10[%parallel_loop3A_459, %parallel_loop3A_460] {strides = array<i32>} : memref<128x256xf32, #tpu.memory_space<vmem>>, vector<16xf32>,
        %parallel_loop3A_462 = arith.index_cast %parallel_loop3A_370 : i32 to index
        %parallel_loop3A_463 = arith.constant 176 : index
        %parallel_loop3A_464 = tpu.vector_load %arg12[%parallel_loop3A_462, %parallel_loop3A_463] {strides = array<i32>} : memref<64x256xf32, #tpu.memory_space<vmem>>, vector<16xf32>,
        tpu.vector_store %arg12[%parallel_loop3A_462, %parallel_loop3A_463], %parallel_loop3A_461 {add = true, strides = array<i32>} : memref<64x256xf32, #tpu.memory_space<vmem>>, vector<16xf32>,
        %parallel_loop3A_465 = arith.mulf %parallel_loop3A_461, %parallel_loop3A_461 : vector<16xf32>
        %parallel_loop3A_466 = arith.addf %parallel_loop3A_434, %parallel_loop3A_465 : vector<16xf32>
        %parallel_loop3A_467 = arith.index_cast %parallel_loop3A_368 : i32 to index
        %parallel_loop3A_468 = arith.constant 192 : index
        %parallel_loop3A_469 = tpu.vector_load %arg10[%parallel_loop3A_467, %parallel_loop3A_468] {strides = array<i32>} : memref<128x256xf32, #tpu.memory_space<vmem>>, vector<16xf32>,
        %parallel_loop3A_470 = arith.index_cast %parallel_loop3A_370 : i32 to index
        %parallel_loop3A_471 = arith.constant 192 : index
        %parallel_loop3A_472 = tpu.vector_load %arg12[%parallel_loop3A_470, %parallel_loop3A_471] {strides = array<i32>} : memref<64x256xf32, #tpu.memory_space<vmem>>, vector<16xf32>,
        tpu.vector_store %arg12[%parallel_loop3A_470, %parallel_loop3A_471], %parallel_loop3A_469 {add = true, strides = array<i32>} : memref<64x256xf32, #tpu.memory_space<vmem>>, vector<16xf32>,
        %parallel_loop3A_473 = arith.mulf %parallel_loop3A_469, %parallel_loop3A_469 : vector<16xf32>
        %parallel_loop3A_474 = arith.addf %parallel_loop3A_442, %parallel_loop3A_473 : vector<16xf32>
        %parallel_loop3A_475 = arith.index_cast %parallel_loop3A_368 : i32 to index
        %parallel_loop3A_476 = arith.constant 208 : index
        %parallel_loop3A_477 = tpu.vector_load %arg10[%parallel_loop3A_475, %parallel_loop3A_476] {strides = array<i32>} : memref<128x256xf32, #tpu.memory_space<vmem>>, vector<16xf32>,
        %parallel_loop3A_478 = arith.index_cast %parallel_loop3A_370 : i32 to index
        %parallel_loop3A_479 = arith.constant 208 : index
        %parallel_loop3A_480 = tpu.vector_load %arg12[%parallel_loop3A_478, %parallel_loop3A_479] {strides = array<i32>} : memref<64x256xf32, #tpu.memory_space<vmem>>, vector<16xf32>,
        tpu.vector_store %arg12[%parallel_loop3A_478, %parallel_loop3A_479], %parallel_loop3A_477 {add = true, strides = array<i32>} : memref<64x256xf32, #tpu.memory_space<vmem>>, vector<16xf32>,
        %parallel_loop3A_481 = arith.mulf %parallel_loop3A_477, %parallel_loop3A_477 : vector<16xf32>
        %parallel_loop3A_482 = arith.addf %parallel_loop3A_450, %parallel_loop3A_481 : vector<16xf32>
        %parallel_loop3A_483 = arith.index_cast %parallel_loop3A_368 : i32 to index
        %parallel_loop3A_484 = arith.constant 224 : index
        %parallel_loop3A_485 = tpu.vector_load %arg10[%parallel_loop3A_483, %parallel_loop3A_484] {strides = array<i32>} : memref<128x256xf32, #tpu.memory_space<vmem>>, vector<16xf32>,
        %parallel_loop3A_486 = arith.index_cast %parallel_loop3A_370 : i32 to index
        %parallel_loop3A_487 = arith.constant 224 : index
        %parallel_loop3A_488 = tpu.vector_load %arg12[%parallel_loop3A_486, %parallel_loop3A_487] {strides = array<i32>} : memref<64x256xf32, #tpu.memory_space<vmem>>, vector<16xf32>,
        tpu.vector_store %arg12[%parallel_loop3A_486, %parallel_loop3A_487], %parallel_loop3A_485 {add = true, strides = array<i32>} : memref<64x256xf32, #tpu.memory_space<vmem>>, vector<16xf32>,
        %parallel_loop3A_489 = arith.mulf %parallel_loop3A_485, %parallel_loop3A_485 : vector<16xf32>
        %parallel_loop3A_490 = arith.addf %parallel_loop3A_458, %parallel_loop3A_489 : vector<16xf32>
        %parallel_loop3A_491 = arith.index_cast %parallel_loop3A_368 : i32 to index
        %parallel_loop3A_492 = arith.constant 240 : index
        %parallel_loop3A_493 = tpu.vector_load %arg10[%parallel_loop3A_491, %parallel_loop3A_492] {strides = array<i32>} : memref<128x256xf32, #tpu.memory_space<vmem>>, vector<16xf32>,
        %parallel_loop3A_494 = arith.index_cast %parallel_loop3A_370 : i32 to index
        %parallel_loop3A_495 = arith.constant 240 : index
        %parallel_loop3A_496 = tpu.vector_load %arg12[%parallel_loop3A_494, %parallel_loop3A_495] {strides = array<i32>} : memref<64x256xf32, #tpu.memory_space<vmem>>, vector<16xf32>,
        tpu.vector_store %arg12[%parallel_loop3A_494, %parallel_loop3A_495], %parallel_loop3A_493 {add = true, strides = array<i32>} : memref<64x256xf32, #tpu.memory_space<vmem>>, vector<16xf32>,
        %parallel_loop3A_497 = arith.mulf %parallel_loop3A_493, %parallel_loop3A_493 : vector<16xf32>
        %parallel_loop3A_498 = arith.addf %parallel_loop3A_466, %parallel_loop3A_497 : vector<16xf32>
        %parallel_loop3A_499 = arith.index_cast %parallel_loop3A_370 : i32 to index
        %parallel_loop3A_500 = arith.constant 0 : index
        %parallel_loop3A_501 = tpu.vector_load %arg13[%parallel_loop3A_499, %parallel_loop3A_500] {strides = array<i32>} : memref<64x16xf32, #tpu.memory_space<vmem>>, vector<16xf32>,
        tpu.vector_store %arg13[%parallel_loop3A_499, %parallel_loop3A_500], %select_n3A {add = true, strides = array<i32>} : memref<64x16xf32, #tpu.memory_space<vmem>>, vector<16xf32>,
        scf.yield %parallel_loop3A_474, %parallel_loop3A_482, %parallel_loop3A_490, %parallel_loop3A_498 : vector<16xf32>, vector<16xf32>, vector<16xf32>, vector<16xf32>
      } {sc.loop_unroll_factor = 2 : i64, sc.parallel_access}
      %swap3A_197 = arith.constant 0 : i32
      %swap3A_198 = arith.index_cast %swap3A_197 : i32 to index
      %swap3A_199 = arith.constant 0 : index
      %swap3A_200 = tpu.vector_load %arg14[%swap3A_198, %swap3A_199] {strides = array<i32>} : memref<4x16xf32, #tpu.memory_space<vmem>>, vector<16xf32>,
      tpu.vector_store %arg14[%swap3A_198, %swap3A_199], %parallel_loop3A_196#0 {add = true, strides = array<i32>} : memref<4x16xf32, #tpu.memory_space<vmem>>, vector<16xf32>,
      %swap3A_201 = arith.constant 1 : i32
      %swap3A_202 = arith.index_cast %swap3A_201 : i32 to index
      %swap3A_203 = arith.constant 0 : index
      %swap3A_204 = tpu.vector_load %arg14[%swap3A_202, %swap3A_203] {strides = array<i32>} : memref<4x16xf32, #tpu.memory_space<vmem>>, vector<16xf32>,
      tpu.vector_store %arg14[%swap3A_202, %swap3A_203], %parallel_loop3A_196#1 {add = true, strides = array<i32>} : memref<4x16xf32, #tpu.memory_space<vmem>>, vector<16xf32>,
      %swap3A_205 = arith.constant 2 : i32
      %swap3A_206 = arith.index_cast %swap3A_205 : i32 to index
      %swap3A_207 = arith.constant 0 : index
      %swap3A_208 = tpu.vector_load %arg14[%swap3A_206, %swap3A_207] {strides = array<i32>} : memref<4x16xf32, #tpu.memory_space<vmem>>, vector<16xf32>,
      tpu.vector_store %arg14[%swap3A_206, %swap3A_207], %parallel_loop3A_196#2 {add = true, strides = array<i32>} : memref<4x16xf32, #tpu.memory_space<vmem>>, vector<16xf32>,
      %swap3A_209 = arith.constant 3 : i32
      %swap3A_210 = arith.index_cast %swap3A_209 : i32 to index
      %swap3A_211 = arith.constant 0 : index
      %swap3A_212 = tpu.vector_load %arg14[%swap3A_210, %swap3A_211] {strides = array<i32>} : memref<4x16xf32, #tpu.memory_space<vmem>>, vector<16xf32>,
      tpu.vector_store %arg14[%swap3A_210, %swap3A_211], %parallel_loop3A_196#3 {add = true, strides = array<i32>} : memref<4x16xf32, #tpu.memory_space<vmem>>, vector<16xf32>,
      %and3A_213 = arith.constant 1 : i32
      %and3A_214 = arith.andi %max3A_191, %and3A_213 : i32
      %eq3A_215 = arith.constant 1 : i32
      %eq3A_216 = arith.cmpi eq, %and3A_214, %eq3A_215 : i32
      %convert_element_type3A_217 = arith.extui %eq3A_216 : i1 to i32
      %cond3A_218 = arith.constant 0 : i32
      %cond3A_219 = arith.cmpi ne, %convert_element_type3A_217, %cond3A_218 : i32
      scf.if %cond3A_219 {
        %sub3A_224 = arith.constant 1 : i32
        %sub3A_225 = arith.subi %max3A_191, %sub3A_224 : i32
        %add3A_226 = arith.addi %mul3A_189, %sub3A_225 : i32
        %get3A_227 = arith.index_cast %add3A_226 : i32 to index
        %get3A_228 = tpu.vector_load %arg9[%get3A_227] {strides = array<i32>} : memref<8336xi32, #tpu.memory_space<vmem>>, vector<16xi32>,
        %slice3A = vector.extract_strided_slice %get3A_228 {offsets = [0], sizes = [1], strides = [1]} : vector<16xi32> to vector<1xi32>
        %squeeze3A = vector.extract %slice3A[0] : i32 from vector<1xi32>
        %get3A_229 = arith.index_cast %sub3A_225 : i32 to index
        %get3A_230 = arith.constant 0 : index
        %get3A_231 = tpu.vector_load %arg10[%get3A_229, %get3A_230] {strides = array<i32>} : memref<128x256xf32, #tpu.memory_space<vmem>>, vector<16xf32>,
        %swap3A_232 = arith.index_cast %squeeze3A : i32 to index
        %swap3A_233 = arith.constant 0 : index
        %swap3A_234 = tpu.vector_load %arg12[%swap3A_232, %swap3A_233] {strides = array<i32>} : memref<64x256xf32, #tpu.memory_space<vmem>>, vector<16xf32>,
        tpu.vector_store %arg12[%swap3A_232, %swap3A_233], %get3A_231 {add = true, strides = array<i32>} : memref<64x256xf32, #tpu.memory_space<vmem>>, vector<16xf32>,
        %mul3A_235 = arith.mulf %get3A_231, %get3A_231 : vector<16xf32>
        %add3A_236 = arith.addf %broadcast_in_dim3A_8, %mul3A_235 : vector<16xf32>
        %get3A_237 = arith.index_cast %sub3A_225 : i32 to index
        %get3A_238 = arith.constant 16 : index
        %get3A_239 = tpu.vector_load %arg10[%get3A_237, %get3A_238] {strides = array<i32>} : memref<128x256xf32, #tpu.memory_space<vmem>>, vector<16xf32>,
        %swap3A_240 = arith.index_cast %squeeze3A : i32 to index
        %swap3A_241 = arith.constant 16 : index
        %swap3A_242 = tpu.vector_load %arg12[%swap3A_240, %swap3A_241] {strides = array<i32>} : memref<64x256xf32, #tpu.memory_space<vmem>>, vector<16xf32>,
        tpu.vector_store %arg12[%swap3A_240, %swap3A_241], %get3A_239 {add = true, strides = array<i32>} : memref<64x256xf32, #tpu.memory_space<vmem>>, vector<16xf32>,
        %mul3A_243 = arith.mulf %get3A_239, %get3A_239 : vector<16xf32>
        %add3A_244 = arith.addf %broadcast_in_dim3A_8, %mul3A_243 : vector<16xf32>
        %get3A_245 = arith.index_cast %sub3A_225 : i32 to index
        %get3A_246 = arith.constant 32 : index
        %get3A_247 = tpu.vector_load %arg10[%get3A_245, %get3A_246] {strides = array<i32>} : memref<128x256xf32, #tpu.memory_space<vmem>>, vector<16xf32>,
        %swap3A_248 = arith.index_cast %squeeze3A : i32 to index
        %swap3A_249 = arith.constant 32 : index
        %swap3A_250 = tpu.vector_load %arg12[%swap3A_248, %swap3A_249] {strides = array<i32>} : memref<64x256xf32, #tpu.memory_space<vmem>>, vector<16xf32>,
        tpu.vector_store %arg12[%swap3A_248, %swap3A_249], %get3A_247 {add = true, strides = array<i32>} : memref<64x256xf32, #tpu.memory_space<vmem>>, vector<16xf32>,
        %mul3A_251 = arith.mulf %get3A_247, %get3A_247 : vector<16xf32>
        %add3A_252 = arith.addf %broadcast_in_dim3A_8, %mul3A_251 : vector<16xf32>
        %get3A_253 = arith.index_cast %sub3A_225 : i32 to index
        %get3A_254 = arith.constant 48 : index
        %get3A_255 = tpu.vector_load %arg10[%get3A_253, %get3A_254] {strides = array<i32>} : memref<128x256xf32, #tpu.memory_space<vmem>>, vector<16xf32>,
        %swap3A_256 = arith.index_cast %squeeze3A : i32 to index
        %swap3A_257 = arith.constant 48 : index
        %swap3A_258 = tpu.vector_load %arg12[%swap3A_256, %swap3A_257] {strides = array<i32>} : memref<64x256xf32, #tpu.memory_space<vmem>>, vector<16xf32>,
        tpu.vector_store %arg12[%swap3A_256, %swap3A_257], %get3A_255 {add = true, strides = array<i32>} : memref<64x256xf32, #tpu.memory_space<vmem>>, vector<16xf32>,
        %mul3A_259 = arith.mulf %get3A_255, %get3A_255 : vector<16xf32>
        %add3A_260 = arith.addf %broadcast_in_dim3A_8, %mul3A_259 : vector<16xf32>
        %get3A_261 = arith.index_cast %sub3A_225 : i32 to index
        %get3A_262 = arith.constant 64 : index
        %get3A_263 = tpu.vector_load %arg10[%get3A_261, %get3A_262] {strides = array<i32>} : memref<128x256xf32, #tpu.memory_space<vmem>>, vector<16xf32>,
        %swap3A_264 = arith.index_cast %squeeze3A : i32 to index
        %swap3A_265 = arith.constant 64 : index
        %swap3A_266 = tpu.vector_load %arg12[%swap3A_264, %swap3A_265] {strides = array<i32>} : memref<64x256xf32, #tpu.memory_space<vmem>>, vector<16xf32>,
        tpu.vector_store %arg12[%swap3A_264, %swap3A_265], %get3A_263 {add = true, strides = array<i32>} : memref<64x256xf32, #tpu.memory_space<vmem>>, vector<16xf32>,
        %mul3A_267 = arith.mulf %get3A_263, %get3A_263 : vector<16xf32>
        %add3A_268 = arith.addf %add3A_236, %mul3A_267 : vector<16xf32>
        %get3A_269 = arith.index_cast %sub3A_225 : i32 to index
        %get3A_270 = arith.constant 80 : index
        %get3A_271 = tpu.vector_load %arg10[%get3A_269, %get3A_270] {strides = array<i32>} : memref<128x256xf32, #tpu.memory_space<vmem>>, vector<16xf32>,
        %swap3A_272 = arith.index_cast %squeeze3A : i32 to index
        %swap3A_273 = arith.constant 80 : index
        %swap3A_274 = tpu.vector_load %arg12[%swap3A_272, %swap3A_273] {strides = array<i32>} : memref<64x256xf32, #tpu.memory_space<vmem>>, vector<16xf32>,
        tpu.vector_store %arg12[%swap3A_272, %swap3A_273], %get3A_271 {add = true, strides = array<i32>} : memref<64x256xf32, #tpu.memory_space<vmem>>, vector<16xf32>,
        %mul3A_275 = arith.mulf %get3A_271, %get3A_271 : vector<16xf32>
        %add3A_276 = arith.addf %add3A_244, %mul3A_275 : vector<16xf32>
        %get3A_277 = arith.index_cast %sub3A_225 : i32 to index
        %get3A_278 = arith.constant 96 : index
        %get3A_279 = tpu.vector_load %arg10[%get3A_277, %get3A_278] {strides = array<i32>} : memref<128x256xf32, #tpu.memory_space<vmem>>, vector<16xf32>,
        %swap3A_280 = arith.index_cast %squeeze3A : i32 to index
        %swap3A_281 = arith.constant 96 : index
        %swap3A_282 = tpu.vector_load %arg12[%swap3A_280, %swap3A_281] {strides = array<i32>} : memref<64x256xf32, #tpu.memory_space<vmem>>, vector<16xf32>,
        tpu.vector_store %arg12[%swap3A_280, %swap3A_281], %get3A_279 {add = true, strides = array<i32>} : memref<64x256xf32, #tpu.memory_space<vmem>>, vector<16xf32>,
        %mul3A_283 = arith.mulf %get3A_279, %get3A_279 : vector<16xf32>
        %add3A_284 = arith.addf %add3A_252, %mul3A_283 : vector<16xf32>
        %get3A_285 = arith.index_cast %sub3A_225 : i32 to index
        %get3A_286 = arith.constant 112 : index
        %get3A_287 = tpu.vector_load %arg10[%get3A_285, %get3A_286] {strides = array<i32>} : memref<128x256xf32, #tpu.memory_space<vmem>>, vector<16xf32>,
        %swap3A_288 = arith.index_cast %squeeze3A : i32 to index
        %swap3A_289 = arith.constant 112 : index
        %swap3A_290 = tpu.vector_load %arg12[%swap3A_288, %swap3A_289] {strides = array<i32>} : memref<64x256xf32, #tpu.memory_space<vmem>>, vector<16xf32>,
        tpu.vector_store %arg12[%swap3A_288, %swap3A_289], %get3A_287 {add = true, strides = array<i32>} : memref<64x256xf32, #tpu.memory_space<vmem>>, vector<16xf32>,
        %mul3A_291 = arith.mulf %get3A_287, %get3A_287 : vector<16xf32>
        %add3A_292 = arith.addf %add3A_260, %mul3A_291 : vector<16xf32>
        %get3A_293 = arith.index_cast %sub3A_225 : i32 to index
        %get3A_294 = arith.constant 128 : index
        %get3A_295 = tpu.vector_load %arg10[%get3A_293, %get3A_294] {strides = array<i32>} : memref<128x256xf32, #tpu.memory_space<vmem>>, vector<16xf32>,
        %swap3A_296 = arith.index_cast %squeeze3A : i32 to index
        %swap3A_297 = arith.constant 128 : index
        %swap3A_298 = tpu.vector_load %arg12[%swap3A_296, %swap3A_297] {strides = array<i32>} : memref<64x256xf32, #tpu.memory_space<vmem>>, vector<16xf32>,
        tpu.vector_store %arg12[%swap3A_296, %swap3A_297], %get3A_295 {add = true, strides = array<i32>} : memref<64x256xf32, #tpu.memory_space<vmem>>, vector<16xf32>,
        %mul3A_299 = arith.mulf %get3A_295, %get3A_295 : vector<16xf32>
        %add3A_300 = arith.addf %add3A_268, %mul3A_299 : vector<16xf32>
        %get3A_301 = arith.index_cast %sub3A_225 : i32 to index
        %get3A_302 = arith.constant 144 : index
        %get3A_303 = tpu.vector_load %arg10[%get3A_301, %get3A_302] {strides = array<i32>} : memref<128x256xf32, #tpu.memory_space<vmem>>, vector<16xf32>,
        %swap3A_304 = arith.index_cast %squeeze3A : i32 to index
        %swap3A_305 = arith.constant 144 : index
        %swap3A_306 = tpu.vector_load %arg12[%swap3A_304, %swap3A_305] {strides = array<i32>} : memref<64x256xf32, #tpu.memory_space<vmem>>, vector<16xf32>,
        tpu.vector_store %arg12[%swap3A_304, %swap3A_305], %get3A_303 {add = true, strides = array<i32>} : memref<64x256xf32, #tpu.memory_space<vmem>>, vector<16xf32>,
        %mul3A_307 = arith.mulf %get3A_303, %get3A_303 : vector<16xf32>
        %add3A_308 = arith.addf %add3A_276, %mul3A_307 : vector<16xf32>
        %get3A_309 = arith.index_cast %sub3A_225 : i32 to index
        %get3A_310 = arith.constant 160 : index
        %get3A_311 = tpu.vector_load %arg10[%get3A_309, %get3A_310] {strides = array<i32>} : memref<128x256xf32, #tpu.memory_space<vmem>>, vector<16xf32>,
        %swap3A_312 = arith.index_cast %squeeze3A : i32 to index
        %swap3A_313 = arith.constant 160 : index
        %swap3A_314 = tpu.vector_load %arg12[%swap3A_312, %swap3A_313] {strides = array<i32>} : memref<64x256xf32, #tpu.memory_space<vmem>>, vector<16xf32>,
        tpu.vector_store %arg12[%swap3A_312, %swap3A_313], %get3A_311 {add = true, strides = array<i32>} : memref<64x256xf32, #tpu.memory_space<vmem>>, vector<16xf32>,
        %mul3A_315 = arith.mulf %get3A_311, %get3A_311 : vector<16xf32>
        %add3A_316 = arith.addf %add3A_284, %mul3A_315 : vector<16xf32>
        %get3A_317 = arith.index_cast %sub3A_225 : i32 to index
        %get3A_318 = arith.constant 176 : index
        %get3A_319 = tpu.vector_load %arg10[%get3A_317, %get3A_318] {strides = array<i32>} : memref<128x256xf32, #tpu.memory_space<vmem>>, vector<16xf32>,
        %swap3A_320 = arith.index_cast %squeeze3A : i32 to index
        %swap3A_321 = arith.constant 176 : index
        %swap3A_322 = tpu.vector_load %arg12[%swap3A_320, %swap3A_321] {strides = array<i32>} : memref<64x256xf32, #tpu.memory_space<vmem>>, vector<16xf32>,
        tpu.vector_store %arg12[%swap3A_320, %swap3A_321], %get3A_319 {add = true, strides = array<i32>} : memref<64x256xf32, #tpu.memory_space<vmem>>, vector<16xf32>,
        %mul3A_323 = arith.mulf %get3A_319, %get3A_319 : vector<16xf32>
        %add3A_324 = arith.addf %add3A_292, %mul3A_323 : vector<16xf32>
        %get3A_325 = arith.index_cast %sub3A_225 : i32 to index
        %get3A_326 = arith.constant 192 : index
        %get3A_327 = tpu.vector_load %arg10[%get3A_325, %get3A_326] {strides = array<i32>} : memref<128x256xf32, #tpu.memory_space<vmem>>, vector<16xf32>,
        %swap3A_328 = arith.index_cast %squeeze3A : i32 to index
        %swap3A_329 = arith.constant 192 : index
        %swap3A_330 = tpu.vector_load %arg12[%swap3A_328, %swap3A_329] {strides = array<i32>} : memref<64x256xf32, #tpu.memory_space<vmem>>, vector<16xf32>,
        tpu.vector_store %arg12[%swap3A_328, %swap3A_329], %get3A_327 {add = true, strides = array<i32>} : memref<64x256xf32, #tpu.memory_space<vmem>>, vector<16xf32>,
        %mul3A_331 = arith.mulf %get3A_327, %get3A_327 : vector<16xf32>
        %add3A_332 = arith.addf %add3A_300, %mul3A_331 : vector<16xf32>
        %get3A_333 = arith.index_cast %sub3A_225 : i32 to index
        %get3A_334 = arith.constant 208 : index
        %get3A_335 = tpu.vector_load %arg10[%get3A_333, %get3A_334] {strides = array<i32>} : memref<128x256xf32, #tpu.memory_space<vmem>>, vector<16xf32>,
        %swap3A_336 = arith.index_cast %squeeze3A : i32 to index
        %swap3A_337 = arith.constant 208 : index
        %swap3A_338 = tpu.vector_load %arg12[%swap3A_336, %swap3A_337] {strides = array<i32>} : memref<64x256xf32, #tpu.memory_space<vmem>>, vector<16xf32>,
        tpu.vector_store %arg12[%swap3A_336, %swap3A_337], %get3A_335 {add = true, strides = array<i32>} : memref<64x256xf32, #tpu.memory_space<vmem>>, vector<16xf32>,
        %mul3A_339 = arith.mulf %get3A_335, %get3A_335 : vector<16xf32>
        %add3A_340 = arith.addf %add3A_308, %mul3A_339 : vector<16xf32>
        %get3A_341 = arith.index_cast %sub3A_225 : i32 to index
        %get3A_342 = arith.constant 224 : index
        %get3A_343 = tpu.vector_load %arg10[%get3A_341, %get3A_342] {strides = array<i32>} : memref<128x256xf32, #tpu.memory_space<vmem>>, vector<16xf32>,
        %swap3A_344 = arith.index_cast %squeeze3A : i32 to index
        %swap3A_345 = arith.constant 224 : index
        %swap3A_346 = tpu.vector_load %arg12[%swap3A_344, %swap3A_345] {strides = array<i32>} : memref<64x256xf32, #tpu.memory_space<vmem>>, vector<16xf32>,
        tpu.vector_store %arg12[%swap3A_344, %swap3A_345], %get3A_343 {add = true, strides = array<i32>} : memref<64x256xf32, #tpu.memory_space<vmem>>, vector<16xf32>,
        %mul3A_347 = arith.mulf %get3A_343, %get3A_343 : vector<16xf32>
        %add3A_348 = arith.addf %add3A_316, %mul3A_347 : vector<16xf32>
        %get3A_349 = arith.index_cast %sub3A_225 : i32 to index
        %get3A_350 = arith.constant 240 : index
        %get3A_351 = tpu.vector_load %arg10[%get3A_349, %get3A_350] {strides = array<i32>} : memref<128x256xf32, #tpu.memory_space<vmem>>, vector<16xf32>,
        %swap3A_352 = arith.index_cast %squeeze3A : i32 to index
        %swap3A_353 = arith.constant 240 : index
        %swap3A_354 = tpu.vector_load %arg12[%swap3A_352, %swap3A_353] {strides = array<i32>} : memref<64x256xf32, #tpu.memory_space<vmem>>, vector<16xf32>,
        tpu.vector_store %arg12[%swap3A_352, %swap3A_353], %get3A_351 {add = true, strides = array<i32>} : memref<64x256xf32, #tpu.memory_space<vmem>>, vector<16xf32>,
        %mul3A_355 = arith.mulf %get3A_351, %get3A_351 : vector<16xf32>
        %add3A_356 = arith.addf %add3A_324, %mul3A_355 : vector<16xf32>
        %swap3A_357 = arith.index_cast %squeeze3A : i32 to index
        %swap3A_358 = arith.constant 0 : index
        %swap3A_359 = tpu.vector_load %arg13[%swap3A_357, %swap3A_358] {strides = array<i32>} : memref<64x16xf32, #tpu.memory_space<vmem>>, vector<16xf32>,
        tpu.vector_store %arg13[%swap3A_357, %swap3A_358], %select_n3A {add = true, strides = array<i32>} : memref<64x16xf32, #tpu.memory_space<vmem>>, vector<16xf32>,
        %swap3A_360 = arith.constant 0 : i32
        %swap3A_361 = arith.index_cast %swap3A_360 : i32 to index
        %swap3A_362 = arith.constant 0 : index
        %swap3A_363 = tpu.vector_load %arg14[%swap3A_361, %swap3A_362] {strides = array<i32>} : memref<4x16xf32, #tpu.memory_space<vmem>>, vector<16xf32>,
        tpu.vector_store %arg14[%swap3A_361, %swap3A_362], %add3A_332 {add = true, strides = array<i32>} : memref<4x16xf32, #tpu.memory_space<vmem>>, vector<16xf32>,
        %swap3A_364 = arith.constant 1 : i32
        %swap3A_365 = arith.index_cast %swap3A_364 : i32 to index
        %swap3A_366 = arith.constant 0 : index
        %swap3A_367 = tpu.vector_load %arg14[%swap3A_365, %swap3A_366] {strides = array<i32>} : memref<4x16xf32, #tpu.memory_space<vmem>>, vector<16xf32>,
        tpu.vector_store %arg14[%swap3A_365, %swap3A_366], %add3A_340 {add = true, strides = array<i32>} : memref<4x16xf32, #tpu.memory_space<vmem>>, vector<16xf32>,
        %swap3A_368 = arith.constant 2 : i32
        %swap3A_369 = arith.index_cast %swap3A_368 : i32 to index
        %swap3A_370 = arith.constant 0 : index
        %swap3A_371 = tpu.vector_load %arg14[%swap3A_369, %swap3A_370] {strides = array<i32>} : memref<4x16xf32, #tpu.memory_space<vmem>>, vector<16xf32>,
        tpu.vector_store %arg14[%swap3A_369, %swap3A_370], %add3A_348 {add = true, strides = array<i32>} : memref<4x16xf32, #tpu.memory_space<vmem>>, vector<16xf32>,
        %swap3A_372 = arith.constant 3 : i32
        %swap3A_373 = arith.index_cast %swap3A_372 : i32 to index
        %swap3A_374 = arith.constant 0 : index
        %swap3A_375 = tpu.vector_load %arg14[%swap3A_373, %swap3A_374] {strides = array<i32>} : memref<4x16xf32, #tpu.memory_space<vmem>>, vector<16xf32>,
        tpu.vector_store %arg14[%swap3A_373, %swap3A_374], %add3A_356 {add = true, strides = array<i32>} : memref<4x16xf32, #tpu.memory_space<vmem>>, vector<16xf32>,
      } else {
      }
      %lt3A_220 = arith.cmpi slt, %add3A_178, %shift_right_logical3A_114 : i32
      %convert_element_type3A_221 = arith.extui %lt3A_220 : i1 to i32
      %cond3A_222 = arith.constant 0 : i32
      %cond3A_223 = arith.cmpi ne, %convert_element_type3A_221, %cond3A_222 : i32
      scf.if %cond3A_223 {
        %dma_wait3A_224 = arith.constant 0 : i32
        %dma_wait3A_225 = tpu.memref_slice %arg8[%add3A_178, %dma_wait3A_224] : memref<65x128xi32, #tpu.memory_space<vmem>> -> memref<1x128xi32, #tpu.memory_space<vmem>>
        %dma_wait3A_226 = tpu.memref_squeeze %dma_wait3A_225 : memref<1x128xi32, #tpu.memory_space<vmem>> -> memref<128xi32, #tpu.memory_space<vmem>>
        %dma_wait3A_227 = arith.constant 0 : i32
        %dma_wait3A_228 = arith.constant 0 : i32
        %dma_wait3A_229 = tpu.memref_slice %arg3[%dma_wait3A_227, %dma_wait3A_228] : memref<16384x256xf32, #tpu.memory_space<hbm>> -> memref<16384x256xf32, #tpu.memory_space<hbm>>
        tpu.wait_indirect_dma semaphore(%arg16 : memref<!tpu.dma_semaphore, #tpu.memory_space<semaphore_mem>>) src(%dma_wait3A_229 : memref<16384x256xf32, #tpu.memory_space<hbm>>) dst(%arg11 : memref<128x256xf32, #tpu.memory_space<vmem>>)
        %add3A_230 = arith.constant 1 : i32
        %add3A_231 = arith.addi %add3A_178, %add3A_230 : i32
        %lt3A_232 = arith.cmpi slt, %add3A_231, %shift_right_logical3A_114 : i32
        %convert_element_type3A_233 = arith.extui %lt3A_232 : i1 to i32
        %cond3A_234 = arith.constant 0 : i32
        %cond3A_235 = arith.cmpi ne, %convert_element_type3A_233, %cond3A_234 : i32
        scf.if %cond3A_235 {
          %add3A_271 = arith.constant 1 : i32
          %add3A_272 = arith.addi %add3A_178, %add3A_271 : i32
          %dma_start3A_273 = arith.constant 0 : i32
          %dma_start3A_274 = tpu.memref_slice %arg8[%add3A_272, %dma_start3A_273] : memref<65x128xi32, #tpu.memory_space<vmem>> -> memref<1x128xi32, #tpu.memory_space<vmem>>
          %dma_start3A_275 = tpu.memref_squeeze %dma_start3A_274 : memref<1x128xi32, #tpu.memory_space<vmem>> -> memref<128xi32, #tpu.memory_space<vmem>>
          %dma_start3A_276 = arith.constant 0 : i32
          %dma_start3A_277 = arith.constant 0 : i32
          %dma_start3A_278 = tpu.memref_slice %arg3[%dma_start3A_276, %dma_start3A_277] : memref<16384x256xf32, #tpu.memory_space<hbm>> -> memref<16384x256xf32, #tpu.memory_space<hbm>>
          tpu.enqueue_indirect_dma source(%dma_start3A_278 : memref<16384x256xf32, #tpu.memory_space<hbm>>) target(%arg10 : memref<128x256xf32, #tpu.memory_space<vmem>>) offsets(%dma_start3A_275 : memref<128xi32, #tpu.memory_space<vmem>>) semaphore(%arg15 : memref<!tpu.dma_semaphore, #tpu.memory_space<semaphore_mem>>)
        } else {
        }
        %mul3A_236 = arith.constant 128 : i32
        %mul3A_237 = arith.muli %add3A_178, %mul3A_236 : i32
        %sub3A_238 = arith.subi %parallel_loop3A_30, %mul3A_237 : i32
        %min3A_239 = arith.constant 128 : i32
        %min3A_240 = arith.minsi %sub3A_238, %min3A_239 : i32
        %max3A_241 = arith.constant 0 : i32
        %max3A_242 = arith.maxsi %min3A_240, %max3A_241 : i32
        %shift_right_logical3A_243 = arith.constant 1 : i32
        %shift_right_logical3A_244 = arith.shrui %max3A_242, %shift_right_logical3A_243 : i32
        %parallel_loop3A_245 = arith.constant 0 : i32
        %parallel_loop3A_246 = arith.constant 1 : i32
        %parallel_loop3A_247:4 = scf.for %parallel_loop3A_271 = %parallel_loop3A_245 to %shift_right_logical3A_244 step %parallel_loop3A_246 iter_args(%parallel_loop3A_272 = %broadcast_in_dim3A_8, %parallel_loop3A_273 = %broadcast_in_dim3A_8, %parallel_loop3A_274 = %broadcast_in_dim3A_8, %parallel_loop3A_275 = %broadcast_in_dim3A_8) -> (vector<16xf32>, vector<16xf32>, vector<16xf32>, vector<16xf32>)  : i32 {
          %parallel_loop3A_276 = arith.constant 2 : i32
          %parallel_loop3A_277 = arith.muli %parallel_loop3A_271, %parallel_loop3A_276 : i32
          %parallel_loop3A_278 = arith.addi %mul3A_237, %parallel_loop3A_277 : i32
          %parallel_loop3A_279 = arith.index_cast %parallel_loop3A_278 : i32 to index
          %parallel_loop3A_280 = tpu.vector_load %arg9[%parallel_loop3A_279] {strides = array<i32>} : memref<8336xi32, #tpu.memory_space<vmem>>, vector<16xi32>,
          %parallel_loop3A_281 = vector.extract_strided_slice %parallel_loop3A_280 {offsets = [0], sizes = [1], strides = [1]} : vector<16xi32> to vector<1xi32>
          %parallel_loop3A_282 = vector.extract %parallel_loop3A_281[0] : i32 from vector<1xi32>
          %parallel_loop3A_283 = arith.index_cast %parallel_loop3A_277 : i32 to index
          %parallel_loop3A_284 = arith.constant 0 : index
          %parallel_loop3A_285 = tpu.vector_load %arg11[%parallel_loop3A_283, %parallel_loop3A_284] {strides = array<i32>} : memref<128x256xf32, #tpu.memory_space<vmem>>, vector<16xf32>,
          %parallel_loop3A_286 = arith.index_cast %parallel_loop3A_282 : i32 to index
          %parallel_loop3A_287 = arith.constant 0 : index
          %parallel_loop3A_288 = tpu.vector_load %arg12[%parallel_loop3A_286, %parallel_loop3A_287] {strides = array<i32>} : memref<64x256xf32, #tpu.memory_space<vmem>>, vector<16xf32>,
          tpu.vector_store %arg12[%parallel_loop3A_286, %parallel_loop3A_287], %parallel_loop3A_285 {add = true, strides = array<i32>} : memref<64x256xf32, #tpu.memory_space<vmem>>, vector<16xf32>,
          %parallel_loop3A_289 = arith.mulf %parallel_loop3A_285, %parallel_loop3A_285 : vector<16xf32>
          %parallel_loop3A_290 = arith.addf %parallel_loop3A_272, %parallel_loop3A_289 : vector<16xf32>
          %parallel_loop3A_291 = arith.index_cast %parallel_loop3A_277 : i32 to index
          %parallel_loop3A_292 = arith.constant 16 : index
          %parallel_loop3A_293 = tpu.vector_load %arg11[%parallel_loop3A_291, %parallel_loop3A_292] {strides = array<i32>} : memref<128x256xf32, #tpu.memory_space<vmem>>, vector<16xf32>,
          %parallel_loop3A_294 = arith.index_cast %parallel_loop3A_282 : i32 to index
          %parallel_loop3A_295 = arith.constant 16 : index
          %parallel_loop3A_296 = tpu.vector_load %arg12[%parallel_loop3A_294, %parallel_loop3A_295] {strides = array<i32>} : memref<64x256xf32, #tpu.memory_space<vmem>>, vector<16xf32>,
          tpu.vector_store %arg12[%parallel_loop3A_294, %parallel_loop3A_295], %parallel_loop3A_293 {add = true, strides = array<i32>} : memref<64x256xf32, #tpu.memory_space<vmem>>, vector<16xf32>,
          %parallel_loop3A_297 = arith.mulf %parallel_loop3A_293, %parallel_loop3A_293 : vector<16xf32>
          %parallel_loop3A_298 = arith.addf %parallel_loop3A_273, %parallel_loop3A_297 : vector<16xf32>
          %parallel_loop3A_299 = arith.index_cast %parallel_loop3A_277 : i32 to index
          %parallel_loop3A_300 = arith.constant 32 : index
          %parallel_loop3A_301 = tpu.vector_load %arg11[%parallel_loop3A_299, %parallel_loop3A_300] {strides = array<i32>} : memref<128x256xf32, #tpu.memory_space<vmem>>, vector<16xf32>,
          %parallel_loop3A_302 = arith.index_cast %parallel_loop3A_282 : i32 to index
          %parallel_loop3A_303 = arith.constant 32 : index
          %parallel_loop3A_304 = tpu.vector_load %arg12[%parallel_loop3A_302, %parallel_loop3A_303] {strides = array<i32>} : memref<64x256xf32, #tpu.memory_space<vmem>>, vector<16xf32>,
          tpu.vector_store %arg12[%parallel_loop3A_302, %parallel_loop3A_303], %parallel_loop3A_301 {add = true, strides = array<i32>} : memref<64x256xf32, #tpu.memory_space<vmem>>, vector<16xf32>,
          %parallel_loop3A_305 = arith.mulf %parallel_loop3A_301, %parallel_loop3A_301 : vector<16xf32>
          %parallel_loop3A_306 = arith.addf %parallel_loop3A_274, %parallel_loop3A_305 : vector<16xf32>
          %parallel_loop3A_307 = arith.index_cast %parallel_loop3A_277 : i32 to index
          %parallel_loop3A_308 = arith.constant 48 : index
          %parallel_loop3A_309 = tpu.vector_load %arg11[%parallel_loop3A_307, %parallel_loop3A_308] {strides = array<i32>} : memref<128x256xf32, #tpu.memory_space<vmem>>, vector<16xf32>,
          %parallel_loop3A_310 = arith.index_cast %parallel_loop3A_282 : i32 to index
          %parallel_loop3A_311 = arith.constant 48 : index
          %parallel_loop3A_312 = tpu.vector_load %arg12[%parallel_loop3A_310, %parallel_loop3A_311] {strides = array<i32>} : memref<64x256xf32, #tpu.memory_space<vmem>>, vector<16xf32>,
          tpu.vector_store %arg12[%parallel_loop3A_310, %parallel_loop3A_311], %parallel_loop3A_309 {add = true, strides = array<i32>} : memref<64x256xf32, #tpu.memory_space<vmem>>, vector<16xf32>,
          %parallel_loop3A_313 = arith.mulf %parallel_loop3A_309, %parallel_loop3A_309 : vector<16xf32>
          %parallel_loop3A_314 = arith.addf %parallel_loop3A_275, %parallel_loop3A_313 : vector<16xf32>
          %parallel_loop3A_315 = arith.index_cast %parallel_loop3A_277 : i32 to index
          %parallel_loop3A_316 = arith.constant 64 : index
          %parallel_loop3A_317 = tpu.vector_load %arg11[%parallel_loop3A_315, %parallel_loop3A_316] {strides = array<i32>} : memref<128x256xf32, #tpu.memory_space<vmem>>, vector<16xf32>,
          %parallel_loop3A_318 = arith.index_cast %parallel_loop3A_282 : i32 to index
          %parallel_loop3A_319 = arith.constant 64 : index
          %parallel_loop3A_320 = tpu.vector_load %arg12[%parallel_loop3A_318, %parallel_loop3A_319] {strides = array<i32>} : memref<64x256xf32, #tpu.memory_space<vmem>>, vector<16xf32>,
          tpu.vector_store %arg12[%parallel_loop3A_318, %parallel_loop3A_319], %parallel_loop3A_317 {add = true, strides = array<i32>} : memref<64x256xf32, #tpu.memory_space<vmem>>, vector<16xf32>,
          %parallel_loop3A_321 = arith.mulf %parallel_loop3A_317, %parallel_loop3A_317 : vector<16xf32>
          %parallel_loop3A_322 = arith.addf %parallel_loop3A_290, %parallel_loop3A_321 : vector<16xf32>
          %parallel_loop3A_323 = arith.index_cast %parallel_loop3A_277 : i32 to index
          %parallel_loop3A_324 = arith.constant 80 : index
          %parallel_loop3A_325 = tpu.vector_load %arg11[%parallel_loop3A_323, %parallel_loop3A_324] {strides = array<i32>} : memref<128x256xf32, #tpu.memory_space<vmem>>, vector<16xf32>,
          %parallel_loop3A_326 = arith.index_cast %parallel_loop3A_282 : i32 to index
          %parallel_loop3A_327 = arith.constant 80 : index
          %parallel_loop3A_328 = tpu.vector_load %arg12[%parallel_loop3A_326, %parallel_loop3A_327] {strides = array<i32>} : memref<64x256xf32, #tpu.memory_space<vmem>>, vector<16xf32>,
          tpu.vector_store %arg12[%parallel_loop3A_326, %parallel_loop3A_327], %parallel_loop3A_325 {add = true, strides = array<i32>} : memref<64x256xf32, #tpu.memory_space<vmem>>, vector<16xf32>,
          %parallel_loop3A_329 = arith.mulf %parallel_loop3A_325, %parallel_loop3A_325 : vector<16xf32>
          %parallel_loop3A_330 = arith.addf %parallel_loop3A_298, %parallel_loop3A_329 : vector<16xf32>
          %parallel_loop3A_331 = arith.index_cast %parallel_loop3A_277 : i32 to index
          %parallel_loop3A_332 = arith.constant 96 : index
          %parallel_loop3A_333 = tpu.vector_load %arg11[%parallel_loop3A_331, %parallel_loop3A_332] {strides = array<i32>} : memref<128x256xf32, #tpu.memory_space<vmem>>, vector<16xf32>,
          %parallel_loop3A_334 = arith.index_cast %parallel_loop3A_282 : i32 to index
          %parallel_loop3A_335 = arith.constant 96 : index
          %parallel_loop3A_336 = tpu.vector_load %arg12[%parallel_loop3A_334, %parallel_loop3A_335] {strides = array<i32>} : memref<64x256xf32, #tpu.memory_space<vmem>>, vector<16xf32>,
          tpu.vector_store %arg12[%parallel_loop3A_334, %parallel_loop3A_335], %parallel_loop3A_333 {add = true, strides = array<i32>} : memref<64x256xf32, #tpu.memory_space<vmem>>, vector<16xf32>,
          %parallel_loop3A_337 = arith.mulf %parallel_loop3A_333, %parallel_loop3A_333 : vector<16xf32>
          %parallel_loop3A_338 = arith.addf %parallel_loop3A_306, %parallel_loop3A_337 : vector<16xf32>
          %parallel_loop3A_339 = arith.index_cast %parallel_loop3A_277 : i32 to index
          %parallel_loop3A_340 = arith.constant 112 : index
          %parallel_loop3A_341 = tpu.vector_load %arg11[%parallel_loop3A_339, %parallel_loop3A_340] {strides = array<i32>} : memref<128x256xf32, #tpu.memory_space<vmem>>, vector<16xf32>,
          %parallel_loop3A_342 = arith.index_cast %parallel_loop3A_282 : i32 to index
          %parallel_loop3A_343 = arith.constant 112 : index
          %parallel_loop3A_344 = tpu.vector_load %arg12[%parallel_loop3A_342, %parallel_loop3A_343] {strides = array<i32>} : memref<64x256xf32, #tpu.memory_space<vmem>>, vector<16xf32>,
          tpu.vector_store %arg12[%parallel_loop3A_342, %parallel_loop3A_343], %parallel_loop3A_341 {add = true, strides = array<i32>} : memref<64x256xf32, #tpu.memory_space<vmem>>, vector<16xf32>,
          %parallel_loop3A_345 = arith.mulf %parallel_loop3A_341, %parallel_loop3A_341 : vector<16xf32>
          %parallel_loop3A_346 = arith.addf %parallel_loop3A_314, %parallel_loop3A_345 : vector<16xf32>
          %parallel_loop3A_347 = arith.index_cast %parallel_loop3A_277 : i32 to index
          %parallel_loop3A_348 = arith.constant 128 : index
          %parallel_loop3A_349 = tpu.vector_load %arg11[%parallel_loop3A_347, %parallel_loop3A_348] {strides = array<i32>} : memref<128x256xf32, #tpu.memory_space<vmem>>, vector<16xf32>,
          %parallel_loop3A_350 = arith.index_cast %parallel_loop3A_282 : i32 to index
          %parallel_loop3A_351 = arith.constant 128 : index
          %parallel_loop3A_352 = tpu.vector_load %arg12[%parallel_loop3A_350, %parallel_loop3A_351] {strides = array<i32>} : memref<64x256xf32, #tpu.memory_space<vmem>>, vector<16xf32>,
          tpu.vector_store %arg12[%parallel_loop3A_350, %parallel_loop3A_351], %parallel_loop3A_349 {add = true, strides = array<i32>} : memref<64x256xf32, #tpu.memory_space<vmem>>, vector<16xf32>,
          %parallel_loop3A_353 = arith.mulf %parallel_loop3A_349, %parallel_loop3A_349 : vector<16xf32>
          %parallel_loop3A_354 = arith.addf %parallel_loop3A_322, %parallel_loop3A_353 : vector<16xf32>
          %parallel_loop3A_355 = arith.index_cast %parallel_loop3A_277 : i32 to index
          %parallel_loop3A_356 = arith.constant 144 : index
          %parallel_loop3A_357 = tpu.vector_load %arg11[%parallel_loop3A_355, %parallel_loop3A_356] {strides = array<i32>} : memref<128x256xf32, #tpu.memory_space<vmem>>, vector<16xf32>,
          %parallel_loop3A_358 = arith.index_cast %parallel_loop3A_282 : i32 to index
          %parallel_loop3A_359 = arith.constant 144 : index
          %parallel_loop3A_360 = tpu.vector_load %arg12[%parallel_loop3A_358, %parallel_loop3A_359] {strides = array<i32>} : memref<64x256xf32, #tpu.memory_space<vmem>>, vector<16xf32>,
          tpu.vector_store %arg12[%parallel_loop3A_358, %parallel_loop3A_359], %parallel_loop3A_357 {add = true, strides = array<i32>} : memref<64x256xf32, #tpu.memory_space<vmem>>, vector<16xf32>,
          %parallel_loop3A_361 = arith.mulf %parallel_loop3A_357, %parallel_loop3A_357 : vector<16xf32>
          %parallel_loop3A_362 = arith.addf %parallel_loop3A_330, %parallel_loop3A_361 : vector<16xf32>
          %parallel_loop3A_363 = arith.index_cast %parallel_loop3A_277 : i32 to index
          %parallel_loop3A_364 = arith.constant 160 : index
          %parallel_loop3A_365 = tpu.vector_load %arg11[%parallel_loop3A_363, %parallel_loop3A_364] {strides = array<i32>} : memref<128x256xf32, #tpu.memory_space<vmem>>, vector<16xf32>,
          %parallel_loop3A_366 = arith.index_cast %parallel_loop3A_282 : i32 to index
          %parallel_loop3A_367 = arith.constant 160 : index
          %parallel_loop3A_368 = tpu.vector_load %arg12[%parallel_loop3A_366, %parallel_loop3A_367] {strides = array<i32>} : memref<64x256xf32, #tpu.memory_space<vmem>>, vector<16xf32>,
          tpu.vector_store %arg12[%parallel_loop3A_366, %parallel_loop3A_367], %parallel_loop3A_365 {add = true, strides = array<i32>} : memref<64x256xf32, #tpu.memory_space<vmem>>, vector<16xf32>,
          %parallel_loop3A_369 = arith.mulf %parallel_loop3A_365, %parallel_loop3A_365 : vector<16xf32>
          %parallel_loop3A_370 = arith.addf %parallel_loop3A_338, %parallel_loop3A_369 : vector<16xf32>
          %parallel_loop3A_371 = arith.index_cast %parallel_loop3A_277 : i32 to index
          %parallel_loop3A_372 = arith.constant 176 : index
          %parallel_loop3A_373 = tpu.vector_load %arg11[%parallel_loop3A_371, %parallel_loop3A_372] {strides = array<i32>} : memref<128x256xf32, #tpu.memory_space<vmem>>, vector<16xf32>,
          %parallel_loop3A_374 = arith.index_cast %parallel_loop3A_282 : i32 to index
          %parallel_loop3A_375 = arith.constant 176 : index
          %parallel_loop3A_376 = tpu.vector_load %arg12[%parallel_loop3A_374, %parallel_loop3A_375] {strides = array<i32>} : memref<64x256xf32, #tpu.memory_space<vmem>>, vector<16xf32>,
          tpu.vector_store %arg12[%parallel_loop3A_374, %parallel_loop3A_375], %parallel_loop3A_373 {add = true, strides = array<i32>} : memref<64x256xf32, #tpu.memory_space<vmem>>, vector<16xf32>,
          %parallel_loop3A_377 = arith.mulf %parallel_loop3A_373, %parallel_loop3A_373 : vector<16xf32>
          %parallel_loop3A_378 = arith.addf %parallel_loop3A_346, %parallel_loop3A_377 : vector<16xf32>
          %parallel_loop3A_379 = arith.index_cast %parallel_loop3A_277 : i32 to index
          %parallel_loop3A_380 = arith.constant 192 : index
          %parallel_loop3A_381 = tpu.vector_load %arg11[%parallel_loop3A_379, %parallel_loop3A_380] {strides = array<i32>} : memref<128x256xf32, #tpu.memory_space<vmem>>, vector<16xf32>,
          %parallel_loop3A_382 = arith.index_cast %parallel_loop3A_282 : i32 to index
          %parallel_loop3A_383 = arith.constant 192 : index
          %parallel_loop3A_384 = tpu.vector_load %arg12[%parallel_loop3A_382, %parallel_loop3A_383] {strides = array<i32>} : memref<64x256xf32, #tpu.memory_space<vmem>>, vector<16xf32>,
          tpu.vector_store %arg12[%parallel_loop3A_382, %parallel_loop3A_383], %parallel_loop3A_381 {add = true, strides = array<i32>} : memref<64x256xf32, #tpu.memory_space<vmem>>, vector<16xf32>,
          %parallel_loop3A_385 = arith.mulf %parallel_loop3A_381, %parallel_loop3A_381 : vector<16xf32>
          %parallel_loop3A_386 = arith.addf %parallel_loop3A_354, %parallel_loop3A_385 : vector<16xf32>
          %parallel_loop3A_387 = arith.index_cast %parallel_loop3A_277 : i32 to index
          %parallel_loop3A_388 = arith.constant 208 : index
          %parallel_loop3A_389 = tpu.vector_load %arg11[%parallel_loop3A_387, %parallel_loop3A_388] {strides = array<i32>} : memref<128x256xf32, #tpu.memory_space<vmem>>, vector<16xf32>,
          %parallel_loop3A_390 = arith.index_cast %parallel_loop3A_282 : i32 to index
          %parallel_loop3A_391 = arith.constant 208 : index
          %parallel_loop3A_392 = tpu.vector_load %arg12[%parallel_loop3A_390, %parallel_loop3A_391] {strides = array<i32>} : memref<64x256xf32, #tpu.memory_space<vmem>>, vector<16xf32>,
          tpu.vector_store %arg12[%parallel_loop3A_390, %parallel_loop3A_391], %parallel_loop3A_389 {add = true, strides = array<i32>} : memref<64x256xf32, #tpu.memory_space<vmem>>, vector<16xf32>,
          %parallel_loop3A_393 = arith.mulf %parallel_loop3A_389, %parallel_loop3A_389 : vector<16xf32>
          %parallel_loop3A_394 = arith.addf %parallel_loop3A_362, %parallel_loop3A_393 : vector<16xf32>
          %parallel_loop3A_395 = arith.index_cast %parallel_loop3A_277 : i32 to index
          %parallel_loop3A_396 = arith.constant 224 : index
          %parallel_loop3A_397 = tpu.vector_load %arg11[%parallel_loop3A_395, %parallel_loop3A_396] {strides = array<i32>} : memref<128x256xf32, #tpu.memory_space<vmem>>, vector<16xf32>,
          %parallel_loop3A_398 = arith.index_cast %parallel_loop3A_282 : i32 to index
          %parallel_loop3A_399 = arith.constant 224 : index
          %parallel_loop3A_400 = tpu.vector_load %arg12[%parallel_loop3A_398, %parallel_loop3A_399] {strides = array<i32>} : memref<64x256xf32, #tpu.memory_space<vmem>>, vector<16xf32>,
          tpu.vector_store %arg12[%parallel_loop3A_398, %parallel_loop3A_399], %parallel_loop3A_397 {add = true, strides = array<i32>} : memref<64x256xf32, #tpu.memory_space<vmem>>, vector<16xf32>,
          %parallel_loop3A_401 = arith.mulf %parallel_loop3A_397, %parallel_loop3A_397 : vector<16xf32>
          %parallel_loop3A_402 = arith.addf %parallel_loop3A_370, %parallel_loop3A_401 : vector<16xf32>
          %parallel_loop3A_403 = arith.index_cast %parallel_loop3A_277 : i32 to index
          %parallel_loop3A_404 = arith.constant 240 : index
          %parallel_loop3A_405 = tpu.vector_load %arg11[%parallel_loop3A_403, %parallel_loop3A_404] {strides = array<i32>} : memref<128x256xf32, #tpu.memory_space<vmem>>, vector<16xf32>,
          %parallel_loop3A_406 = arith.index_cast %parallel_loop3A_282 : i32 to index
          %parallel_loop3A_407 = arith.constant 240 : index
          %parallel_loop3A_408 = tpu.vector_load %arg12[%parallel_loop3A_406, %parallel_loop3A_407] {strides = array<i32>} : memref<64x256xf32, #tpu.memory_space<vmem>>, vector<16xf32>,
          tpu.vector_store %arg12[%parallel_loop3A_406, %parallel_loop3A_407], %parallel_loop3A_405 {add = true, strides = array<i32>} : memref<64x256xf32, #tpu.memory_space<vmem>>, vector<16xf32>,
          %parallel_loop3A_409 = arith.mulf %parallel_loop3A_405, %parallel_loop3A_405 : vector<16xf32>
          %parallel_loop3A_410 = arith.addf %parallel_loop3A_378, %parallel_loop3A_409 : vector<16xf32>
          %parallel_loop3A_411 = arith.index_cast %parallel_loop3A_282 : i32 to index
          %parallel_loop3A_412 = arith.constant 0 : index
          %parallel_loop3A_413 = tpu.vector_load %arg13[%parallel_loop3A_411, %parallel_loop3A_412] {strides = array<i32>} : memref<64x16xf32, #tpu.memory_space<vmem>>, vector<16xf32>,
          tpu.vector_store %arg13[%parallel_loop3A_411, %parallel_loop3A_412], %select_n3A {add = true, strides = array<i32>} : memref<64x16xf32, #tpu.memory_space<vmem>>, vector<16xf32>,
          %parallel_loop3A_414 = arith.constant 1 : i32
          %parallel_loop3A_415 = arith.addi %parallel_loop3A_277, %parallel_loop3A_414 : i32
          %parallel_loop3A_416 = vector.extract_strided_slice %parallel_loop3A_280 {offsets = [1], sizes = [1], strides = [1]} : vector<16xi32> to vector<1xi32>
          %parallel_loop3A_417 = vector.extract %parallel_loop3A_416[0] : i32 from vector<1xi32>
          %parallel_loop3A_418 = arith.index_cast %parallel_loop3A_415 : i32 to index
          %parallel_loop3A_419 = arith.constant 0 : index
          %parallel_loop3A_420 = tpu.vector_load %arg11[%parallel_loop3A_418, %parallel_loop3A_419] {strides = array<i32>} : memref<128x256xf32, #tpu.memory_space<vmem>>, vector<16xf32>,
          %parallel_loop3A_421 = arith.index_cast %parallel_loop3A_417 : i32 to index
          %parallel_loop3A_422 = arith.constant 0 : index
          %parallel_loop3A_423 = tpu.vector_load %arg12[%parallel_loop3A_421, %parallel_loop3A_422] {strides = array<i32>} : memref<64x256xf32, #tpu.memory_space<vmem>>, vector<16xf32>,
          tpu.vector_store %arg12[%parallel_loop3A_421, %parallel_loop3A_422], %parallel_loop3A_420 {add = true, strides = array<i32>} : memref<64x256xf32, #tpu.memory_space<vmem>>, vector<16xf32>,
          %parallel_loop3A_424 = arith.mulf %parallel_loop3A_420, %parallel_loop3A_420 : vector<16xf32>
          %parallel_loop3A_425 = arith.addf %parallel_loop3A_386, %parallel_loop3A_424 : vector<16xf32>
          %parallel_loop3A_426 = arith.index_cast %parallel_loop3A_415 : i32 to index
          %parallel_loop3A_427 = arith.constant 16 : index
          %parallel_loop3A_428 = tpu.vector_load %arg11[%parallel_loop3A_426, %parallel_loop3A_427] {strides = array<i32>} : memref<128x256xf32, #tpu.memory_space<vmem>>, vector<16xf32>,
          %parallel_loop3A_429 = arith.index_cast %parallel_loop3A_417 : i32 to index
          %parallel_loop3A_430 = arith.constant 16 : index
          %parallel_loop3A_431 = tpu.vector_load %arg12[%parallel_loop3A_429, %parallel_loop3A_430] {strides = array<i32>} : memref<64x256xf32, #tpu.memory_space<vmem>>, vector<16xf32>,
          tpu.vector_store %arg12[%parallel_loop3A_429, %parallel_loop3A_430], %parallel_loop3A_428 {add = true, strides = array<i32>} : memref<64x256xf32, #tpu.memory_space<vmem>>, vector<16xf32>,
          %parallel_loop3A_432 = arith.mulf %parallel_loop3A_428, %parallel_loop3A_428 : vector<16xf32>
          %parallel_loop3A_433 = arith.addf %parallel_loop3A_394, %parallel_loop3A_432 : vector<16xf32>
          %parallel_loop3A_434 = arith.index_cast %parallel_loop3A_415 : i32 to index
          %parallel_loop3A_435 = arith.constant 32 : index
          %parallel_loop3A_436 = tpu.vector_load %arg11[%parallel_loop3A_434, %parallel_loop3A_435] {strides = array<i32>} : memref<128x256xf32, #tpu.memory_space<vmem>>, vector<16xf32>,
          %parallel_loop3A_437 = arith.index_cast %parallel_loop3A_417 : i32 to index
          %parallel_loop3A_438 = arith.constant 32 : index
          %parallel_loop3A_439 = tpu.vector_load %arg12[%parallel_loop3A_437, %parallel_loop3A_438] {strides = array<i32>} : memref<64x256xf32, #tpu.memory_space<vmem>>, vector<16xf32>,
          tpu.vector_store %arg12[%parallel_loop3A_437, %parallel_loop3A_438], %parallel_loop3A_436 {add = true, strides = array<i32>} : memref<64x256xf32, #tpu.memory_space<vmem>>, vector<16xf32>,
          %parallel_loop3A_440 = arith.mulf %parallel_loop3A_436, %parallel_loop3A_436 : vector<16xf32>
          %parallel_loop3A_441 = arith.addf %parallel_loop3A_402, %parallel_loop3A_440 : vector<16xf32>
          %parallel_loop3A_442 = arith.index_cast %parallel_loop3A_415 : i32 to index
          %parallel_loop3A_443 = arith.constant 48 : index
          %parallel_loop3A_444 = tpu.vector_load %arg11[%parallel_loop3A_442, %parallel_loop3A_443] {strides = array<i32>} : memref<128x256xf32, #tpu.memory_space<vmem>>, vector<16xf32>,
          %parallel_loop3A_445 = arith.index_cast %parallel_loop3A_417 : i32 to index
          %parallel_loop3A_446 = arith.constant 48 : index
          %parallel_loop3A_447 = tpu.vector_load %arg12[%parallel_loop3A_445, %parallel_loop3A_446] {strides = array<i32>} : memref<64x256xf32, #tpu.memory_space<vmem>>, vector<16xf32>,
          tpu.vector_store %arg12[%parallel_loop3A_445, %parallel_loop3A_446], %parallel_loop3A_444 {add = true, strides = array<i32>} : memref<64x256xf32, #tpu.memory_space<vmem>>, vector<16xf32>,
          %parallel_loop3A_448 = arith.mulf %parallel_loop3A_444, %parallel_loop3A_444 : vector<16xf32>
          %parallel_loop3A_449 = arith.addf %parallel_loop3A_410, %parallel_loop3A_448 : vector<16xf32>
          %parallel_loop3A_450 = arith.index_cast %parallel_loop3A_415 : i32 to index
          %parallel_loop3A_451 = arith.constant 64 : index
          %parallel_loop3A_452 = tpu.vector_load %arg11[%parallel_loop3A_450, %parallel_loop3A_451] {strides = array<i32>} : memref<128x256xf32, #tpu.memory_space<vmem>>, vector<16xf32>,
          %parallel_loop3A_453 = arith.index_cast %parallel_loop3A_417 : i32 to index
          %parallel_loop3A_454 = arith.constant 64 : index
          %parallel_loop3A_455 = tpu.vector_load %arg12[%parallel_loop3A_453, %parallel_loop3A_454] {strides = array<i32>} : memref<64x256xf32, #tpu.memory_space<vmem>>, vector<16xf32>,
          tpu.vector_store %arg12[%parallel_loop3A_453, %parallel_loop3A_454], %parallel_loop3A_452 {add = true, strides = array<i32>} : memref<64x256xf32, #tpu.memory_space<vmem>>, vector<16xf32>,
          %parallel_loop3A_456 = arith.mulf %parallel_loop3A_452, %parallel_loop3A_452 : vector<16xf32>
          %parallel_loop3A_457 = arith.addf %parallel_loop3A_425, %parallel_loop3A_456 : vector<16xf32>
          %parallel_loop3A_458 = arith.index_cast %parallel_loop3A_415 : i32 to index
          %parallel_loop3A_459 = arith.constant 80 : index
          %parallel_loop3A_460 = tpu.vector_load %arg11[%parallel_loop3A_458, %parallel_loop3A_459] {strides = array<i32>} : memref<128x256xf32, #tpu.memory_space<vmem>>, vector<16xf32>,
          %parallel_loop3A_461 = arith.index_cast %parallel_loop3A_417 : i32 to index
          %parallel_loop3A_462 = arith.constant 80 : index
          %parallel_loop3A_463 = tpu.vector_load %arg12[%parallel_loop3A_461, %parallel_loop3A_462] {strides = array<i32>} : memref<64x256xf32, #tpu.memory_space<vmem>>, vector<16xf32>,
          tpu.vector_store %arg12[%parallel_loop3A_461, %parallel_loop3A_462], %parallel_loop3A_460 {add = true, strides = array<i32>} : memref<64x256xf32, #tpu.memory_space<vmem>>, vector<16xf32>,
          %parallel_loop3A_464 = arith.mulf %parallel_loop3A_460, %parallel_loop3A_460 : vector<16xf32>
          %parallel_loop3A_465 = arith.addf %parallel_loop3A_433, %parallel_loop3A_464 : vector<16xf32>
          %parallel_loop3A_466 = arith.index_cast %parallel_loop3A_415 : i32 to index
          %parallel_loop3A_467 = arith.constant 96 : index
          %parallel_loop3A_468 = tpu.vector_load %arg11[%parallel_loop3A_466, %parallel_loop3A_467] {strides = array<i32>} : memref<128x256xf32, #tpu.memory_space<vmem>>, vector<16xf32>,
          %parallel_loop3A_469 = arith.index_cast %parallel_loop3A_417 : i32 to index
          %parallel_loop3A_470 = arith.constant 96 : index
          %parallel_loop3A_471 = tpu.vector_load %arg12[%parallel_loop3A_469, %parallel_loop3A_470] {strides = array<i32>} : memref<64x256xf32, #tpu.memory_space<vmem>>, vector<16xf32>,
          tpu.vector_store %arg12[%parallel_loop3A_469, %parallel_loop3A_470], %parallel_loop3A_468 {add = true, strides = array<i32>} : memref<64x256xf32, #tpu.memory_space<vmem>>, vector<16xf32>,
          %parallel_loop3A_472 = arith.mulf %parallel_loop3A_468, %parallel_loop3A_468 : vector<16xf32>
          %parallel_loop3A_473 = arith.addf %parallel_loop3A_441, %parallel_loop3A_472 : vector<16xf32>
          %parallel_loop3A_474 = arith.index_cast %parallel_loop3A_415 : i32 to index
          %parallel_loop3A_475 = arith.constant 112 : index
          %parallel_loop3A_476 = tpu.vector_load %arg11[%parallel_loop3A_474, %parallel_loop3A_475] {strides = array<i32>} : memref<128x256xf32, #tpu.memory_space<vmem>>, vector<16xf32>,
          %parallel_loop3A_477 = arith.index_cast %parallel_loop3A_417 : i32 to index
          %parallel_loop3A_478 = arith.constant 112 : index
          %parallel_loop3A_479 = tpu.vector_load %arg12[%parallel_loop3A_477, %parallel_loop3A_478] {strides = array<i32>} : memref<64x256xf32, #tpu.memory_space<vmem>>, vector<16xf32>,
          tpu.vector_store %arg12[%parallel_loop3A_477, %parallel_loop3A_478], %parallel_loop3A_476 {add = true, strides = array<i32>} : memref<64x256xf32, #tpu.memory_space<vmem>>, vector<16xf32>,
          %parallel_loop3A_480 = arith.mulf %parallel_loop3A_476, %parallel_loop3A_476 : vector<16xf32>
          %parallel_loop3A_481 = arith.addf %parallel_loop3A_449, %parallel_loop3A_480 : vector<16xf32>
          %parallel_loop3A_482 = arith.index_cast %parallel_loop3A_415 : i32 to index
          %parallel_loop3A_483 = arith.constant 128 : index
          %parallel_loop3A_484 = tpu.vector_load %arg11[%parallel_loop3A_482, %parallel_loop3A_483] {strides = array<i32>} : memref<128x256xf32, #tpu.memory_space<vmem>>, vector<16xf32>,
          %parallel_loop3A_485 = arith.index_cast %parallel_loop3A_417 : i32 to index
          %parallel_loop3A_486 = arith.constant 128 : index
          %parallel_loop3A_487 = tpu.vector_load %arg12[%parallel_loop3A_485, %parallel_loop3A_486] {strides = array<i32>} : memref<64x256xf32, #tpu.memory_space<vmem>>, vector<16xf32>,
          tpu.vector_store %arg12[%parallel_loop3A_485, %parallel_loop3A_486], %parallel_loop3A_484 {add = true, strides = array<i32>} : memref<64x256xf32, #tpu.memory_space<vmem>>, vector<16xf32>,
          %parallel_loop3A_488 = arith.mulf %parallel_loop3A_484, %parallel_loop3A_484 : vector<16xf32>
          %parallel_loop3A_489 = arith.addf %parallel_loop3A_457, %parallel_loop3A_488 : vector<16xf32>
          %parallel_loop3A_490 = arith.index_cast %parallel_loop3A_415 : i32 to index
          %parallel_loop3A_491 = arith.constant 144 : index
          %parallel_loop3A_492 = tpu.vector_load %arg11[%parallel_loop3A_490, %parallel_loop3A_491] {strides = array<i32>} : memref<128x256xf32, #tpu.memory_space<vmem>>, vector<16xf32>,
          %parallel_loop3A_493 = arith.index_cast %parallel_loop3A_417 : i32 to index
          %parallel_loop3A_494 = arith.constant 144 : index
          %parallel_loop3A_495 = tpu.vector_load %arg12[%parallel_loop3A_493, %parallel_loop3A_494] {strides = array<i32>} : memref<64x256xf32, #tpu.memory_space<vmem>>, vector<16xf32>,
          tpu.vector_store %arg12[%parallel_loop3A_493, %parallel_loop3A_494], %parallel_loop3A_492 {add = true, strides = array<i32>} : memref<64x256xf32, #tpu.memory_space<vmem>>, vector<16xf32>,
          %parallel_loop3A_496 = arith.mulf %parallel_loop3A_492, %parallel_loop3A_492 : vector<16xf32>
          %parallel_loop3A_497 = arith.addf %parallel_loop3A_465, %parallel_loop3A_496 : vector<16xf32>
          %parallel_loop3A_498 = arith.index_cast %parallel_loop3A_415 : i32 to index
          %parallel_loop3A_499 = arith.constant 160 : index
          %parallel_loop3A_500 = tpu.vector_load %arg11[%parallel_loop3A_498, %parallel_loop3A_499] {strides = array<i32>} : memref<128x256xf32, #tpu.memory_space<vmem>>, vector<16xf32>,
          %parallel_loop3A_501 = arith.index_cast %parallel_loop3A_417 : i32 to index
          %parallel_loop3A_502 = arith.constant 160 : index
          %parallel_loop3A_503 = tpu.vector_load %arg12[%parallel_loop3A_501, %parallel_loop3A_502] {strides = array<i32>} : memref<64x256xf32, #tpu.memory_space<vmem>>, vector<16xf32>,
          tpu.vector_store %arg12[%parallel_loop3A_501, %parallel_loop3A_502], %parallel_loop3A_500 {add = true, strides = array<i32>} : memref<64x256xf32, #tpu.memory_space<vmem>>, vector<16xf32>,
          %parallel_loop3A_504 = arith.mulf %parallel_loop3A_500, %parallel_loop3A_500 : vector<16xf32>
          %parallel_loop3A_505 = arith.addf %parallel_loop3A_473, %parallel_loop3A_504 : vector<16xf32>
          %parallel_loop3A_506 = arith.index_cast %parallel_loop3A_415 : i32 to index
          %parallel_loop3A_507 = arith.constant 176 : index
          %parallel_loop3A_508 = tpu.vector_load %arg11[%parallel_loop3A_506, %parallel_loop3A_507] {strides = array<i32>} : memref<128x256xf32, #tpu.memory_space<vmem>>, vector<16xf32>,
          %parallel_loop3A_509 = arith.index_cast %parallel_loop3A_417 : i32 to index
          %parallel_loop3A_510 = arith.constant 176 : index
          %parallel_loop3A_511 = tpu.vector_load %arg12[%parallel_loop3A_509, %parallel_loop3A_510] {strides = array<i32>} : memref<64x256xf32, #tpu.memory_space<vmem>>, vector<16xf32>,
          tpu.vector_store %arg12[%parallel_loop3A_509, %parallel_loop3A_510], %parallel_loop3A_508 {add = true, strides = array<i32>} : memref<64x256xf32, #tpu.memory_space<vmem>>, vector<16xf32>,
          %parallel_loop3A_512 = arith.mulf %parallel_loop3A_508, %parallel_loop3A_508 : vector<16xf32>
          %parallel_loop3A_513 = arith.addf %parallel_loop3A_481, %parallel_loop3A_512 : vector<16xf32>
          %parallel_loop3A_514 = arith.index_cast %parallel_loop3A_415 : i32 to index
          %parallel_loop3A_515 = arith.constant 192 : index
          %parallel_loop3A_516 = tpu.vector_load %arg11[%parallel_loop3A_514, %parallel_loop3A_515] {strides = array<i32>} : memref<128x256xf32, #tpu.memory_space<vmem>>, vector<16xf32>,
          %parallel_loop3A_517 = arith.index_cast %parallel_loop3A_417 : i32 to index
          %parallel_loop3A_518 = arith.constant 192 : index
          %parallel_loop3A_519 = tpu.vector_load %arg12[%parallel_loop3A_517, %parallel_loop3A_518] {strides = array<i32>} : memref<64x256xf32, #tpu.memory_space<vmem>>, vector<16xf32>,
          tpu.vector_store %arg12[%parallel_loop3A_517, %parallel_loop3A_518], %parallel_loop3A_516 {add = true, strides = array<i32>} : memref<64x256xf32, #tpu.memory_space<vmem>>, vector<16xf32>,
          %parallel_loop3A_520 = arith.mulf %parallel_loop3A_516, %parallel_loop3A_516 : vector<16xf32>
          %parallel_loop3A_521 = arith.addf %parallel_loop3A_489, %parallel_loop3A_520 : vector<16xf32>
          %parallel_loop3A_522 = arith.index_cast %parallel_loop3A_415 : i32 to index
          %parallel_loop3A_523 = arith.constant 208 : index
          %parallel_loop3A_524 = tpu.vector_load %arg11[%parallel_loop3A_522, %parallel_loop3A_523] {strides = array<i32>} : memref<128x256xf32, #tpu.memory_space<vmem>>, vector<16xf32>,
          %parallel_loop3A_525 = arith.index_cast %parallel_loop3A_417 : i32 to index
          %parallel_loop3A_526 = arith.constant 208 : index
          %parallel_loop3A_527 = tpu.vector_load %arg12[%parallel_loop3A_525, %parallel_loop3A_526] {strides = array<i32>} : memref<64x256xf32, #tpu.memory_space<vmem>>, vector<16xf32>,
          tpu.vector_store %arg12[%parallel_loop3A_525, %parallel_loop3A_526], %parallel_loop3A_524 {add = true, strides = array<i32>} : memref<64x256xf32, #tpu.memory_space<vmem>>, vector<16xf32>,
          %parallel_loop3A_528 = arith.mulf %parallel_loop3A_524, %parallel_loop3A_524 : vector<16xf32>
          %parallel_loop3A_529 = arith.addf %parallel_loop3A_497, %parallel_loop3A_528 : vector<16xf32>
          %parallel_loop3A_530 = arith.index_cast %parallel_loop3A_415 : i32 to index
          %parallel_loop3A_531 = arith.constant 224 : index
          %parallel_loop3A_532 = tpu.vector_load %arg11[%parallel_loop3A_530, %parallel_loop3A_531] {strides = array<i32>} : memref<128x256xf32, #tpu.memory_space<vmem>>, vector<16xf32>,
          %parallel_loop3A_533 = arith.index_cast %parallel_loop3A_417 : i32 to index
          %parallel_loop3A_534 = arith.constant 224 : index
          %parallel_loop3A_535 = tpu.vector_load %arg12[%parallel_loop3A_533, %parallel_loop3A_534] {strides = array<i32>} : memref<64x256xf32, #tpu.memory_space<vmem>>, vector<16xf32>,
          tpu.vector_store %arg12[%parallel_loop3A_533, %parallel_loop3A_534], %parallel_loop3A_532 {add = true, strides = array<i32>} : memref<64x256xf32, #tpu.memory_space<vmem>>, vector<16xf32>,
          %parallel_loop3A_536 = arith.mulf %parallel_loop3A_532, %parallel_loop3A_532 : vector<16xf32>
          %parallel_loop3A_537 = arith.addf %parallel_loop3A_505, %parallel_loop3A_536 : vector<16xf32>
          %parallel_loop3A_538 = arith.index_cast %parallel_loop3A_415 : i32 to index
          %parallel_loop3A_539 = arith.constant 240 : index
          %parallel_loop3A_540 = tpu.vector_load %arg11[%parallel_loop3A_538, %parallel_loop3A_539] {strides = array<i32>} : memref<128x256xf32, #tpu.memory_space<vmem>>, vector<16xf32>,
          %parallel_loop3A_541 = arith.index_cast %parallel_loop3A_417 : i32 to index
          %parallel_loop3A_542 = arith.constant 240 : index
          %parallel_loop3A_543 = tpu.vector_load %arg12[%parallel_loop3A_541, %parallel_loop3A_542] {strides = array<i32>} : memref<64x256xf32, #tpu.memory_space<vmem>>, vector<16xf32>,
          tpu.vector_store %arg12[%parallel_loop3A_541, %parallel_loop3A_542], %parallel_loop3A_540 {add = true, strides = array<i32>} : memref<64x256xf32, #tpu.memory_space<vmem>>, vector<16xf32>,
          %parallel_loop3A_544 = arith.mulf %parallel_loop3A_540, %parallel_loop3A_540 : vector<16xf32>
          %parallel_loop3A_545 = arith.addf %parallel_loop3A_513, %parallel_loop3A_544 : vector<16xf32>
          %parallel_loop3A_546 = arith.index_cast %parallel_loop3A_417 : i32 to index
          %parallel_loop3A_547 = arith.constant 0 : index
          %parallel_loop3A_548 = tpu.vector_load %arg13[%parallel_loop3A_546, %parallel_loop3A_547] {strides = array<i32>} : memref<64x16xf32, #tpu.memory_space<vmem>>, vector<16xf32>,
          tpu.vector_store %arg13[%parallel_loop3A_546, %parallel_loop3A_547], %select_n3A {add = true, strides = array<i32>} : memref<64x16xf32, #tpu.memory_space<vmem>>, vector<16xf32>,
          scf.yield %parallel_loop3A_521, %parallel_loop3A_529, %parallel_loop3A_537, %parallel_loop3A_545 : vector<16xf32>, vector<16xf32>, vector<16xf32>, vector<16xf32>
        } {sc.loop_unroll_factor = 2 : i64, sc.parallel_access}
        %swap3A_248 = arith.constant 0 : i32
        %swap3A_249 = arith.index_cast %swap3A_248 : i32 to index
        %swap3A_250 = arith.constant 0 : index
        %swap3A_251 = tpu.vector_load %arg14[%swap3A_249, %swap3A_250] {strides = array<i32>} : memref<4x16xf32, #tpu.memory_space<vmem>>, vector<16xf32>,
        tpu.vector_store %arg14[%swap3A_249, %swap3A_250], %parallel_loop3A_247#0 {add = true, strides = array<i32>} : memref<4x16xf32, #tpu.memory_space<vmem>>, vector<16xf32>,
        %swap3A_252 = arith.constant 1 : i32
        %swap3A_253 = arith.index_cast %swap3A_252 : i32 to index
        %swap3A_254 = arith.constant 0 : index
        %swap3A_255 = tpu.vector_load %arg14[%swap3A_253, %swap3A_254] {strides = array<i32>} : memref<4x16xf32, #tpu.memory_space<vmem>>, vector<16xf32>,
        tpu.vector_store %arg14[%swap3A_253, %swap3A_254], %parallel_loop3A_247#1 {add = true, strides = array<i32>} : memref<4x16xf32, #tpu.memory_space<vmem>>, vector<16xf32>,
        %swap3A_256 = arith.constant 2 : i32
        %swap3A_257 = arith.index_cast %swap3A_256 : i32 to index
        %swap3A_258 = arith.constant 0 : index
        %swap3A_259 = tpu.vector_load %arg14[%swap3A_257, %swap3A_258] {strides = array<i32>} : memref<4x16xf32, #tpu.memory_space<vmem>>, vector<16xf32>,
        tpu.vector_store %arg14[%swap3A_257, %swap3A_258], %parallel_loop3A_247#2 {add = true, strides = array<i32>} : memref<4x16xf32, #tpu.memory_space<vmem>>, vector<16xf32>,
        %swap3A_260 = arith.constant 3 : i32
        %swap3A_261 = arith.index_cast %swap3A_260 : i32 to index
        %swap3A_262 = arith.constant 0 : index
        %swap3A_263 = tpu.vector_load %arg14[%swap3A_261, %swap3A_262] {strides = array<i32>} : memref<4x16xf32, #tpu.memory_space<vmem>>, vector<16xf32>,
        tpu.vector_store %arg14[%swap3A_261, %swap3A_262], %parallel_loop3A_247#3 {add = true, strides = array<i32>} : memref<4x16xf32, #tpu.memory_space<vmem>>, vector<16xf32>,
        %and3A_264 = arith.constant 1 : i32
        %and3A_265 = arith.andi %max3A_242, %and3A_264 : i32
        %eq3A_266 = arith.constant 1 : i32
        %eq3A_267 = arith.cmpi eq, %and3A_265, %eq3A_266 : i32
        %convert_element_type3A_268 = arith.extui %eq3A_267 : i1 to i32
        %cond3A_269 = arith.constant 0 : i32
        %cond3A_270 = arith.cmpi ne, %convert_element_type3A_268, %cond3A_269 : i32
        scf.if %cond3A_270 {
          %sub3A_271 = arith.constant 1 : i32
          %sub3A_272 = arith.subi %max3A_242, %sub3A_271 : i32
          %add3A_273 = arith.addi %mul3A_237, %sub3A_272 : i32
          %get3A_274 = arith.index_cast %add3A_273 : i32 to index
          %get3A_275 = tpu.vector_load %arg9[%get3A_274] {strides = array<i32>} : memref<8336xi32, #tpu.memory_space<vmem>>, vector<16xi32>,
          %slice3A = vector.extract_strided_slice %get3A_275 {offsets = [0], sizes = [1], strides = [1]} : vector<16xi32> to vector<1xi32>
          %squeeze3A = vector.extract %slice3A[0] : i32 from vector<1xi32>
          %get3A_276 = arith.index_cast %sub3A_272 : i32 to index
          %get3A_277 = arith.constant 0 : index
          %get3A_278 = tpu.vector_load %arg11[%get3A_276, %get3A_277] {strides = array<i32>} : memref<128x256xf32, #tpu.memory_space<vmem>>, vector<16xf32>,
          %swap3A_279 = arith.index_cast %squeeze3A : i32 to index
          %swap3A_280 = arith.constant 0 : index
          %swap3A_281 = tpu.vector_load %arg12[%swap3A_279, %swap3A_280] {strides = array<i32>} : memref<64x256xf32, #tpu.memory_space<vmem>>, vector<16xf32>,
          tpu.vector_store %arg12[%swap3A_279, %swap3A_280], %get3A_278 {add = true, strides = array<i32>} : memref<64x256xf32, #tpu.memory_space<vmem>>, vector<16xf32>,
          %mul3A_282 = arith.mulf %get3A_278, %get3A_278 : vector<16xf32>
          %add3A_283 = arith.addf %broadcast_in_dim3A_8, %mul3A_282 : vector<16xf32>
          %get3A_284 = arith.index_cast %sub3A_272 : i32 to index
          %get3A_285 = arith.constant 16 : index
          %get3A_286 = tpu.vector_load %arg11[%get3A_284, %get3A_285] {strides = array<i32>} : memref<128x256xf32, #tpu.memory_space<vmem>>, vector<16xf32>,
          %swap3A_287 = arith.index_cast %squeeze3A : i32 to index
          %swap3A_288 = arith.constant 16 : index
          %swap3A_289 = tpu.vector_load %arg12[%swap3A_287, %swap3A_288] {strides = array<i32>} : memref<64x256xf32, #tpu.memory_space<vmem>>, vector<16xf32>,
          tpu.vector_store %arg12[%swap3A_287, %swap3A_288], %get3A_286 {add = true, strides = array<i32>} : memref<64x256xf32, #tpu.memory_space<vmem>>, vector<16xf32>,
          %mul3A_290 = arith.mulf %get3A_286, %get3A_286 : vector<16xf32>
          %add3A_291 = arith.addf %broadcast_in_dim3A_8, %mul3A_290 : vector<16xf32>
          %get3A_292 = arith.index_cast %sub3A_272 : i32 to index
          %get3A_293 = arith.constant 32 : index
          %get3A_294 = tpu.vector_load %arg11[%get3A_292, %get3A_293] {strides = array<i32>} : memref<128x256xf32, #tpu.memory_space<vmem>>, vector<16xf32>,
          %swap3A_295 = arith.index_cast %squeeze3A : i32 to index
          %swap3A_296 = arith.constant 32 : index
          %swap3A_297 = tpu.vector_load %arg12[%swap3A_295, %swap3A_296] {strides = array<i32>} : memref<64x256xf32, #tpu.memory_space<vmem>>, vector<16xf32>,
          tpu.vector_store %arg12[%swap3A_295, %swap3A_296], %get3A_294 {add = true, strides = array<i32>} : memref<64x256xf32, #tpu.memory_space<vmem>>, vector<16xf32>,
          %mul3A_298 = arith.mulf %get3A_294, %get3A_294 : vector<16xf32>
          %add3A_299 = arith.addf %broadcast_in_dim3A_8, %mul3A_298 : vector<16xf32>
          %get3A_300 = arith.index_cast %sub3A_272 : i32 to index
          %get3A_301 = arith.constant 48 : index
          %get3A_302 = tpu.vector_load %arg11[%get3A_300, %get3A_301] {strides = array<i32>} : memref<128x256xf32, #tpu.memory_space<vmem>>, vector<16xf32>,
          %swap3A_303 = arith.index_cast %squeeze3A : i32 to index
          %swap3A_304 = arith.constant 48 : index
          %swap3A_305 = tpu.vector_load %arg12[%swap3A_303, %swap3A_304] {strides = array<i32>} : memref<64x256xf32, #tpu.memory_space<vmem>>, vector<16xf32>,
          tpu.vector_store %arg12[%swap3A_303, %swap3A_304], %get3A_302 {add = true, strides = array<i32>} : memref<64x256xf32, #tpu.memory_space<vmem>>, vector<16xf32>,
          %mul3A_306 = arith.mulf %get3A_302, %get3A_302 : vector<16xf32>
          %add3A_307 = arith.addf %broadcast_in_dim3A_8, %mul3A_306 : vector<16xf32>
          %get3A_308 = arith.index_cast %sub3A_272 : i32 to index
          %get3A_309 = arith.constant 64 : index
          %get3A_310 = tpu.vector_load %arg11[%get3A_308, %get3A_309] {strides = array<i32>} : memref<128x256xf32, #tpu.memory_space<vmem>>, vector<16xf32>,
          %swap3A_311 = arith.index_cast %squeeze3A : i32 to index
          %swap3A_312 = arith.constant 64 : index
          %swap3A_313 = tpu.vector_load %arg12[%swap3A_311, %swap3A_312] {strides = array<i32>} : memref<64x256xf32, #tpu.memory_space<vmem>>, vector<16xf32>,
          tpu.vector_store %arg12[%swap3A_311, %swap3A_312], %get3A_310 {add = true, strides = array<i32>} : memref<64x256xf32, #tpu.memory_space<vmem>>, vector<16xf32>,
          %mul3A_314 = arith.mulf %get3A_310, %get3A_310 : vector<16xf32>
          %add3A_315 = arith.addf %add3A_283, %mul3A_314 : vector<16xf32>
          %get3A_316 = arith.index_cast %sub3A_272 : i32 to index
          %get3A_317 = arith.constant 80 : index
          %get3A_318 = tpu.vector_load %arg11[%get3A_316, %get3A_317] {strides = array<i32>} : memref<128x256xf32, #tpu.memory_space<vmem>>, vector<16xf32>,
          %swap3A_319 = arith.index_cast %squeeze3A : i32 to index
          %swap3A_320 = arith.constant 80 : index
          %swap3A_321 = tpu.vector_load %arg12[%swap3A_319, %swap3A_320] {strides = array<i32>} : memref<64x256xf32, #tpu.memory_space<vmem>>, vector<16xf32>,
          tpu.vector_store %arg12[%swap3A_319, %swap3A_320], %get3A_318 {add = true, strides = array<i32>} : memref<64x256xf32, #tpu.memory_space<vmem>>, vector<16xf32>,
          %mul3A_322 = arith.mulf %get3A_318, %get3A_318 : vector<16xf32>
          %add3A_323 = arith.addf %add3A_291, %mul3A_322 : vector<16xf32>
          %get3A_324 = arith.index_cast %sub3A_272 : i32 to index
          %get3A_325 = arith.constant 96 : index
          %get3A_326 = tpu.vector_load %arg11[%get3A_324, %get3A_325] {strides = array<i32>} : memref<128x256xf32, #tpu.memory_space<vmem>>, vector<16xf32>,
          %swap3A_327 = arith.index_cast %squeeze3A : i32 to index
          %swap3A_328 = arith.constant 96 : index
          %swap3A_329 = tpu.vector_load %arg12[%swap3A_327, %swap3A_328] {strides = array<i32>} : memref<64x256xf32, #tpu.memory_space<vmem>>, vector<16xf32>,
          tpu.vector_store %arg12[%swap3A_327, %swap3A_328], %get3A_326 {add = true, strides = array<i32>} : memref<64x256xf32, #tpu.memory_space<vmem>>, vector<16xf32>,
          %mul3A_330 = arith.mulf %get3A_326, %get3A_326 : vector<16xf32>
          %add3A_331 = arith.addf %add3A_299, %mul3A_330 : vector<16xf32>
          %get3A_332 = arith.index_cast %sub3A_272 : i32 to index
          %get3A_333 = arith.constant 112 : index
          %get3A_334 = tpu.vector_load %arg11[%get3A_332, %get3A_333] {strides = array<i32>} : memref<128x256xf32, #tpu.memory_space<vmem>>, vector<16xf32>,
          %swap3A_335 = arith.index_cast %squeeze3A : i32 to index
          %swap3A_336 = arith.constant 112 : index
          %swap3A_337 = tpu.vector_load %arg12[%swap3A_335, %swap3A_336] {strides = array<i32>} : memref<64x256xf32, #tpu.memory_space<vmem>>, vector<16xf32>,
          tpu.vector_store %arg12[%swap3A_335, %swap3A_336], %get3A_334 {add = true, strides = array<i32>} : memref<64x256xf32, #tpu.memory_space<vmem>>, vector<16xf32>,
          %mul3A_338 = arith.mulf %get3A_334, %get3A_334 : vector<16xf32>
          %add3A_339 = arith.addf %add3A_307, %mul3A_338 : vector<16xf32>
          %get3A_340 = arith.index_cast %sub3A_272 : i32 to index
          %get3A_341 = arith.constant 128 : index
          %get3A_342 = tpu.vector_load %arg11[%get3A_340, %get3A_341] {strides = array<i32>} : memref<128x256xf32, #tpu.memory_space<vmem>>, vector<16xf32>,
          %swap3A_343 = arith.index_cast %squeeze3A : i32 to index
          %swap3A_344 = arith.constant 128 : index
          %swap3A_345 = tpu.vector_load %arg12[%swap3A_343, %swap3A_344] {strides = array<i32>} : memref<64x256xf32, #tpu.memory_space<vmem>>, vector<16xf32>,
          tpu.vector_store %arg12[%swap3A_343, %swap3A_344], %get3A_342 {add = true, strides = array<i32>} : memref<64x256xf32, #tpu.memory_space<vmem>>, vector<16xf32>,
          %mul3A_346 = arith.mulf %get3A_342, %get3A_342 : vector<16xf32>
          %add3A_347 = arith.addf %add3A_315, %mul3A_346 : vector<16xf32>
          %get3A_348 = arith.index_cast %sub3A_272 : i32 to index
          %get3A_349 = arith.constant 144 : index
          %get3A_350 = tpu.vector_load %arg11[%get3A_348, %get3A_349] {strides = array<i32>} : memref<128x256xf32, #tpu.memory_space<vmem>>, vector<16xf32>,
          %swap3A_351 = arith.index_cast %squeeze3A : i32 to index
          %swap3A_352 = arith.constant 144 : index
          %swap3A_353 = tpu.vector_load %arg12[%swap3A_351, %swap3A_352] {strides = array<i32>} : memref<64x256xf32, #tpu.memory_space<vmem>>, vector<16xf32>,
          tpu.vector_store %arg12[%swap3A_351, %swap3A_352], %get3A_350 {add = true, strides = array<i32>} : memref<64x256xf32, #tpu.memory_space<vmem>>, vector<16xf32>,
          %mul3A_354 = arith.mulf %get3A_350, %get3A_350 : vector<16xf32>
          %add3A_355 = arith.addf %add3A_323, %mul3A_354 : vector<16xf32>
          %get3A_356 = arith.index_cast %sub3A_272 : i32 to index
          %get3A_357 = arith.constant 160 : index
          %get3A_358 = tpu.vector_load %arg11[%get3A_356, %get3A_357] {strides = array<i32>} : memref<128x256xf32, #tpu.memory_space<vmem>>, vector<16xf32>,
          %swap3A_359 = arith.index_cast %squeeze3A : i32 to index
          %swap3A_360 = arith.constant 160 : index
          %swap3A_361 = tpu.vector_load %arg12[%swap3A_359, %swap3A_360] {strides = array<i32>} : memref<64x256xf32, #tpu.memory_space<vmem>>, vector<16xf32>,
          tpu.vector_store %arg12[%swap3A_359, %swap3A_360], %get3A_358 {add = true, strides = array<i32>} : memref<64x256xf32, #tpu.memory_space<vmem>>, vector<16xf32>,
          %mul3A_362 = arith.mulf %get3A_358, %get3A_358 : vector<16xf32>
          %add3A_363 = arith.addf %add3A_331, %mul3A_362 : vector<16xf32>
          %get3A_364 = arith.index_cast %sub3A_272 : i32 to index
          %get3A_365 = arith.constant 176 : index
          %get3A_366 = tpu.vector_load %arg11[%get3A_364, %get3A_365] {strides = array<i32>} : memref<128x256xf32, #tpu.memory_space<vmem>>, vector<16xf32>,
          %swap3A_367 = arith.index_cast %squeeze3A : i32 to index
          %swap3A_368 = arith.constant 176 : index
          %swap3A_369 = tpu.vector_load %arg12[%swap3A_367, %swap3A_368] {strides = array<i32>} : memref<64x256xf32, #tpu.memory_space<vmem>>, vector<16xf32>,
          tpu.vector_store %arg12[%swap3A_367, %swap3A_368], %get3A_366 {add = true, strides = array<i32>} : memref<64x256xf32, #tpu.memory_space<vmem>>, vector<16xf32>,
          %mul3A_370 = arith.mulf %get3A_366, %get3A_366 : vector<16xf32>
          %add3A_371 = arith.addf %add3A_339, %mul3A_370 : vector<16xf32>
          %get3A_372 = arith.index_cast %sub3A_272 : i32 to index
          %get3A_373 = arith.constant 192 : index
          %get3A_374 = tpu.vector_load %arg11[%get3A_372, %get3A_373] {strides = array<i32>} : memref<128x256xf32, #tpu.memory_space<vmem>>, vector<16xf32>,
          %swap3A_375 = arith.index_cast %squeeze3A : i32 to index
          %swap3A_376 = arith.constant 192 : index
          %swap3A_377 = tpu.vector_load %arg12[%swap3A_375, %swap3A_376] {strides = array<i32>} : memref<64x256xf32, #tpu.memory_space<vmem>>, vector<16xf32>,
          tpu.vector_store %arg12[%swap3A_375, %swap3A_376], %get3A_374 {add = true, strides = array<i32>} : memref<64x256xf32, #tpu.memory_space<vmem>>, vector<16xf32>,
          %mul3A_378 = arith.mulf %get3A_374, %get3A_374 : vector<16xf32>
          %add3A_379 = arith.addf %add3A_347, %mul3A_378 : vector<16xf32>
          %get3A_380 = arith.index_cast %sub3A_272 : i32 to index
          %get3A_381 = arith.constant 208 : index
          %get3A_382 = tpu.vector_load %arg11[%get3A_380, %get3A_381] {strides = array<i32>} : memref<128x256xf32, #tpu.memory_space<vmem>>, vector<16xf32>,
          %swap3A_383 = arith.index_cast %squeeze3A : i32 to index
          %swap3A_384 = arith.constant 208 : index
          %swap3A_385 = tpu.vector_load %arg12[%swap3A_383, %swap3A_384] {strides = array<i32>} : memref<64x256xf32, #tpu.memory_space<vmem>>, vector<16xf32>,
          tpu.vector_store %arg12[%swap3A_383, %swap3A_384], %get3A_382 {add = true, strides = array<i32>} : memref<64x256xf32, #tpu.memory_space<vmem>>, vector<16xf32>,
          %mul3A_386 = arith.mulf %get3A_382, %get3A_382 : vector<16xf32>
          %add3A_387 = arith.addf %add3A_355, %mul3A_386 : vector<16xf32>
          %get3A_388 = arith.index_cast %sub3A_272 : i32 to index
          %get3A_389 = arith.constant 224 : index
          %get3A_390 = tpu.vector_load %arg11[%get3A_388, %get3A_389] {strides = array<i32>} : memref<128x256xf32, #tpu.memory_space<vmem>>, vector<16xf32>,
          %swap3A_391 = arith.index_cast %squeeze3A : i32 to index
          %swap3A_392 = arith.constant 224 : index
          %swap3A_393 = tpu.vector_load %arg12[%swap3A_391, %swap3A_392] {strides = array<i32>} : memref<64x256xf32, #tpu.memory_space<vmem>>, vector<16xf32>,
          tpu.vector_store %arg12[%swap3A_391, %swap3A_392], %get3A_390 {add = true, strides = array<i32>} : memref<64x256xf32, #tpu.memory_space<vmem>>, vector<16xf32>,
          %mul3A_394 = arith.mulf %get3A_390, %get3A_390 : vector<16xf32>
          %add3A_395 = arith.addf %add3A_363, %mul3A_394 : vector<16xf32>
          %get3A_396 = arith.index_cast %sub3A_272 : i32 to index
          %get3A_397 = arith.constant 240 : index
          %get3A_398 = tpu.vector_load %arg11[%get3A_396, %get3A_397] {strides = array<i32>} : memref<128x256xf32, #tpu.memory_space<vmem>>, vector<16xf32>,
          %swap3A_399 = arith.index_cast %squeeze3A : i32 to index
          %swap3A_400 = arith.constant 240 : index
          %swap3A_401 = tpu.vector_load %arg12[%swap3A_399, %swap3A_400] {strides = array<i32>} : memref<64x256xf32, #tpu.memory_space<vmem>>, vector<16xf32>,
          tpu.vector_store %arg12[%swap3A_399, %swap3A_400], %get3A_398 {add = true, strides = array<i32>} : memref<64x256xf32, #tpu.memory_space<vmem>>, vector<16xf32>,
          %mul3A_402 = arith.mulf %get3A_398, %get3A_398 : vector<16xf32>
          %add3A_403 = arith.addf %add3A_371, %mul3A_402 : vector<16xf32>
          %swap3A_404 = arith.index_cast %squeeze3A : i32 to index
          %swap3A_405 = arith.constant 0 : index
          %swap3A_406 = tpu.vector_load %arg13[%swap3A_404, %swap3A_405] {strides = array<i32>} : memref<64x16xf32, #tpu.memory_space<vmem>>, vector<16xf32>,
          tpu.vector_store %arg13[%swap3A_404, %swap3A_405], %select_n3A {add = true, strides = array<i32>} : memref<64x16xf32, #tpu.memory_space<vmem>>, vector<16xf32>,
          %swap3A_407 = arith.constant 0 : i32
          %swap3A_408 = arith.index_cast %swap3A_407 : i32 to index
          %swap3A_409 = arith.constant 0 : index
          %swap3A_410 = tpu.vector_load %arg14[%swap3A_408, %swap3A_409] {strides = array<i32>} : memref<4x16xf32, #tpu.memory_space<vmem>>, vector<16xf32>,
          tpu.vector_store %arg14[%swap3A_408, %swap3A_409], %add3A_379 {add = true, strides = array<i32>} : memref<4x16xf32, #tpu.memory_space<vmem>>, vector<16xf32>,
          %swap3A_411 = arith.constant 1 : i32
          %swap3A_412 = arith.index_cast %swap3A_411 : i32 to index
          %swap3A_413 = arith.constant 0 : index
          %swap3A_414 = tpu.vector_load %arg14[%swap3A_412, %swap3A_413] {strides = array<i32>} : memref<4x16xf32, #tpu.memory_space<vmem>>, vector<16xf32>,
          tpu.vector_store %arg14[%swap3A_412, %swap3A_413], %add3A_387 {add = true, strides = array<i32>} : memref<4x16xf32, #tpu.memory_space<vmem>>, vector<16xf32>,
          %swap3A_415 = arith.constant 2 : i32
          %swap3A_416 = arith.index_cast %swap3A_415 : i32 to index
          %swap3A_417 = arith.constant 0 : index
          %swap3A_418 = tpu.vector_load %arg14[%swap3A_416, %swap3A_417] {strides = array<i32>} : memref<4x16xf32, #tpu.memory_space<vmem>>, vector<16xf32>,
          tpu.vector_store %arg14[%swap3A_416, %swap3A_417], %add3A_395 {add = true, strides = array<i32>} : memref<4x16xf32, #tpu.memory_space<vmem>>, vector<16xf32>,
          %swap3A_419 = arith.constant 3 : i32
          %swap3A_420 = arith.index_cast %swap3A_419 : i32 to index
          %swap3A_421 = arith.constant 0 : index
          %swap3A_422 = tpu.vector_load %arg14[%swap3A_420, %swap3A_421] {strides = array<i32>} : memref<4x16xf32, #tpu.memory_space<vmem>>, vector<16xf32>,
          tpu.vector_store %arg14[%swap3A_420, %swap3A_421], %add3A_403 {add = true, strides = array<i32>} : memref<4x16xf32, #tpu.memory_space<vmem>>, vector<16xf32>,
        } else {
        }
      } else {
      }
    }
    %get3A = arith.constant 0 : i32
    %get3A_130 = arith.index_cast %get3A : i32 to index
    %get3A_131 = arith.constant 0 : index
    %get3A_132 = tpu.vector_load %arg14[%get3A_130, %get3A_131] {strides = array<i32>} : memref<4x16xf32, #tpu.memory_space<vmem>>, vector<16xf32>,
    %get3A_133 = arith.constant 1 : i32
    %get3A_134 = arith.index_cast %get3A_133 : i32 to index
    %get3A_135 = arith.constant 0 : index
    %get3A_136 = tpu.vector_load %arg14[%get3A_134, %get3A_135] {strides = array<i32>} : memref<4x16xf32, #tpu.memory_space<vmem>>, vector<16xf32>,
    %add3A_137 = arith.addf %get3A_132, %get3A_136 : vector<16xf32>
    %get3A_138 = arith.constant 2 : i32
    %get3A_139 = arith.index_cast %get3A_138 : i32 to index
    %get3A_140 = arith.constant 0 : index
    %get3A_141 = tpu.vector_load %arg14[%get3A_139, %get3A_140] {strides = array<i32>} : memref<4x16xf32, #tpu.memory_space<vmem>>, vector<16xf32>,
    %add3A_142 = arith.addf %add3A_137, %get3A_141 : vector<16xf32>
    %get3A_143 = arith.constant 3 : i32
    %get3A_144 = arith.index_cast %get3A_143 : i32 to index
    %get3A_145 = arith.constant 0 : index
    %get3A_146 = tpu.vector_load %arg14[%get3A_144, %get3A_145] {strides = array<i32>} : memref<4x16xf32, #tpu.memory_space<vmem>>, vector<16xf32>,
    %add3A_147 = arith.addf %add3A_142, %get3A_146 : vector<16xf32>
    %swap3A_148 = arith.constant 0 : i32
    %swap3A_149 = arith.index_cast %swap3A_148 : i32 to index
    %swap3A_150 = arith.constant 0 : index
    %swap3A_151 = tpu.vector_load %arg14[%swap3A_149, %swap3A_150] {strides = array<i32>} : memref<4x16xf32, #tpu.memory_space<vmem>>, vector<16xf32>,
    tpu.vector_store %arg14[%swap3A_149, %swap3A_150], %add3A_147 {strides = array<i32>} : memref<4x16xf32, #tpu.memory_space<vmem>>, vector<16xf32>,
    %dma_start3A = arith.constant 0 : i32
    %dma_start3A_152 = tpu.memref_slice %arg4[%arg0, %mul3A_0, %dma_start3A] : memref<2x1024x256xf32, #tpu.memory_space<hbm>> -> memref<1x64x256xf32, #tpu.memory_space<hbm>>
    %dma_start3A_153 = tpu.memref_squeeze %dma_start3A_152 : memref<1x64x256xf32, #tpu.memory_space<hbm>> -> memref<64x256xf32, #tpu.memory_space<hbm>>
    %dma_start3A_154 = arith.constant 0 : i32
    %dma_start3A_155 = tpu.memref_slice %arg4[%arg0, %mul3A_0, %dma_start3A_154] : memref<2x1024x256xf32, #tpu.memory_space<hbm>> -> memref<1x64x256xf32, #tpu.memory_space<hbm>>
    %dma_start3A_156 = tpu.memref_squeeze %dma_start3A_155 : memref<1x64x256xf32, #tpu.memory_space<hbm>> -> memref<64x256xf32, #tpu.memory_space<hbm>>
    tpu.enqueue_dma source(%arg12 : memref<64x256xf32, #tpu.memory_space<vmem>>) target(%dma_start3A_156 : memref<64x256xf32, #tpu.memory_space<hbm>>) target_semaphore(%arg15 : memref<!tpu.dma_semaphore, #tpu.memory_space<semaphore_mem>>)
    %dma_start3A_157 = arith.constant 0 : i32
    %dma_start3A_158 = tpu.memref_slice %arg5[%arg0, %mul3A_0, %dma_start3A_157] : memref<2x1024x16xf32, #tpu.memory_space<hbm>> -> memref<1x64x16xf32, #tpu.memory_space<hbm>>
    %dma_start3A_159 = tpu.memref_squeeze %dma_start3A_158 : memref<1x64x16xf32, #tpu.memory_space<hbm>> -> memref<64x16xf32, #tpu.memory_space<hbm>>
    %dma_start3A_160 = arith.constant 0 : i32
    %dma_start3A_161 = tpu.memref_slice %arg5[%arg0, %mul3A_0, %dma_start3A_160] : memref<2x1024x16xf32, #tpu.memory_space<hbm>> -> memref<1x64x16xf32, #tpu.memory_space<hbm>>
    %dma_start3A_162 = tpu.memref_squeeze %dma_start3A_161 : memref<1x64x16xf32, #tpu.memory_space<hbm>> -> memref<64x16xf32, #tpu.memory_space<hbm>>
    tpu.enqueue_dma source(%arg13 : memref<64x16xf32, #tpu.memory_space<vmem>>) target(%dma_start3A_162 : memref<64x16xf32, #tpu.memory_space<hbm>>) target_semaphore(%arg16 : memref<!tpu.dma_semaphore, #tpu.memory_space<semaphore_mem>>)
    %run_scoped3A = arith.constant 0 : i32
    "tpu.region"() ({
      %run_scoped3A_174 = tpu.sem_alloc : memref<!tpu.dma_semaphore, #tpu.memory_space<semaphore_mem>>
      %dma_start3A_175 = arith.constant 0 : i32
      %dma_start3A_176 = tpu.memref_slice %arg14[%run_scoped3A, %dma_start3A_175] : memref<4x16xf32, #tpu.memory_space<vmem>> -> memref<1x16xf32, #tpu.memory_space<vmem>>
      %dma_start3A_177 = tpu.memref_squeeze %dma_start3A_176 : memref<1x16xf32, #tpu.memory_space<vmem>> -> memref<16xf32, #tpu.memory_space<vmem>>
      %dma_start3A_178 = arith.constant 0 : i32
      %dma_start3A_179 = tpu.memref_slice %arg6[%arg0, %arg1, %dma_start3A_178] : memref<2x16x16xf32, #tpu.memory_space<hbm>> -> memref<1x1x16xf32, #tpu.memory_space<hbm>>
      %dma_start3A_180 = tpu.memref_squeeze %dma_start3A_179 : memref<1x1x16xf32, #tpu.memory_space<hbm>> -> memref<16xf32, #tpu.memory_space<hbm>>
      %dma_start3A_181 = arith.constant 0 : i32
      %dma_start3A_182 = tpu.memref_slice %arg6[%arg0, %arg1, %dma_start3A_181] : memref<2x16x16xf32, #tpu.memory_space<hbm>> -> memref<1x1x16xf32, #tpu.memory_space<hbm>>
      %dma_start3A_183 = tpu.memref_squeeze %dma_start3A_182 : memref<1x1x16xf32, #tpu.memory_space<hbm>> -> memref<16xf32, #tpu.memory_space<hbm>>
      %dma_start3A_184 = arith.constant 0 : i32
      %dma_start3A_185 = tpu.memref_slice %arg14[%run_scoped3A, %dma_start3A_184] : memref<4x16xf32, #tpu.memory_space<vmem>> -> memref<1x16xf32, #tpu.memory_space<vmem>>
      %dma_start3A_186 = tpu.memref_squeeze %dma_start3A_185 : memref<1x16xf32, #tpu.memory_space<vmem>> -> memref<16xf32, #tpu.memory_space<vmem>>
      tpu.enqueue_dma source(%dma_start3A_186 : memref<16xf32, #tpu.memory_space<vmem>>) target(%dma_start3A_183 : memref<16xf32, #tpu.memory_space<hbm>>) target_semaphore(%run_scoped3A_174 : memref<!tpu.dma_semaphore, #tpu.memory_space<semaphore_mem>>)
      %dma_wait3A_187 = arith.constant 0 : i32
      %dma_wait3A_188 = tpu.memref_slice %arg14[%run_scoped3A, %dma_wait3A_187] : memref<4x16xf32, #tpu.memory_space<vmem>> -> memref<1x16xf32, #tpu.memory_space<vmem>>
      %dma_wait3A_189 = tpu.memref_squeeze %dma_wait3A_188 : memref<1x16xf32, #tpu.memory_space<vmem>> -> memref<16xf32, #tpu.memory_space<vmem>>
      %dma_wait3A_190 = arith.constant 0 : i32
      %dma_wait3A_191 = tpu.memref_slice %arg6[%arg0, %arg1, %dma_wait3A_190] : memref<2x16x16xf32, #tpu.memory_space<hbm>> -> memref<1x1x16xf32, #tpu.memory_space<hbm>>
      %dma_wait3A_192 = tpu.memref_squeeze %dma_wait3A_191 : memref<1x1x16xf32, #tpu.memory_space<hbm>> -> memref<16xf32, #tpu.memory_space<hbm>>
      %dma_wait3A_193 = arith.constant 0 : i32
      %dma_wait3A_194 = tpu.memref_slice %arg6[%arg0, %arg1, %dma_wait3A_193] : memref<2x16x16xf32, #tpu.memory_space<hbm>> -> memref<1x1x16xf32, #tpu.memory_space<hbm>>
      %dma_wait3A_195 = tpu.memref_squeeze %dma_wait3A_194 : memref<1x1x16xf32, #tpu.memory_space<hbm>> -> memref<16xf32, #tpu.memory_space<hbm>>
      %dma_wait3A_196 = arith.constant 0 : i32
      %dma_wait3A_197 = tpu.memref_slice %arg14[%run_scoped3A, %dma_wait3A_196] : memref<4x16xf32, #tpu.memory_space<vmem>> -> memref<1x16xf32, #tpu.memory_space<vmem>>
      %dma_wait3A_198 = tpu.memref_squeeze %dma_wait3A_197 : memref<1x16xf32, #tpu.memory_space<vmem>> -> memref<16xf32, #tpu.memory_space<vmem>>
      tpu.wait_dma2 semaphore(%run_scoped3A_174 : memref<!tpu.dma_semaphore, #tpu.memory_space<semaphore_mem>>) src(%dma_wait3A_198 : memref<16xf32, #tpu.memory_space<vmem>>) dst(%dma_wait3A_195 : memref<16xf32, #tpu.memory_space<hbm>>)
      tpu.yield
    }) : () -> ()
    %dma_wait3A = arith.constant 0 : i32
    %dma_wait3A_163 = tpu.memref_slice %arg4[%arg0, %mul3A_0, %dma_wait3A] : memref<2x1024x256xf32, #tpu.memory_space<hbm>> -> memref<1x64x256xf32, #tpu.memory_space<hbm>>
    %dma_wait3A_164 = tpu.memref_squeeze %dma_wait3A_163 : memref<1x64x256xf32, #tpu.memory_space<hbm>> -> memref<64x256xf32, #tpu.memory_space<hbm>>
    %dma_wait3A_165 = arith.constant 0 : i32
    %dma_wait3A_166 = tpu.memref_slice %arg4[%arg0, %mul3A_0, %dma_wait3A_165] : memref<2x1024x256xf32, #tpu.memory_space<hbm>> -> memref<1x64x256xf32, #tpu.memory_space<hbm>>
    %dma_wait3A_167 = tpu.memref_squeeze %dma_wait3A_166 : memref<1x64x256xf32, #tpu.memory_space<hbm>> -> memref<64x256xf32, #tpu.memory_space<hbm>>
    tpu.wait_dma2 semaphore(%arg15 : memref<!tpu.dma_semaphore, #tpu.memory_space<semaphore_mem>>) src(%arg12 : memref<64x256xf32, #tpu.memory_space<vmem>>) dst(%dma_wait3A_167 : memref<64x256xf32, #tpu.memory_space<hbm>>)
    %dma_wait3A_168 = arith.constant 0 : i32
    %dma_wait3A_169 = tpu.memref_slice %arg5[%arg0, %mul3A_0, %dma_wait3A_168] : memref<2x1024x16xf32, #tpu.memory_space<hbm>> -> memref<1x64x16xf32, #tpu.memory_space<hbm>>
    %dma_wait3A_170 = tpu.memref_squeeze %dma_wait3A_169 : memref<1x64x16xf32, #tpu.memory_space<hbm>> -> memref<64x16xf32, #tpu.memory_space<hbm>>
    %dma_wait3A_171 = arith.constant 0 : i32
    %dma_wait3A_172 = tpu.memref_slice %arg5[%arg0, %mul3A_0, %dma_wait3A_171] : memref<2x1024x16xf32, #tpu.memory_space<hbm>> -> memref<1x64x16xf32, #tpu.memory_space<hbm>>
    %dma_wait3A_173 = tpu.memref_squeeze %dma_wait3A_172 : memref<1x64x16xf32, #tpu.memory_space<hbm>> -> memref<64x16xf32, #tpu.memory_space<hbm>>
    tpu.wait_dma2 semaphore(%arg16 : memref<!tpu.dma_semaphore, #tpu.memory_space<semaphore_mem>>) src(%arg13 : memref<64x16xf32, #tpu.memory_space<vmem>>) dst(%dma_wait3A_173 : memref<64x16xf32, #tpu.memory_space<hbm>>)
    return
  }
}

module attributes {stable_mosaic.version = 14 : i64} {
  func.func @_combine_tc(%arg0: memref<1024x256xf32, #tpu.memory_space<vmem>>, %arg1: memref<2x1024x256xf32, #tpu.memory_space<vmem>>, %arg2: memref<2x1024x16xf32, #tpu.memory_space<vmem>>, %arg3: memref<2x16x16xf32, #tpu.memory_space<vmem>>, %arg4: memref<1024x256xf32, #tpu.memory_space<vmem>>, %arg5: memref<1x1xf32, #tpu.memory_space<vmem>>) attributes {dimension_semantics = [], scalar_prefetch = 0 : i64, scratch_operands = 0 : i64, tpu.core_type = #tpu.core_type<tc>} {
    %get3A = arith.constant 0 : index
    %get3A_0 = arith.constant 0 : index
    %get3A_1 = arith.constant 0 : index
    %get3A_2 = vector.load %arg1[%get3A, %get3A_0, %get3A_1] : memref<2x1024x256xf32, #tpu.memory_space<vmem>>, vector<1x1024x256xf32>
    %get3A_3 = vector.shape_cast %get3A_2 : vector<1x1024x256xf32> to vector<1024x256xf32>
    %get3A_4 = arith.constant 1 : index
    %get3A_5 = arith.constant 0 : index
    %get3A_6 = arith.constant 0 : index
    %get3A_7 = vector.load %arg1[%get3A_4, %get3A_5, %get3A_6] : memref<2x1024x256xf32, #tpu.memory_space<vmem>>, vector<1x1024x256xf32>
    %get3A_8 = vector.shape_cast %get3A_7 : vector<1x1024x256xf32> to vector<1024x256xf32>
    %add3A = arith.addf %get3A_3, %get3A_8 : vector<1024x256xf32>
    %get3A_9 = arith.constant 0 : index
    %get3A_10 = arith.constant 0 : index
    %get3A_11 = arith.constant 0 : index
    %get3A_12 = vector.load %arg2[%get3A_9, %get3A_10, %get3A_11] : memref<2x1024x16xf32, #tpu.memory_space<vmem>>, vector<1x1024x16xf32>
    %get3A_13 = vector.shape_cast %get3A_12 : vector<1x1024x16xf32> to vector<1024x16xf32>
    %get3A_14 = arith.constant 1 : index
    %get3A_15 = arith.constant 0 : index
    %get3A_16 = arith.constant 0 : index
    %get3A_17 = vector.load %arg2[%get3A_14, %get3A_15, %get3A_16] : memref<2x1024x16xf32, #tpu.memory_space<vmem>>, vector<1x1024x16xf32>
    %get3A_18 = vector.shape_cast %get3A_17 : vector<1x1024x16xf32> to vector<1024x16xf32>
    %add3A_19 = arith.addf %get3A_13, %get3A_18 : vector<1024x16xf32>
    %slice3A = vector.extract_strided_slice %add3A_19 {offsets = [0, 0], sizes = [1024, 1], strides = [1, 1]} : vector<1024x16xf32> to vector<1024x1xf32>
    %add3A_20 = arith.constant 1.000000e+00 : f32
    %add3A_21 = vector.broadcast %add3A_20 : f32 to vector<1024x1xf32>
    %add3A_22 = arith.addf %add3A_21, %slice3A : vector<1024x1xf32>
    %div3A = arith.constant 5.000000e-01 : f32
    %div3A_23 = vector.broadcast %div3A : f32 to vector<1024x1xf32>
    %div3A_24 = arith.divf %div3A_23, %add3A_22 : vector<1024x1xf32>
    %get3A_25 = arith.constant 0 : index
    %get3A_26 = arith.constant 0 : index
    %get3A_27 = vector.load %arg0[%get3A_25, %get3A_26] : memref<1024x256xf32, #tpu.memory_space<vmem>>, vector<1024x256xf32>
    %mul3A = arith.mulf %div3A_24, %slice3A : vector<1024x1xf32>
    %sub3A = arith.constant 1.000000e+00 : f32
    %sub3A_28 = vector.broadcast %sub3A : f32 to vector<1024x1xf32>
    %sub3A_29 = arith.subf %sub3A_28, %mul3A : vector<1024x1xf32>
    %mul3A_30 = vector.broadcast %sub3A_29 : vector<1024x1xf32> to vector<1024x256xf32>
    %mul3A_31 = arith.mulf %get3A_27, %mul3A_30 : vector<1024x256xf32>
    %mul3A_32 = vector.broadcast %div3A_24 : vector<1024x1xf32> to vector<1024x256xf32>
    %mul3A_33 = arith.mulf %mul3A_32, %add3A : vector<1024x256xf32>
    %add3A_34 = arith.addf %mul3A_31, %mul3A_33 : vector<1024x256xf32>
    %swap3A = arith.constant 0 : index
    %swap3A_35 = arith.constant 0 : index
    %swap3A_36 = vector.load %arg4[%swap3A, %swap3A_35] : memref<1024x256xf32, #tpu.memory_space<vmem>>, vector<1024x256xf32>
    tpu.vector_store %arg4[%swap3A, %swap3A_35], %add3A_34 {strides = array<i32>} : memref<1024x256xf32, #tpu.memory_space<vmem>>, vector<1024x256xf32>,
    %get3A_37 = arith.constant 0 : index
    %get3A_38 = arith.constant 0 : index
    %get3A_39 = arith.constant 0 : index
    %get3A_40 = vector.load %arg3[%get3A_37, %get3A_38, %get3A_39] : memref<2x16x16xf32, #tpu.memory_space<vmem>>, vector<2x16x16xf32>
    %reduce_sum3A = vector.shape_cast %get3A_40 : vector<2x16x16xf32> to vector<1x2x16x16xf32>
    %reduce_sum3A_41 = arith.constant dense<0.000000e+00> : vector<1xf32>
    %reduce_sum3A_42 = vector.multi_reduction <add>, %reduce_sum3A, %reduce_sum3A_41 [1, 2, 3] : vector<1x2x16x16xf32> to vector<1xf32>
    %reduce_sum3A_43 = vector.shape_cast %reduce_sum3A_42 : vector<1xf32> to vector<1x1x1x1xf32>
    %reduce_sum3A_44 = vector.extract %reduce_sum3A_43[0, 0, 0, 0] : f32 from vector<1x1x1x1xf32>
    %mul3A_45 = arith.constant 5.000000e-01 : f32
    %mul3A_46 = arith.mulf %mul3A_45, %reduce_sum3A_44 : f32
    %mul3A_47 = arith.mulf %get3A_27, %get3A_27 : vector<1024x256xf32>
    %mul3A_48 = vector.broadcast %slice3A : vector<1024x1xf32> to vector<1024x256xf32>
    %mul3A_49 = arith.mulf %mul3A_48, %mul3A_47 : vector<1024x256xf32>
    %reduce_sum3A_50 = vector.shape_cast %mul3A_49 : vector<1024x256xf32> to vector<1x1024x256xf32>
    %reduce_sum3A_51 = arith.constant dense<0.000000e+00> : vector<1xf32>
    %reduce_sum3A_52 = vector.multi_reduction <add>, %reduce_sum3A_50, %reduce_sum3A_51 [1, 2] : vector<1x1024x256xf32> to vector<1xf32>
    %reduce_sum3A_53 = vector.shape_cast %reduce_sum3A_52 : vector<1xf32> to vector<1x1x1xf32>
    %reduce_sum3A_54 = vector.extract %reduce_sum3A_53[0, 0, 0] : f32 from vector<1x1x1xf32>
    %mul3A_55 = arith.constant 5.000000e-01 : f32
    %mul3A_56 = arith.mulf %mul3A_55, %reduce_sum3A_54 : f32
    %add3A_57 = arith.addf %mul3A_46, %mul3A_56 : f32
    %mul3A_58 = arith.mulf %add3A, %get3A_27 : vector<1024x256xf32>
    %reduce_sum3A_59 = vector.shape_cast %mul3A_58 : vector<1024x256xf32> to vector<1x1024x256xf32>
    %reduce_sum3A_60 = arith.constant dense<0.000000e+00> : vector<1xf32>
    %reduce_sum3A_61 = vector.multi_reduction <add>, %reduce_sum3A_59, %reduce_sum3A_60 [1, 2] : vector<1x1024x256xf32> to vector<1xf32>
    %reduce_sum3A_62 = vector.shape_cast %reduce_sum3A_61 : vector<1xf32> to vector<1x1x1xf32>
    %reduce_sum3A_63 = vector.extract %reduce_sum3A_62[0, 0, 0] : f32 from vector<1x1x1xf32>
    %sub3A_64 = arith.subf %add3A_57, %reduce_sum3A_63 : f32
    %reshape3A = vector.broadcast %sub3A_64 : f32 to vector<1x1xf32>
    %swap3A_65 = arith.constant 0 : index
    %swap3A_66 = arith.constant 0 : index
    %swap3A_67 = vector.load %arg5[%swap3A_65, %swap3A_66] : memref<1x1xf32, #tpu.memory_space<vmem>>, vector<1x1xf32>
    tpu.vector_store %arg5[%swap3A_65, %swap3A_66], %reshape3A {strides = array<i32>} : memref<1x1xf32, #tpu.memory_space<vmem>>, vector<1x1xf32>,
    return
  }
}

</mosaic_0001>

<sc_bundles>
// kernel: kernel.4.cloned.1.call-start
scs
__scs_entry_jumppad:
0x0: {  	(pc) =	sbr.rel $0x88, $3  }
0x1: {  	(tag) =	ssettag $0x0;
	lr =	simm.s32 $0x1  }
0x2: {  	[smem:$0x3F9E] =	sst lr;
	_ =	strace $0xD0000000  }
0x3: {  	_ = 	snop  }
0x4: {  	_ = 	snop  }
0x5: {  	_ = 	snop  }
0x6: {  	_ = 	snop  }
0x7: {  	_ = 	snop  }
__scs_overlays_trampoline_lowered:
0x8: {  	[smem:$0x3FAD] =	sst s0  }
0x9: {  	[smem:$0x3FAE] =	sst s1  }
0xa: {  	[smem:$0x3FAF] =	sst s2  }
0xb: {  	[smem:$0x3FB0] =	sst s3  }
0xc: {  	[smem:$0x3FB1] =	sst s4  }
0xd: {  	[smem:$0x3FB2] =	sst s5  }
0xe: {  	[smem:$0x3FB3] =	sst s6  }
0xf: {  	[smem:$0x3FB4] =	sst s7  }
0x10: {  	[smem:$0x3FB5] =	sst s8  }
0x11: {  	[smem:$0x3FB6] =	sst s9;
	s0 =	simm.s32 @!p0 $0x0  }
0x12: {  	s1 =	sld [smem:$0x3F9C];
	s0 =	simm.s32 @p0 $0x1  }
0x13: {  	[smem:$0x3FB7] =	sst s0;
	s0 =	simm.s32 @!p1 $0x0  }
0x14: {  	s2 =	sld [smem:$0x3F9B];
	s0 =	simm.s32 @p1 $0x1  }
0x15: {  	[smem:$0x3FB8] =	sst s0;
	s0 =	simm.s32 @!p2 $0x0  }
0x16: {  	s3 =	sld [smem:$0x3FDB];
	s0 =	simm.s32 @p2 $0x1  }
0x17: {  	s4 =	simm.s32 $0x1BF5;
	[smem:$0x3FBA] =	sst s0  }
0x18: {  	s0 =	sld [smem:$0x3F9D];
	_ =	swait.ge [sflag:s4], $0x0  }
0x19: {  	s7 =	sld [smem:$0x3F9E]  }
0x1a: {  	s8 =	sadd.s32 $0xFFFFE003, lr  }
0x1b: {  	s9 =	sadd.s32 $0xFFFFFEF7, lr;
	s5 =	simm.s32 $0xFFFFFFFF;
	p2 =	slt.u32 s8, $0xFFFFF086  }
0x1c: {  	p1 =	slt.u32 s9, $0xF7A;
	s5 =	simm.s32 @!p2 $0x0  }
0x1d: {  	s5 =	simm.s32 @p1 $0x1;
	p0 =	seq.s32 s7, s2  }
0x1e: {  	s7 =	smul.u32 @!p0 $0xF7A, s2;
	p2 =	seq.s32 @!p0 s5, $0x0  }
0x1f: {  	s9 =	smul.u32 $0xF7A, s1;
	s8 =	simm.s32 @!p0 $0x1BF5;
	p2 =	por !p2, p0  }
0x20: {  	[sflag:s8] =	ssyncset.s32 @!p0 $0xFFFFF086;
	s6 =	sadd.s32 @!p0 s3, s7;
	s7 =	simm.s32 @!p0 $0x108  }
0x21: {  	s3 =	sadd.s32 s3, s9;
	s6 =	sadd.s32 @!p0 $0x88, s6;
	s7 =	simm.s32 @p2 $0x1082  }
0x22: {  	[simem:s7], [sflag:s8] =	dma.local @!p0 [hbm:s6], $0xF7A  }
0x23: {  	s9 =	sor.u32 $0xD0000000, s2;
	s6 =	simm.s32 $0x108;
	_ =	swait.ge @!p0 [sflag:s8], $0x0  }
0x24: {  	s3 =	sadd.s32 $0x88, s3;
	s6 =	simm.s32 @!p1 $0x1082;
	[sflag:s4] =	ssyncset.s32 $0xFFFFF086  }
0x25: {  	[simem:s6], [sflag:s4] =	dma.local [hbm:s3], $0xF7A  }
0x26: {  	[smem:$0x3F9E] =	sst s1;
	(tag) =	ssettag s2;
	_ =	strace s9  }
0x27: {  	s1 =	sld [smem:$0x3FAE]  }
0x28: {  	s2 =	sld [smem:$0x3FAF]  }
0x29: {  	s4 =	sld [smem:$0x3FB1]  }
0x2a: {  	p0 =	seq.s32 s5, $0x0;
	s5 =	sld [smem:$0x3FB2]  }
0x2b: {  	s6 =	sld [smem:$0x3FB3]  }
0x2c: {  	s7 =	sld [smem:$0x3FB4]  }
0x2d: {  	s3 =	simm.s32 $0x108;
	s8 =	sld [smem:$0x3FB5]  }
0x2e: {  	s3 =	simm.s32 @!p0 $0x1082;
	s9 =	sld [smem:$0x3FB6]  }
0x2f: {  	lr =	sadd.s32 s0, s3;
	s0 =	sld [smem:$0x3FAD]  }
0x30: {  	s3 =	sld [smem:$0x3FB0]  }
0x31: {  	[smem:$0x3FB9] =	sst s10  }
0x32: {  	s10 =	sld [smem:$0x3FB7];
	_ =	sdelay $0x3  }
0x33: {  	p0 =	seq.s32 s10, $0x1;
	s10 =	sld [smem:$0x3FB9];
	_ =	sdelay $0x3  }
0x34: {  	[smem:$0x3FB9] =	sst s10  }
0x35: {  	s10 =	sld [smem:$0x3FB8];
	_ =	sdelay $0x3  }
0x36: {  	p1 =	seq.s32 s10, $0x1;
	s10 =	sld [smem:$0x3FB9];
	_ =	sdelay $0x3  }
0x37: {  	[smem:$0x3FB9] =	sst s10  }
0x38: {  	s10 =	sld [smem:$0x3FBA]  }
0x39: {  	_ = 	snop;
	(pc) =	sbr.ind lr, $3  }
0x3a: {  	_ = 	snop  }
0x3b: {  	_ = 	snop  }
0x3c: {  	p2 =	seq.s32 s10, $0x1;
	s10 =	sld [smem:$0x3FB9]  }
0x3d: {  	_ =	shalt  }
0x3e: {  	_ =	shalt  }
0x3f: {  	_ =	shalt  }
0x40: {  	_ =	shalt  }
0x41: {  	_ =	shalt  }
0x42: {  	_ =	shalt  }
0x43: {  	_ =	shalt  }
0x44: {  	_ =	shalt  }
0x45: {  	_ =	shalt  }
0x46: {  	_ =	shalt  }
0x47: {  	_ =	shalt  }
0x48: {  	_ =	shalt  }
0x49: {  	_ =	shalt  }
0x4a: {  	_ =	shalt  }
0x4b: {  	_ =	shalt  }
0x4c: {  	_ =	shalt  }
0x4d: {  	_ =	shalt  }
0x4e: {  	_ =	shalt  }
0x4f: {  	_ =	shalt  }
0x50: {  	_ =	shalt  }
0x51: {  	_ =	shalt  }
0x52: {  	_ =	shalt  }
0x53: {  	_ =	shalt  }
0x54: {  	_ =	shalt  }
0x55: {  	_ =	shalt  }
0x56: {  	_ =	shalt  }
0x57: {  	_ =	shalt  }
0x58: {  	_ =	shalt  }
0x59: {  	_ =	shalt  }
0x5a: {  	_ =	shalt  }
0x5b: {  	_ =	shalt  }
0x5c: {  	_ =	shalt  }
0x5d: {  	_ =	shalt  }
0x5e: {  	_ =	shalt  }
0x5f: {  	_ =	shalt  }
0x60: {  	_ =	shalt  }
0x61: {  	_ =	shalt  }
0x62: {  	_ =	shalt  }
0x63: {  	_ =	shalt  }
0x64: {  	_ =	shalt  }
0x65: {  	_ =	shalt  }
0x66: {  	_ =	shalt  }
0x67: {  	_ =	shalt  }
0x68: {  	_ =	shalt  }
0x69: {  	_ =	shalt  }
0x6a: {  	_ =	shalt  }
0x6b: {  	_ =	shalt  }
0x6c: {  	_ =	shalt  }
0x6d: {  	_ =	shalt  }
0x6e: {  	_ =	shalt  }
0x6f: {  	_ =	shalt  }
0x70: {  	_ =	shalt  }
0x71: {  	_ =	shalt  }
0x72: {  	_ =	shalt  }
0x73: {  	_ =	shalt  }
0x74: {  	_ =	shalt  }
0x75: {  	_ =	shalt  }
0x76: {  	_ =	shalt  }
0x77: {  	_ =	shalt  }
0x78: {  	_ =	shalt  }
0x79: {  	_ =	shalt  }
0x7a: {  	_ =	shalt  }
0x7b: {  	_ =	shalt  }
0x7c: {  	_ =	shalt  }
0x7d: {  	_ =	shalt  }
0x7e: {  	_ =	shalt  }
0x7f: {  	_ =	shalt  }
0x80: {  	_ =	shalt  }
0x81: {  	_ =	shalt  }
0x82: {  	_ =	shalt  }
0x83: {  	_ =	shalt  }
0x84: {  	_ =	shalt  }
0x85: {  	_ =	shalt  }
0x86: {  	_ =	shalt  }
0x87: {  	_ =	shalt  }
.Lfunc_end0:
.L_simem_size_0:
called_computation_lowered:
.L_overlay_start_0:
0x88: {  	s2 =	sld [smem:$0x3FD9]  }
0x89: {  	s3 =	sld [smem:$0x3FFE];
	_ =	sdelay $0x1  }
0x8a: {  	s1 =	srdreg.scid  }
0x8b: {  	s0 =	sand.u32 $0x1, s1  }
0x8c: {  	s14 =	sshll.u32 s0, $0xA;
	s2 =	sadd.s32 s3, s2  }
0x8d: {  	s2 =	sadd.s32 s2, s14  }
0x8e: {  	[smem:$0x3FC5] =	sst s2  }
0x8f: {  	_ = 	snop  }
0x90: {  	s2 =	sld [smem:$0x3FD0];
	_ =	sdelay $0x2  }
0x91: {  	s4 =	simm.s32 $0xA;
	s5 =	simm.s32 $0x10;
	s15 =	sld [smem:$0x3FC8]  }
0x92: {  	[smem:s5], [sflag:s4] =	dma.local [hbm:s2], $0x1  }
0x93: {  	_ =	swait.eq [sflag:s4], $0x1  }
0x94: {  	[sflag:s4] =	ssyncset.done $0x0  }
0x95: {  	s16 =	sld [smem:$0x11];
	[sflag:s4] =	ssyncadd.s32 $0xFFFFFFFF  }
0x96: {  	s17 =	sld [smem:$0x12];
	(tm) =	ssettm $0x1  }
0x97: {  	s18 =	sld [smem:$0x3FFB];
	_ =	sdelay $0x3  }
0x98: {  	_ =	strace s18  }
0x99: {  	s5 =	sld [smem:$0x3FFC];
	_ =	sdelay $0x3  }
0x9a: {  	_ =	strace s5  }
0x9b: {  	s5 =	sld [smem:$0x3FFD];
	_ =	sdelay $0x3  }
0x9c: {  	_ =	strace s5  }
0x9d: {  	_ =	strace $0x8FFFFFFF  }
0x9e: {  	s19 =	sld [smem:$0x3FDB];
	_ =	sdelay $0x1  }
0x9f: {  	s6 =	simm.s32 $_scs_section_size  }
0xa0: {  	s7 =	simm.s32 $_size__tile_overlayer_lowered;
	s8 =	simm.s32 $_tile_overlayer_lowered  }
0xa1: {  	s22 =	simm.s32 $0x1BFF;
	s21 =	sshll.u32 s8, $0x1;
	s5 =	sadd.s32 s6, s19  }
0xa2: {  	s9 =	simm.s32 $0x0;
	s20 =	sshll.u32 s7, $0x1;
	s7 =	sadd.s32 s21, s5  }
0xa3: {  	[timem:s9], [sflag:s22] =	dma.local [hbm:s7], s20  }
0xa4: {  	_ =	swait.ge [sflag:s22], s20  }
0xa5: {  	s6 =	ssub.s32 $0x0, s20;
	[sflag:s22] =	ssyncset.done $0x0  }
0xa6: {  	[sflag:s22] =	ssyncadd.s32 s6;
	_ =	sdelay $0x1  }
0xa7: {  	s23 =	simm.s32 $0x1B8B  }
0xa8: {  	_ =	swait.ge [sflag:s23], $0x1  }
0xa9: {  	[sflag:s23] =	ssyncset.done $0x0  }
0xaa: {  	s25 =	simm.s32 $0x1B8E;
	s24 =	sld [smem:$0x3FFE];
	[sflag:s23] =	ssyncadd.s32 $0xFFFFFFFF  }
0xab: {  	s26 =	simm.s32 $execute0_lowered;
	[smem:$0x3FD2] =	sst s25  }
0xac: {  	s7 =	sshll.u32 s26, $0x1;
	_ =	strace $0x80000046;
	[dreg:$0x1] =	wrdreg $0xFFFFFFFF  }
0xad: {  	s28 =	simm.s32 $_size_execute0_lowered;
	s5 =	sadd.s32 s5, s7;
	[dreg:$0x0] =	wrdreg $0x0  }
0xae: {  	s7 =	sshll.u32 s28, $0x1;
	[dreg:$0x2] =	wrdreg s5  }
0xaf: {  	[dreg:$0x3] =	wrdreg s7  }
0xb0: {  	[dreg:$0x4] =	wrdreg $0xC0  }
0xb1: {  	_ =	task [dreg:s9], $0x5FFFF  }
0xb2: {  	[dreg:$0x1] =	wrdreg $0xFFFFFFFF  }
0xb3: {  	[dreg:$0x0] =	wrdreg $0x60  }
0xb4: {  	[dreg:$0x2] =	wrdreg s17  }
0xb5: {  	[dreg:$0x3] =	wrdreg s15  }
0xb6: {  	[dreg:$0x4] =	wrdreg s24  }
0xb7: {  	[dreg:$0x5] =	wrdreg s16  }
0xb8: {  	[dreg:$0x6] =	wrdreg $0x9  }
0xb9: {  	_ =	task.clear_ibuf [dreg:s9], $0x7FFFF;
	_ =	strace $0x90000046  }
0xba: {  	s29 =	simm.s32 $0x9;
	_ =	strace $0x80000048  }
0xbb: {  	_ =	swait.ge [sflag:s29], $0x1  }
0xbc: {  	[sflag:s29] =	ssyncadd.s32 $0xFFFFFFFF  }
0xbd: {  	_ =	strace $0x90000048  }
0xbe: {  	_ =	sfence  }
0xbf: {  	s30 =	sld [smem:$0x0];
	_ =	sdelay $0x2  }
0xc0: {  	s31 =	sshll.u32 s1, $0xD;
	s1 =	sshrl.u32 s1, $0x2  }
0xc1: {  	s3 =	sand.u32 $0x4000, s31;
	s1 =	sadd.s32 s1, s30  }
0xc2: {  	s0 =	sor.u32 s3, s0;
	s1 =	sshll.u32 s1, $0x11  }
0xc3: {  	s0 =	sor.u32 s1, s0  }
0xc4: {  	s0 =	sadd.s32 $0x8F2B, s0  }
0xc5: {  	[sflag:s0] =	ssyncadd.remote.s32 $0x1  }
0xc6: {  	_ =	sfence.sel $0xFFFF  }
0xc7: {  	[dreg:$0x0] =	wrdreg $0xFFFFFFFF;
	(pc) =	sbr.abs _section_cstart, $3  }
0xc8: {  	[dreg:$0x1] =	wrdreg $0xFFFFFFFF  }
0xc9: {  	_ =	task.clear_ibuf [dreg:s9], $0x2FFFF;
	_ =	strace $0x9FFFFFFF  }
0xca: {  	(tm) =	ssettm $0x7FFFFFFF  }
0xcb: {  	_ =	shalt  }
tec
execute0_lowered:
.L_overlay_start_1:
0x0: {  	(tag) =	ssettag $0x1  }
0x1: {  	s0 =	rddreg [dreg:$0x0]  }
0x2: {  	s1 =	rddreg [dreg:$0x2]  }
0x3: {  	s2 =	rddreg [dreg:$0x3];
	s11 =	simm.s32 $0x0;
	s3 =	srdreg.scid  }
0x4: {  	s10 =	stileid.u32;
	s13 =	simm.s32 $0x2000;
	s14 =	simm.s32 $0x4400  }
0x5: {  	s15 =	simm.s32 $0x1C500;
	s16 =	simm.s32 $0x1C580;
	s18 =	simm.s32 $0x1C600  }
0x6: {  	s19 =	simm.s32 $0x1C680;
	[smem:$0x7FF] =	sst s11;
	s3 =	sand.u32 $0x1, s3  }
0x7: {  	s4 =	sshll.u32 s10, $0xB;
	s6 =	sshll.u32 s10, $0x4;
	s24 =	sshll.u32 s10, $0x6  }
0x8: {  	s28 =	sshll.u32 s10, $0xA;
	_ =	strace $0x80000047;
	s5 =	ssub.s32 $0x2, s3  }
0x9: {  	s4 =	sadd.s32 s4, s1;
	s1 =	sadd.s32 s6, s1;
	s23 =	sshll.u32 s3, $0x4  }
0xa: {  	s8 =	sshll.u32 s3, $0xD;
	s25 =	sadd.s32 $0x40, s24;
	s9 =	sshll.u32 s3, $0xF  }
0xb: {  	v36 =	vlaneseq.u32;
	s29 =	sshll.u32 s3, $0x8;
	s3 =	sshll.u32 s3, $0xE;
	s2 =	sadd.s32 s2, s28  }
0xc: {  	v1 =	vand.u32 $0x7, v36;
	s7 =	sshrl.u32 s5, $0x1;
	s0 =	sadd.s32 s0, s23;
	s26 =	sor.u32 s24, s8  }
0xd: {  	v63 =	vor.u32 $0x8, v36;
	[tilespmem:$0x1FFB0] =	vst v1;
	s4 =	sadd.s32 s9, s4;
	s2 =	sadd.s32 s3, s2;
	[dreg:$0x5] =	wrdreg s0  }
.Ltmp0:
0xe: {  	v34 =	vmov s24;
	[tilespmem:$0x1FFD0] =	vst v63;
	s31 =	sor.u32 $0x30, s8;
	[dreg:$0x7] =	wrdreg s2;
	(pc) =	sbr.rel .LBB2_1-.Ltmp0, $4  }
0xf: {  	v62 =	vshrl.u32 v36, $0x3;
	s1 =	sadd.s32 s29, s1;
	[tilespmem:$0x1FFE0] =	vst v34;
	s4 =	sadd.s32 $0x1200, s4;
	[dreg:$0xa] =	wrdreg s31;
	v0 =	vor.u32 s26, v36  }
0x10: {  	v35 =	vmov s25;
	s5 =	ssub.s32 s5, s7;
	s1 =	sadd.s32 $0x11200, s1;
	[dreg:$0x6] =	wrdreg s4;
	[tilespmem:$0x1FFA0] =	vst v0;
	v0 =	vmul.u32 $0x8, v62  }
0x11: {  	v48 =	vimm.f32 $0.0e+00;
	s3 =	simm.s32 $0x3;
	[tilespmem:$0x1FFF0] =	vst v35;
	[dreg:$0x8] =	wrdreg s1;
	s30 =	smax.u32 s5, $0x1  }
0x12: {  	v37 =	vimm.s32 $0x0;
	vm0 =	vmmov $0xffff;
	vm1 =	vcmask $0x300;
	s2 =	simm.s32 $0x0;
	s4 =	simm.s32 $0x1A500;
	[dreg:$0x9] =	wrdreg s30;
	[tilespmem:$0x1FFC0] =	vst v0  }
.LBB2_43:
0x13: {  	v0 =	vld [tilespmem:$0x1C500]  }
0x14: {  	v1 =	vld [tilespmem:$0x1C580];
	_ =	sdelay $0x1  }
0x15: {  	v2 =	vld [tilespmem:$0x1C600];
	_ =	sdelay $0x1  }
0x16: {  	v3 =	vld [tilespmem:$0x1C680]  }
0x17: {  	v0 =	vadd.f32 v1, v0;
	_ =	sdelay $0x1  }
0x18: {  	v0 =	vadd.f32 v2, v0;
	_ =	sdelay $0x1  }
0x19: {  	v0 =	vadd.f32 v3, v0;
	_ =	sdelay $0x1  }
0x1a: {  	s11 =	simm.s32 $0x0;
	s0 =	rddreg [dreg:$0x6];
	s1 =	simm.s32 $0x16500;
	[tilespmem:$0x1C500] =	vst v0  }
0x1b: {  	[hbm4b:s0+s11] =	stream.linear.scatter [tilespmem:s1], [sflag:$0x1], $0x4000, $0x38;
	[tilespmem:$0x1C700] =	vst v63  }
0x1c: {  	s26 =	rddreg [dreg:$0x7];
	s4 =	simm.s32 $0x1A500  }
0x1d: {  	[hbm4b:s26+s11] =	stream.linear.scatter [tilespmem:s4], [sflag:$0x2], $0x2000, $0x38;
	[tilespmem:$0x1C700] =	vst v63  }
0x1e: {  	s28 =	rddreg [dreg:$0x8];
	s3 =	simm.s32 $0x3  }
0x1f: {  	[hbm4b:s28+s11] =	stream.linear.scatter [tilespmem:s15], [sflag:$0x3], $0x80, $0x38;
	[tilespmem:$0x1C700] =	vst v63  }
0x20: {  	_ =	swait.ge [sflag:s3], $0x80  }
0x21: {  	[sflag:s3] =	ssyncset.done $0x0  }
0x22: {  	s29 =	simm.s32 $0x1;
	[sflag:s3] =	ssyncadd.s32 $0xFFFFFF80  }
0x23: {  	_ =	swait.ge [sflag:s29], $0x4000  }
0x24: {  	[sflag:s29] =	ssyncset.done $0x0  }
0x25: {  	s30 =	simm.s32 $0x2;
	[sflag:s29] =	ssyncadd.s32 $0xFFFFC000  }
0x26: {  	_ =	swait.ge [sflag:s30], $0x2000  }
0x27: {  	s2 =	rddreg [dreg:$0xb]  }
0x28: {  	s31 =	rddreg [dreg:$0x9];
	s2 =	sadd.s32 $0x1, s2  }
0x29: {  	p0 =	sne.s32 s2, s31  }
.Ltmp1:
0x2a: {  	_ = 	snop;
	(pc) =	sbr.rel @!p0 .LBB2_44-.Ltmp1, $3  }
0x2b: {  	_ =	sdelay $0x1  }
0x2c: {  	[sflag:s30] =	ssyncset.done $0x0  }
0x2d: {  	[sflag:s30] =	ssyncadd.s32 $0xFFFFE000  }
.LBB2_1:
0x2e: {  	[dreg:$0xb] =	wrdreg s2  }
0x2f: {  	s0 =	rddreg [dreg:$0x5];
	s1 =	simm.s32 $0x80;
	s26 =	simm.s32 $0x100  }
0x30: {  	[tilespmem:s11], [sflag:$0x3] =	stream.strided.gather [hbm4b:s0+s1], $0x2000, s26, s1, $0x38;
	[tilespmem:$0x1C700] =	vst v63  }
0x31: {  	_ =	swait.ge [sflag:s3], $0x2000  }
0x32: {  	[sflag:s3] =	ssyncset.done $0x0  }
0x33: {  	[sflag:s3] =	ssyncadd.s32 $0xFFFFE000  }
0x34: {  	[tilespmem:$0x1C500] =	vst v48  }
0x35: {  	[tilespmem:$0x1C580] =	vst v48  }
0x36: {  	s28 =	sand.u32 $0x3800, s11;
	s29 =	sand.u32 $0x380, s11;
	[tilespmem:$0x1C600] =	vst v48  }
0x37: {  	s0 =	sor.u32 s29, s28;
	[tilespmem:$0x1C680] =	vst v48  }
0x38: {  	s1 =	sadd.s32 $0x16500, s0;
	[tilespmem:s0+$0x16500] =	vst v48  }
0x39: {  	[tilespmem:s1+$0x10] =	vst v48  }
0x3a: {  	[tilespmem:s1+$0x20] =	vst v48  }
0x3b: {  	[tilespmem:s1+$0x30] =	vst v48  }
0x3c: {  	[tilespmem:s1+$0x40] =	vst v48  }
0x3d: {  	[tilespmem:s1+$0x50] =	vst v48  }
0x3e: {  	[tilespmem:s1+$0x60] =	vst v48  }
0x3f: {  	[tilespmem:s1+$0x70] =	vst v48  }
0x40: {  	[tilespmem:s1+$0x400] =	vst v48  }
0x41: {  	[tilespmem:s1+$0x410] =	vst v48  }
0x42: {  	[tilespmem:s1+$0x420] =	vst v48  }
0x43: {  	[tilespmem:s1+$0x430] =	vst v48  }
0x44: {  	[tilespmem:s1+$0x440] =	vst v48  }
0x45: {  	[tilespmem:s1+$0x450] =	vst v48  }
0x46: {  	s30 =	simm.s32 $0x100;
	s0 =	simm.s32 $0x80;
	[tilespmem:s1+$0x460] =	vst v48  }
0x47: {  	s2 =	sand.u32 $0x3800, s30;
	s31 =	sand.u32 $0x380, s0;
	[tilespmem:s1+$0x470] =	vst v48  }
0x48: {  	s2 =	sor.u32 s31, s2;
	[tilespmem:s4+$0x0] =	vst v48  }
0x49: {  	s1 =	sadd.s32 $0x16500, s2;
	[tilespmem:s2+$0x16500] =	vst v48  }
0x4a: {  	[tilespmem:s1+$0x10] =	vst v48  }
0x4b: {  	[tilespmem:s1+$0x20] =	vst v48  }
0x4c: {  	[tilespmem:s1+$0x30] =	vst v48  }
0x4d: {  	[tilespmem:s1+$0x40] =	vst v48  }
0x4e: {  	[tilespmem:s1+$0x50] =	vst v48  }
0x4f: {  	[tilespmem:s1+$0x60] =	vst v48  }
0x50: {  	[tilespmem:s1+$0x70] =	vst v48  }
0x51: {  	[tilespmem:s1+$0x400] =	vst v48  }
0x52: {  	[tilespmem:s1+$0x410] =	vst v48  }
0x53: {  	[tilespmem:s1+$0x420] =	vst v48  }
0x54: {  	[tilespmem:s1+$0x430] =	vst v48  }
0x55: {  	[tilespmem:s1+$0x440] =	vst v48  }
0x56: {  	s3 =	simm.s32 $0x200;
	s2 =	simm.s32 $0x1A500;
	[tilespmem:s1+$0x450] =	vst v48  }
.LBB2_2:
0x57: {  	p0 =	sne.s32 s3, $0x3F00;
	[tilespmem:s1+$0x460] =	vst v48;
	s0 =	sadd.s32 $0x80, s0  }
0x58: {  	s4 =	sand.u32 $0x3800, s3;
	s2 =	sadd.s32 $0x80, s2;
	s5 =	sand.u32 $0x380, s0;
	[tilespmem:s1+$0x470] =	vst v48  }
0x59: {  	s4 =	sor.u32 s5, s4;
	[tilespmem:s2+$0x0] =	vst v48  }
0x5a: {  	s1 =	sadd.s32 $0x16500, s4;
	[tilespmem:s4+$0x16500] =	vst v48  }
0x5b: {  	[tilespmem:s1+$0x10] =	vst v48  }
0x5c: {  	[tilespmem:s1+$0x20] =	vst v48  }
0x5d: {  	[tilespmem:s1+$0x30] =	vst v48  }
0x5e: {  	[tilespmem:s1+$0x40] =	vst v48  }
0x5f: {  	[tilespmem:s1+$0x50] =	vst v48  }
0x60: {  	[tilespmem:s1+$0x60] =	vst v48  }
0x61: {  	[tilespmem:s1+$0x70] =	vst v48  }
0x62: {  	[tilespmem:s1+$0x400] =	vst v48  }
.Ltmp2:
0x63: {  	[tilespmem:s1+$0x410] =	vst v48;
	(pc) =	sbr.rel @p0 .LBB2_2-.Ltmp2, $4  }
0x64: {  	[tilespmem:s1+$0x420] =	vst v48  }
0x65: {  	[tilespmem:s1+$0x430] =	vst v48  }
0x66: {  	[tilespmem:s1+$0x440] =	vst v48  }
0x67: {  	s3 =	sadd.s32 $0x100, s3;
	[tilespmem:s1+$0x450] =	vst v48  }
0x68: {  	[tilespmem:s1+$0x460] =	vst v48  }
0x69: {  	[tilespmem:s1+$0x470] =	vst v48;
	s0 =	sadd.s32 $0x80, s2  }
0x6a: {  	s23 =	simm.s32 $0x20;
	[tilespmem:s0+$0x0] =	vst v48  }
0x6b: {  	v11 =	vld [tilespmem:s23+$0x10]  }
0x6c: {  	v0 =	vld [tilespmem:s23+$0xFFFFFFE0]  }
0x6d: {  	v9 =	vld [tilespmem:s23+$0xFFFFFFF0];
	_ =	sdelay $0x1  }
0x6e: {  	v12 =	vld [tilespmem:s23+$0x0]  }
0x6f: {  	vm2 =	vge.s32 v11, v34  }
0x70: {  	vm3 =	vlt.s32 v11, v35;
	vm4 =	vge.s32 v0, v34;
	vm5 =	vlt.s32 v0, v35  }
0x71: {  	vm6 =	vlt.s32 v9, v35;
	vm5 =	vmand vm4, vm5;
	vm4 =	vge.s32 v9, v34  }
0x72: {  	vm2 =	vmand vm2, vm3;
	v1 =	vmpcnt.ones.xlane vm5;
	vm3 =	vmand vm4, vm6  }
0x73: {  	vm4 =	vge.s32 v12, v34;
	v2 =	vmpcnt.ones.xlane vm3  }
0x74: {  	vm6 =	vlt.s32 v12, v35;
	v3 =	vmpcnt.ones.xlane vm2;
	(v2sf) =	vpush v1, $0x0  }
0x75: {  	vm6 =	vmand vm4, vm6;
	(v2sf) =	vpush v2, $0x0  }
0x76: {  	s25 =	simm.s32 $0x60;
	v1 =	vmpcnt.ones.xlane vm6;
	(v2sf) =	vpush v3, $0x0  }
0x77: {  	v13 =	vld [tilespmem:s25+$0xFFFFFFF0];
	v2 =	vsel vm5, $0x1, v37  }
0x78: {  	v15 =	vld [tilespmem:s25+$0x0];
	(xrf0) =	vadd.scan.msk.s32 $0xffff, v2;
	(v2sf) =	vpush v1, $0x0  }
0x79: {  	v10 =	vld [tilespmem:s25+$0x10];
	s4 =	rddreg [dreg:$0xa]  }
0x7a: {  	s24 =	simm.s32 $0x0;
	s28 =	sadd.s32 $0xFFFFFFD0, s4  }
0x7b: {  	v8 =	vor.u32 s28, v36;
	v1 =	vmov s24  }
0x7c: {  	v14 =	vld [tilespmem:s25+$0xFFFFFFE0];
	v16 =	vsub.s32 v0, v34;
	vm8 =	vlt.s32 v13, v35;
	v1 =	vadd.s32 $0xFFFFFFFF, v1  }
0x7d: {  	vm10 =	vlt.s32 v15, v35;
	vm9 =	vmmov vm5;
	v1 =	vbroadcast v1, $0x0  }
0x7e: {  	vm4 =	vmmov vm2;
	v4 =	vsel vm6, $0x1, v37;
	vm5 =	vlt.s32 v10, v35;
	v3, _, _ =	vpop (xrf0)  }
0x7f: {  	v2 =	vsel vm2, $0x1, v37;
	vm2 =	vge.s32 v10, v34;
	v1 =	vadd.s32 v3, v1  }
0x80: {  	vm5 =	vmand vm2, vm5;
	vm2 =	vmmov vm6;
	vm7 =	vgt.s32 v1, $0x0  }
0x81: {  	vm6 =	vge.s32 v14, v34;
	v6 =	vnsel vm7, $0x0, v1;
	vm7 =	vlt.s32 v14, v35  }
0x82: {  	v5 =	vsel vm3, $0x1, v37;
	vm3 =	vmmov vm3;
	vm6 =	vmand vm6, vm7  }
0x83: {  	v7 =	vmpcnt.ones.xlane vm5;
	(xrf0) =	vadd.scan.msk.s32 $0xffff, v2;
	vm7 =	vge.s32 v13, v34;
	v0 =	vmpcnt.ones.xlane vm6;
	s26 =	spop (v2sf)  }
0x84: {  	v3 =	vsel vm5, $0x1, v37;
	(xrf0) =	vadd.scan.msk.s32 $0xffff, v4;
	vm7 =	vmand vm7, vm8;
	vm8 =	vge.s32 v15, v34;
	s29 =	spop (v2sf)  }
0x85: {  	(xrf0) =	vadd.scan.msk.s32 $0xffff, v5;
	v2 =	vmpcnt.ones.xlane vm7;
	vm8 =	vmand vm8, vm10;
	s0 =	sadd.s32 $0x0, s26;
	s30 =	spop (v2sf);
	(v2sf) =	vpush v0, $0x0  }
0x86: {  	v17 =	vsel vm6, $0x1, v37;
	v5 =	vmpcnt.ones.xlane vm8;
	v1 =	vmov s0;
	s0 =	sadd.s32 s0, s29  }
0x87: {  	s31 =	spop (v2sf);
	v0 =	vmov s0;
	(v2sf) =	vpush v2, $0x0;
	v2 =	vadd.s32 $0xFFFFFFFF, v1  }
0x88: {  	v1 =	vsel vm8, $0x1, v37;
	s0 =	sadd.s32 s0, s31;
	v0 =	vadd.s32 $0xFFFFFFFF, v0;
	(v2sf) =	vpush v7, $0x0  }
0x89: {  	v20, _, _ =	vpop (xrf0);
	(xrf0) =	vadd.scan.msk.s32 $0xffff, v17;
	v2 =	vbroadcast v2, $0x0;
	v4 =	vmov s0;
	v19 =	vbroadcast v0, $0x0  }
0x8a: {  	v7, _, _ =	vpop (xrf0);
	s0 =	sadd.s32 s0, s30;
	(v2sf) =	vpush v5, $0x0;
	v0 =	vsel vm7, $0x1, v37;
	v4 =	vadd.s32 $0xFFFFFFFF, v4  }
0x8b: {  	[tilespmem:v6+s13+$0x0] =	vst.idx.msk vm9, v8;
	v5, _, _ =	vpop (xrf0);
	v18 =	vmov s0;
	v4 =	vbroadcast v4, $0x0;
	v7 =	vadd.s32 v7, v19  }
0x8c: {  	s1 =	simm.s32 $0x4;
	[tilespmem:v6+s14+$0x0] =	vst.idx.msk vm9, v16;
	v5 =	vadd.s32 v5, v2;
	v6 =	vadd.s32 $0xFFFFFFFF, v18;
	vm9 =	vgt.s32 v7, $0x0  }
0x8d: {  	s2 =	simm.s32 $0xA0;
	s5 =	sadd.s32 $0xFFFFFFE0, s4;
	s6 =	smov.u32 s4;
	vm10 =	vgt.s32 v5, $0x0;
	v4 =	vadd.s32 v20, v4;
	v2 =	vnsel vm9, $0x0, v7  }
.LBB2_4:
0x8e: {  	v7 =	vld [tilespmem:s2+$0x10];
	s1 =	sadd.s32 $0x4, s1;
	v6 =	vbroadcast v6, $0x0;
	vm9 =	vgt.s32 v4, $0x0;
	s6 =	sadd.s32 $0x40, s6;
	vm11 =	vmmov vm4  }
0x8f: {  	v5 =	vnsel vm10, $0x0, v5;
	vm4 =	vmmov vm5;
	p0 =	slt.u32 s1, $0x1FC;
	s3 =	sadd.s32 $0xFFFFFFE0, s6;
	v8, _, _ =	vpop (xrf0);
	v4 =	vnsel vm9, $0x0, v4  }
0x90: {  	vm10 =	vmmov vm3;
	vm9 =	vmmov vm6;
	v6 =	vadd.s32 v8, v6  }
0x91: {  	s7 =	sadd.s32 $0xFFFFFFF0, s4;
	vm3 =	vmmov vm7;
	vm5 =	vgt.s32 v6, $0x0  }
0x92: {  	v17 =	vsub.s32 v12, v34;
	v12 =	vmovc v15;
	v16 =	vor.u32 s7, v36;
	v8 =	vld [tilespmem:s2+$0xFFFFFFE0];
	v6 =	vnsel vm5, $0x0, v6  }
0x93: {  	v18 =	vld [tilespmem:s2+$0xFFFFFFF0];
	vm5 =	vge.s32 v7, v34;
	vm6 =	vlt.s32 v7, v35;
	[tilespmem:v2+s13+$0x0] =	vst.idx.msk vm2, v16  }
0x94: {  	vm5 =	vmand vm5, vm6;
	s7 =	spop (v2sf);
	[tilespmem:v2+s14+$0x0] =	vst.idx.msk vm2, v17;
	v2 =	vor.u32 s4, v36;
	vm2 =	vmmov vm8;
	s4 =	smov.u32 s6  }
0x95: {  	v15 =	vld [tilespmem:s2+$0x0];
	v16 =	vsel vm5, $0x1, v37;
	v17 =	vmpcnt.ones.xlane vm5;
	[tilespmem:v4+s13+$0x0] =	vst.idx.msk vm11, v2;
	v2 =	vsub.s32 v11, v34;
	v11 =	vmovc v10  }
0x96: {  	v19 =	vor.u32 s5, v36;
	v20 =	vsub.s32 v9, v34;
	v9 =	vmovc v13;
	s8 =	sadd.s32 $0xFFFFFFD0, s6;
	s5 =	smov.u32 s3;
	v10 =	vmov v7;
	s9 =	spop (v2sf);
	[tilespmem:v4+s14+$0x0] =	vst.idx.msk vm11, v2  }
0x97: {  	v2 =	vor.u32 s8, v36;
	vm6 =	vge.s32 v8, v34;
	vm7 =	vlt.s32 v8, v35;
	[tilespmem:v5+s13+$0x0] =	vst.idx.msk vm10, v19  }
0x98: {  	vm6 =	vmand vm6, vm7;
	vm7 =	vge.s32 v18, v34;
	[tilespmem:v6+s13+$0x0] =	vst.idx.msk vm9, v2;
	v2 =	vsub.s32 v14, v34  }
0x99: {  	s0 =	sadd.s32 s0, s7;
	vm8 =	vlt.s32 v18, v35;
	v14 =	vmovc v8;
	v4 =	vmpcnt.ones.xlane vm6;
	(xrf0) =	vadd.scan.msk.s32 $0xffff, v3;
	s3 =	spop (v2sf);
	[tilespmem:v5+s14+$0x0] =	vst.idx.msk vm10, v20  }
0x9a: {  	v13 =	vmovc v18;
	vm7 =	vmand vm7, vm8;
	v5 =	vmov s0;
	s0 =	sadd.s32 s0, s9;
	vm8 =	vge.s32 v15, v34;
	(xrf0) =	vadd.scan.msk.s32 $0xffff, v1;
	s7 =	spop (v2sf)  }
0x9b: {  	v3 =	vmovc v16;
	v1 =	vmpcnt.ones.xlane vm7;
	(v2sf) =	vpush v4, $0x0;
	v4 =	vmov s0;
	s0 =	sadd.s32 s0, s7;
	(xrf0) =	vadd.scan.msk.s32 $0xffff, v0  }
0x9c: {  	vm10 =	vlt.s32 v15, v35;
	[tilespmem:v6+s14+$0x0] =	vst.idx.msk vm9, v2;
	v0 =	vadd.s32 $0xFFFFFFFF, v4;
	v2 =	vmov s0;
	s0 =	sadd.s32 s0, s3  }
0x9d: {  	vm8 =	vmand vm8, vm10;
	v4 =	vadd.s32 $0xFFFFFFFF, v5;
	(v2sf) =	vpush v1, $0x0  }
0x9e: {  	v5 =	vsel vm6, $0x1, v37;
	v6 =	vmpcnt.ones.xlane vm8;
	v2 =	vadd.s32 $0xFFFFFFFF, v2  }
.Ltmp3:
0x9f: {  	v7 =	vmov s0;
	v1 =	vsel vm8, $0x1, v37;
	v18 =	vbroadcast v0, $0x0;
	(xrf0) =	vadd.scan.msk.s32 $0xffff, v5;
	v8, _, _ =	vpop (xrf0);
	(pc) =	sbr.rel @p0 .LBB2_4-.Ltmp3, $4  }
0xa0: {  	v4 =	vbroadcast v4, $0x0;
	v2 =	vbroadcast v2, $0x0;
	(v2sf) =	vpush v17, $0x0;
	v16, _, _ =	vpop (xrf0)  }
0xa1: {  	v0 =	vsel vm7, $0x1, v37;
	(v2sf) =	vpush v6, $0x0;
	v16 =	vadd.s32 v16, v18;
	v5, _, _ =	vpop (xrf0)  }
0xa2: {  	v5 =	vadd.s32 v5, v4;
	vm9 =	vgt.s32 v16, $0x0;
	v4 =	vadd.s32 v8, v2  }
0xa3: {  	s2 =	sadd.s32 $0x40, s2;
	v6 =	vadd.s32 $0xFFFFFFFF, v7;
	vm10 =	vgt.s32 v5, $0x0;
	v2 =	vnsel vm9, $0x0, v16  }
0xa4: {  	_ =	sdelay $0x7  }
0xa5: {  	(xrf0) =	vadd.scan.msk.s32 $0xffff, v3  }
0xa6: {  	v6 =	vbroadcast v6, $0x0;
	vm11 =	vgt.s32 v4, $0x0;
	v26, _, _ =	vpop (xrf0);
	(xrf0) =	vadd.scan.msk.s32 $0xffff, v1;
	s1 =	spop (v2sf)  }
0xa7: {  	vm9 =	vmmov vm4;
	v5 =	vnsel vm10, $0x0, v5;
	vm5 =	vmmov vm5;
	s3 =	sadd.s32 $0xFFFFFFF0, s4;
	s7 =	sadd.s32 s0, s1;
	s2 =	spop (v2sf)  }
0xa8: {  	vm12 =	vmmov vm6;
	vm3 =	vmmov vm3;
	v28 =	vor.u32 s3, v36;
	s8 =	sadd.s32 s7, s2;
	s3 =	spop (v2sf)  }
0xa9: {  	v29 =	vor.u32 s4, v36;
	v27 =	vnsel vm11, $0x0, v4;
	v7 =	vmov s8;
	s4 =	spop (v2sf)  }
0xaa: {  	v31 =	vsub.s32 v12, v34;
	v3 =	vadd.s32 v26, v6;
	(xrf0) =	vadd.scan.msk.s32 $0xffff, v0;
	v30 =	vadd.s32 $0xFFFFFFFF, v7;
	s8 =	sadd.s32 s8, s4  }
0xab: {  	vm13 =	vgt.s32 v3, $0x0;
	v32, _, _ =	vpop (xrf0);
	v0 =	vbroadcast v30, $0x0;
	v8 =	vmov s8  }
0xac: {  	v33 =	vsub.s32 v11, v34;
	[tilespmem:v2+s13+$0x0] =	vst.idx.msk vm2, v28;
	v3 =	vnsel vm13, $0x0, v3;
	v38, _, _ =	vpop (xrf0);
	v8 =	vadd.s32 $0xFFFFFFFF, v8  }
0xad: {  	[tilespmem:v2+s14+$0x0] =	vst.idx.msk vm2, v31;
	v39 =	vmov s7;
	v0 =	vadd.s32 v38, v0;
	v40 =	vbroadcast v8, $0x0  }
0xae: {  	v41 =	vor.u32 s5, v36;
	[tilespmem:v27+s13+$0x0] =	vst.idx.msk vm9, v29;
	v2 =	vadd.s32 $0xFFFFFFFF, v39;
	vm2 =	vgt.s32 v0, $0x0  }
0xaf: {  	s6 =	sadd.s32 $0x40, s6;
	[tilespmem:v5+s13+$0x0] =	vst.idx.msk vm3, v41;
	v42 =	vbroadcast v2, $0x0;
	v0 =	vnsel vm2, $0x0, v0;
	v43 =	vadd.s32 v32, v40  }
0xb0: {  	v46 =	vsub.s32 v9, v34;
	s20 =	sadd.s32 $0xFFFFFFD0, s6;
	vm5 =	vmmov vm5;
	[tilespmem:v27+s14+$0x0] =	vst.idx.msk vm9, v33;
	v45, _, _ =	vpop (xrf0);
	vm2 =	vgt.s32 v43, $0x0  }
0xb1: {  	v44 =	vor.u32 s20, v36;
	[tilespmem:v5+s14+$0x0] =	vst.idx.msk vm3, v46;
	v1 =	vadd.s32 v45, v42;
	v2 =	vnsel vm2, $0x0, v43  }
0xb2: {  	vm14 =	vmmov vm7;
	v47 =	vsub.s32 v14, v34;
	s21 =	sadd.s32 $0xFFFFFFF0, s6;
	[tilespmem:v3+s13+$0x0] =	vst.idx.msk vm12, v44;
	vm2 =	vgt.s32 v1, $0x0  }
0xb3: {  	v49 =	vor.u32 s21, v36;
	[tilespmem:v3+s14+$0x0] =	vst.idx.msk vm12, v47;
	v1 =	vnsel vm2, $0x0, v1  }
0xb4: {  	v50 =	vsub.s32 v15, v34;
	[tilespmem:v0+s13+$0x0] =	vst.idx.msk vm8, v49  }
0xb5: {  	v51 =	vor.u32 s6, v36;
	[tilespmem:v0+s14+$0x0] =	vst.idx.msk vm8, v50  }
0xb6: {  	v53 =	vsub.s32 v10, v34;
	s6 =	sadd.s32 $0xFFFFFFE0, s6;
	[tilespmem:v2+s13+$0x0] =	vst.idx.msk vm5, v51  }
0xb7: {  	v55 =	vor.u32 s6, v36;
	[tilespmem:v2+s14+$0x0] =	vst.idx.msk vm5, v53  }
0xb8: {  	v57 =	vsub.s32 v13, v34;
	[tilespmem:v1+s13+$0x0] =	vst.idx.msk vm14, v55  }
0xb9: {  	s22 =	sadd.s32 s8, s3;
	[tilespmem:v1+s14+$0x0] =	vst.idx.msk vm14, v57  }
0xba: {  	v52 =	vadd.s32 s22, v36;
	s23 =	sadd.s32 $0x10, s22;
	v60 =	vld [tilespmem:$0x1FFA0]  }
0xbb: {  	s24 =	sadd.s32 $0x20, s22;
	v54 =	vadd.s32 s23, v36  }
0xbc: {  	s25 =	sadd.s32 $0x30, s22;
	v56 =	vadd.s32 s24, v36  }
0xbd: {  	s26 =	sadd.s32 $0x40, s22;
	v58 =	vadd.s32 s25, v36  }
0xbe: {  	s28 =	sadd.s32 $0x50, s22;
	v59 =	vadd.s32 s26, v36  }
0xbf: {  	s29 =	sadd.s32 $0x60, s22;
	s31 =	sadd.s32 $0x7F, s22;
	v61 =	vadd.s32 s28, v36;
	[tilespmem:v52+s13+$0x0] =	vst.idx.msk $0xffff, v60  }
0xc0: {  	s30 =	sadd.s32 $0x70, s22;
	v62 =	vadd.s32 s29, v36;
	s5 =	sshrl.u32 s31, $0x7;
	[tilespmem:v54+s13+$0x0] =	vst.idx.msk $0xffff, v60  }
0xc1: {  	v63 =	vadd.s32 s30, v36;
	p0 =	seq.s32 s5, $0x0;
	[tilespmem:v56+s13+$0x0] =	vst.idx.msk $0xffff, v60  }
.Ltmp4:
0xc2: {  	[tilespmem:v58+s13+$0x0] =	vst.idx.msk $0xffff, v60;
	(pc) =	sbr.rel @p0 .LBB2_43-.Ltmp4, $4  }
0xc3: {  	[tilespmem:v59+s13+$0x0] =	vst.idx.msk $0xffff, v60  }
0xc4: {  	[tilespmem:v61+s13+$0x0] =	vst.idx.msk $0xffff, v60  }
0xc5: {  	[dreg:$0xc] =	wrdreg s22;
	[tilespmem:v62+s13+$0x0] =	vst.idx.msk $0xffff, v60  }
0xc6: {  	vm15 =	vmmov vm8;
	vm3 =	vmmov vm14;
	[dreg:$0xd] =	wrdreg s5;
	[tilespmem:v63+s13+$0x0] =	vst.idx.msk $0xffff, v60  }
0xc7: {  	v0 =	vld [tilespmem:$0x2000];
	_ =	sdelay $0x2  }
0xc8: {  	v2 =	vld [tilespmem:$0x1FFB0]  }
0xc9: {  	v3 =	vld [tilespmem:$0x1FFC0]  }
0xca: {  	v4 =	vld [tilespmem:$0x1FFD0];
	v1 =	vshll.u32 v0, $0x1  }
0xcb: {  	v0 =	vand.u32 $0x7, v0;
	v1 =	vand.u32 $0xFFFFFFF0, v1  }
0xcc: {  	v0 =	vor.u32 v0, v1  }
0xcd: {  	v1 =	vperm.xlane v0, v2;
	_ =	sdelay $0x1  }
0xce: {  	v0 =	vperm.xlane v0, v4;
	v1 =	vadd.s32 v3, v1;
	_ =	sdelay $0x1  }
0xcf: {  	v0 =	vadd.s32 v3, v0;
	_ =	sdelay $0x1  }
0xd0: {  	s12 =	simm.s32 $0x0;
	s5 =	rddreg [dreg:$0x1];
	s6 =	simm.s32 $0x6500  }
0xd1: {  	[tilespmem:s6], [sflag:$0x1] =	stream.indirect_vreg.gather [hbm4b:s5+s12], $0x80, v1, vm0, $0xb8;
	[tilespmem:$0x1C700] =	vst v63  }
0xd2: {  	s29 =	simm.s32 $0x6D00  }
0xd3: {  	[tilespmem:s29], [sflag:$0x1] =	stream.indirect_vreg.gather [hbm4b:s5+s12], $0x80, v0, vm0, $0xb8;
	[tilespmem:$0x1C700] =	vst v63  }
0xd4: {  	v0 =	vld [tilespmem:$0x2010];
	_ =	sdelay $0x4  }
0xd5: {  	v57 =	vshll.u32 v0, $0x1  }
0xd6: {  	v0 =	vand.u32 $0x7, v0;
	v1 =	vand.u32 $0xFFFFFFF0, v57  }
0xd7: {  	v0 =	vor.u32 v0, v1  }
0xd8: {  	v1 =	vperm.xlane v0, v2;
	_ =	sdelay $0x1  }
0xd9: {  	v0 =	vperm.xlane v0, v4;
	v1 =	vadd.s32 v3, v1;
	_ =	sdelay $0x1  }
0xda: {  	v0 =	vadd.s32 v3, v0;
	_ =	sdelay $0x1  }
0xdb: {  	s7 =	simm.s32 $0x7500  }
0xdc: {  	[tilespmem:s7], [sflag:$0x1] =	stream.indirect_vreg.gather [hbm4b:s5+s12], $0x80, v1, vm0, $0xb8;
	[tilespmem:$0x1C700] =	vst v63  }
0xdd: {  	s8 =	simm.s32 $0x7D00  }
0xde: {  	[tilespmem:s8], [sflag:$0x1] =	stream.indirect_vreg.gather [hbm4b:s5+s12], $0x80, v0, vm0, $0xb8;
	[tilespmem:$0x1C700] =	vst v63  }
0xdf: {  	v0 =	vld [tilespmem:$0x2020];
	_ =	sdelay $0x4  }
0xe0: {  	v58 =	vshll.u32 v0, $0x1  }
0xe1: {  	v0 =	vand.u32 $0x7, v0;
	v1 =	vand.u32 $0xFFFFFFF0, v58  }
0xe2: {  	v0 =	vor.u32 v0, v1  }
0xe3: {  	v1 =	vperm.xlane v0, v2;
	_ =	sdelay $0x1  }
0xe4: {  	v0 =	vperm.xlane v0, v4;
	v1 =	vadd.s32 v3, v1;
	_ =	sdelay $0x1  }
0xe5: {  	v0 =	vadd.s32 v3, v0;
	_ =	sdelay $0x1  }
0xe6: {  	s9 =	simm.s32 $0x8500  }
0xe7: {  	[tilespmem:s9], [sflag:$0x1] =	stream.indirect_vreg.gather [hbm4b:s5+s12], $0x80, v1, vm0, $0xb8;
	[tilespmem:$0x1C700] =	vst v63  }
0xe8: {  	s10 =	simm.s32 $0x8D00  }
0xe9: {  	[tilespmem:s10], [sflag:$0x1] =	stream.indirect_vreg.gather [hbm4b:s5+s12], $0x80, v0, vm0, $0xb8;
	[tilespmem:$0x1C700] =	vst v63  }
0xea: {  	v0 =	vld [tilespmem:$0x2030];
	_ =	sdelay $0x4  }
0xeb: {  	v59 =	vshll.u32 v0, $0x1  }
0xec: {  	v0 =	vand.u32 $0x7, v0;
	v1 =	vand.u32 $0xFFFFFFF0, v59  }
0xed: {  	v0 =	vor.u32 v0, v1  }
0xee: {  	v1 =	vperm.xlane v0, v2;
	_ =	sdelay $0x1  }
0xef: {  	v0 =	vperm.xlane v0, v4;
	v1 =	vadd.s32 v3, v1;
	_ =	sdelay $0x1  }
0xf0: {  	v0 =	vadd.s32 v3, v0;
	_ =	sdelay $0x1  }
0xf1: {  	s11 =	simm.s32 $0x9500  }
0xf2: {  	[tilespmem:s11], [sflag:$0x1] =	stream.indirect_vreg.gather [hbm4b:s5+s12], $0x80, v1, vm0, $0xb8;
	[tilespmem:$0x1C700] =	vst v63  }
0xf3: {  	s17 =	simm.s32 $0x9D00  }
0xf4: {  	[tilespmem:s17], [sflag:$0x1] =	stream.indirect_vreg.gather [hbm4b:s5+s12], $0x80, v0, vm0, $0xb8;
	[tilespmem:$0x1C700] =	vst v63  }
0xf5: {  	v0 =	vld [tilespmem:$0x2040];
	_ =	sdelay $0x4  }
0xf6: {  	v60 =	vshll.u32 v0, $0x1  }
0xf7: {  	v0 =	vand.u32 $0x7, v0;
	v1 =	vand.u32 $0xFFFFFFF0, v60  }
0xf8: {  	v0 =	vor.u32 v0, v1  }
0xf9: {  	v1 =	vperm.xlane v0, v2;
	_ =	sdelay $0x1  }
0xfa: {  	v0 =	vperm.xlane v0, v4;
	v1 =	vadd.s32 v3, v1;
	_ =	sdelay $0x1  }
0xfb: {  	v0 =	vadd.s32 v3, v0;
	_ =	sdelay $0x1  }
0xfc: {  	s20 =	simm.s32 $0xA500  }
0xfd: {  	[tilespmem:s20], [sflag:$0x1] =	stream.indirect_vreg.gather [hbm4b:s5+s12], $0x80, v1, vm0, $0xb8;
	[tilespmem:$0x1C700] =	vst v63  }
0xfe: {  	s21 =	simm.s32 $0xAD00  }
0xff: {  	[tilespmem:s21], [sflag:$0x1] =	stream.indirect_vreg.gather [hbm4b:s5+s12], $0x80, v0, vm0, $0xb8;
	[tilespmem:$0x1C700] =	vst v63  }
0x100: {  	v0 =	vld [tilespmem:$0x2050];
	_ =	sdelay $0x4  }
0x101: {  	v61 =	vshll.u32 v0, $0x1  }
0x102: {  	v0 =	vand.u32 $0x7, v0;
	v1 =	vand.u32 $0xFFFFFFF0, v61  }
0x103: {  	v0 =	vor.u32 v0, v1  }
0x104: {  	v1 =	vperm.xlane v0, v2;
	_ =	sdelay $0x1  }
0x105: {  	v0 =	vperm.xlane v0, v4;
	v1 =	vadd.s32 v3, v1;
	_ =	sdelay $0x1  }
0x106: {  	v0 =	vadd.s32 v3, v0;
	_ =	sdelay $0x1  }
0x107: {  	s22 =	simm.s32 $0xB500  }
0x108: {  	[tilespmem:s22], [sflag:$0x1] =	stream.indirect_vreg.gather [hbm4b:s5+s12], $0x80, v1, vm0, $0xb8;
	[tilespmem:$0x1C700] =	vst v63  }
0x109: {  	s23 =	simm.s32 $0xBD00  }
0x10a: {  	[tilespmem:s23], [sflag:$0x1] =	stream.indirect_vreg.gather [hbm4b:s5+s12], $0x80, v0, vm0, $0xb8;
	[tilespmem:$0x1C700] =	vst v63  }
0x10b: {  	v0 =	vld [tilespmem:$0x2060];
	_ =	sdelay $0x4  }
0x10c: {  	v62 =	vshll.u32 v0, $0x1  }
0x10d: {  	v0 =	vand.u32 $0x7, v0;
	v1 =	vand.u32 $0xFFFFFFF0, v62  }
0x10e: {  	v0 =	vor.u32 v0, v1  }
0x10f: {  	v1 =	vperm.xlane v0, v2;
	_ =	sdelay $0x1  }
0x110: {  	v0 =	vperm.xlane v0, v4;
	v1 =	vadd.s32 v3, v1;
	_ =	sdelay $0x1  }
0x111: {  	v0 =	vadd.s32 v3, v0;
	_ =	sdelay $0x1  }
0x112: {  	s24 =	simm.s32 $0xC500  }
0x113: {  	[tilespmem:s24], [sflag:$0x1] =	stream.indirect_vreg.gather [hbm4b:s5+s12], $0x80, v1, vm0, $0xb8;
	[tilespmem:$0x1C700] =	vst v63  }
0x114: {  	s25 =	simm.s32 $0xCD00  }
0x115: {  	[tilespmem:s25], [sflag:$0x1] =	stream.indirect_vreg.gather [hbm4b:s5+s12], $0x80, v0, vm0, $0xb8;
	[tilespmem:$0x1C700] =	vst v63  }
0x116: {  	v0 =	vld [tilespmem:$0x2070];
	_ =	sdelay $0x4  }
0x117: {  	v63 =	vshll.u32 v0, $0x1  }
0x118: {  	v0 =	vand.u32 $0x7, v0;
	v1 =	vand.u32 $0xFFFFFFF0, v63  }
0x119: {  	v0 =	vor.u32 v0, v1  }
0x11a: {  	v1 =	vperm.xlane v0, v2;
	_ =	sdelay $0x1  }
0x11b: {  	v0 =	vperm.xlane v0, v4;
	v1 =	vadd.s32 v3, v1  }
0x11c: {  	s1 =	sadd.s32 s2, s1  }
0x11d: {  	s1 =	sadd.s32 s4, s1;
	v0 =	vadd.s32 v3, v0  }
0x11e: {  	s26 =	simm.s32 $0xD500;
	s1 =	sadd.s32 s3, s1;
	s29 =	rddreg [dreg:$0xd]  }
.Ltmp5:
0x11f: {  	s31 =	sadd.s32 s0, s1;
	s2 =	sadd.s32 $0x1, s29;
	(pc) =	sbr.rel .LBB2_7-.Ltmp5, $4  }
0x120: {  	[tilespmem:s26], [sflag:$0x1] =	stream.indirect_vreg.gather [hbm4b:s5+s12], $0x80, v1, vm0, $0xb8;
	[tilespmem:$0x1C700] =	vst v63  }
0x121: {  	s28 =	simm.s32 $0xDD00;
	s30 =	sadd.s32 $0xFFFFFF80, s31;
	s2 =	sshrl.u32 s2, $0x1  }
0x122: {  	[tilespmem:s28], [sflag:$0x1] =	stream.indirect_vreg.gather [hbm4b:s5+s12], $0x80, v0, vm0, $0xb8;
	[tilespmem:$0x1C700] =	vst v63  }
0x123: {  	s6 =	simm.s32 $0x0;
	[dreg:$0xe] =	wrdreg s2;
	s5 =	simm.s32 $0x80  }
.LBB2_42:
0x124: {  	s6 =	sadd.s32 $0x1, s6;
	s0 =	rddreg [dreg:$0xe]  }
0x125: {  	p0 =	sne.s32 s6, s0  }
.Ltmp6:
0x126: {  	_ = 	snop;
	(pc) =	sbr.rel @!p0 .LBB2_43-.Ltmp6, $3  }
0x127: {  	_ =	sdelay $0x1  }
0x128: {  	s12 =	sadd.s32 $0x100, s12  }
0x129: {  	s31 =	sadd.s32 $0xFFFFFF00, s31;
	s5 =	sadd.s32 $0x100, s5;
	s30 =	sadd.s32 $0xFFFFFF00, s30  }
.LBB2_7:
0x12a: {  	s0 =	simm.s32 $0x1  }
0x12b: {  	_ =	swait.ge [sflag:s0], $0x8000  }
0x12c: {  	s10 =	sshllo.u32 s6, $0x1;
	s1 =	rddreg [dreg:$0xd]  }
0x12d: {  	p0 =	sge.u32 s10, s1  }
.Ltmp7:
0x12e: {  	_ = 	snop;
	(pc) =	sbr.rel @p0 .LBB2_9-.Ltmp7, $3  }
0x12f: {  	_ =	sdelay $0x1  }
0x130: {  	[sflag:s0] =	ssyncset.done $0x0  }
0x131: {  	[sflag:s0] =	ssyncadd.s32 $0xFFFF8000  }
0x132: {  	s0 =	sshll.u32 s10, $0x9  }
0x133: {  	s0 =	sshra.s32 s0, $0x2  }
0x134: {  	v0 =	vld [tilespmem:s0+$0x2000];
	_ =	sdelay $0x2  }
0x135: {  	v2 =	vld [tilespmem:$0x1FFB0]  }
0x136: {  	v3 =	vld [tilespmem:$0x1FFC0]  }
0x137: {  	v4 =	vld [tilespmem:$0x1FFD0];
	v1 =	vshll.u32 v0, $0x1  }
0x138: {  	v0 =	vand.u32 $0x7, v0;
	v1 =	vand.u32 $0xFFFFFFF0, v1  }
0x139: {  	v0 =	vor.u32 v0, v1  }
0x13a: {  	v1 =	vperm.xlane v0, v2;
	_ =	sdelay $0x1  }
0x13b: {  	v0 =	vperm.xlane v0, v4;
	v1 =	vadd.s32 v3, v1;
	_ =	sdelay $0x1  }
0x13c: {  	v0 =	vadd.s32 v3, v0;
	_ =	sdelay $0x1  }
0x13d: {  	s1 =	rddreg [dreg:$0x1];
	s2 =	simm.s32 $0x0;
	s3 =	simm.s32 $0xE500  }
0x13e: {  	[tilespmem:s3], [sflag:$0x2] =	stream.indirect_vreg.gather [hbm4b:s1+s2], $0x80, v1, vm0, $0xb8;
	[tilespmem:$0x1C700] =	vst v63  }
0x13f: {  	s4 =	simm.s32 $0xED00  }
0x140: {  	[tilespmem:s4], [sflag:$0x2] =	stream.indirect_vreg.gather [hbm4b:s1+s2], $0x80, v0, vm0, $0xb8;
	[tilespmem:$0x1C700] =	vst v63  }
0x141: {  	v0 =	vld [tilespmem:s0+$0x2010];
	_ =	sdelay $0x4  }
0x142: {  	v57 =	vshll.u32 v0, $0x1  }
0x143: {  	v0 =	vand.u32 $0x7, v0;
	v1 =	vand.u32 $0xFFFFFFF0, v57  }
0x144: {  	v0 =	vor.u32 v0, v1  }
0x145: {  	v1 =	vperm.xlane v0, v2;
	_ =	sdelay $0x1  }
0x146: {  	v0 =	vperm.xlane v0, v4;
	v1 =	vadd.s32 v3, v1;
	_ =	sdelay $0x1  }
0x147: {  	v0 =	vadd.s32 v3, v0;
	_ =	sdelay $0x1  }
0x148: {  	s7 =	simm.s32 $0xF500  }
0x149: {  	[tilespmem:s7], [sflag:$0x2] =	stream.indirect_vreg.gather [hbm4b:s1+s2], $0x80, v1, vm0, $0xb8;
	[tilespmem:$0x1C700] =	vst v63  }
0x14a: {  	s8 =	simm.s32 $0xFD00  }
0x14b: {  	[tilespmem:s8], [sflag:$0x2] =	stream.indirect_vreg.gather [hbm4b:s1+s2], $0x80, v0, vm0, $0xb8;
	[tilespmem:$0x1C700] =	vst v63  }
0x14c: {  	v0 =	vld [tilespmem:s0+$0x2020];
	_ =	sdelay $0x4  }
0x14d: {  	v58 =	vshll.u32 v0, $0x1  }
0x14e: {  	v0 =	vand.u32 $0x7, v0;
	v1 =	vand.u32 $0xFFFFFFF0, v58  }
0x14f: {  	v0 =	vor.u32 v0, v1  }
0x150: {  	v1 =	vperm.xlane v0, v2;
	_ =	sdelay $0x1  }
0x151: {  	v0 =	vperm.xlane v0, v4;
	v1 =	vadd.s32 v3, v1;
	_ =	sdelay $0x1  }
0x152: {  	v0 =	vadd.s32 v3, v0;
	_ =	sdelay $0x1  }
0x153: {  	s9 =	simm.s32 $0x10500  }
0x154: {  	[tilespmem:s9], [sflag:$0x2] =	stream.indirect_vreg.gather [hbm4b:s1+s2], $0x80, v1, vm0, $0xb8;
	[tilespmem:$0x1C700] =	vst v63  }
0x155: {  	s11 =	simm.s32 $0x10D00  }
0x156: {  	[tilespmem:s11], [sflag:$0x2] =	stream.indirect_vreg.gather [hbm4b:s1+s2], $0x80, v0, vm0, $0xb8;
	[tilespmem:$0x1C700] =	vst v63  }
0x157: {  	v0 =	vld [tilespmem:s0+$0x2030];
	_ =	sdelay $0x4  }
0x158: {  	v59 =	vshll.u32 v0, $0x1  }
0x159: {  	v0 =	vand.u32 $0x7, v0;
	v1 =	vand.u32 $0xFFFFFFF0, v59  }
0x15a: {  	v0 =	vor.u32 v0, v1  }
0x15b: {  	v1 =	vperm.xlane v0, v2;
	_ =	sdelay $0x1  }
0x15c: {  	v0 =	vperm.xlane v0, v4;
	v1 =	vadd.s32 v3, v1;
	_ =	sdelay $0x1  }
0x15d: {  	v0 =	vadd.s32 v3, v0;
	_ =	sdelay $0x1  }
0x15e: {  	s17 =	simm.s32 $0x11500  }
0x15f: {  	[tilespmem:s17], [sflag:$0x2] =	stream.indirect_vreg.gather [hbm4b:s1+s2], $0x80, v1, vm0, $0xb8;
	[tilespmem:$0x1C700] =	vst v63  }
0x160: {  	s20 =	simm.s32 $0x11D00  }
0x161: {  	[tilespmem:s20], [sflag:$0x2] =	stream.indirect_vreg.gather [hbm4b:s1+s2], $0x80, v0, vm0, $0xb8;
	[tilespmem:$0x1C700] =	vst v63  }
0x162: {  	v0 =	vld [tilespmem:s0+$0x2040];
	_ =	sdelay $0x4  }
0x163: {  	v60 =	vshll.u32 v0, $0x1  }
0x164: {  	v0 =	vand.u32 $0x7, v0;
	v1 =	vand.u32 $0xFFFFFFF0, v60  }
0x165: {  	v0 =	vor.u32 v0, v1  }
0x166: {  	v1 =	vperm.xlane v0, v2;
	_ =	sdelay $0x1  }
0x167: {  	v0 =	vperm.xlane v0, v4;
	v1 =	vadd.s32 v3, v1;
	_ =	sdelay $0x1  }
0x168: {  	v0 =	vadd.s32 v3, v0;
	_ =	sdelay $0x1  }
0x169: {  	s21 =	simm.s32 $0x12500  }
0x16a: {  	[tilespmem:s21], [sflag:$0x2] =	stream.indirect_vreg.gather [hbm4b:s1+s2], $0x80, v1, vm0, $0xb8;
	[tilespmem:$0x1C700] =	vst v63  }
0x16b: {  	s22 =	simm.s32 $0x12D00  }
0x16c: {  	[tilespmem:s22], [sflag:$0x2] =	stream.indirect_vreg.gather [hbm4b:s1+s2], $0x80, v0, vm0, $0xb8;
	[tilespmem:$0x1C700] =	vst v63  }
0x16d: {  	v0 =	vld [tilespmem:s0+$0x2050];
	_ =	sdelay $0x4  }
0x16e: {  	v61 =	vshll.u32 v0, $0x1  }
0x16f: {  	v0 =	vand.u32 $0x7, v0;
	v1 =	vand.u32 $0xFFFFFFF0, v61  }
0x170: {  	v0 =	vor.u32 v0, v1  }
0x171: {  	v1 =	vperm.xlane v0, v2;
	_ =	sdelay $0x1  }
0x172: {  	v0 =	vperm.xlane v0, v4;
	v1 =	vadd.s32 v3, v1;
	_ =	sdelay $0x1  }
0x173: {  	v0 =	vadd.s32 v3, v0;
	_ =	sdelay $0x1  }
0x174: {  	s23 =	simm.s32 $0x13500  }
0x175: {  	[tilespmem:s23], [sflag:$0x2] =	stream.indirect_vreg.gather [hbm4b:s1+s2], $0x80, v1, vm0, $0xb8;
	[tilespmem:$0x1C700] =	vst v63  }
0x176: {  	s24 =	simm.s32 $0x13D00  }
0x177: {  	[tilespmem:s24], [sflag:$0x2] =	stream.indirect_vreg.gather [hbm4b:s1+s2], $0x80, v0, vm0, $0xb8;
	[tilespmem:$0x1C700] =	vst v63  }
0x178: {  	v0 =	vld [tilespmem:s0+$0x2060];
	_ =	sdelay $0x4  }
0x179: {  	v62 =	vshll.u32 v0, $0x1  }
0x17a: {  	v0 =	vand.u32 $0x7, v0;
	v1 =	vand.u32 $0xFFFFFFF0, v62  }
0x17b: {  	v0 =	vor.u32 v0, v1  }
0x17c: {  	v1 =	vperm.xlane v0, v2;
	_ =	sdelay $0x1  }
0x17d: {  	v0 =	vperm.xlane v0, v4;
	v1 =	vadd.s32 v3, v1;
	_ =	sdelay $0x1  }
0x17e: {  	v0 =	vadd.s32 v3, v0;
	_ =	sdelay $0x1  }
0x17f: {  	s25 =	simm.s32 $0x14500  }
0x180: {  	[tilespmem:s25], [sflag:$0x2] =	stream.indirect_vreg.gather [hbm4b:s1+s2], $0x80, v1, vm0, $0xb8;
	[tilespmem:$0x1C700] =	vst v63  }
0x181: {  	s26 =	simm.s32 $0x14D00  }
0x182: {  	[tilespmem:s26], [sflag:$0x2] =	stream.indirect_vreg.gather [hbm4b:s1+s2], $0x80, v0, vm0, $0xb8;
	[tilespmem:$0x1C700] =	vst v63  }
0x183: {  	v0 =	vld [tilespmem:s0+$0x2070];
	_ =	sdelay $0x4  }
0x184: {  	v63 =	vshll.u32 v0, $0x1  }
0x185: {  	v0 =	vand.u32 $0x7, v0;
	v1 =	vand.u32 $0xFFFFFFF0, v63  }
0x186: {  	v0 =	vor.u32 v0, v1  }
0x187: {  	v1 =	vperm.xlane v0, v2;
	_ =	sdelay $0x1  }
0x188: {  	v0 =	vperm.xlane v0, v4;
	v1 =	vadd.s32 v3, v1;
	_ =	sdelay $0x1  }
0x189: {  	v0 =	vadd.s32 v3, v0;
	_ =	sdelay $0x1  }
0x18a: {  	s28 =	simm.s32 $0x15500  }
0x18b: {  	[tilespmem:s28], [sflag:$0x2] =	stream.indirect_vreg.gather [hbm4b:s1+s2], $0x80, v1, vm0, $0xb8;
	[tilespmem:$0x1C700] =	vst v63  }
0x18c: {  	s29 =	simm.s32 $0x15D00  }
0x18d: {  	[tilespmem:s29], [sflag:$0x2] =	stream.indirect_vreg.gather [hbm4b:s1+s2], $0x80, v0, vm0, $0xb8;
	[tilespmem:$0x1C700] =	vst v63  }
.LBB2_9:
0x18e: {  	s11 =	sshll.u32 s6, $0x8;
	s0 =	rddreg [dreg:$0xc]  }
0x18f: {  	s0 =	ssub.s32 s0, s11  }
0x190: {  	p1 =	sgt.s32 s0, $0x0  }
0x191: {  	s0 =	simm.s32 @!p1 $0x0  }
0x192: {  	s20 =	smin.u32 s0, $0x80  }
0x193: {  	s21 =	sshrl.u32 s20, $0x1  }
0x194: {  	s22 =	sand.u32 $0x7E, s21  }
0x195: {  	p1 =	seq.s32 s22, $0x0  }
.Ltmp8:
0x196: {  	_ = 	snop;
	(pc) =	sbr.rel @p1 .LBB2_10-.Ltmp8, $3  }
0x197: {  	_ =	sdelay $0x1  }
0x198: {  	[dreg:$0xf] =	wrdreg s31  }
0x199: {  	[dreg:$0x10] =	wrdreg s30  }
0x19a: {  	s1 =	sshll.u32 s12, $0x2  }
0x19b: {  	s1 =	sshra.s32 s1, $0x2  }
0x19c: {  	[dreg:$0x13] =	wrdreg s11;
	s1 =	sand.u32 $0xFFFFFF80, s1  }
0x19d: {  	[dreg:$0x11] =	wrdreg s10;
	s2 =	sadd.s32 $0x4402, s1  }
0x19e: {  	s1 =	sadd.s32 $0x4400, s1;
	v56 =	vld [tilespmem:s2+$0x0]  }
0x19f: {  	v20 =	vld [tilespmem:s1+$0x0];
	_ =	sdelay $0x3  }
0x1a0: {  	(v2sf) =	vpush v56, $0x0  }
0x1a1: {  	(v2sf) =	vpush v20, $0x0;
	_ =	sdelay $0x9  }
0x1a2: {  	s0 =	simm.s32 $0x0  }
0x1a3: {  	s8 =	sand.u32 $0x7FFFF800, s0  }
0x1a4: {  	s9 =	sand.u32 $0x200, s0;
	s1 =	sadd.s32 $0x6500, s8  }
0x1a5: {  	s9 =	sor.u32 s9, s1  }
0x1a6: {  	v42 =	vld [tilespmem:s9+$0x0];
	s11 =	spop (v2sf)  }
0x1a7: {  	s25 =	spop (v2sf)  }
0x1a8: {  	s10 =	sshll.u32 s25, $0x8;
	s3 =	sshll.u32 s25, $0x7  }
0x1a9: {  	s2 =	sand.u32 $0xFFFFF800, s10;
	s3 =	sand.u32 $0x380, s3  }
0x1aa: {  	s2 =	sor.u32 s3, s2  }
0x1ab: {  	[tilespmem:s2+$0x16500] =	vst.add.f32.msk $0xffff, v42  }
0x1ac: {  	v43 =	vld [tilespmem:s9+$0x10];
	_ =	sdelay $0x2  }
0x1ad: {  	s28 =	sadd.s32 $0x16500, s2  }
0x1ae: {  	s2 =	sor.u32 $0x10, s28  }
0x1af: {  	[tilespmem:s2+$0x0] =	vst.add.f32.msk $0xffff, v43  }
0x1b0: {  	v45 =	vld [tilespmem:s9+$0x20]  }
0x1b1: {  	s17 =	simm.s32 $0x100  }
0x1b2: {  	s2 =	sand.u32 $0x300, s17  }
0x1b3: {  	s1 =	sadd.s32 s2, s1  }
0x1b4: {  	s23 =	sor.u32 $0x20, s28;
	v35 =	vld [tilespmem:s1+$0x0]  }
0x1b5: {  	[tilespmem:s23+$0x0] =	vst.add.f32.msk $0xffff, v45  }
0x1b6: {  	s24 =	sshll.u32 s11, $0x8;
	s26 =	sshll.u32 s11, $0x7;
	v32 =	vld [tilespmem:s9+$0x30]  }
0x1b7: {  	s3 =	sand.u32 $0x380, s26;
	s2 =	sand.u32 $0xFFFFF800, s24  }
0x1b8: {  	s2 =	sor.u32 s3, s2  }
0x1b9: {  	[tilespmem:s2+$0x16500] =	vst.add.f32.msk $0xffff, v35  }
0x1ba: {  	s4 =	sor.u32 $0x30, s28;
	v31 =	vld [tilespmem:s1+$0x10]  }
0x1bb: {  	[tilespmem:s4+$0x0] =	vst.add.f32.msk $0xffff, v32  }
0x1bc: {  	v46 =	vld [tilespmem:s9+$0x40]  }
0x1bd: {  	s24 =	sadd.s32 $0x16500, s2  }
0x1be: {  	s2 =	sor.u32 $0x10, s24  }
0x1bf: {  	[tilespmem:s2+$0x0] =	vst.add.f32.msk $0xffff, v31  }
0x1c0: {  	s7 =	sor.u32 $0x40, s28;
	v37 =	vld [tilespmem:s1+$0x20]  }
0x1c1: {  	[tilespmem:s7+$0x0] =	vst.add.f32.msk $0xffff, v46  }
0x1c2: {  	v47 =	vld [tilespmem:s9+$0x50];
	_ =	sdelay $0x1  }
0x1c3: {  	s8 =	sor.u32 $0x20, s24  }
0x1c4: {  	[tilespmem:s8+$0x0] =	vst.add.f32.msk $0xffff, v37  }
0x1c5: {  	s10 =	sor.u32 $0x50, s28;
	v38 =	vld [tilespmem:s1+$0x30]  }
0x1c6: {  	[tilespmem:s10+$0x0] =	vst.add.f32.msk $0xffff, v47  }
0x1c7: {  	v2 =	vld [tilespmem:s9+$0x60];
	_ =	sdelay $0x1  }
0x1c8: {  	s17 =	sor.u32 $0x30, s24  }
0x1c9: {  	[tilespmem:s17+$0x0] =	vst.add.f32.msk $0xffff, v38  }
0x1ca: {  	s23 =	sor.u32 $0x60, s28;
	v39 =	vld [tilespmem:s1+$0x40]  }
0x1cb: {  	[tilespmem:s23+$0x0] =	vst.add.f32.msk $0xffff, v2  }
0x1cc: {  	v16 =	vld [tilespmem:s9+$0x70]  }
0x1cd: {  	p1 =	por $0x0, $0x0;
	s2 =	simm.s32 $0x1  }
0x1ce: {  	s26 =	sor.u32 $0x40, s24;
	s2 =	simm.s32 @!p1 $0x0  }
0x1cf: {  	s2 =	sshll.u32 s2, $0x9;
	[tilespmem:s26+$0x0] =	vst.add.f32.msk $0xffff, v39  }
0x1d0: {  	s4 =	sor.u32 $0x70, s28;
	s29 =	sadd.s32 $0x0, s2;
	v40 =	vld [tilespmem:s1+$0x50]  }
0x1d1: {  	s2 =	sor.u32 $0x400, s29;
	[tilespmem:s4+$0x0] =	vst.add.f32.msk $0xffff, v16  }
0x1d2: {  	v25 =	vld [tilespmem:s2+$0x6500];
	_ =	sdelay $0x1  }
0x1d3: {  	s7 =	sor.u32 $0x50, s24  }
0x1d4: {  	[tilespmem:s7+$0x0] =	vst.add.f32.msk $0xffff, v40  }
0x1d5: {  	v24 =	vld [tilespmem:s1+$0x60]  }
0x1d6: {  	s8 =	sor.u32 $0x410, s29;
	[tilespmem:s28+$0x400] =	vst.add.f32.msk $0xffff, v25  }
0x1d7: {  	v27 =	vld [tilespmem:s8+$0x6500];
	_ =	sdelay $0x1  }
0x1d8: {  	s10 =	sor.u32 $0x60, s24  }
0x1d9: {  	[tilespmem:s10+$0x0] =	vst.add.f32.msk $0xffff, v24  }
0x1da: {  	v26 =	vld [tilespmem:s1+$0x70]  }
0x1db: {  	s0 =	sand.u32 $0x3, s0;
	s17 =	sor.u32 $0x420, s29;
	[tilespmem:s28+$0x410] =	vst.add.f32.msk $0xffff, v27  }
0x1dc: {  	s0 =	sshll.u32 s0, $0x8;
	v18 =	vld [tilespmem:s17+$0x6500]  }
0x1dd: {  	p2 =	sgt.u32 s22, $0x2;
	s0 =	sadd.s32 $0x0, s0  }
.Ltmp9:
0x1de: {  	s3 =	sadd.s32 $0x100, s0;
	s23 =	sor.u32 $0x70, s24;
	(pc) =	sbr.rel @!p2 .LBB2_14-.Ltmp9, $4  }
0x1df: {  	s0 =	sor.u32 $0x400, s3;
	[tilespmem:s23+$0x0] =	vst.add.f32.msk $0xffff, v26  }
0x1e0: {  	v17 =	vld [tilespmem:s0+$0x6500]  }
0x1e1: {  	s26 =	sor.u32 $0x430, s29;
	[tilespmem:s28+$0x420] =	vst.add.f32.msk $0xffff, v18  }
0x1e2: {  	v14 =	vimm.f32 $0.0e+00;
	s30 =	simm.s32 $0x2;
	s1 =	sadd.s32 $0x4, s12;
	v22 =	vld [tilespmem:s26+$0x6500]  }
0x1e3: {  	_ =	sdelay $0x1  }
0x1e4: {  	s0 =	sor.u32 $0x410, s3;
	[tilespmem:s24+$0x400] =	vst.add.f32.msk $0xffff, v17  }
0x1e5: {  	v62 =	vld [tilespmem:s0+$0x6500]  }
0x1e6: {  	s26 =	sor.u32 $0x440, s29;
	[tilespmem:s28+$0x430] =	vst.add.f32.msk $0xffff, v22  }
0x1e7: {  	v15 =	vld [tilespmem:s26+$0x6500];
	_ =	sdelay $0x2  }
0x1e8: {  	s2 =	sor.u32 $0x420, s3;
	[tilespmem:s24+$0x410] =	vst.add.f32.msk $0xffff, v62  }
0x1e9: {  	v51 =	vld [tilespmem:s2+$0x6500]  }
0x1ea: {  	s4 =	sor.u32 $0x450, s29;
	[tilespmem:s28+$0x440] =	vst.add.f32.msk $0xffff, v15  }
0x1eb: {  	v34 =	vld [tilespmem:s4+$0x6500];
	_ =	sdelay $0x2  }
0x1ec: {  	s7 =	sor.u32 $0x430, s3;
	[tilespmem:s24+$0x420] =	vst.add.f32.msk $0xffff, v51  }
0x1ed: {  	v52 =	vld [tilespmem:s7+$0x6500]  }
0x1ee: {  	(v2sf) =	vpush v20, $0x1;
	s8 =	sor.u32 $0x460, s29;
	[tilespmem:s28+$0x450] =	vst.add.f32.msk $0xffff, v34  }
0x1ef: {  	v41 =	vld [tilespmem:s8+$0x6500];
	_ =	sdelay $0x2  }
0x1f0: {  	s10 =	sshll.u32 s1, $0x2;
	s2 =	sor.u32 $0x440, s3;
	[tilespmem:s24+$0x430] =	vst.add.f32.msk $0xffff, v52  }
0x1f1: {  	s0 =	sshra.s32 s10, $0x2;
	v53 =	vld [tilespmem:s2+$0x6500]  }
0x1f2: {  	s15 =	sor.u32 $0x470, s29;
	s0 =	sand.u32 $0xFFFFFF80, s0;
	[tilespmem:s28+$0x460] =	vst.add.f32.msk $0xffff, v41  }
0x1f3: {  	s8 =	sadd.s32 $0x4406, s0;
	v3 =	vld [tilespmem:s15+$0x6500]  }
0x1f4: {  	s0 =	sadd.s32 $0x4404, s0;
	v28 =	vld [tilespmem:s8+$0x0]  }
0x1f5: {  	v33 =	vld [tilespmem:s0+$0x0]  }
0x1f6: {  	s16 =	sor.u32 $0x450, s3;
	[tilespmem:s24+$0x440] =	vst.add.f32.msk $0xffff, v53  }
0x1f7: {  	s17 =	sshll.u32 s25, $0x9;
	v54 =	vld [tilespmem:s16+$0x6500]  }
0x1f8: {  	v4 =	vsel vm1, $0x3F800000, v48;
	s18 =	sshra.s32 s17, $0x2;
	[tilespmem:s28+$0x470] =	vst.add.f32.msk $0xffff, v3  }
0x1f9: {  	[tilespmem:s18+$0x1A500] =	vst.add.f32.msk $0xffff, v4  }
0x1fa: {  	v49 =	vld [tilespmem:s9+$0x80]  }
0x1fb: {  	s2 =	spop (v2sf);
	(v2sf) =	vpush v28, $0x0  }
0x1fc: {  	s19 =	sshll.u32 s2, $0x8;
	s23 =	sshll.u32 s2, $0x7  }
0x1fd: {  	s10 =	sor.u32 $0x460, s3;
	s0 =	sand.u32 $0xFFFFF800, s19;
	s8 =	sand.u32 $0x380, s23;
	[tilespmem:s24+$0x450] =	vst.add.f32.msk $0xffff, v54  }
0x1fe: {  	(v2sf) =	vpush v33, $0x0;
	s0 =	sor.u32 s8, s0;
	v55 =	vld [tilespmem:s10+$0x6500]  }
0x1ff: {  	[tilespmem:s0+$0x16500] =	vst.add.f32.msk $0xffff, v49  }
0x200: {  	v7 =	vld [tilespmem:s9+$0x90]  }
0x201: {  	(v2sf) =	vpush v56, $0x1;
	_ =	sdelay $0x1  }
0x202: {  	s25 =	sor.u32 $0x470, s3;
	s23 =	sadd.s32 $0x16500, s0;
	[tilespmem:s24+$0x460] =	vst.add.f32.msk $0xffff, v55  }
0x203: {  	s10 =	simm.s32 $0x400;
	s0 =	sor.u32 $0x10, s23;
	v56 =	vld [tilespmem:s25+$0x6500]  }
0x204: {  	s4 =	simm.s32 $0x300;
	s26 =	sand.u32 $0x7FFFF800, s10;
	[tilespmem:s0+$0x0] =	vst.add.f32.msk $0xffff, v7  }
0x205: {  	s19 =	simm.s32 $0x200;
	s15 =	sand.u32 $0x300, s4;
	s7 =	sadd.s32 $0x6500, s26;
	v1 =	vld [tilespmem:s9+$0xA0]  }
0x206: {  	s16 =	sand.u32 $0x200, s19;
	s3 =	sadd.s32 s15, s7  }
0x207: {  	v36 =	vld [tilespmem:s3+$0x0];
	s0 =	sor.u32 s16, s7  }
0x208: {  	v5 =	vld [tilespmem:s0+$0x0]  }
0x209: {  	s17 =	sor.u32 $0x20, s23;
	s31 =	spop (v2sf);
	[tilespmem:s24+$0x470] =	vst.add.f32.msk $0xffff, v56  }
0x20a: {  	s11 =	sshll.u32 s11, $0x9;
	s15 =	sshll.u32 s31, $0x8;
	s18 =	sshll.u32 s31, $0x7;
	[tilespmem:s17+$0x0] =	vst.add.f32.msk $0xffff, v1  }
0x20b: {  	s11 =	sshra.s32 s11, $0x2;
	s15 =	sand.u32 $0xFFFFF800, s15;
	s8 =	sand.u32 $0x380, s18;
	v0 =	vld [tilespmem:s9+$0xB0];
	[tilespmem:$0x1FE70] =	vst v4  }
0x20c: {  	s25 =	spop (v2sf);
	s8 =	sor.u32 s8, s15;
	[tilespmem:s11+$0x1A500] =	vst.add.f32.msk $0xffff, v4  }
0x20d: {  	s18 =	sshll.u32 s25, $0x7;
	s17 =	sshll.u32 s25, $0x8;
	[tilespmem:s8+$0x16500] =	vst.add.f32.msk $0xffff, v36  }
0x20e: {  	s26 =	sand.u32 $0x380, s18;
	s24 =	sand.u32 $0xFFFFF800, s17;
	v57 =	vld [tilespmem:s9+$0x180]  }
0x20f: {  	s15 =	sor.u32 s26, s24;
	s11 =	spop (v2sf);
	[tilespmem:$0x1FE80] =	vst v5  }
0x210: {  	s16 =	sor.u32 $0x30, s23;
	s4 =	sshll.u32 s11, $0x8;
	s7 =	sshll.u32 s11, $0x7;
	[tilespmem:s15+$0x16500] =	vst.add.f32.msk $0xffff, v5  }
0x211: {  	s17 =	sand.u32 $0xFFFFF800, s4;
	s18 =	sand.u32 $0x380, s7;
	[tilespmem:s16+$0x0] =	vst.add.f32.msk $0xffff, v0  }
0x212: {  	s17 =	sor.u32 s18, s17;
	v4 =	vld [tilespmem:s9+$0xC0]  }
0x213: {  	[tilespmem:s17+$0x16500] =	vst.add.f32.msk $0xffff, v57  }
0x214: {  	v58 =	vld [tilespmem:s9+$0x190]  }
0x215: {  	v6 =	vld [tilespmem:s3+$0x10]  }
0x216: {  	s24 =	sor.u32 $0x40, s23;
	v8 =	vld [tilespmem:s0+$0x10]  }
0x217: {  	s26 =	sadd.s32 $0x16500, s17;
	[tilespmem:s24+$0x0] =	vst.add.f32.msk $0xffff, v4  }
0x218: {  	s17 =	sor.u32 $0x10, s26;
	v5 =	vld [tilespmem:s9+$0xD0]  }
0x219: {  	s24 =	sadd.s32 $0x16500, s8;
	[tilespmem:s17+$0x0] =	vst.add.f32.msk $0xffff, v58  }
0x21a: {  	s8 =	sor.u32 $0x10, s24;
	v59 =	vld [tilespmem:s9+$0x1A0];
	[tilespmem:$0x1FE90] =	vst v6  }
0x21b: {  	s28 =	sadd.s32 $0x16500, s15;
	[tilespmem:s8+$0x0] =	vst.add.f32.msk $0xffff, v6  }
0x21c: {  	s15 =	sor.u32 $0x10, s28;
	[tilespmem:$0x1FEA0] =	vst v8  }
0x21d: {  	s4 =	sor.u32 $0x50, s23;
	[tilespmem:s15+$0x0] =	vst.add.f32.msk $0xffff, v8  }
0x21e: {  	[tilespmem:s4+$0x0] =	vst.add.f32.msk $0xffff, v5  }
0x21f: {  	s7 =	sor.u32 $0x20, s26;
	v10 =	vld [tilespmem:s9+$0xE0]  }
0x220: {  	[tilespmem:s7+$0x0] =	vst.add.f32.msk $0xffff, v59  }
0x221: {  	v60 =	vld [tilespmem:s9+$0x1B0]  }
0x222: {  	v6 =	vld [tilespmem:s3+$0x20]  }
0x223: {  	s15 =	sor.u32 $0x60, s23;
	v8 =	vld [tilespmem:s0+$0x20]  }
0x224: {  	[tilespmem:s15+$0x0] =	vst.add.f32.msk $0xffff, v10  }
0x225: {  	s16 =	sor.u32 $0x30, s26;
	v11 =	vld [tilespmem:s9+$0xF0]  }
0x226: {  	[tilespmem:s16+$0x0] =	vst.add.f32.msk $0xffff, v60  }
0x227: {  	s17 =	sor.u32 $0x20, s24;
	v61 =	vld [tilespmem:s9+$0x1C0];
	[tilespmem:$0x1FEB0] =	vst v6  }
0x228: {  	[tilespmem:s17+$0x0] =	vst.add.f32.msk $0xffff, v6  }
0x229: {  	s18 =	sor.u32 $0x20, s28;
	[tilespmem:$0x1FEC0] =	vst v8  }
0x22a: {  	s4 =	sor.u32 $0x70, s23;
	s15 =	sadd.s32 $0x80, s29;
	[tilespmem:s18+$0x0] =	vst.add.f32.msk $0xffff, v8  }
0x22b: {  	s7 =	sor.u32 $0x400, s15;
	[tilespmem:s4+$0x0] =	vst.add.f32.msk $0xffff, v11  }
0x22c: {  	s16 =	sor.u32 $0x40, s26;
	v12 =	vld [tilespmem:s7+$0x6500]  }
0x22d: {  	[tilespmem:s16+$0x0] =	vst.add.f32.msk $0xffff, v61  }
0x22e: {  	v63 =	vld [tilespmem:s9+$0x1D0]  }
0x22f: {  	v8 =	vld [tilespmem:s0+$0x30]  }
0x230: {  	v20 =	vld [tilespmem:s3+$0x30]  }
0x231: {  	s17 =	sor.u32 $0x410, s15;
	[tilespmem:s23+$0x400] =	vst.add.f32.msk $0xffff, v12  }
0x232: {  	s18 =	sor.u32 $0x50, s26;
	v13 =	vld [tilespmem:s17+$0x6500]  }
0x233: {  	[tilespmem:s18+$0x0] =	vst.add.f32.msk $0xffff, v63  }
0x234: {  	s4 =	sor.u32 $0x30, s28;
	v6 =	vld [tilespmem:s9+$0x1E0];
	[tilespmem:$0x1FED0] =	vst v8  }
0x235: {  	[tilespmem:s4+$0x0] =	vst.add.f32.msk $0xffff, v8  }
0x236: {  	v9 =	vld [tilespmem:s0+$0x40];
	_ =	sdelay $0x1  }
0x237: {  	s7 =	sor.u32 $0x420, s15;
	[tilespmem:s23+$0x410] =	vst.add.f32.msk $0xffff, v13  }
0x238: {  	s16 =	sor.u32 $0x60, s26;
	v19 =	vld [tilespmem:s7+$0x6500]  }
0x239: {  	[tilespmem:s16+$0x0] =	vst.add.f32.msk $0xffff, v6  }
0x23a: {  	s17 =	sor.u32 $0x40, s28;
	v8 =	vld [tilespmem:s9+$0x1F0];
	[tilespmem:$0x1FEE0] =	vst v9  }
0x23b: {  	[tilespmem:s17+$0x0] =	vst.add.f32.msk $0xffff, v9  }
0x23c: {  	v23 =	vld [tilespmem:s0+$0x50]  }
0x23d: {  	s18 =	sor.u32 $0x430, s15;
	[tilespmem:s23+$0x420] =	vst.add.f32.msk $0xffff, v19  }
0x23e: {  	s8 =	sadd.s32 $0x180, s29;
	s4 =	sor.u32 $0x70, s26;
	v21 =	vld [tilespmem:s18+$0x6500]  }
0x23f: {  	s7 =	sor.u32 $0x400, s8;
	[tilespmem:s4+$0x0] =	vst.add.f32.msk $0xffff, v8  }
0x240: {  	s16 =	sor.u32 $0x30, s24;
	v9 =	vld [tilespmem:s7+$0x6500];
	[tilespmem:$0x1FEF0] =	vst v20  }
0x241: {  	[tilespmem:s16+$0x0] =	vst.add.f32.msk $0xffff, v20  }
0x242: {  	s17 =	sor.u32 $0x50, s28;
	[tilespmem:$0x1FF00] =	vst v23  }
0x243: {  	[tilespmem:s17+$0x0] =	vst.add.f32.msk $0xffff, v23  }
0x244: {  	s18 =	sor.u32 $0x440, s15;
	[tilespmem:s23+$0x430] =	vst.add.f32.msk $0xffff, v21  }
0x245: {  	v23 =	vld [tilespmem:s18+$0x6500]  }
0x246: {  	v20 =	vld [tilespmem:s3+$0x40]  }
0x247: {  	s4 =	sor.u32 $0x410, s8;
	[tilespmem:s26+$0x400] =	vst.add.f32.msk $0xffff, v9  }
0x248: {  	v48 =	vld [tilespmem:s4+$0x6500]  }
0x249: {  	v29 =	vld [tilespmem:s0+$0x60]  }
0x24a: {  	s7 =	sor.u32 $0x450, s15;
	[tilespmem:s23+$0x440] =	vst.add.f32.msk $0xffff, v23  }
0x24b: {  	v2 =	vmul.f32 v2, v2;
	s16 =	sor.u32 $0x40, s24;
	v50 =	vld [tilespmem:s7+$0x6500];
	[tilespmem:$0x1FF10] =	vst v20  }
0x24c: {  	v42 =	vmul.f32 v42, v42;
	v44 =	vmul.f32 v45, v45;
	[tilespmem:s16+$0x0] =	vst.add.f32.msk $0xffff, v20  }
0x24d: {  	v43 =	vmul.f32 v43, v43;
	v32 =	vmul.f32 v32, v32;
	[tilespmem:s26+$0x410] =	vst.add.f32.msk $0xffff, v48  }
0x24e: {  	v46 =	vmul.f32 v46, v46;
	v42 =	vadd.f32 v42, v14;
	v44 =	vadd.f32 v44, v14;
	s18 =	sor.u32 $0x60, s28;
	[tilespmem:$0x1FF80] =	vst v29  }
0x24f: {  	v47 =	vmul.f32 v47, v47;
	v18 =	vmul.f32 v18, v18;
	v45 =	vadd.f32 v32, v14;
	s4 =	sor.u32 $0x420, s8;
	[tilespmem:s18+$0x0] =	vst.add.f32.msk $0xffff, v29  }
0x250: {  	v32 =	vmul.f32 v25, v25;
	v42 =	vadd.f32 v46, v42;
	v44 =	vadd.f32 v2, v44;
	v2 =	vld [tilespmem:s4+$0x6500]  }
0x251: {  	v38 =	vmul.f32 v38, v38;
	v39 =	vmul.f32 v39, v39;
	v43 =	vadd.f32 v43, v14;
	v20 =	vld [tilespmem:s0+$0x70]  }
0x252: {  	v46 =	vmul.f32 v16, v16;
	v14 =	vadd.f32 v32, v42;
	v15 =	vmul.f32 v15, v15;
	s7 =	sor.u32 $0x460, s15;
	[tilespmem:s23+$0x450] =	vst.add.f32.msk $0xffff, v50  }
0x253: {  	v43 =	vadd.f32 v47, v43;
	v16 =	vmul.f32 v27, v27;
	v22 =	vmul.f32 v22, v22;
	v25 =	vld [tilespmem:s7+$0x6500]  }
0x254: {  	p2 =	por !p1, !p1;
	v18 =	vadd.f32 v18, v44;
	v14 =	vadd.f32 v15, v14;
	v41 =	vmul.f32 v41, v41;
	s17 =	simm.s32 $0x1;
	v15 =	vld [tilespmem:s3+$0x50]  }
0x255: {  	v45 =	vadd.f32 v46, v45;
	v16 =	vadd.f32 v16, v43;
	v46 =	vmul.f32 v24, v24;
	s17 =	simm.s32 @!p2 $0x0;
	s16 =	sor.u32 $0x430, s8;
	[tilespmem:s26+$0x420] =	vst.add.f32.msk $0xffff, v2  }
0x256: {  	v42 =	vmul.f32 v40, v40;
	v34 =	vmul.f32 v34, v34;
	v18 =	vadd.f32 v41, v18;
	s17 =	sshll.u32 s17, $0x9;
	s18 =	sor.u32 $0x70, s28;
	v41 =	vld [tilespmem:s16+$0x6500];
	[tilespmem:$0x1FF60] =	vst v20  }
0x257: {  	v22 =	vadd.f32 v22, v45;
	v3 =	vmul.f32 v3, v3;
	v43 =	vmul.f32 v49, v49;
	s29 =	sadd.s32 $0x400, s17;
	[tilespmem:s18+$0x0] =	vst.add.f32.msk $0xffff, v20  }
0x258: {  	v16 =	vadd.f32 v34, v16;
	v7 =	vmul.f32 v7, v7;
	v1 =	vmul.f32 v1, v1;
	s7 =	sor.u32 $0x400, s29;
	[tilespmem:s23+$0x460] =	vst.add.f32.msk $0xffff, v25  }
0x259: {  	v3 =	vadd.f32 v3, v22;
	v14 =	vadd.f32 v43, v14;
	v0 =	vmul.f32 v0, v0;
	s4 =	sor.u32 $0x470, s15;
	v30 =	vld [tilespmem:s7+$0x6500]  }
0x25a: {  	v7 =	vadd.f32 v7, v16;
	v1 =	vadd.f32 v1, v18;
	v4 =	vmul.f32 v4, v4;
	v34 =	vld [tilespmem:s4+$0x6500]  }
0x25b: {  	v0 =	vadd.f32 v0, v3;
	v3 =	vmul.f32 v5, v5;
	v5 =	vmul.f32 v10, v10;
	s16 =	sor.u32 $0x440, s8;
	[tilespmem:s26+$0x430] =	vst.add.f32.msk $0xffff, v41  }
0x25c: {  	v43 =	vmul.f32 v62, v62;
	v4 =	vadd.f32 v4, v14;
	v44 =	vmul.f32 v11, v11;
	s17 =	sor.u32 $0x50, s24;
	v49 =	vld [tilespmem:s16+$0x6500];
	[tilespmem:$0x1FF20] =	vst v15  }
0x25d: {  	v3 =	vadd.f32 v3, v7;
	v1 =	vadd.f32 v5, v1;
	v45 =	vmul.f32 v12, v12;
	[tilespmem:s17+$0x0] =	vst.add.f32.msk $0xffff, v15  }
0x25e: {  	v0 =	vadd.f32 v44, v0;
	v5 =	vmul.f32 v13, v13;
	v7 =	vmul.f32 v19, v19;
	[tilespmem:s28+$0x400] =	vst.add.f32.msk $0xffff, v30  }
0x25f: {  	v44 =	vmul.f32 v51, v51;
	v4 =	vadd.f32 v45, v4;
	v47 =	vmul.f32 v23, v23;
	s18 =	sor.u32 $0x410, s29;
	v29 =	vld [tilespmem:s3+$0x60]  }
0x260: {  	v3 =	vadd.f32 v5, v3;
	v1 =	vadd.f32 v7, v1;
	v24 =	vmul.f32 v50, v50;
	v32 =	vld [tilespmem:s18+$0x6500]  }
0x261: {  	v4 =	vadd.f32 v47, v4;
	v7 =	vmul.f32 v25, v25;
	v25 =	vmul.f32 v35, v35  }
0x262: {  	v45 =	vmul.f32 v54, v54;
	v54 =	vmul.f32 v6, v6;
	v3 =	vadd.f32 v24, v3;
	s4 =	sor.u32 $0x450, s8;
	[tilespmem:s26+$0x440] =	vst.add.f32.msk $0xffff, v49  }
0x263: {  	s7 =	sor.u32 $0x60, s24;
	v1 =	vadd.f32 v7, v1;
	v7 =	vmul.f32 v31, v31;
	v4 =	vadd.f32 v25, v4;
	v50 =	vld [tilespmem:s4+$0x6500]  }
0x264: {  	v5 =	vmul.f32 v21, v21;
	v47 =	vmul.f32 v58, v58;
	[tilespmem:s7+$0x0] =	vst.add.f32.msk $0xffff, v29  }
0x265: {  	v3 =	vadd.f32 v7, v3;
	v4 =	vadd.f32 v39, v4;
	v7 =	vmul.f32 v17, v17;
	[tilespmem:s28+$0x410] =	vst.add.f32.msk $0xffff, v32  }
0x266: {  	v0 =	vadd.f32 v5, v0;
	v58 =	vmul.f32 v9, v9;
	s15 =	sor.u32 $0x420, s29;
	v5 =	vmul.f32 v34, v34;
	v31 =	vld [tilespmem:s3+$0x70]  }
0x267: {  	v3 =	vadd.f32 v42, v3;
	v4 =	vadd.f32 v7, v4;
	v7 =	vmul.f32 v53, v53;
	v18 =	vld [tilespmem:s15+$0x6500]  }
0x268: {  	s9 =	sand.u32 $0x3, s30;
	v53 =	vmul.f32 v59, v59;
	v0 =	vadd.f32 v5, v0;
	v5 =	vmul.f32 v37, v37  }
0x269: {  	s16 =	sor.u32 $0x460, s8;
	v59 =	vmul.f32 v8, v8;
	v3 =	vadd.f32 v43, v3;
	v4 =	vadd.f32 v7, v4;
	s3 =	sshll.u32 s9, $0x8;
	[tilespmem:s26+$0x450] =	vst.add.f32.msk $0xffff, v50  }
0x26a: {  	s17 =	sor.u32 $0x70, s24;
	v1 =	vadd.f32 v5, v1;
	v0 =	vadd.f32 v38, v0;
	v5 =	vmul.f32 v26, v26;
	s3 =	sadd.s32 $0x400, s3;
	v51 =	vld [tilespmem:s16+$0x6500]  }
0x26b: {  	p3 =	sgt.u32 s22, $0x4;
	v7 =	vmul.f32 v57, v57;
	v57 =	vmul.f32 v63, v63;
	v10 =	vadd.f32 v45, v3;
	s3 =	sadd.s32 $0x100, s3;
	[tilespmem:s17+$0x0] =	vst.add.f32.msk $0xffff, v31  }
.Ltmp10:
0x26c: {  	v1 =	vadd.f32 v46, v1;
	v0 =	vadd.f32 v5, v0;
	v5 =	vmul.f32 v52, v52;
	s18 =	sor.u32 $0x400, s3;
	[tilespmem:s28+$0x420] =	vst.add.f32.msk $0xffff, v18;
	(pc) =	sbr.rel @!p3 .LBB2_16-.Ltmp10, $4  }
0x26d: {  	s2 =	sshll.u32 s2, $0x9;
	v3 =	vadd.f32 v7, v4;
	v46 =	vmul.f32 v55, v55;
	v55 =	vmul.f32 v60, v60;
	s17 =	sor.u32 $0x430, s29;
	v17 =	vld [tilespmem:s18+$0x6500]  }
0x26e: {  	p1 =	por $0x1, $0x1;
	s2 =	sshra.s32 s2, $0x2;
	s11 =	sshll.u32 s11, $0x9;
	v1 =	vadd.f32 v44, v1;
	v0 =	vadd.f32 v5, v0;
	v5 =	vmul.f32 v56, v56;
	v22 =	vld [tilespmem:s17+$0x6500]  }
0x26f: {  	s8 =	sor.u32 $0x470, s8;
	s9 =	simm.s32 $0x4406;
	v52 =	vmul.f32 v61, v61;
	s15 =	simm.s32 $0x4;
	v60 =	vmul.f32 v48, v48;
	v6 =	vadd.f32 v47, v10;
	[tilespmem:s26+$0x460] =	vst.add.f32.msk $0xffff, v51  }
0x270: {  	v61 =	vmul.f32 v2, v2;
	v62 =	vadd.f32 v46, v1;
	v63 =	vadd.f32 v5, v0;
	s18 =	simm.s32 $0x4404;
	s17 =	sshra.s32 s11, $0x2;
	s11 =	sadd.s32 $0x4, s1;
	v48 =	vld [tilespmem:s8+$0x6500]  }
.LBB2_17:
0x271: {  	_ = 	snop  }
0x272: {  	s1 =	sshll.u32 s11, $0x2;
	v0 =	vadd.f32 v53, v62  }
0x273: {  	s8 =	sor.u32 $0x410, s3;
	s1 =	sshra.s32 s1, $0x2;
	[tilespmem:s24+$0x400] =	vst.add.f32.msk $0xffff, v17  }
0x274: {  	s9 =	sadd.s32 $0x4, s9;
	v1 =	vadd.f32 v55, v63;
	s1 =	sand.u32 $0xFFFFFF80, s1;
	v0 =	vadd.f32 v54, v0;
	v39 =	vld [tilespmem:s8+$0x6500]  }
0x275: {  	v2 =	vmul.f32 v41, v41;
	s7 =	sadd.s32 s1, s9;
	[tilespmem:s28+$0x430] =	vst.add.f32.msk $0xffff, v22  }
0x276: {  	s16 =	sor.u32 $0x440, s29;
	s18 =	sadd.s32 $0x4, s18;
	v7 =	vmul.f32 v51, v51;
	v1 =	vadd.f32 v59, v1;
	v8 =	vld [tilespmem:s7+$0x0];
	v0 =	vadd.f32 v61, v0  }
0x277: {  	s1 =	sadd.s32 s1, s18;
	v40 =	vld [tilespmem:s16+$0x6500]  }
0x278: {  	v1 =	vadd.f32 v2, v1;
	v2 =	vmul.f32 v48, v48;
	v9 =	vld [tilespmem:s1+$0x0];
	v0 =	vadd.f32 v7, v0  }
0x279: {  	[tilespmem:s24+$0x410] =	vst.add.f32.msk $0xffff, v39  }
0x27a: {  	s4 =	sor.u32 $0x420, s3;
	[tilespmem:$0x1FE30] =	vst v0;
	v0 =	vadd.f32 v2, v1;
	v2 =	vld [tilespmem:$0x1FE70]  }
0x27b: {  	v42 =	vld [tilespmem:s4+$0x6500]  }
0x27c: {  	s7 =	sor.u32 $0x450, s29;
	[tilespmem:s28+$0x440] =	vst.add.f32.msk $0xffff, v40  }
0x27d: {  	v35 =	vld [tilespmem:s7+$0x6500]  }
0x27e: {  	[tilespmem:s23+$0x470] =	vst.add.f32.msk $0xffff, v34  }
0x27f: {  	(v2sf) =	vpush v33, $0x1;
	[tilespmem:s2+$0x1A500] =	vst.add.f32.msk $0xffff, v2  }
0x280: {  	s8 =	sor.u32 $0x430, s3;
	(v2sf) =	vpush v8, $0x0;
	[tilespmem:s24+$0x420] =	vst.add.f32.msk $0xffff, v42  }
0x281: {  	v44 =	vld [tilespmem:s8+$0x6500]  }
0x282: {  	s16 =	sor.u32 $0x460, s29;
	[tilespmem:s28+$0x450] =	vst.add.f32.msk $0xffff, v35  }
0x283: {  	[tilespmem:$0x1FE40] =	vst v0;
	v0 =	vmov v9;
	v34 =	vld [tilespmem:s16+$0x6500]  }
0x284: {  	(v2sf) =	vpush v0, $0x0;
	[tilespmem:s26+$0x470] =	vst.add.f32.msk $0xffff, v48  }
0x285: {  	[tilespmem:s17+$0x1A500] =	vst.add.f32.msk $0xffff, v2  }
0x286: {  	s17 =	sor.u32 $0x440, s3;
	[tilespmem:s24+$0x430] =	vst.add.f32.msk $0xffff, v44  }
0x287: {  	s19 =	sadd.s32 $0x200, s19;
	s10 =	sadd.s32 $0x400, s10;
	v46 =	vld [tilespmem:s17+$0x6500]  }
0x288: {  	s4 =	sor.u32 $0x470, s29;
	s23 =	sand.u32 $0x7FFFF800, s10;
	s26 =	sadd.s32 $0x100, s19;
	[tilespmem:s28+$0x460] =	vst.add.f32.msk $0xffff, v34  }
0x289: {  	s8 =	sadd.s32 $0x6500, s23;
	s16 =	sand.u32 $0x300, s26;
	v45 =	vld [tilespmem:s4+$0x6500]  }
0x28a: {  	v7 =	vmul.f32 v36, v36;
	v36 =	vld [tilespmem:$0x1FF80];
	s1 =	sadd.s32 s16, s8  }
0x28b: {  	v33 =	vld [tilespmem:s1+$0x0]  }
0x28c: {  	s17 =	sor.u32 $0x450, s3;
	[tilespmem:s24+$0x440] =	vst.add.f32.msk $0xffff, v46  }
0x28d: {  	v5 =	vmul.f32 v49, v49;
	v4 =	vadd.f32 v57, v6;
	s23 =	sshll.u32 s25, $0x9;
	v49 =	vld [tilespmem:s17+$0x6500]  }
0x28e: {  	s25 =	sshra.s32 s23, $0x2;
	s7 =	spop (v2sf);
	[tilespmem:s28+$0x470] =	vst.add.f32.msk $0xffff, v45  }
0x28f: {  	v6 =	vmul.f32 v50, v50;
	v4 =	vadd.f32 v60, v4;
	s2 =	sshll.u32 s7, $0x9;
	s4 =	sand.u32 $0x200, s19;
	s26 =	spop (v2sf);
	[tilespmem:s25+$0x1A500] =	vst.add.f32.msk $0xffff, v2  }
0x290: {  	s8 =	sor.u32 s4, s8;
	s4 =	sshll.u32 s7, $0x8;
	s7 =	sshll.u32 s7, $0x7;
	v50 =	vld [tilespmem:s0+$0x80]  }
0x291: {  	v38 =	vadd.f32 v6, v4;
	s16 =	sshll.u32 s26, $0x8;
	s4 =	sand.u32 $0xFFFFF800, s4;
	s28 =	sshll.u32 s26, $0x7;
	v6 =	vld [tilespmem:s8+$0x0]  }
0x292: {  	s23 =	sand.u32 $0xFFFFF800, s16;
	s17 =	sor.u32 $0x460, s3;
	s28 =	sand.u32 $0x380, s28;
	[tilespmem:s24+$0x450] =	vst.add.f32.msk $0xffff, v49  }
0x293: {  	s7 =	sand.u32 $0x380, s7;
	s25 =	spop (v2sf);
	(v2sf) =	vpush v28, $0x1;
	s28 =	sor.u32 s28, s23;
	v53 =	vld [tilespmem:s17+$0x6500]  }
0x294: {  	s4 =	sor.u32 s7, s4;
	s23 =	sshll.u32 s25, $0x8;
	s16 =	sshll.u32 s25, $0x7;
	[tilespmem:s28+$0x16500] =	vst.add.f32.msk $0xffff, v33  }
0x295: {  	s17 =	sand.u32 $0xFFFFF800, s23;
	s23 =	sand.u32 $0x380, s16;
	[tilespmem:s4+$0x16500] =	vst.add.f32.msk $0xffff, v50  }
0x296: {  	s7 =	sor.u32 s23, s17;
	v55 =	vld [tilespmem:s0+$0x90]  }
0x297: {  	v3 =	vadd.f32 v52, v3;
	[tilespmem:s7+$0x16500] =	vst.add.f32.msk $0xffff, v6  }
0x298: {  	s16 =	sor.u32 $0x470, s3;
	[tilespmem:s24+$0x460] =	vst.add.f32.msk $0xffff, v53  }
0x299: {  	v3 =	vadd.f32 v58, v3;
	[tilespmem:$0x1FE50] =	vst v0;
	v0 =	vmov v8;
	s23 =	sadd.s32 $0x16500, s4;
	v58 =	vld [tilespmem:s16+$0x6500]  }
0x29a: {  	[tilespmem:$0x1FE60] =	vst v0;
	s17 =	sor.u32 $0x10, s23;
	v0 =	vld [tilespmem:s1+$0x10]  }
0x29b: {  	[tilespmem:s17+$0x0] =	vst.add.f32.msk $0xffff, v55  }
0x29c: {  	v57 =	vld [tilespmem:s0+$0xA0]  }
0x29d: {  	s4 =	sshll.u32 s31, $0x9;
	v1 =	vld [tilespmem:s8+$0x10]  }
0x29e: {  	s3 =	sshra.s32 s4, $0x2;
	[tilespmem:s24+$0x470] =	vst.add.f32.msk $0xffff, v58  }
0x29f: {  	[tilespmem:s3+$0x1A500] =	vst.add.f32.msk $0xffff, v2  }
0x2a0: {  	v2 =	vld [tilespmem:$0x1FE80]  }
0x2a1: {  	s16 =	sor.u32 $0x20, s23;
	s24 =	sadd.s32 $0x16500, s28;
	v43 =	vld [tilespmem:s0+$0x180]  }
0x2a2: {  	s31 =	smov.u32 s26;
	s4 =	spop (v2sf);
	s17 =	sor.u32 $0x10, s24;
	[tilespmem:s16+$0x0] =	vst.add.f32.msk $0xffff, v57  }
0x2a3: {  	s28 =	sadd.s32 $0x16500, s7;
	s26 =	sshll.u32 s4, $0x7;
	s3 =	sshll.u32 s4, $0x8;
	[tilespmem:s17+$0x0] =	vst.add.f32.msk $0xffff, v0  }
0x2a4: {  	s16 =	sor.u32 $0x10, s28;
	s3 =	sand.u32 $0xFFFFF800, s3;
	s17 =	sand.u32 $0x380, s26;
	v60 =	vld [tilespmem:s0+$0xB0]  }
0x2a5: {  	[tilespmem:s16+$0x0] =	vst.add.f32.msk $0xffff, v1;
	s3 =	sor.u32 s17, s3  }
0x2a6: {  	v25 =	vmul.f32 v2, v2;
	v2 =	vmov v6;
	[tilespmem:s3+$0x16500] =	vst.add.f32.msk $0xffff, v43  }
0x2a7: {  	[tilespmem:$0x1FE80] =	vst v2;
	v2 =	vld [tilespmem:$0x1FEA0]  }
0x2a8: {  	s26 =	sor.u32 $0x30, s23;
	v47 =	vld [tilespmem:s0+$0x190]  }
0x2a9: {  	v37 =	vadd.f32 v5, v3;
	[tilespmem:s26+$0x0] =	vst.add.f32.msk $0xffff, v60  }
0x2aa: {  	v4 =	vld [tilespmem:s1+$0x20]  }
0x2ab: {  	v25 =	vadd.f32 v25, v37;
	v37 =	vmul.f32 v57, v57;
	v57 =	vld [tilespmem:$0x1FE40]  }
0x2ac: {  	v63 =	vld [tilespmem:s0+$0xC0]  }
0x2ad: {  	s26 =	sadd.s32 $0x16500, s3;
	v11 =	vld [tilespmem:s8+$0x20]  }
0x2ae: {  	s3 =	sor.u32 $0x10, s26;
	v26 =	vmul.f32 v2, v2;
	v2 =	vld [tilespmem:$0x1FE90]  }
0x2af: {  	s4 =	sshll.u32 s4, $0x9;
	[tilespmem:s3+$0x0] =	vst.add.f32.msk $0xffff, v47  }
0x2b0: {  	s17 =	sshra.s32 s4, $0x2;
	s4 =	sor.u32 $0x40, s23;
	v48 =	vld [tilespmem:s0+$0x1A0]  }
0x2b1: {  	s7 =	sor.u32 $0x20, s24;
	[tilespmem:s4+$0x0] =	vst.add.f32.msk $0xffff, v63  }
0x2b2: {  	[tilespmem:s7+$0x0] =	vst.add.f32.msk $0xffff, v4  }
0x2b3: {  	s16 =	sor.u32 $0x20, s28;
	v3 =	vld [tilespmem:s0+$0xD0]  }
0x2b4: {  	[tilespmem:s16+$0x0] =	vst.add.f32.msk $0xffff, v11;
	v62 =	vmul.f32 v2, v2;
	v2 =	vmov v0;
	v0 =	vmov v1  }
0x2b5: {  	s4 =	sor.u32 $0x20, s26;
	[tilespmem:$0x1FEA0] =	vst v0;
	v0 =	vld [tilespmem:$0x1FEC0]  }
0x2b6: {  	[tilespmem:s4+$0x0] =	vst.add.f32.msk $0xffff, v48  }
0x2b7: {  	s7 =	sor.u32 $0x50, s23;
	v51 =	vld [tilespmem:s0+$0x1B0]  }
0x2b8: {  	[tilespmem:s7+$0x0] =	vst.add.f32.msk $0xffff, v3  }
0x2b9: {  	v8 =	vld [tilespmem:s0+$0xE0]  }
0x2ba: {  	v12 =	vld [tilespmem:s1+$0x30]  }
0x2bb: {  	v13 =	vld [tilespmem:s8+$0x30]  }
0x2bc: {  	s16 =	sor.u32 $0x30, s26;
	v27 =	vmul.f32 v0, v0;
	v0 =	vld [tilespmem:$0x1FEB0]  }
0x2bd: {  	s4 =	sor.u32 $0x60, s23;
	[tilespmem:s16+$0x0] =	vst.add.f32.msk $0xffff, v51  }
0x2be: {  	[tilespmem:s4+$0x0] =	vst.add.f32.msk $0xffff, v8  }
0x2bf: {  	s16 =	sor.u32 $0x30, s28;
	v9 =	vld [tilespmem:s0+$0xF0]  }
0x2c0: {  	v1 =	vmov v13;
	[tilespmem:s16+$0x0] =	vst.add.f32.msk $0xffff, v13;
	v13 =	vmul.f32 v17, v17;
	v17 =	vmul.f32 v32, v32  }
0x2c1: {  	s7 =	sor.u32 $0x30, s24;
	v52 =	vld [tilespmem:s0+$0x1C0];
	v32 =	vmul.f32 v40, v40;
	v40 =	vmul.f32 v46, v46  }
0x2c2: {  	[tilespmem:s7+$0x0] =	vst.add.f32.msk $0xffff, v12;
	v46 =	vmul.f32 v53, v53;
	v53 =	vmul.f32 v45, v45  }
0x2c3: {  	[tilespmem:$0x1FE90] =	vst v2;
	v45 =	vmul.f32 v58, v58;
	v58 =	vld [tilespmem:$0x1FE30];
	v2 =	vmul.f32 v0, v0;
	v0 =	vmov v11  }
0x2c4: {  	[tilespmem:$0x1FEC0] =	vst v0;
	v0 =	vld [tilespmem:$0x1FED0]  }
0x2c5: {  	s4 =	sor.u32 $0x40, s26;
	[tilespmem:$0x1FED0] =	vst v1;
	v1 =	vld [tilespmem:$0x1FEE0]  }
0x2c6: {  	[tilespmem:s4+$0x0] =	vst.add.f32.msk $0xffff, v52  }
0x2c7: {  	s7 =	sor.u32 $0x70, s23;
	v54 =	vld [tilespmem:s0+$0x1D0]  }
0x2c8: {  	s3 =	sadd.s32 $0x80, s29;
	[tilespmem:s7+$0x0] =	vst.add.f32.msk $0xffff, v9  }
0x2c9: {  	s16 =	sor.u32 $0x400, s3;
	v19 =	vld [tilespmem:s1+$0x40]  }
0x2ca: {  	v5 =	vld [tilespmem:s16+$0x6500]  }
0x2cb: {  	v14 =	vld [tilespmem:s8+$0x40]  }
0x2cc: {  	v16 =	vmul.f32 v0, v0;
	v0 =	vld [tilespmem:$0x1FEF0]  }
0x2cd: {  	v41 =	vmov v12;
	v28 =	vmul.f32 v1, v1;
	v1 =	vld [tilespmem:$0x1FF10]  }
0x2ce: {  	s7 =	sor.u32 $0x50, s26;
	[tilespmem:$0x1FEF0] =	vst v41;
	v41 =	vld [tilespmem:$0x1FF60]  }
0x2cf: {  	[tilespmem:s7+$0x0] =	vst.add.f32.msk $0xffff, v54  }
0x2d0: {  	v56 =	vld [tilespmem:s0+$0x1E0]  }
0x2d1: {  	s7 =	sor.u32 $0x40, s24;
	[tilespmem:s23+$0x400] =	vst.add.f32.msk $0xffff, v5  }
0x2d2: {  	s16 =	sor.u32 $0x410, s3;
	[tilespmem:s7+$0x0] =	vst.add.f32.msk $0xffff, v19  }
0x2d3: {  	v20 =	vmov v33;
	v33 =	vmov v4;
	v4 =	vmov v14;
	v10 =	vld [tilespmem:s16+$0x6500]  }
0x2d4: {  	s16 =	sor.u32 $0x40, s28;
	[tilespmem:$0x1FEE0] =	vst v4;
	v4 =	vld [tilespmem:$0x1FF00]  }
0x2d5: {  	s7 =	sor.u32 $0x60, s26;
	[tilespmem:s16+$0x0] =	vst.add.f32.msk $0xffff, v14  }
0x2d6: {  	[tilespmem:s7+$0x0] =	vst.add.f32.msk $0xffff, v56  }
0x2d7: {  	v59 =	vld [tilespmem:s0+$0x1F0]  }
0x2d8: {  	[tilespmem:s23+$0x410] =	vst.add.f32.msk $0xffff, v10  }
0x2d9: {  	s0 =	smov.u32 s8;
	s8 =	sor.u32 $0x420, s3;
	v24 =	vld [tilespmem:s1+$0x50]  }
0x2da: {  	v21 =	vld [tilespmem:s8+$0x6500]  }
0x2db: {  	v14 =	vmul.f32 v4, v4;
	v4 =	vld [tilespmem:$0x1FF20]  }
0x2dc: {  	s16 =	sor.u32 $0x70, s26;
	v15 =	vld [tilespmem:s0+$0x50];
	s8 =	sadd.s32 $0x180, s29  }
0x2dd: {  	s7 =	sor.u32 $0x400, s8;
	[tilespmem:s16+$0x0] =	vst.add.f32.msk $0xffff, v59  }
0x2de: {  	v61 =	vld [tilespmem:s7+$0x6500]  }
0x2df: {  	s16 =	sor.u32 $0x430, s3;
	[tilespmem:s23+$0x420] =	vst.add.f32.msk $0xffff, v21  }
0x2e0: {  	[tilespmem:$0x1FEB0] =	vst v33;
	s7 =	sor.u32 $0x50, s24;
	v23 =	vld [tilespmem:s16+$0x6500]  }
0x2e1: {  	s16 =	sor.u32 $0x50, s28;
	[tilespmem:s7+$0x0] =	vst.add.f32.msk $0xffff, v24  }
0x2e2: {  	[tilespmem:s16+$0x0] =	vst.add.f32.msk $0xffff, v15  }
0x2e3: {  	v6 =	vmov v19;
	s16 =	sor.u32 $0x410, s8;
	[tilespmem:s26+$0x400] =	vst.add.f32.msk $0xffff, v61  }
0x2e4: {  	[tilespmem:$0x1FF10] =	vst v6;
	v6 =	vld [tilespmem:s16+$0x6500]  }
0x2e5: {  	v11 =	vmov v24;
	s7 =	sor.u32 $0x440, s3;
	[tilespmem:s23+$0x430] =	vst.add.f32.msk $0xffff, v23  }
0x2e6: {  	[tilespmem:$0x1FF20] =	vst v11;
	v33 =	vmov v15;
	v11 =	vmul.f32 v29, v29;
	v29 =	vld [tilespmem:s7+$0x6500]  }
0x2e7: {  	[tilespmem:$0x1FF00] =	vst v33;
	v33 =	vld [tilespmem:s1+$0x60]  }
0x2e8: {  	v24 =	vmul.f32 v41, v41;
	v41 =	vld [tilespmem:s0+$0x60]  }
0x2e9: {  	s16 =	sor.u32 $0x420, s8;
	[tilespmem:s26+$0x410] =	vst.add.f32.msk $0xffff, v6  }
0x2ea: {  	v26 =	vadd.f32 v26, v38;
	v19 =	vmul.f32 v39, v39;
	v39 =	vld [tilespmem:s16+$0x6500]  }
0x2eb: {  	[tilespmem:s23+$0x440] =	vst.add.f32.msk $0xffff, v29  }
0x2ec: {  	v30 =	vmul.f32 v30, v30;
	v14 =	vadd.f32 v14, v26;
	s7 =	sor.u32 $0x450, s3;
	v26 =	vmul.f32 v29, v29;
	v29 =	vmovc v33;
	v33 =	vld [tilespmem:$0x1FE50]  }
0x2ed: {  	v18 =	vmul.f32 v18, v18;
	v15 =	vmul.f32 v36, v36;
	s16 =	sor.u32 $0x60, s28;
	v36 =	vld [tilespmem:s7+$0x6500]  }
0x2ee: {  	v12 =	vmul.f32 v31, v31;
	v31 =	vmul.f32 v22, v22;
	[tilespmem:s16+$0x0] =	vst.add.f32.msk $0xffff, v41  }
0x2ef: {  	v22 =	vmul.f32 v44, v44;
	v44 =	vmul.f32 v49, v49;
	v49 =	vld [tilespmem:s0+$0x70]  }
0x2f0: {  	p2 =	por !p2, !p2;
	v42 =	vmul.f32 v42, v42;
	v35 =	vmul.f32 v35, v35;
	s16 =	sor.u32 $0x430, s8;
	s7 =	simm.s32 $0x1;
	[tilespmem:s26+$0x420] =	vst.add.f32.msk $0xffff, v39  }
0x2f1: {  	v34 =	vmul.f32 v34, v34;
	v50 =	vmul.f32 v50, v50;
	[tilespmem:$0x1FF80] =	vst v41;
	s7 =	simm.s32 @!p2 $0x0;
	v41 =	vld [tilespmem:s16+$0x6500]  }
0x2f2: {  	v55 =	vmul.f32 v55, v55;
	v43 =	vmul.f32 v43, v43;
	v25 =	vadd.f32 v28, v25;
	s4 =	sshll.u32 s7, $0x9;
	s7 =	sor.u32 $0x460, s3;
	[tilespmem:s23+$0x450] =	vst.add.f32.msk $0xffff, v36  }
0x2f3: {  	v47 =	vmul.f32 v47, v47;
	v27 =	vadd.f32 v27, v58;
	v58 =	vmul.f32 v60, v60;
	s29 =	sadd.s32 s4, s10;
	s16 =	sor.u32 $0x70, s28;
	v28 =	vld [tilespmem:s7+$0x6500]  }
0x2f4: {  	v60 =	vmul.f32 v63, v63;
	v16 =	vadd.f32 v16, v57;
	v63 =	vadd.f32 v30, v25;
	s4 =	sor.u32 $0x400, s29;
	[tilespmem:s16+$0x0] =	vst.add.f32.msk $0xffff, v49  }
0x2f5: {  	v3 =	vmul.f32 v3, v3;
	v14 =	vadd.f32 v17, v14;
	v15 =	vadd.f32 v15, v27;
	v27 =	vld [tilespmem:s4+$0x6500]  }
0x2f6: {  	v8 =	vmul.f32 v8, v8;
	v17 =	vadd.f32 v32, v63;
	v16 =	vadd.f32 v24, v16;
	s16 =	sor.u32 $0x440, s8;
	[tilespmem:s26+$0x430] =	vst.add.f32.msk $0xffff, v41  }
0x2f7: {  	v52 =	vmul.f32 v52, v52;
	v14 =	vadd.f32 v35, v14;
	v15 =	vadd.f32 v18, v15;
	[tilespmem:$0x1FF60] =	vst v49;
	v49 =	vld [tilespmem:s16+$0x6500]  }
0x2f8: {  	v9 =	vmul.f32 v9, v9;
	v17 =	vadd.f32 v50, v17;
	v16 =	vadd.f32 v31, v16;
	[tilespmem:s23+$0x460] =	vst.add.f32.msk $0xffff, v28  }
0x2f9: {  	v14 =	vadd.f32 v55, v14;
	v15 =	vadd.f32 v34, v15;
	s3 =	sor.u32 $0x470, s3;
	v38 =	vmul.f32 v28, v28;
	v28 =	vld [tilespmem:$0x1FE60]  }
0x2fa: {  	v5 =	vmul.f32 v5, v5;
	v17 =	vadd.f32 v60, v17;
	v16 =	vadd.f32 v53, v16;
	v34 =	vld [tilespmem:s3+$0x6500]  }
0x2fb: {  	v10 =	vmul.f32 v10, v10;
	v3 =	vadd.f32 v3, v14;
	v15 =	vadd.f32 v37, v15;
	s4 =	sor.u32 $0x410, s29;
	[tilespmem:s28+$0x400] =	vst.add.f32.msk $0xffff, v27  }
0x2fc: {  	v57 =	vmul.f32 v54, v54;
	v5 =	vadd.f32 v5, v17;
	v16 =	vadd.f32 v58, v16;
	v32 =	vld [tilespmem:s4+$0x6500]  }
0x2fd: {  	v3 =	vadd.f32 v10, v3;
	v8 =	vadd.f32 v8, v15;
	v15 =	vmul.f32 v36, v36;
	s7 =	sor.u32 $0x450, s8;
	[tilespmem:s26+$0x440] =	vst.add.f32.msk $0xffff, v49  }
0x2fe: {  	v18 =	vmul.f32 v21, v21;
	v21 =	vmul.f32 v23, v23;
	v9 =	vadd.f32 v9, v16;
	s16 =	sor.u32 $0x60, s24;
	v50 =	vld [tilespmem:s7+$0x6500]  }
0x2ff: {  	v1 =	vmul.f32 v1, v1;
	v5 =	vadd.f32 v26, v5;
	v3 =	vadd.f32 v15, v3;
	[tilespmem:s16+$0x0] =	vst.add.f32.msk $0xffff, v29  }
0x300: {  	s30 =	sadd.s32 $0x2, s30;
	v9 =	vadd.f32 v21, v9;
	v8 =	vadd.f32 v18, v8;
	v16 =	vmul.f32 v34, v34;
	v31 =	vld [tilespmem:s1+$0x70]  }
0x301: {  	v4 =	vmul.f32 v4, v4;
	v5 =	vadd.f32 v7, v5;
	v3 =	vadd.f32 v62, v3;
	s3 =	sand.u32 $0x3, s30;
	s4 =	sor.u32 $0x420, s29;
	[tilespmem:s28+$0x410] =	vst.add.f32.msk $0xffff, v32  }
0x302: {  	v0 =	vmul.f32 v0, v0;
	v8 =	vadd.f32 v38, v8;
	s1 =	sshll.u32 s3, $0x8;
	v9 =	vadd.f32 v16, v9;
	v18 =	vld [tilespmem:s4+$0x6500]  }
0x303: {  	v54 =	vmul.f32 v56, v56;
	v1 =	vadd.f32 v1, v5;
	v3 =	vadd.f32 v4, v3;
	s7 =	sor.u32 $0x460, s8;
	s1 =	sadd.s32 s10, s1;
	[tilespmem:s26+$0x450] =	vst.add.f32.msk $0xffff, v50  }
0x304: {  	s15 =	sadd.s32 $0x2, s15;
	v55 =	vmul.f32 v51, v51;
	v2 =	vadd.f32 v2, v8;
	s16 =	sor.u32 $0x70, s24;
	s3 =	sadd.s32 $0x100, s1;
	v0 =	vadd.f32 v0, v9;
	v51 =	vld [tilespmem:s7+$0x6500]  }
0x305: {  	p3 =	slt.u32 s15, s22;
	v59 =	vmul.f32 v59, v59;
	v1 =	vadd.f32 v13, v1;
	v3 =	vadd.f32 v19, v3;
	s1 =	sor.u32 $0x400, s3;
	[tilespmem:s16+$0x0] =	vst.add.f32.msk $0xffff, v31  }
.Ltmp11:
0x306: {  	v53 =	vmul.f32 v48, v48;
	v2 =	vadd.f32 v11, v2;
	v0 =	vadd.f32 v12, v0;
	v17 =	vld [tilespmem:s1+$0x6500];
	(pc) =	sbr.rel @p3 .LBB2_17-.Ltmp11, $4  }
0x307: {  	v58 =	vmul.f32 v61, v61;
	v1 =	vadd.f32 v40, v1;
	v4 =	vadd.f32 v44, v3;
	s7 =	sor.u32 $0x430, s29;
	[tilespmem:s28+$0x420] =	vst.add.f32.msk $0xffff, v18  }
0x308: {  	v60 =	vmul.f32 v6, v6;
	v2 =	vadd.f32 v42, v2;
	v0 =	vadd.f32 v22, v0;
	v22 =	vld [tilespmem:s7+$0x6500]  }
0x309: {  	v61 =	vmul.f32 v39, v39;
	v3 =	vadd.f32 v43, v1;
	v6 =	vadd.f32 v47, v4;
	s16 =	sor.u32 $0x470, s8;
	[tilespmem:s26+$0x460] =	vst.add.f32.msk $0xffff, v51  }
0x30a: {  	s11 =	sadd.s32 $0x4, s11;
	s2 =	sshra.s32 s2, $0x2;
	v36 =	vmovc v20;
	v30 =	vmov v27;
	v62 =	vadd.f32 v46, v2;
	v63 =	vadd.f32 v45, v0;
	v48 =	vld [tilespmem:s16+$0x6500]  }
0x30b: {  	v42 =	vld [tilespmem:$0x1FE80]  }
0x30c: {  	v43 =	vld [tilespmem:$0x1FEA0]  }
0x30d: {  	v44 =	vld [tilespmem:$0x1FE90]  }
0x30e: {  	v45 =	vld [tilespmem:$0x1FEC0]  }
0x30f: {  	v37 =	vld [tilespmem:$0x1FEB0]  }
0x310: {  	v0 =	vld [tilespmem:$0x1FF20]  }
0x311: {  	[tilespmem:$0x1FF30] =	vst v32;
	v47 =	vld [tilespmem:$0x1FED0]  }
0x312: {  	[tilespmem:$0x1FF40] =	vst v31;
	v38 =	vld [tilespmem:$0x1FEF0]  }
0x313: {  	[tilespmem:$0x1FF50] =	vst v30;
	s9 =	smov.u32 s0;
	v46 =	vld [tilespmem:$0x1FEE0]  }
0x314: {  	[tilespmem:$0x1FF70] =	vst v29;
	s11 =	smov.u32 s31;
	v39 =	vld [tilespmem:$0x1FF10];
	s15 =	simm.s32 $0x1C500;
	s16 =	simm.s32 $0x1C580  }
0x315: {  	v20 =	vmov v33;
	v56 =	vmov v28;
	v35 =	vmov v36;
	v40 =	vld [tilespmem:$0x1FF00];
	s18 =	simm.s32 $0x1C600;
	s19 =	simm.s32 $0x1C680;
	s31 =	rddreg [dreg:$0xf];
	[tilespmem:$0x1FF90] =	vst v0  }
.LBB2_19:
0x316: {  	[tilespmem:s24+$0x400] =	vst.add.f32.msk $0xffff, v17;
	s0 =	sor.u32 $0x410, s3  }
0x317: {  	v12 =	vld [tilespmem:s0+$0x6500];
	_ =	sdelay $0x1  }
0x318: {  	[tilespmem:s28+$0x430] =	vst.add.f32.msk $0xffff, v22;
	s7 =	sor.u32 $0x440, s29  }
0x319: {  	v0 =	vld [tilespmem:s7+$0x6500];
	_ =	sdelay $0x1  }
0x31a: {  	s8 =	sor.u32 $0x420, s3;
	[tilespmem:s24+$0x410] =	vst.add.f32.msk $0xffff, v12  }
0x31b: {  	v13 =	vld [tilespmem:s8+$0x6500];
	_ =	sdelay $0x1  }
0x31c: {  	s10 =	sor.u32 $0x450, s29;
	[tilespmem:s28+$0x440] =	vst.add.f32.msk $0xffff, v0  }
0x31d: {  	v21 =	vld [tilespmem:s10+$0x6500];
	_ =	sdelay $0x1  }
0x31e: {  	s1 =	sor.u32 $0x430, s3;
	[tilespmem:s24+$0x420] =	vst.add.f32.msk $0xffff, v13  }
0x31f: {  	v23 =	vld [tilespmem:s1+$0x6500];
	_ =	sdelay $0x1  }
0x320: {  	(v2sf) =	vpush v20, $0x1;
	s4 =	sor.u32 $0x460, s29;
	[tilespmem:s28+$0x450] =	vst.add.f32.msk $0xffff, v21  }
0x321: {  	v4 =	vld [tilespmem:s4+$0x6500];
	_ =	sdelay $0x1  }
0x322: {  	s7 =	sor.u32 $0x440, s3;
	[tilespmem:s24+$0x430] =	vst.add.f32.msk $0xffff, v23  }
0x323: {  	v25 =	vld [tilespmem:s7+$0x6500];
	_ =	sdelay $0x1  }
0x324: {  	s8 =	sor.u32 $0x470, s29;
	[tilespmem:s28+$0x460] =	vst.add.f32.msk $0xffff, v4  }
0x325: {  	v11 =	vld [tilespmem:s8+$0x6500];
	_ =	sdelay $0x1  }
0x326: {  	s10 =	sor.u32 $0x450, s3;
	[tilespmem:s24+$0x440] =	vst.add.f32.msk $0xffff, v25  }
0x327: {  	v26 =	vld [tilespmem:s10+$0x6500]  }
0x328: {  	v1 =	vimm.f32 $0.0e+00;
	s1 =	sshll.u32 s25, $0x9  }
0x329: {  	v19 =	vsel vm1, $0x3F800000, v1;
	s25 =	sshra.s32 s1, $0x2;
	[tilespmem:s28+$0x470] =	vst.add.f32.msk $0xffff, v11  }
0x32a: {  	[tilespmem:s25+$0x1A500] =	vst.add.f32.msk $0xffff, v19  }
0x32b: {  	v24 =	vld [tilespmem:s9+$0x80]  }
0x32c: {  	s0 =	spop (v2sf);
	(v2sf) =	vpush v56, $0x1;
	s28 =	sor.u32 $0x460, s3;
	[tilespmem:s24+$0x450] =	vst.add.f32.msk $0xffff, v26  }
0x32d: {  	s4 =	sshll.u32 s0, $0x8;
	s7 =	sshll.u32 s0, $0x7;
	v28 =	vld [tilespmem:s28+$0x6500]  }
0x32e: {  	s8 =	sand.u32 $0xFFFFF800, s4;
	s10 =	sand.u32 $0x380, s7  }
0x32f: {  	s1 =	sor.u32 s10, s8  }
0x330: {  	[tilespmem:s1+$0x16500] =	vst.add.f32.msk $0xffff, v24  }
0x331: {  	v27 =	vld [tilespmem:s9+$0x90]  }
0x332: {  	s25 =	sor.u32 $0x470, s3;
	[tilespmem:s24+$0x460] =	vst.add.f32.msk $0xffff, v28  }
0x333: {  	v30 =	vld [tilespmem:s25+$0x6500]  }
0x334: {  	s1 =	sadd.s32 $0x16500, s1  }
0x335: {  	s28 =	sor.u32 $0x10, s1  }
0x336: {  	[tilespmem:s28+$0x0] =	vst.add.f32.msk $0xffff, v27  }
0x337: {  	s4 =	sshll.u32 s11, $0x9;
	v29 =	vld [tilespmem:s9+$0xA0]  }
0x338: {  	s3 =	sshra.s32 s4, $0x2;
	[tilespmem:s24+$0x470] =	vst.add.f32.msk $0xffff, v30  }
0x339: {  	[tilespmem:s3+$0x1A500] =	vst.add.f32.msk $0xffff, v19  }
0x33a: {  	v8 =	vld [tilespmem:s9+$0x180]  }
0x33b: {  	s7 =	sor.u32 $0x20, s1;
	s3 =	spop (v2sf)  }
0x33c: {  	[tilespmem:s7+$0x0] =	vst.add.f32.msk $0xffff, v29;
	s8 =	sshll.u32 s3, $0x8;
	s10 =	sshll.u32 s3, $0x7  }
0x33d: {  	v31 =	vld [tilespmem:s9+$0xB0];
	s4 =	sand.u32 $0xFFFFF800, s8;
	s7 =	sand.u32 $0x380, s10  }
0x33e: {  	s4 =	sor.u32 s7, s4  }
0x33f: {  	[tilespmem:s4+$0x16500] =	vst.add.f32.msk $0xffff, v8  }
0x340: {  	v7 =	vld [tilespmem:s9+$0x190]  }
0x341: {  	s11 =	sor.u32 $0x30, s1  }
0x342: {  	[tilespmem:s11+$0x0] =	vst.add.f32.msk $0xffff, v31  }
0x343: {  	s10 =	sadd.s32 $0x16500, s4;
	v32 =	vld [tilespmem:s9+$0xC0]  }
0x344: {  	s4 =	sor.u32 $0x10, s10  }
0x345: {  	[tilespmem:s4+$0x0] =	vst.add.f32.msk $0xffff, v7  }
0x346: {  	v9 =	vld [tilespmem:s9+$0x1A0]  }
0x347: {  	s24 =	sor.u32 $0x40, s1  }
0x348: {  	[tilespmem:s24+$0x0] =	vst.add.f32.msk $0xffff, v32  }
0x349: {  	v14 =	vld [tilespmem:s9+$0xD0]  }
0x34a: {  	s25 =	sor.u32 $0x20, s10  }
0x34b: {  	[tilespmem:s25+$0x0] =	vst.add.f32.msk $0xffff, v9  }
0x34c: {  	v2 =	vld [tilespmem:s9+$0x1B0]  }
0x34d: {  	s28 =	sor.u32 $0x50, s1  }
0x34e: {  	[tilespmem:s28+$0x0] =	vst.add.f32.msk $0xffff, v14  }
0x34f: {  	v16 =	vld [tilespmem:s9+$0xE0]  }
0x350: {  	s7 =	sor.u32 $0x30, s10  }
0x351: {  	[tilespmem:s7+$0x0] =	vst.add.f32.msk $0xffff, v2  }
0x352: {  	v5 =	vld [tilespmem:s9+$0x1C0]  }
0x353: {  	s8 =	sor.u32 $0x60, s1  }
0x354: {  	[tilespmem:s8+$0x0] =	vst.add.f32.msk $0xffff, v16  }
0x355: {  	v33 =	vld [tilespmem:s9+$0xF0]  }
0x356: {  	s11 =	sor.u32 $0x40, s10  }
0x357: {  	[tilespmem:s11+$0x0] =	vst.add.f32.msk $0xffff, v5  }
0x358: {  	v1 =	vld [tilespmem:s9+$0x1D0]  }
0x359: {  	s24 =	sor.u32 $0x70, s1;
	s11 =	sadd.s32 $0x80, s29  }
0x35a: {  	[tilespmem:s24+$0x0] =	vst.add.f32.msk $0xffff, v33;
	s25 =	sor.u32 $0x400, s11  }
0x35b: {  	v36 =	vld [tilespmem:s25+$0x6500]  }
0x35c: {  	s28 =	sor.u32 $0x50, s10  }
0x35d: {  	[tilespmem:s28+$0x0] =	vst.add.f32.msk $0xffff, v1  }
0x35e: {  	v20 =	vld [tilespmem:s9+$0x1E0];
	_ =	sdelay $0x1  }
0x35f: {  	s7 =	sor.u32 $0x410, s11;
	[tilespmem:s1+$0x400] =	vst.add.f32.msk $0xffff, v36  }
0x360: {  	v56 =	vld [tilespmem:s7+$0x6500]  }
0x361: {  	s8 =	sor.u32 $0x60, s10  }
0x362: {  	[tilespmem:s8+$0x0] =	vst.add.f32.msk $0xffff, v20  }
0x363: {  	v10 =	vld [tilespmem:s9+$0x1F0];
	_ =	sdelay $0x1  }
0x364: {  	s24 =	sor.u32 $0x420, s11;
	[tilespmem:s1+$0x410] =	vst.add.f32.msk $0xffff, v56  }
0x365: {  	v15 =	vld [tilespmem:s24+$0x6500]  }
0x366: {  	s25 =	sor.u32 $0x70, s10;
	s8 =	sadd.s32 $0x180, s29  }
0x367: {  	s28 =	sor.u32 $0x400, s8;
	[tilespmem:s25+$0x0] =	vst.add.f32.msk $0xffff, v10  }
0x368: {  	v52 =	vadd.f32 @p1 v52, v3;
	v3 =	vld [tilespmem:s28+$0x6500];
	_ =	sdelay $0x1  }
0x369: {  	v55 =	vadd.f32 @p1 v55, v63;
	s29 =	sor.u32 $0x430, s11;
	[tilespmem:s1+$0x420] =	vst.add.f32.msk $0xffff, v15  }
0x36a: {  	v6 =	vadd.f32 @p1 v57, v6;
	v57 =	vld [tilespmem:s29+$0x6500]  }
0x36b: {  	v41 =	vmul.f32 @p1 v41, v41;
	v55 =	vadd.f32 @p1 v59, v55  }
0x36c: {  	v53 =	vadd.f32 @p1 v53, v62;
	[tilespmem:s10+$0x400] =	vst.add.f32.msk $0xffff, v3  }
0x36d: {  	v41 =	vadd.f32 @p1 v41, v55;
	v55 =	vld [tilespmem:$0x1FF90]  }
0x36e: {  	v53 =	vadd.f32 @p1 v54, v53;
	v59 =	vld [tilespmem:$0x1FF80]  }
0x36f: {  	v49 =	vmul.f32 @p1 v49, v49;
	v50 =	vmul.f32 @p1 v50, v50;
	[tilespmem:s1+$0x430] =	vst.add.f32.msk $0xffff, v57  }
0x370: {  	v51 =	vmul.f32 @p1 v51, v51;
	v42 =	vmul.f32 v42, v42;
	v53 =	vadd.f32 @p1 v61, v53;
	v61 =	vld [tilespmem:$0x1FF60]  }
0x371: {  	v54 =	vmul.f32 v35, v35;
	v52 =	vadd.f32 @p1 v58, v52;
	v58 =	vadd.f32 @p1 v60, v6;
	v60 =	vld [tilespmem:$0x1FF70]  }
0x372: {  	v35 =	vmul.f32 v44, v44;
	v44 =	vmul.f32 v45, v45;
	s7 =	sor.u32 $0x410, s8  }
0x373: {  	v45 =	vmul.f32 v47, v47;
	v47 =	vmul.f32 v40, v40;
	v6 =	vld [tilespmem:s7+$0x6500]  }
0x374: {  	v62 =	vld [tilespmem:$0x1FF40];
	v40 =	vmul.f32 v55, v55;
	v55 =	vmul.f32 v59, v59  }
0x375: {  	s9 =	sor.u32 $0x440, s11;
	v63 =	vld [tilespmem:$0x1FF50];
	v59 =	vmul.f32 v61, v61;
	v61 =	vmul.f32 @p1 v48, v48  }
0x376: {  	v43 =	vmul.f32 v43, v43;
	v49 =	vadd.f32 @p1 v49, v52;
	v52 =	vmul.f32 v60, v60;
	v60 =	vld [tilespmem:s9+$0x6500]  }
0x377: {  	v37 =	vmul.f32 v37, v37;
	v17 =	vmul.f32 v17, v17;
	v41 =	vadd.f32 @p1 v61, v41;
	v61 =	vld [tilespmem:$0x1FF30]  }
0x378: {  	v18 =	vmul.f32 v18, v18;
	v22 =	vmul.f32 v22, v22;
	s24 =	sor.u32 $0x420, s8;
	[tilespmem:s10+$0x410] =	vst.add.f32.msk $0xffff, v6  }
0x379: {  	v38 =	vmul.f32 v38, v38;
	v50 =	vadd.f32 @p1 v50, v58;
	v58 =	vmul.f32 v62, v62;
	v62 =	vld [tilespmem:s24+$0x6500]  }
0x37a: {  	v46 =	vmul.f32 v46, v46;
	v39 =	vmul.f32 v39, v39  }
0x37b: {  	v51 =	vadd.f32 @p1 v51, v53;
	v53 =	vmul.f32 v63, v63;
	v63 =	vimm.f32 $0.0e+00  }
0x37c: {  	v12 =	vmul.f32 v12, v12;
	v0 =	vmul.f32 v0, v0;
	s25 =	sor.u32 $0x450, s11;
	v49 =	vpsel p1, v49, v63;
	[tilespmem:s1+$0x440] =	vst.add.f32.msk $0xffff, v60  }
0x37d: {  	v13 =	vmul.f32 v13, v13;
	v42 =	vadd.f32 v42, v49;
	v49 =	vpsel p1, v50, v63;
	v50 =	vld [tilespmem:s25+$0x6500]  }
0x37e: {  	v21 =	vmul.f32 v21, v21;
	s28 =	sor.u32 $0x430, s8;
	v43 =	vadd.f32 v43, v49;
	v49 =	vpsel p1, v51, v63;
	[tilespmem:s10+$0x420] =	vst.add.f32.msk $0xffff, v62  }
0x37f: {  	v23 =	vmul.f32 v23, v23;
	v4 =	vmul.f32 v4, v4;
	v44 =	vadd.f32 v44, v49;
	v49 =	vld [tilespmem:s28+$0x6500]  }
0x380: {  	v25 =	vmul.f32 v25, v25;
	v11 =	vmul.f32 v11, v11  }
0x381: {  	v26 =	vmul.f32 v26, v26;
	v24 =	vmul.f32 v24, v24  }
0x382: {  	v28 =	vmul.f32 v28, v28;
	v27 =	vmul.f32 v27, v27;
	s29 =	sor.u32 $0x460, s11;
	[tilespmem:s1+$0x450] =	vst.add.f32.msk $0xffff, v50  }
0x383: {  	v30 =	vmul.f32 v30, v30;
	v29 =	vmul.f32 v29, v29;
	v41 =	vpsel p1, v41, v63;
	v51 =	vld [tilespmem:s29+$0x6500]  }
0x384: {  	v31 =	vmul.f32 v31, v31;
	v32 =	vmul.f32 v32, v32;
	s7 =	sor.u32 $0x440, s8;
	v41 =	vadd.f32 v45, v41;
	[tilespmem:s10+$0x430] =	vst.add.f32.msk $0xffff, v49  }
0x385: {  	v14 =	vmul.f32 v14, v14;
	v42 =	vadd.f32 v46, v42;
	v44 =	vadd.f32 v55, v44;
	v63 =	vld [tilespmem:s7+$0x6500]  }
0x386: {  	v43 =	vadd.f32 v47, v43;
	v61 =	vmul.f32 v61, v61;
	v41 =	vadd.f32 v59, v41  }
0x387: {  	v16 =	vmul.f32 v16, v16;
	v42 =	vadd.f32 v53, v42;
	v18 =	vadd.f32 v18, v44  }
0x388: {  	v33 =	vmul.f32 v33, v33;
	s9 =	sor.u32 $0x470, s11;
	v43 =	vadd.f32 v61, v43;
	v22 =	vadd.f32 v22, v41;
	[tilespmem:s1+$0x460] =	vst.add.f32.msk $0xffff, v51  }
0x389: {  	v36 =	vmul.f32 v36, v36;
	v0 =	vadd.f32 v0, v42;
	v4 =	vadd.f32 v4, v18;
	v44 =	vld [tilespmem:s9+$0x6500]  }
0x38a: {  	v15 =	vmul.f32 v15, v15;
	s11 =	sor.u32 $0x450, s8;
	v21 =	vadd.f32 v21, v43;
	v11 =	vadd.f32 v11, v22;
	[tilespmem:s10+$0x440] =	vst.add.f32.msk $0xffff, v63  }
0x38b: {  	v46 =	vmul.f32 v57, v57;
	v0 =	vadd.f32 v24, v0;
	v4 =	vadd.f32 v29, v4;
	v53 =	vld [tilespmem:s11+$0x6500]  }
0x38c: {  	v47 =	vmul.f32 v60, v60;
	v21 =	vadd.f32 v27, v21;
	v11 =	vadd.f32 v31, v11  }
0x38d: {  	v43 =	vmul.f32 v56, v56;
	v0 =	vadd.f32 v32, v0;
	v4 =	vadd.f32 v16, v4  }
0x38e: {  	v50 =	vmul.f32 v50, v50;
	v14 =	vadd.f32 v14, v21;
	v11 =	vadd.f32 v33, v11  }
0x38f: {  	v0 =	vadd.f32 v36, v0;
	v4 =	vadd.f32 v15, v4;
	v51 =	vmul.f32 v51, v51  }
0x390: {  	s24 =	sor.u32 $0x460, s8;
	v14 =	vadd.f32 v43, v14;
	v11 =	vadd.f32 v46, v11;
	v55 =	vmul.f32 v44, v44;
	[tilespmem:s10+$0x450] =	vst.add.f32.msk $0xffff, v53  }
0x391: {  	v8 =	vmul.f32 v8, v8;
	v0 =	vadd.f32 v47, v0;
	v4 =	vadd.f32 v51, v4;
	v56 =	vld [tilespmem:s24+$0x6500]  }
0x392: {  	v7 =	vmul.f32 v7, v7;
	v14 =	vadd.f32 v50, v14;
	v11 =	vadd.f32 v55, v11  }
0x393: {  	v9 =	vmul.f32 v9, v9;
	v0 =	vadd.f32 v54, v0;
	v4 =	vadd.f32 v37, v4  }
0x394: {  	v2 =	vmul.f32 v2, v2;
	v14 =	vadd.f32 v35, v14;
	v11 =	vadd.f32 v38, v11  }
0x395: {  	v5 =	vmul.f32 v5, v5;
	[tilespmem:s23+$0x470] =	vst.add.f32.msk @p1 $0xffff, v34;
	v0 =	vadd.f32 v39, v0;
	v4 =	vadd.f32 v52, v4  }
0x396: {  	v1 =	vmul.f32 v1, v1;
	v14 =	vadd.f32 v40, v14;
	v11 =	vadd.f32 v58, v11;
	[tilespmem:s10+$0x460] =	vst.add.f32.msk $0xffff, v56  }
0x397: {  	v10 =	vmul.f32 v10, v10;
	s25 =	sor.u32 $0x470, s8;
	v0 =	vadd.f32 v17, v0;
	v4 =	vadd.f32 v13, v4;
	v13 =	vld [tilespmem:$0x1FE70]  }
0x398: {  	v3 =	vmul.f32 v3, v3;
	v12 =	vadd.f32 v12, v14;
	v11 =	vadd.f32 v23, v11;
	v59 =	vld [tilespmem:s25+$0x6500]  }
0x399: {  	s0 =	sshll.u32 s0, $0x9;
	v6 =	vmul.f32 v6, v6;
	v0 =	vadd.f32 v25, v0;
	v4 =	vadd.f32 v28, v4;
	[tilespmem:s26+$0x470] =	vst.add.f32.msk @p1 $0xffff, v48  }
0x39a: {  	s0 =	sshra.s32 s0, $0x2;
	v57 =	vmul.f32 v20, v20;
	v12 =	vadd.f32 v26, v12;
	v11 =	vadd.f32 v30, v11;
	[tilespmem:s1+$0x470] =	vst.add.f32.msk $0xffff, v44  }
0x39b: {  	v60 =	vmul.f32 v49, v49;
	v0 =	vadd.f32 v8, v0;
	v4 =	vadd.f32 v9, v4;
	[tilespmem:s0+$0x1A500] =	vst.add.f32.msk $0xffff, v19  }
0x39c: {  	v61 =	vmul.f32 v53, v53;
	v7 =	vadd.f32 v7, v12;
	v2 =	vadd.f32 v2, v11;
	[tilespmem:s2+$0x1A500] =	vst.add.f32.msk @p1 $0xffff, v13  }
0x39d: {  	s28 =	sshll.u32 s3, $0x9;
	v0 =	vadd.f32 v5, v0;
	v58 =	vmul.f32 v62, v62;
	v4 =	vadd.f32 v57, v4;
	[tilespmem:s17+$0x1A500] =	vst.add.f32.msk @p1 $0xffff, v13  }
.Ltmp12:
0x39e: {  	s29 =	sshra.s32 s28, $0x2;
	v5 =	vmul.f32 v63, v63;
	v1 =	vadd.f32 v1, v7;
	v2 =	vadd.f32 v10, v2;
	[tilespmem:s10+$0x470] =	vst.add.f32.msk $0xffff, v59;
	(pc) =	sbr.rel .LBB2_11-.Ltmp12, $4  }
0x39f: {  	v0 =	vadd.f32 v3, v0;
	v3 =	vmul.f32 v56, v56;
	v4 =	vadd.f32 v58, v4;
	[tilespmem:s29+$0x1A500] =	vst.add.f32.msk $0xffff, v19  }
0x3a0: {  	v1 =	vadd.f32 v6, v1;
	v63 =	vmul.f32 v59, v59;
	v62 =	vadd.f32 v60, v2;
	s30 =	rddreg [dreg:$0x10]  }
0x3a1: {  	v36 =	vlaneseq.u32;
	v0 =	vadd.f32 v5, v0;
	v3 =	vadd.f32 v3, v4;
	v34 =	vld [tilespmem:$0x1FFE0];
	s10 =	rddreg [dreg:$0x11]  }
0x3a2: {  	v37 =	vimm.s32 $0x0;
	v2 =	vadd.f32 v61, v1;
	v35 =	vld [tilespmem:$0x1FFF0];
	s11 =	rddreg [dreg:$0x13];
	v1 =	vadd.f32 v63, v62  }
.LBB2_10:
0x3a3: {  	v0 =	vimm.f32 $0.0e+00  }
0x3a4: {  	v2 =	vimm.f32 $0.0e+00;
	v3 =	vimm.f32 $0.0e+00;
	v1 =	vimm.f32 $0.0e+00  }
.LBB2_11:
0x3a5: {  	p1 =	seq.s32 s22, s21  }
.Ltmp13:
0x3a6: {  	_ = 	snop;
	(pc) =	sbr.rel @!p1 .LBB2_20-.Ltmp13, $1  }
0x3a7: {  	_ =	sdelay $0x3  }
.Ltmp14:
0x3a8: {  	(pc) =	sbr.rel .LBB2_22-.Ltmp14, $2  }
0x3a9: {  	_ =	sdelay $0x2  }
0x3aa: {  	v48 =	vimm.f32 $0.0e+00  }
.LBB2_20:
0x3ab: {  	p1 =	sgt.s32 s31, $0x0;
	s0 =	smov.u32 s31  }
0x3ac: {  	s0 =	simm.s32 @!p1 $0x0  }
0x3ad: {  	s2 =	smin.u32 s0, $0x80  }
0x3ae: {  	s1 =	sshrl.u32 s2, $0x2  }
0x3af: {  	v48 =	vimm.f32 $0.0e+00;
	s2 =	sand.u32 $0xFC, s2;
	s0 =	sshll.u32 s1, $0x9;
	s1 =	sshll.u32 s1, $0xA  }
.LBB2_21:
0x3b0: {  	s3 =	sadd.s32 s2, s12  }
0x3b1: {  	s4 =	sand.u32 $0x7E, s2;
	s3 =	sand.u32 $0xFFFFFF80, s3  }
0x3b2: {  	s3 =	sor.u32 s4, s3  }
0x3b3: {  	v4 =	vld [tilespmem:s3+$0x4400];
	_ =	sdelay $0x4  }
0x3b4: {  	(v2sf) =	vpush v4, $0x0;
	_ =	sdelay $0xb  }
0x3b5: {  	s26 =	sand.u32 $0x7FFFF800, s1;
	s28 =	sand.u32 $0x300, s0  }
0x3b6: {  	s3 =	sor.u32 s28, s26  }
0x3b7: {  	v5 =	vld [tilespmem:s3+$0x6500]  }
0x3b8: {  	s29 =	spop (v2sf)  }
0x3b9: {  	s7 =	sshll.u32 s29, $0x8;
	s8 =	sshll.u32 s29, $0x7  }
0x3ba: {  	s7 =	sand.u32 $0xFFFFF800, s7;
	s8 =	sand.u32 $0x380, s8  }
0x3bb: {  	s7 =	sor.u32 s8, s7  }
0x3bc: {  	[tilespmem:s7+$0x16500] =	vst.add.f32.msk $0xffff, v5  }
0x3bd: {  	v6 =	vld [tilespmem:s3+$0x6510];
	_ =	sdelay $0x2  }
0x3be: {  	s7 =	sadd.s32 $0x16500, s7  }
0x3bf: {  	s9 =	sor.u32 $0x10, s7  }
0x3c0: {  	[tilespmem:s9+$0x0] =	vst.add.f32.msk $0xffff, v6  }
0x3c1: {  	v7 =	vld [tilespmem:s3+$0x6520];
	_ =	sdelay $0x3  }
0x3c2: {  	s17 =	sor.u32 $0x20, s7  }
0x3c3: {  	[tilespmem:s17+$0x0] =	vst.add.f32.msk $0xffff, v7  }
0x3c4: {  	v8 =	vld [tilespmem:s3+$0x6530];
	_ =	sdelay $0x3  }
0x3c5: {  	s23 =	sor.u32 $0x30, s7  }
0x3c6: {  	[tilespmem:s23+$0x0] =	vst.add.f32.msk $0xffff, v8  }
0x3c7: {  	v9 =	vld [tilespmem:s3+$0x6540];
	_ =	sdelay $0x3  }
0x3c8: {  	s24 =	sor.u32 $0x40, s7  }
0x3c9: {  	[tilespmem:s24+$0x0] =	vst.add.f32.msk $0xffff, v9  }
0x3ca: {  	v10 =	vld [tilespmem:s3+$0x6550];
	_ =	sdelay $0x3  }
0x3cb: {  	s25 =	sor.u32 $0x50, s7  }
0x3cc: {  	[tilespmem:s25+$0x0] =	vst.add.f32.msk $0xffff, v10  }
0x3cd: {  	v11 =	vld [tilespmem:s3+$0x6560];
	_ =	sdelay $0x3  }
0x3ce: {  	s26 =	sor.u32 $0x60, s7  }
0x3cf: {  	[tilespmem:s26+$0x0] =	vst.add.f32.msk $0xffff, v11  }
0x3d0: {  	v12 =	vld [tilespmem:s3+$0x6570];
	_ =	sdelay $0x3  }
0x3d1: {  	s28 =	sor.u32 $0x70, s7  }
0x3d2: {  	[tilespmem:s28+$0x0] =	vst.add.f32.msk $0xffff, v12  }
0x3d3: {  	v13 =	vld [tilespmem:s3+$0x6900];
	_ =	sdelay $0x4  }
0x3d4: {  	[tilespmem:s7+$0x400] =	vst.add.f32.msk $0xffff, v13  }
0x3d5: {  	v14 =	vld [tilespmem:s3+$0x6910];
	_ =	sdelay $0x4  }
0x3d6: {  	[tilespmem:s7+$0x410] =	vst.add.f32.msk $0xffff, v14  }
0x3d7: {  	v15 =	vld [tilespmem:s3+$0x6920];
	_ =	sdelay $0x4  }
0x3d8: {  	[tilespmem:s7+$0x420] =	vst.add.f32.msk $0xffff, v15  }
0x3d9: {  	v16 =	vld [tilespmem:s3+$0x6930];
	_ =	sdelay $0x4  }
0x3da: {  	[tilespmem:s7+$0x430] =	vst.add.f32.msk $0xffff, v16  }
0x3db: {  	v17 =	vld [tilespmem:s3+$0x6940];
	_ =	sdelay $0x4  }
0x3dc: {  	[tilespmem:s7+$0x440] =	vst.add.f32.msk $0xffff, v17  }
0x3dd: {  	v18 =	vld [tilespmem:s3+$0x6950];
	_ =	sdelay $0x4  }
0x3de: {  	(v2sf) =	vpush v4, $0x1;
	[tilespmem:s7+$0x450] =	vst.add.f32.msk $0xffff, v18  }
0x3df: {  	v4 =	vld [tilespmem:s3+$0x6960];
	_ =	sdelay $0x4  }
0x3e0: {  	[tilespmem:s7+$0x460] =	vst.add.f32.msk $0xffff, v4  }
0x3e1: {  	v19 =	vld [tilespmem:s3+$0x6970];
	_ =	sdelay $0x3  }
0x3e2: {  	s4 =	sshll.u32 s29, $0x9  }
0x3e3: {  	v20 =	vsel vm1, $0x3F800000, v48;
	s4 =	sshra.s32 s4, $0x2;
	[tilespmem:s7+$0x470] =	vst.add.f32.msk $0xffff, v19  }
0x3e4: {  	[tilespmem:s4+$0x1A500] =	vst.add.f32.msk $0xffff, v20  }
0x3e5: {  	v21 =	vld [tilespmem:s3+$0x6580]  }
0x3e6: {  	s29 =	spop (v2sf)  }
0x3e7: {  	s9 =	sshll.u32 s29, $0x7;
	s7 =	sshll.u32 s29, $0x8  }
0x3e8: {  	s4 =	sand.u32 $0xFFFFF800, s7;
	s7 =	sand.u32 $0x380, s9  }
0x3e9: {  	s4 =	sor.u32 s7, s4  }
0x3ea: {  	[tilespmem:s4+$0x16500] =	vst.add.f32.msk $0xffff, v21  }
0x3eb: {  	v22 =	vld [tilespmem:s3+$0x6590];
	_ =	sdelay $0x2  }
0x3ec: {  	s9 =	sadd.s32 $0x16500, s4  }
0x3ed: {  	s4 =	sor.u32 $0x10, s9  }
0x3ee: {  	[tilespmem:s4+$0x0] =	vst.add.f32.msk $0xffff, v22  }
0x3ef: {  	v23 =	vld [tilespmem:s3+$0x65A0];
	_ =	sdelay $0x3  }
0x3f0: {  	s17 =	sor.u32 $0x20, s9  }
0x3f1: {  	[tilespmem:s17+$0x0] =	vst.add.f32.msk $0xffff, v23  }
0x3f2: {  	v24 =	vld [tilespmem:s3+$0x65B0];
	_ =	sdelay $0x3  }
0x3f3: {  	s23 =	sor.u32 $0x30, s9  }
0x3f4: {  	[tilespmem:s23+$0x0] =	vst.add.f32.msk $0xffff, v24  }
0x3f5: {  	v25 =	vld [tilespmem:s3+$0x65C0];
	_ =	sdelay $0x3  }
0x3f6: {  	s24 =	sor.u32 $0x40, s9  }
0x3f7: {  	[tilespmem:s24+$0x0] =	vst.add.f32.msk $0xffff, v25  }
0x3f8: {  	v26 =	vld [tilespmem:s3+$0x65D0];
	_ =	sdelay $0x3  }
0x3f9: {  	s25 =	sor.u32 $0x50, s9  }
0x3fa: {  	[tilespmem:s25+$0x0] =	vst.add.f32.msk $0xffff, v26  }
0x3fb: {  	v27 =	vld [tilespmem:s3+$0x65E0];
	_ =	sdelay $0x3  }
0x3fc: {  	s26 =	sor.u32 $0x60, s9  }
0x3fd: {  	[tilespmem:s26+$0x0] =	vst.add.f32.msk $0xffff, v27  }
0x3fe: {  	v28 =	vld [tilespmem:s3+$0x65F0];
	_ =	sdelay $0x3  }
0x3ff: {  	s28 =	sor.u32 $0x70, s9  }
0x400: {  	[tilespmem:s28+$0x0] =	vst.add.f32.msk $0xffff, v28  }
0x401: {  	v29 =	vld [tilespmem:s3+$0x6980];
	_ =	sdelay $0x4  }
0x402: {  	[tilespmem:s9+$0x400] =	vst.add.f32.msk $0xffff, v29  }
0x403: {  	v30 =	vld [tilespmem:s3+$0x6990];
	_ =	sdelay $0x4  }
0x404: {  	[tilespmem:s9+$0x410] =	vst.add.f32.msk $0xffff, v30  }
0x405: {  	v31 =	vld [tilespmem:s3+$0x69A0];
	_ =	sdelay $0x4  }
0x406: {  	[tilespmem:s9+$0x420] =	vst.add.f32.msk $0xffff, v31  }
0x407: {  	v32 =	vld [tilespmem:s3+$0x69B0];
	_ =	sdelay $0x4  }
0x408: {  	[tilespmem:s9+$0x430] =	vst.add.f32.msk $0xffff, v32  }
0x409: {  	v33 =	vld [tilespmem:s3+$0x69C0];
	_ =	sdelay $0x2  }
0x40a: {  	v5 =	vmul.f32 v5, v5;
	v6 =	vmul.f32 v6, v6  }
0x40b: {  	v7 =	vmul.f32 v7, v7  }
0x40c: {  	v0 =	vadd.f32 v5, v0;
	v2 =	vadd.f32 v6, v2;
	v5 =	vmul.f32 v8, v8;
	[tilespmem:s9+$0x440] =	vst.add.f32.msk $0xffff, v33  }
0x40d: {  	v3 =	vadd.f32 v7, v3;
	v47 =	vmul.f32 v9, v9;
	v49 =	vmul.f32 v10, v10;
	v50 =	vld [tilespmem:s3+$0x69D0]  }
0x40e: {  	v1 =	vadd.f32 v5, v1;
	v5 =	vmul.f32 v11, v11;
	v51 =	vmul.f32 v12, v12  }
0x40f: {  	v0 =	vadd.f32 v47, v0;
	v2 =	vadd.f32 v49, v2;
	v52 =	vmul.f32 v13, v13  }
0x410: {  	v3 =	vadd.f32 v5, v3;
	v1 =	vadd.f32 v51, v1;
	v5 =	vmul.f32 v14, v14  }
0x411: {  	v0 =	vadd.f32 v52, v0;
	v53 =	vmul.f32 v15, v15;
	v54 =	vmul.f32 v16, v16  }
0x412: {  	v2 =	vadd.f32 v5, v2;
	v5 =	vmul.f32 v17, v17;
	v55 =	vmul.f32 v18, v18;
	[tilespmem:s9+$0x450] =	vst.add.f32.msk $0xffff, v50  }
0x413: {  	v3 =	vadd.f32 v53, v3;
	v1 =	vadd.f32 v54, v1;
	v4 =	vmul.f32 v4, v4;
	v56 =	vld [tilespmem:s3+$0x69E0]  }
0x414: {  	v0 =	vadd.f32 v5, v0;
	v2 =	vadd.f32 v55, v2;
	v5 =	vmul.f32 v19, v19  }
0x415: {  	v3 =	vadd.f32 v4, v3;
	v4 =	vmul.f32 v21, v21;
	v57 =	vmul.f32 v22, v22  }
0x416: {  	v1 =	vadd.f32 v5, v1;
	v5 =	vmul.f32 v23, v23;
	v58 =	vmul.f32 v24, v24  }
0x417: {  	v0 =	vadd.f32 v4, v0;
	v2 =	vadd.f32 v57, v2;
	v4 =	vmul.f32 v25, v25  }
0x418: {  	v3 =	vadd.f32 v5, v3;
	v1 =	vadd.f32 v58, v1;
	v5 =	vmul.f32 v26, v26;
	[tilespmem:s9+$0x460] =	vst.add.f32.msk $0xffff, v56  }
0x419: {  	v0 =	vadd.f32 v4, v0;
	v4 =	vmul.f32 v27, v27;
	v59 =	vmul.f32 v28, v28;
	v60 =	vld [tilespmem:s3+$0x69F0]  }
0x41a: {  	s22 =	sadd.s32 $0x1, s22;
	v2 =	vadd.f32 v5, v2;
	v5 =	vmul.f32 v29, v29;
	v61 =	vmul.f32 v30, v30  }
0x41b: {  	p1 =	slt.u32 s22, s21;
	v3 =	vadd.f32 v4, v3;
	v1 =	vadd.f32 v59, v1;
	v4 =	vmul.f32 v31, v31  }
.Ltmp15:
0x41c: {  	v0 =	vadd.f32 v5, v0;
	v2 =	vadd.f32 v61, v2;
	v5 =	vmul.f32 v32, v32;
	(pc) =	sbr.rel @p1 .LBB2_21-.Ltmp15, $4  }
0x41d: {  	v3 =	vadd.f32 v4, v3;
	v4 =	vmul.f32 v33, v33;
	v62 =	vmul.f32 v50, v50  }
0x41e: {  	s29 =	sshll.u32 s29, $0x9;
	v1 =	vadd.f32 v5, v1;
	v5 =	vmul.f32 v56, v56;
	v63 =	vmul.f32 v60, v60  }
0x41f: {  	v0 =	vadd.f32 v4, v0;
	v2 =	vadd.f32 v62, v2;
	s3 =	sshra.s32 s29, $0x2;
	[tilespmem:s9+$0x470] =	vst.add.f32.msk $0xffff, v60  }
0x420: {  	s0 =	sadd.s32 $0x100, s0;
	s1 =	sadd.s32 $0x200, s1;
	s2 =	sadd.s32 $0x2, s2;
	v3 =	vadd.f32 v5, v3;
	[tilespmem:s3+$0x1A500] =	vst.add.f32.msk $0xffff, v20;
	v1 =	vadd.f32 v63, v1  }
.LBB2_22:
0x421: {  	s0 =	sand.u32 $0x1, s20  }
0x422: {  	p1 =	seq.s32 s0, $0x0  }
.Ltmp16:
0x423: {  	_ = 	snop;
	(pc) =	sbr.rel @p1 .LBB2_24-.Ltmp16, $4  }
0x424: {  	[tilespmem:s15+$0x0] =	vst.add.f32.msk $0xffff, v0  }
0x425: {  	[tilespmem:s16+$0x0] =	vst.add.f32.msk $0xffff, v2  }
0x426: {  	[tilespmem:s18+$0x0] =	vst.add.f32.msk $0xffff, v3  }
0x427: {  	[tilespmem:s19+$0x0] =	vst.add.f32.msk $0xffff, v1  }
0x428: {  	s0 =	sadd.s32 s11, s20  }
0x429: {  	v0 =	vld [tilespmem:s0+$0x43FF];
	_ =	sdelay $0x4  }
0x42a: {  	(v2sf) =	vpush v0, $0x0;
	_ =	sdelay $0x9  }
0x42b: {  	s20 =	sadd.s32 $0xFFFFFFFF, s20  }
0x42c: {  	s1 =	sshll.u32 s20, $0x8;
	s0 =	sshll.u32 s20, $0x7  }
0x42d: {  	s1 =	sand.u32 $0xF800, s1;
	s0 =	sand.u32 $0x300, s0  }
0x42e: {  	s1 =	sor.u32 s0, s1  }
0x42f: {  	v50 =	vld [tilespmem:s1+$0x6500]  }
0x430: {  	s21 =	spop (v2sf)  }
0x431: {  	s2 =	sshll.u32 s21, $0x8;
	s3 =	sshll.u32 s21, $0x7  }
0x432: {  	s2 =	sand.u32 $0xFFFFF800, s2;
	s3 =	sand.u32 $0x380, s3  }
0x433: {  	s2 =	sor.u32 s3, s2  }
0x434: {  	[tilespmem:s2+$0x16500] =	vst.add.f32.msk $0xffff, v50  }
0x435: {  	v1 =	vld [tilespmem:s1+$0x6510];
	_ =	sdelay $0x2  }
0x436: {  	s2 =	sadd.s32 $0x16500, s2  }
0x437: {  	s22 =	sor.u32 $0x10, s2  }
0x438: {  	[tilespmem:s22+$0x0] =	vst.add.f32.msk $0xffff, v1  }
0x439: {  	v2 =	vld [tilespmem:s1+$0x6520];
	_ =	sdelay $0x3  }
0x43a: {  	s23 =	sor.u32 $0x20, s2  }
0x43b: {  	[tilespmem:s23+$0x0] =	vst.add.f32.msk $0xffff, v2  }
0x43c: {  	v3 =	vld [tilespmem:s1+$0x6530];
	_ =	sdelay $0x3  }
0x43d: {  	s24 =	sor.u32 $0x30, s2  }
0x43e: {  	[tilespmem:s24+$0x0] =	vst.add.f32.msk $0xffff, v3  }
0x43f: {  	v4 =	vld [tilespmem:s1+$0x6540];
	_ =	sdelay $0x3  }
0x440: {  	s25 =	sor.u32 $0x40, s2  }
0x441: {  	[tilespmem:s25+$0x0] =	vst.add.f32.msk $0xffff, v4  }
0x442: {  	v5 =	vld [tilespmem:s1+$0x6550];
	_ =	sdelay $0x3  }
0x443: {  	s26 =	sor.u32 $0x50, s2  }
0x444: {  	[tilespmem:s26+$0x0] =	vst.add.f32.msk $0xffff, v5  }
0x445: {  	v6 =	vld [tilespmem:s1+$0x6560];
	_ =	sdelay $0x3  }
0x446: {  	s28 =	sor.u32 $0x60, s2  }
0x447: {  	[tilespmem:s28+$0x0] =	vst.add.f32.msk $0xffff, v6  }
0x448: {  	v7 =	vld [tilespmem:s1+$0x6570];
	_ =	sdelay $0x3  }
0x449: {  	s29 =	sor.u32 $0x70, s2  }
0x44a: {  	[tilespmem:s29+$0x0] =	vst.add.f32.msk $0xffff, v7  }
0x44b: {  	v8 =	vld [tilespmem:s1+$0x6900];
	_ =	sdelay $0x4  }
0x44c: {  	[tilespmem:s2+$0x400] =	vst.add.f32.msk $0xffff, v8  }
0x44d: {  	v9 =	vld [tilespmem:s1+$0x6910];
	_ =	sdelay $0x4  }
0x44e: {  	[tilespmem:s2+$0x410] =	vst.add.f32.msk $0xffff, v9  }
0x44f: {  	v10 =	vld [tilespmem:s1+$0x6920];
	_ =	sdelay $0x4  }
0x450: {  	[tilespmem:s2+$0x420] =	vst.add.f32.msk $0xffff, v10  }
0x451: {  	v11 =	vld [tilespmem:s1+$0x6930];
	_ =	sdelay $0x4  }
0x452: {  	[tilespmem:s2+$0x430] =	vst.add.f32.msk $0xffff, v11  }
0x453: {  	v12 =	vld [tilespmem:s1+$0x6940];
	_ =	sdelay $0x4  }
0x454: {  	[tilespmem:s2+$0x440] =	vst.add.f32.msk $0xffff, v12  }
0x455: {  	v13 =	vld [tilespmem:s1+$0x6950];
	_ =	sdelay $0x4  }
0x456: {  	[tilespmem:s2+$0x450] =	vst.add.f32.msk $0xffff, v13  }
0x457: {  	v14 =	vld [tilespmem:s1+$0x6960];
	_ =	sdelay $0x2  }
0x458: {  	v0 =	vmul.f32 v50, v50;
	v1 =	vmul.f32 v1, v1  }
0x459: {  	v2 =	vmul.f32 v2, v2;
	v3 =	vmul.f32 v3, v3  }
0x45a: {  	v4 =	vmul.f32 v4, v4;
	v5 =	vmul.f32 v5, v5;
	[tilespmem:s2+$0x460] =	vst.add.f32.msk $0xffff, v14  }
0x45b: {  	v61 =	vsel vm1, $0x3F800000, v48;
	v51 =	vmul.f32 v6, v6;
	v52 =	vmul.f32 v7, v7;
	v53 =	vld [tilespmem:s1+$0x6970]  }
0x45c: {  	v0 =	vadd.f32 v4, v0;
	v1 =	vadd.f32 v5, v1;
	v54 =	vmul.f32 v8, v8  }
0x45d: {  	v2 =	vadd.f32 v51, v2;
	v3 =	vadd.f32 v52, v3;
	v55 =	vmul.f32 v9, v9  }
0x45e: {  	v0 =	vadd.f32 v54, v0;
	v56 =	vmul.f32 v10, v10;
	v57 =	vmul.f32 v12, v12  }
0x45f: {  	s0 =	sshll.u32 s21, $0x9;
	v1 =	vadd.f32 v55, v1;
	v58 =	vmul.f32 v11, v11;
	v59 =	vmul.f32 v13, v13  }
0x460: {  	s0 =	sshra.s32 s0, $0x2;
	v2 =	vadd.f32 v56, v2;
	v0 =	vadd.f32 v57, v0;
	v60 =	vmul.f32 v14, v14;
	[tilespmem:s2+$0x470] =	vst.add.f32.msk $0xffff, v53  }
0x461: {  	v3 =	vadd.f32 v58, v3;
	v1 =	vadd.f32 v59, v1;
	v62 =	vmul.f32 v53, v53;
	[tilespmem:s0+$0x1A500] =	vst.add.f32.msk $0xffff, v61  }
0x462: {  	v2 =	vadd.f32 v60, v2;
	[tilespmem:s15+$0x0] =	vst.add.f32.msk $0xffff, v0  }
0x463: {  	v63 =	vadd.f32 v62, v3;
	[tilespmem:s16+$0x0] =	vst.add.f32.msk $0xffff, v1  }
0x464: {  	[tilespmem:s18+$0x0] =	vst.add.f32.msk $0xffff, v2  }
0x465: {  	[tilespmem:s19+$0x0] =	vst.add.f32.msk $0xffff, v63  }
.LBB2_24:
.Ltmp17:
0x466: {  	(pc) =	sbr.rel @p0 .LBB2_42-.Ltmp17, $1  }
0x467: {  	_ =	sdelay $0x3  }
0x468: {  	s1 =	simm.s32 $0x2  }
0x469: {  	s0 =	sshll.u32 s6, $0x1;
	_ =	swait.ge [sflag:s1], $0x8000  }
0x46a: {  	s0 =	sadd.s32 $0x2, s0;
	s2 =	rddreg [dreg:$0xd]  }
0x46b: {  	p0 =	sge.u32 s0, s2  }
.Ltmp18:
0x46c: {  	_ = 	snop;
	(pc) =	sbr.rel @p0 .LBB2_27-.Ltmp18, $3  }
0x46d: {  	_ =	sdelay $0x1  }
0x46e: {  	[sflag:s1] =	ssyncset.done $0x0  }
0x46f: {  	[sflag:s1] =	ssyncadd.s32 $0xFFFF8000  }
0x470: {  	s0 =	sshll.u32 s0, $0x9  }
0x471: {  	s0 =	sshra.s32 s0, $0x2  }
0x472: {  	v0 =	vld [tilespmem:s0+$0x2000];
	_ =	sdelay $0x2  }
0x473: {  	v2 =	vld [tilespmem:$0x1FFB0]  }
0x474: {  	v3 =	vld [tilespmem:$0x1FFC0]  }
0x475: {  	v4 =	vld [tilespmem:$0x1FFD0];
	v1 =	vshll.u32 v0, $0x1  }
0x476: {  	v0 =	vand.u32 $0x7, v0;
	v1 =	vand.u32 $0xFFFFFFF0, v1  }
0x477: {  	v0 =	vor.u32 v0, v1  }
0x478: {  	v1 =	vperm.xlane v0, v2;
	_ =	sdelay $0x1  }
0x479: {  	v0 =	vperm.xlane v0, v4;
	v1 =	vadd.s32 v3, v1;
	_ =	sdelay $0x1  }
0x47a: {  	v0 =	vadd.s32 v3, v0;
	_ =	sdelay $0x1  }
0x47b: {  	s1 =	rddreg [dreg:$0x1];
	s2 =	simm.s32 $0x0;
	s3 =	simm.s32 $0x6500  }
0x47c: {  	[tilespmem:s3], [sflag:$0x1] =	stream.indirect_vreg.gather [hbm4b:s1+s2], $0x80, v1, vm0, $0xb8;
	[tilespmem:$0x1C700] =	vst v63  }
0x47d: {  	s4 =	simm.s32 $0x6D00  }
0x47e: {  	[tilespmem:s4], [sflag:$0x1] =	stream.indirect_vreg.gather [hbm4b:s1+s2], $0x80, v0, vm0, $0xb8;
	[tilespmem:$0x1C700] =	vst v63  }
0x47f: {  	v0 =	vld [tilespmem:s0+$0x2010];
	_ =	sdelay $0x4  }
0x480: {  	v57 =	vshll.u32 v0, $0x1  }
0x481: {  	v0 =	vand.u32 $0x7, v0;
	v1 =	vand.u32 $0xFFFFFFF0, v57  }
0x482: {  	v0 =	vor.u32 v0, v1  }
0x483: {  	v1 =	vperm.xlane v0, v2;
	_ =	sdelay $0x1  }
0x484: {  	v0 =	vperm.xlane v0, v4;
	v1 =	vadd.s32 v3, v1;
	_ =	sdelay $0x1  }
0x485: {  	v0 =	vadd.s32 v3, v0;
	_ =	sdelay $0x1  }
0x486: {  	s7 =	simm.s32 $0x7500  }
0x487: {  	[tilespmem:s7], [sflag:$0x1] =	stream.indirect_vreg.gather [hbm4b:s1+s2], $0x80, v1, vm0, $0xb8;
	[tilespmem:$0x1C700] =	vst v63  }
0x488: {  	s8 =	simm.s32 $0x7D00  }
0x489: {  	[tilespmem:s8], [sflag:$0x1] =	stream.indirect_vreg.gather [hbm4b:s1+s2], $0x80, v0, vm0, $0xb8;
	[tilespmem:$0x1C700] =	vst v63  }
0x48a: {  	v0 =	vld [tilespmem:s0+$0x2020];
	_ =	sdelay $0x4  }
0x48b: {  	v58 =	vshll.u32 v0, $0x1  }
0x48c: {  	v0 =	vand.u32 $0x7, v0;
	v1 =	vand.u32 $0xFFFFFFF0, v58  }
0x48d: {  	v0 =	vor.u32 v0, v1  }
0x48e: {  	v1 =	vperm.xlane v0, v2;
	_ =	sdelay $0x1  }
0x48f: {  	v0 =	vperm.xlane v0, v4;
	v1 =	vadd.s32 v3, v1;
	_ =	sdelay $0x1  }
0x490: {  	v0 =	vadd.s32 v3, v0;
	_ =	sdelay $0x1  }
0x491: {  	s9 =	simm.s32 $0x8500  }
0x492: {  	[tilespmem:s9], [sflag:$0x1] =	stream.indirect_vreg.gather [hbm4b:s1+s2], $0x80, v1, vm0, $0xb8;
	[tilespmem:$0x1C700] =	vst v63  }
0x493: {  	s11 =	simm.s32 $0x8D00  }
0x494: {  	[tilespmem:s11], [sflag:$0x1] =	stream.indirect_vreg.gather [hbm4b:s1+s2], $0x80, v0, vm0, $0xb8;
	[tilespmem:$0x1C700] =	vst v63  }
0x495: {  	v0 =	vld [tilespmem:s0+$0x2030];
	_ =	sdelay $0x4  }
0x496: {  	v59 =	vshll.u32 v0, $0x1  }
0x497: {  	v0 =	vand.u32 $0x7, v0;
	v1 =	vand.u32 $0xFFFFFFF0, v59  }
0x498: {  	v0 =	vor.u32 v0, v1  }
0x499: {  	v1 =	vperm.xlane v0, v2;
	_ =	sdelay $0x1  }
0x49a: {  	v0 =	vperm.xlane v0, v4;
	v1 =	vadd.s32 v3, v1;
	_ =	sdelay $0x1  }
0x49b: {  	v0 =	vadd.s32 v3, v0;
	_ =	sdelay $0x1  }
0x49c: {  	s17 =	simm.s32 $0x9500  }
0x49d: {  	[tilespmem:s17], [sflag:$0x1] =	stream.indirect_vreg.gather [hbm4b:s1+s2], $0x80, v1, vm0, $0xb8;
	[tilespmem:$0x1C700] =	vst v63  }
0x49e: {  	s20 =	simm.s32 $0x9D00  }
0x49f: {  	[tilespmem:s20], [sflag:$0x1] =	stream.indirect_vreg.gather [hbm4b:s1+s2], $0x80, v0, vm0, $0xb8;
	[tilespmem:$0x1C700] =	vst v63  }
0x4a0: {  	v0 =	vld [tilespmem:s0+$0x2040];
	_ =	sdelay $0x4  }
0x4a1: {  	v60 =	vshll.u32 v0, $0x1  }
0x4a2: {  	v0 =	vand.u32 $0x7, v0;
	v1 =	vand.u32 $0xFFFFFFF0, v60  }
0x4a3: {  	v0 =	vor.u32 v0, v1  }
0x4a4: {  	v1 =	vperm.xlane v0, v2;
	_ =	sdelay $0x1  }
0x4a5: {  	v0 =	vperm.xlane v0, v4;
	v1 =	vadd.s32 v3, v1;
	_ =	sdelay $0x1  }
0x4a6: {  	v0 =	vadd.s32 v3, v0;
	_ =	sdelay $0x1  }
0x4a7: {  	s21 =	simm.s32 $0xA500  }
0x4a8: {  	[tilespmem:s21], [sflag:$0x1] =	stream.indirect_vreg.gather [hbm4b:s1+s2], $0x80, v1, vm0, $0xb8;
	[tilespmem:$0x1C700] =	vst v63  }
0x4a9: {  	s22 =	simm.s32 $0xAD00  }
0x4aa: {  	[tilespmem:s22], [sflag:$0x1] =	stream.indirect_vreg.gather [hbm4b:s1+s2], $0x80, v0, vm0, $0xb8;
	[tilespmem:$0x1C700] =	vst v63  }
0x4ab: {  	v0 =	vld [tilespmem:s0+$0x2050];
	_ =	sdelay $0x4  }
0x4ac: {  	v61 =	vshll.u32 v0, $0x1  }
0x4ad: {  	v0 =	vand.u32 $0x7, v0;
	v1 =	vand.u32 $0xFFFFFFF0, v61  }
0x4ae: {  	v0 =	vor.u32 v0, v1  }
0x4af: {  	v1 =	vperm.xlane v0, v2;
	_ =	sdelay $0x1  }
0x4b0: {  	v0 =	vperm.xlane v0, v4;
	v1 =	vadd.s32 v3, v1;
	_ =	sdelay $0x1  }
0x4b1: {  	v0 =	vadd.s32 v3, v0;
	_ =	sdelay $0x1  }
0x4b2: {  	s23 =	simm.s32 $0xB500  }
0x4b3: {  	[tilespmem:s23], [sflag:$0x1] =	stream.indirect_vreg.gather [hbm4b:s1+s2], $0x80, v1, vm0, $0xb8;
	[tilespmem:$0x1C700] =	vst v63  }
0x4b4: {  	s24 =	simm.s32 $0xBD00  }
0x4b5: {  	[tilespmem:s24], [sflag:$0x1] =	stream.indirect_vreg.gather [hbm4b:s1+s2], $0x80, v0, vm0, $0xb8;
	[tilespmem:$0x1C700] =	vst v63  }
0x4b6: {  	v0 =	vld [tilespmem:s0+$0x2060];
	_ =	sdelay $0x4  }
0x4b7: {  	v62 =	vshll.u32 v0, $0x1  }
0x4b8: {  	v0 =	vand.u32 $0x7, v0;
	v1 =	vand.u32 $0xFFFFFFF0, v62  }
0x4b9: {  	v0 =	vor.u32 v0, v1  }
0x4ba: {  	v1 =	vperm.xlane v0, v2;
	_ =	sdelay $0x1  }
0x4bb: {  	v0 =	vperm.xlane v0, v4;
	v1 =	vadd.s32 v3, v1;
	_ =	sdelay $0x1  }
0x4bc: {  	v0 =	vadd.s32 v3, v0;
	_ =	sdelay $0x1  }
0x4bd: {  	s25 =	simm.s32 $0xC500  }
0x4be: {  	[tilespmem:s25], [sflag:$0x1] =	stream.indirect_vreg.gather [hbm4b:s1+s2], $0x80, v1, vm0, $0xb8;
	[tilespmem:$0x1C700] =	vst v63  }
0x4bf: {  	s26 =	simm.s32 $0xCD00  }
0x4c0: {  	[tilespmem:s26], [sflag:$0x1] =	stream.indirect_vreg.gather [hbm4b:s1+s2], $0x80, v0, vm0, $0xb8;
	[tilespmem:$0x1C700] =	vst v63  }
0x4c1: {  	v0 =	vld [tilespmem:s0+$0x2070];
	_ =	sdelay $0x4  }
0x4c2: {  	v63 =	vshll.u32 v0, $0x1  }
0x4c3: {  	v0 =	vand.u32 $0x7, v0;
	v1 =	vand.u32 $0xFFFFFFF0, v63  }
0x4c4: {  	v0 =	vor.u32 v0, v1  }
0x4c5: {  	v1 =	vperm.xlane v0, v2;
	_ =	sdelay $0x1  }
0x4c6: {  	v0 =	vperm.xlane v0, v4;
	v1 =	vadd.s32 v3, v1;
	_ =	sdelay $0x1  }
0x4c7: {  	v0 =	vadd.s32 v3, v0;
	_ =	sdelay $0x1  }
0x4c8: {  	s28 =	simm.s32 $0xD500  }
0x4c9: {  	[tilespmem:s28], [sflag:$0x1] =	stream.indirect_vreg.gather [hbm4b:s1+s2], $0x80, v1, vm0, $0xb8;
	[tilespmem:$0x1C700] =	vst v63  }
0x4ca: {  	s29 =	simm.s32 $0xDD00  }
0x4cb: {  	[tilespmem:s29], [sflag:$0x1] =	stream.indirect_vreg.gather [hbm4b:s1+s2], $0x80, v0, vm0, $0xb8;
	[tilespmem:$0x1C700] =	vst v63  }
.LBB2_27:
0x4cc: {  	s11 =	sshll.u32 s10, $0x7;
	s0 =	rddreg [dreg:$0xc]  }
0x4cd: {  	s0 =	ssub.s32 s0, s11  }
0x4ce: {  	p0 =	sgt.s32 s0, $0x0  }
0x4cf: {  	s0 =	simm.s32 @!p0 $0x0  }
0x4d0: {  	s8 =	smin.u32 s0, $0x80  }
0x4d1: {  	s20 =	sshrl.u32 s8, $0x1  }
0x4d2: {  	s21 =	sand.u32 $0x7E, s20  }
0x4d3: {  	p0 =	seq.s32 s21, $0x0  }
.Ltmp19:
0x4d4: {  	_ = 	snop;
	(pc) =	sbr.rel @p0 .LBB2_28-.Ltmp19, $1  }
0x4d5: {  	_ =	sdelay $0x3  }
0x4d6: {  	s1 =	sshll.u32 s5, $0x2  }
0x4d7: {  	s1 =	sshra.s32 s1, $0x2  }
0x4d8: {  	s1 =	sand.u32 $0xFFFFFF80, s1  }
0x4d9: {  	[dreg:$0x12] =	wrdreg s11;
	s2 =	sadd.s32 $0x4402, s1  }
0x4da: {  	s1 =	sadd.s32 $0x4400, s1;
	v56 =	vld [tilespmem:s2+$0x0]  }
0x4db: {  	v20 =	vld [tilespmem:s1+$0x0];
	_ =	sdelay $0x3  }
0x4dc: {  	(v2sf) =	vpush v56, $0x0  }
0x4dd: {  	(v2sf) =	vpush v20, $0x0;
	_ =	sdelay $0x9  }
0x4de: {  	s0 =	simm.s32 $0x0  }
0x4df: {  	s3 =	sand.u32 $0x7FFFF800, s0  }
0x4e0: {  	s4 =	sand.u32 $0x200, s0;
	s1 =	sadd.s32 $0xE500, s3  }
0x4e1: {  	s9 =	sor.u32 s4, s1  }
0x4e2: {  	v42 =	vld [tilespmem:s9+$0x0];
	s11 =	spop (v2sf)  }
0x4e3: {  	s24 =	spop (v2sf)  }
0x4e4: {  	s7 =	sshll.u32 s24, $0x8;
	s3 =	sshll.u32 s24, $0x7  }
0x4e5: {  	s2 =	sand.u32 $0xFFFFF800, s7;
	s3 =	sand.u32 $0x380, s3  }
0x4e6: {  	s2 =	sor.u32 s3, s2  }
0x4e7: {  	[tilespmem:s2+$0x16500] =	vst.add.f32.msk $0xffff, v42  }
0x4e8: {  	v43 =	vld [tilespmem:s9+$0x10];
	_ =	sdelay $0x2  }
0x4e9: {  	s26 =	sadd.s32 $0x16500, s2  }
0x4ea: {  	s2 =	sor.u32 $0x10, s26  }
0x4eb: {  	[tilespmem:s2+$0x0] =	vst.add.f32.msk $0xffff, v43  }
0x4ec: {  	v45 =	vld [tilespmem:s9+$0x20]  }
0x4ed: {  	s10 =	simm.s32 $0x100  }
0x4ee: {  	s2 =	sand.u32 $0x300, s10  }
0x4ef: {  	s1 =	sadd.s32 s2, s1  }
0x4f0: {  	s17 =	sor.u32 $0x20, s26;
	v35 =	vld [tilespmem:s1+$0x0]  }
0x4f1: {  	[tilespmem:s17+$0x0] =	vst.add.f32.msk $0xffff, v45  }
0x4f2: {  	s22 =	sshll.u32 s11, $0x8;
	s23 =	sshll.u32 s11, $0x7;
	v32 =	vld [tilespmem:s9+$0x30]  }
0x4f3: {  	s3 =	sand.u32 $0x380, s23;
	s2 =	sand.u32 $0xFFFFF800, s22  }
0x4f4: {  	s2 =	sor.u32 s3, s2  }
0x4f5: {  	[tilespmem:s2+$0x16500] =	vst.add.f32.msk $0xffff, v35  }
0x4f6: {  	s25 =	sor.u32 $0x30, s26;
	v31 =	vld [tilespmem:s1+$0x10]  }
0x4f7: {  	[tilespmem:s25+$0x0] =	vst.add.f32.msk $0xffff, v32  }
0x4f8: {  	v46 =	vld [tilespmem:s9+$0x40]  }
0x4f9: {  	s23 =	sadd.s32 $0x16500, s2  }
0x4fa: {  	s2 =	sor.u32 $0x10, s23  }
0x4fb: {  	[tilespmem:s2+$0x0] =	vst.add.f32.msk $0xffff, v31  }
0x4fc: {  	s3 =	sor.u32 $0x40, s26;
	v37 =	vld [tilespmem:s1+$0x20]  }
0x4fd: {  	[tilespmem:s3+$0x0] =	vst.add.f32.msk $0xffff, v46  }
0x4fe: {  	v47 =	vld [tilespmem:s9+$0x50];
	_ =	sdelay $0x1  }
0x4ff: {  	s4 =	sor.u32 $0x20, s23  }
0x500: {  	[tilespmem:s4+$0x0] =	vst.add.f32.msk $0xffff, v37  }
0x501: {  	s7 =	sor.u32 $0x50, s26;
	v38 =	vld [tilespmem:s1+$0x30]  }
0x502: {  	[tilespmem:s7+$0x0] =	vst.add.f32.msk $0xffff, v47  }
0x503: {  	v2 =	vld [tilespmem:s9+$0x60];
	_ =	sdelay $0x1  }
0x504: {  	s10 =	sor.u32 $0x30, s23  }
0x505: {  	[tilespmem:s10+$0x0] =	vst.add.f32.msk $0xffff, v38  }
0x506: {  	s17 =	sor.u32 $0x60, s26;
	v39 =	vld [tilespmem:s1+$0x40]  }
0x507: {  	[tilespmem:s17+$0x0] =	vst.add.f32.msk $0xffff, v2  }
0x508: {  	v16 =	vld [tilespmem:s9+$0x70]  }
0x509: {  	p0 =	por $0x0, $0x0;
	s2 =	simm.s32 $0x1  }
0x50a: {  	s22 =	sor.u32 $0x40, s23;
	s2 =	simm.s32 @!p0 $0x0  }
0x50b: {  	s2 =	sshll.u32 s2, $0x9;
	[tilespmem:s22+$0x0] =	vst.add.f32.msk $0xffff, v39  }
0x50c: {  	s25 =	sor.u32 $0x70, s26;
	s28 =	sadd.s32 $0x0, s2;
	v40 =	vld [tilespmem:s1+$0x50]  }
0x50d: {  	s2 =	sor.u32 $0x400, s28;
	[tilespmem:s25+$0x0] =	vst.add.f32.msk $0xffff, v16  }
0x50e: {  	v25 =	vld [tilespmem:s2+$0xE500];
	_ =	sdelay $0x1  }
0x50f: {  	s4 =	sor.u32 $0x50, s23  }
0x510: {  	[tilespmem:s4+$0x0] =	vst.add.f32.msk $0xffff, v40  }
0x511: {  	v24 =	vld [tilespmem:s1+$0x60]  }
0x512: {  	s7 =	sor.u32 $0x410, s28;
	[tilespmem:s26+$0x400] =	vst.add.f32.msk $0xffff, v25  }
0x513: {  	v27 =	vld [tilespmem:s7+$0xE500];
	_ =	sdelay $0x1  }
0x514: {  	s10 =	sor.u32 $0x60, s23  }
0x515: {  	[tilespmem:s10+$0x0] =	vst.add.f32.msk $0xffff, v24  }
0x516: {  	v26 =	vld [tilespmem:s1+$0x70]  }
0x517: {  	s0 =	sand.u32 $0x3, s0;
	s17 =	sor.u32 $0x420, s28;
	[tilespmem:s26+$0x410] =	vst.add.f32.msk $0xffff, v27  }
0x518: {  	s0 =	sshll.u32 s0, $0x8;
	v18 =	vld [tilespmem:s17+$0xE500]  }
0x519: {  	p1 =	sgt.u32 s21, $0x2;
	s0 =	sadd.s32 $0x0, s0  }
.Ltmp20:
0x51a: {  	s3 =	sadd.s32 $0x100, s0;
	s22 =	sor.u32 $0x70, s23;
	(pc) =	sbr.rel @!p1 .LBB2_32-.Ltmp20, $4  }
0x51b: {  	s0 =	sor.u32 $0x400, s3;
	[tilespmem:s22+$0x0] =	vst.add.f32.msk $0xffff, v26  }
0x51c: {  	v17 =	vld [tilespmem:s0+$0xE500]  }
0x51d: {  	s25 =	sor.u32 $0x430, s28;
	[tilespmem:s26+$0x420] =	vst.add.f32.msk $0xffff, v18  }
0x51e: {  	v14 =	vimm.f32 $0.0e+00;
	s29 =	simm.s32 $0x2;
	s1 =	sadd.s32 $0x4, s5;
	v22 =	vld [tilespmem:s25+$0xE500]  }
0x51f: {  	_ =	sdelay $0x1  }
0x520: {  	s0 =	sor.u32 $0x410, s3;
	[tilespmem:s23+$0x400] =	vst.add.f32.msk $0xffff, v17  }
0x521: {  	v62 =	vld [tilespmem:s0+$0xE500]  }
0x522: {  	s25 =	sor.u32 $0x440, s28;
	[tilespmem:s26+$0x430] =	vst.add.f32.msk $0xffff, v22  }
0x523: {  	v15 =	vld [tilespmem:s25+$0xE500];
	_ =	sdelay $0x2  }
0x524: {  	s31 =	sor.u32 $0x420, s3;
	[tilespmem:s23+$0x410] =	vst.add.f32.msk $0xffff, v62  }
0x525: {  	v51 =	vld [tilespmem:s31+$0xE500]  }
0x526: {  	s2 =	sor.u32 $0x450, s28;
	[tilespmem:s26+$0x440] =	vst.add.f32.msk $0xffff, v15  }
0x527: {  	v34 =	vld [tilespmem:s2+$0xE500];
	_ =	sdelay $0x2  }
0x528: {  	s4 =	sor.u32 $0x430, s3;
	[tilespmem:s23+$0x420] =	vst.add.f32.msk $0xffff, v51  }
0x529: {  	v52 =	vld [tilespmem:s4+$0xE500]  }
0x52a: {  	(v2sf) =	vpush v20, $0x1;
	s7 =	sor.u32 $0x460, s28;
	[tilespmem:s26+$0x450] =	vst.add.f32.msk $0xffff, v34  }
0x52b: {  	v41 =	vld [tilespmem:s7+$0xE500];
	_ =	sdelay $0x2  }
0x52c: {  	s10 =	sshll.u32 s1, $0x2;
	s2 =	sor.u32 $0x440, s3;
	[tilespmem:s23+$0x430] =	vst.add.f32.msk $0xffff, v52  }
0x52d: {  	s0 =	sshra.s32 s10, $0x2;
	v53 =	vld [tilespmem:s2+$0xE500]  }
0x52e: {  	s15 =	sor.u32 $0x470, s28;
	s0 =	sand.u32 $0xFFFFFF80, s0;
	[tilespmem:s26+$0x460] =	vst.add.f32.msk $0xffff, v41  }
0x52f: {  	s4 =	sadd.s32 $0x4406, s0;
	v3 =	vld [tilespmem:s15+$0xE500]  }
0x530: {  	s0 =	sadd.s32 $0x4404, s0;
	v28 =	vld [tilespmem:s4+$0x0]  }
0x531: {  	v33 =	vld [tilespmem:s0+$0x0]  }
0x532: {  	s16 =	sor.u32 $0x450, s3;
	[tilespmem:s23+$0x440] =	vst.add.f32.msk $0xffff, v53  }
0x533: {  	s17 =	sshll.u32 s24, $0x9;
	v54 =	vld [tilespmem:s16+$0xE500]  }
0x534: {  	v4 =	vsel vm1, $0x3F800000, v48;
	s18 =	sshra.s32 s17, $0x2;
	[tilespmem:s26+$0x470] =	vst.add.f32.msk $0xffff, v3  }
0x535: {  	[tilespmem:s18+$0x1A500] =	vst.add.f32.msk $0xffff, v4  }
0x536: {  	v49 =	vld [tilespmem:s9+$0x80]  }
0x537: {  	(v2sf) =	vpush v28, $0x0;
	s2 =	spop (v2sf)  }
0x538: {  	s19 =	sshll.u32 s2, $0x8;
	s22 =	sshll.u32 s2, $0x7  }
0x539: {  	s10 =	sor.u32 $0x460, s3;
	s0 =	sand.u32 $0xFFFFF800, s19;
	s4 =	sand.u32 $0x380, s22;
	[tilespmem:s23+$0x450] =	vst.add.f32.msk $0xffff, v54  }
0x53a: {  	(v2sf) =	vpush v33, $0x0;
	s0 =	sor.u32 s4, s0;
	v55 =	vld [tilespmem:s10+$0xE500]  }
0x53b: {  	[tilespmem:s0+$0x16500] =	vst.add.f32.msk $0xffff, v49  }
0x53c: {  	v7 =	vld [tilespmem:s9+$0x90]  }
0x53d: {  	(v2sf) =	vpush v56, $0x1;
	_ =	sdelay $0x1  }
0x53e: {  	s24 =	sor.u32 $0x470, s3;
	s22 =	sadd.s32 $0x16500, s0;
	[tilespmem:s23+$0x460] =	vst.add.f32.msk $0xffff, v55  }
0x53f: {  	s10 =	simm.s32 $0x400;
	s0 =	sor.u32 $0x10, s22;
	v56 =	vld [tilespmem:s24+$0xE500]  }
0x540: {  	s26 =	simm.s32 $0x300;
	s25 =	sand.u32 $0x7FFFF800, s10;
	[tilespmem:s0+$0x0] =	vst.add.f32.msk $0xffff, v7  }
0x541: {  	s19 =	simm.s32 $0x200;
	s7 =	sand.u32 $0x300, s26;
	s31 =	sadd.s32 $0xE500, s25;
	v1 =	vld [tilespmem:s9+$0xA0]  }
0x542: {  	s15 =	sand.u32 $0x200, s19;
	s3 =	sadd.s32 s7, s31  }
0x543: {  	v36 =	vld [tilespmem:s3+$0x0];
	s0 =	sor.u32 s15, s31  }
0x544: {  	v5 =	vld [tilespmem:s0+$0x0]  }
0x545: {  	s16 =	sor.u32 $0x20, s22;
	s30 =	spop (v2sf);
	[tilespmem:s23+$0x470] =	vst.add.f32.msk $0xffff, v56  }
0x546: {  	s11 =	sshll.u32 s11, $0x9;
	s17 =	sshll.u32 s30, $0x7;
	s15 =	sshll.u32 s30, $0x8;
	[tilespmem:s16+$0x0] =	vst.add.f32.msk $0xffff, v1  }
0x547: {  	s11 =	sshra.s32 s11, $0x2;
	s4 =	sand.u32 $0x380, s17;
	s15 =	sand.u32 $0xFFFFF800, s15;
	v0 =	vld [tilespmem:s9+$0xB0];
	[tilespmem:$0x1FD00] =	vst v4  }
0x548: {  	s24 =	spop (v2sf);
	s4 =	sor.u32 s4, s15;
	[tilespmem:s11+$0x1A500] =	vst.add.f32.msk $0xffff, v4  }
0x549: {  	s17 =	sshll.u32 s24, $0x7;
	s16 =	sshll.u32 s24, $0x8;
	[tilespmem:s4+$0x16500] =	vst.add.f32.msk $0xffff, v36  }
0x54a: {  	s23 =	sand.u32 $0x380, s17;
	s18 =	sand.u32 $0xFFFFF800, s16;
	v57 =	vld [tilespmem:s9+$0x180]  }
0x54b: {  	s15 =	sor.u32 s23, s18;
	s11 =	spop (v2sf);
	[tilespmem:$0x1FD10] =	vst v5  }
0x54c: {  	s18 =	sor.u32 $0x30, s22;
	s25 =	sshll.u32 s11, $0x8;
	s26 =	sshll.u32 s11, $0x7;
	[tilespmem:s15+$0x16500] =	vst.add.f32.msk $0xffff, v5  }
0x54d: {  	s16 =	sand.u32 $0xFFFFF800, s25;
	s17 =	sand.u32 $0x380, s26;
	[tilespmem:s18+$0x0] =	vst.add.f32.msk $0xffff, v0  }
0x54e: {  	s16 =	sor.u32 s17, s16;
	v4 =	vld [tilespmem:s9+$0xC0]  }
0x54f: {  	[tilespmem:s16+$0x16500] =	vst.add.f32.msk $0xffff, v57  }
0x550: {  	v58 =	vld [tilespmem:s9+$0x190]  }
0x551: {  	v6 =	vld [tilespmem:s3+$0x10]  }
0x552: {  	s31 =	sor.u32 $0x40, s22;
	v8 =	vld [tilespmem:s0+$0x10]  }
0x553: {  	s25 =	sadd.s32 $0x16500, s16;
	[tilespmem:s31+$0x0] =	vst.add.f32.msk $0xffff, v4  }
0x554: {  	s16 =	sor.u32 $0x10, s25;
	v5 =	vld [tilespmem:s9+$0xD0]  }
0x555: {  	s23 =	sadd.s32 $0x16500, s4;
	[tilespmem:s16+$0x0] =	vst.add.f32.msk $0xffff, v58  }
0x556: {  	s4 =	sor.u32 $0x10, s23;
	v59 =	vld [tilespmem:s9+$0x1A0];
	[tilespmem:$0x1FD20] =	vst v6  }
0x557: {  	s26 =	sadd.s32 $0x16500, s15;
	[tilespmem:s4+$0x0] =	vst.add.f32.msk $0xffff, v6  }
0x558: {  	s15 =	sor.u32 $0x10, s26;
	[tilespmem:$0x1FD30] =	vst v8  }
0x559: {  	s7 =	sor.u32 $0x50, s22;
	[tilespmem:s15+$0x0] =	vst.add.f32.msk $0xffff, v8  }
0x55a: {  	[tilespmem:s7+$0x0] =	vst.add.f32.msk $0xffff, v5  }
0x55b: {  	s15 =	sor.u32 $0x20, s25;
	v10 =	vld [tilespmem:s9+$0xE0]  }
0x55c: {  	[tilespmem:s15+$0x0] =	vst.add.f32.msk $0xffff, v59  }
0x55d: {  	v60 =	vld [tilespmem:s9+$0x1B0]  }
0x55e: {  	v6 =	vld [tilespmem:s3+$0x20]  }
0x55f: {  	s16 =	sor.u32 $0x60, s22;
	v8 =	vld [tilespmem:s0+$0x20]  }
0x560: {  	[tilespmem:s16+$0x0] =	vst.add.f32.msk $0xffff, v10  }
0x561: {  	s17 =	sor.u32 $0x30, s25;
	v11 =	vld [tilespmem:s9+$0xF0]  }
0x562: {  	[tilespmem:s17+$0x0] =	vst.add.f32.msk $0xffff, v60  }
0x563: {  	s18 =	sor.u32 $0x20, s23;
	v61 =	vld [tilespmem:s9+$0x1C0];
	[tilespmem:$0x1FD40] =	vst v6  }
0x564: {  	[tilespmem:s18+$0x0] =	vst.add.f32.msk $0xffff, v6  }
0x565: {  	s31 =	sor.u32 $0x20, s26;
	[tilespmem:$0x1FD50] =	vst v8  }
0x566: {  	s7 =	sor.u32 $0x70, s22;
	s15 =	sadd.s32 $0x80, s28;
	[tilespmem:s31+$0x0] =	vst.add.f32.msk $0xffff, v8  }
0x567: {  	s16 =	sor.u32 $0x400, s15;
	[tilespmem:s7+$0x0] =	vst.add.f32.msk $0xffff, v11  }
0x568: {  	s17 =	sor.u32 $0x40, s25;
	v12 =	vld [tilespmem:s16+$0xE500]  }
0x569: {  	[tilespmem:s17+$0x0] =	vst.add.f32.msk $0xffff, v61  }
0x56a: {  	v63 =	vld [tilespmem:s9+$0x1D0]  }
0x56b: {  	v8 =	vld [tilespmem:s0+$0x30]  }
0x56c: {  	v20 =	vld [tilespmem:s3+$0x30]  }
0x56d: {  	s18 =	sor.u32 $0x410, s15;
	[tilespmem:s22+$0x400] =	vst.add.f32.msk $0xffff, v12  }
0x56e: {  	s31 =	sor.u32 $0x50, s25;
	v13 =	vld [tilespmem:s18+$0xE500]  }
0x56f: {  	[tilespmem:s31+$0x0] =	vst.add.f32.msk $0xffff, v63  }
0x570: {  	s7 =	sor.u32 $0x30, s26;
	v6 =	vld [tilespmem:s9+$0x1E0];
	[tilespmem:$0x1FD60] =	vst v8  }
0x571: {  	[tilespmem:s7+$0x0] =	vst.add.f32.msk $0xffff, v8  }
0x572: {  	v9 =	vld [tilespmem:s0+$0x40];
	_ =	sdelay $0x1  }
0x573: {  	s16 =	sor.u32 $0x420, s15;
	[tilespmem:s22+$0x410] =	vst.add.f32.msk $0xffff, v13  }
0x574: {  	s17 =	sor.u32 $0x60, s25;
	v19 =	vld [tilespmem:s16+$0xE500]  }
0x575: {  	[tilespmem:s17+$0x0] =	vst.add.f32.msk $0xffff, v6  }
0x576: {  	s18 =	sor.u32 $0x40, s26;
	v8 =	vld [tilespmem:s9+$0x1F0];
	[tilespmem:$0x1FD70] =	vst v9  }
0x577: {  	[tilespmem:s18+$0x0] =	vst.add.f32.msk $0xffff, v9  }
0x578: {  	v23 =	vld [tilespmem:s0+$0x50]  }
0x579: {  	s31 =	sor.u32 $0x430, s15;
	[tilespmem:s22+$0x420] =	vst.add.f32.msk $0xffff, v19  }
0x57a: {  	s7 =	sor.u32 $0x70, s25;
	s17 =	sadd.s32 $0x180, s28;
	v21 =	vld [tilespmem:s31+$0xE500]  }
0x57b: {  	s16 =	sor.u32 $0x400, s17;
	[tilespmem:s7+$0x0] =	vst.add.f32.msk $0xffff, v8  }
0x57c: {  	s18 =	sor.u32 $0x30, s23;
	v9 =	vld [tilespmem:s16+$0xE500];
	[tilespmem:$0x1FD80] =	vst v20  }
0x57d: {  	[tilespmem:s18+$0x0] =	vst.add.f32.msk $0xffff, v20  }
0x57e: {  	s31 =	sor.u32 $0x50, s26;
	[tilespmem:$0x1FD90] =	vst v23  }
0x57f: {  	[tilespmem:s31+$0x0] =	vst.add.f32.msk $0xffff, v23  }
0x580: {  	s7 =	sor.u32 $0x440, s15;
	[tilespmem:s22+$0x430] =	vst.add.f32.msk $0xffff, v21  }
0x581: {  	v23 =	vld [tilespmem:s7+$0xE500]  }
0x582: {  	v20 =	vld [tilespmem:s3+$0x40]  }
0x583: {  	s9 =	sor.u32 $0x410, s17;
	[tilespmem:s25+$0x400] =	vst.add.f32.msk $0xffff, v9  }
0x584: {  	v48 =	vld [tilespmem:s9+$0xE500]  }
0x585: {  	v29 =	vld [tilespmem:s0+$0x60]  }
0x586: {  	s16 =	sor.u32 $0x450, s15;
	[tilespmem:s22+$0x440] =	vst.add.f32.msk $0xffff, v23  }
0x587: {  	v2 =	vmul.f32 v2, v2;
	s18 =	sor.u32 $0x40, s23;
	v50 =	vld [tilespmem:s16+$0xE500];
	[tilespmem:$0x1FDA0] =	vst v20  }
0x588: {  	v42 =	vmul.f32 v42, v42;
	v44 =	vmul.f32 v45, v45;
	[tilespmem:s18+$0x0] =	vst.add.f32.msk $0xffff, v20  }
0x589: {  	v43 =	vmul.f32 v43, v43;
	v32 =	vmul.f32 v32, v32;
	[tilespmem:s25+$0x410] =	vst.add.f32.msk $0xffff, v48  }
0x58a: {  	v46 =	vmul.f32 v46, v46;
	v42 =	vadd.f32 v42, v14;
	v44 =	vadd.f32 v44, v14;
	s31 =	sor.u32 $0x60, s26;
	[tilespmem:$0x1FE10] =	vst v29  }
0x58b: {  	v47 =	vmul.f32 v47, v47;
	v18 =	vmul.f32 v18, v18;
	v45 =	vadd.f32 v32, v14;
	s7 =	sor.u32 $0x420, s17;
	[tilespmem:s31+$0x0] =	vst.add.f32.msk $0xffff, v29  }
0x58c: {  	v32 =	vmul.f32 v25, v25;
	v42 =	vadd.f32 v46, v42;
	v44 =	vadd.f32 v2, v44;
	v2 =	vld [tilespmem:s7+$0xE500]  }
0x58d: {  	v38 =	vmul.f32 v38, v38;
	v39 =	vmul.f32 v39, v39;
	v43 =	vadd.f32 v43, v14;
	v20 =	vld [tilespmem:s0+$0x70]  }
0x58e: {  	v46 =	vmul.f32 v16, v16;
	v14 =	vadd.f32 v32, v42;
	v15 =	vmul.f32 v15, v15;
	s16 =	sor.u32 $0x460, s15;
	[tilespmem:s22+$0x450] =	vst.add.f32.msk $0xffff, v50  }
0x58f: {  	v43 =	vadd.f32 v47, v43;
	v16 =	vmul.f32 v27, v27;
	v22 =	vmul.f32 v22, v22;
	v25 =	vld [tilespmem:s16+$0xE500]  }
0x590: {  	p1 =	por !p0, !p0;
	v18 =	vadd.f32 v18, v44;
	v14 =	vadd.f32 v15, v14;
	v41 =	vmul.f32 v41, v41;
	s9 =	simm.s32 $0x1;
	v15 =	vld [tilespmem:s3+$0x50]  }
0x591: {  	v45 =	vadd.f32 v46, v45;
	v16 =	vadd.f32 v16, v43;
	v46 =	vmul.f32 v24, v24;
	s9 =	simm.s32 @!p1 $0x0;
	s18 =	sor.u32 $0x430, s17;
	[tilespmem:s25+$0x420] =	vst.add.f32.msk $0xffff, v2  }
0x592: {  	v42 =	vmul.f32 v40, v40;
	v34 =	vmul.f32 v34, v34;
	v18 =	vadd.f32 v41, v18;
	s9 =	sshll.u32 s9, $0x9;
	s31 =	sor.u32 $0x70, s26;
	v41 =	vld [tilespmem:s18+$0xE500];
	[tilespmem:$0x1FDF0] =	vst v20  }
0x593: {  	v22 =	vadd.f32 v22, v45;
	v3 =	vmul.f32 v3, v3;
	v43 =	vmul.f32 v49, v49;
	s28 =	sadd.s32 $0x400, s9;
	[tilespmem:s31+$0x0] =	vst.add.f32.msk $0xffff, v20  }
0x594: {  	v16 =	vadd.f32 v34, v16;
	v7 =	vmul.f32 v7, v7;
	v1 =	vmul.f32 v1, v1;
	s9 =	sor.u32 $0x400, s28;
	[tilespmem:s22+$0x460] =	vst.add.f32.msk $0xffff, v25  }
0x595: {  	v3 =	vadd.f32 v3, v22;
	v14 =	vadd.f32 v43, v14;
	v0 =	vmul.f32 v0, v0;
	s7 =	sor.u32 $0x470, s15;
	v30 =	vld [tilespmem:s9+$0xE500]  }
0x596: {  	v7 =	vadd.f32 v7, v16;
	v1 =	vadd.f32 v1, v18;
	v4 =	vmul.f32 v4, v4;
	v34 =	vld [tilespmem:s7+$0xE500]  }
0x597: {  	v0 =	vadd.f32 v0, v3;
	v3 =	vmul.f32 v5, v5;
	v5 =	vmul.f32 v10, v10;
	s15 =	sor.u32 $0x440, s17;
	[tilespmem:s25+$0x430] =	vst.add.f32.msk $0xffff, v41  }
0x598: {  	v43 =	vmul.f32 v62, v62;
	v4 =	vadd.f32 v4, v14;
	v44 =	vmul.f32 v11, v11;
	s16 =	sor.u32 $0x50, s23;
	v49 =	vld [tilespmem:s15+$0xE500];
	[tilespmem:$0x1FDB0] =	vst v15  }
0x599: {  	v3 =	vadd.f32 v3, v7;
	v1 =	vadd.f32 v5, v1;
	v45 =	vmul.f32 v12, v12;
	[tilespmem:s16+$0x0] =	vst.add.f32.msk $0xffff, v15  }
0x59a: {  	v0 =	vadd.f32 v44, v0;
	v5 =	vmul.f32 v13, v13;
	v7 =	vmul.f32 v19, v19;
	[tilespmem:s26+$0x400] =	vst.add.f32.msk $0xffff, v30  }
0x59b: {  	v44 =	vmul.f32 v51, v51;
	v4 =	vadd.f32 v45, v4;
	v47 =	vmul.f32 v23, v23;
	s18 =	sor.u32 $0x410, s28;
	v29 =	vld [tilespmem:s3+$0x60]  }
0x59c: {  	v3 =	vadd.f32 v5, v3;
	v1 =	vadd.f32 v7, v1;
	v24 =	vmul.f32 v50, v50;
	v32 =	vld [tilespmem:s18+$0xE500]  }
0x59d: {  	v4 =	vadd.f32 v47, v4;
	v7 =	vmul.f32 v25, v25;
	v25 =	vmul.f32 v35, v35  }
0x59e: {  	v45 =	vmul.f32 v54, v54;
	v54 =	vmul.f32 v6, v6;
	v3 =	vadd.f32 v24, v3;
	s31 =	sor.u32 $0x450, s17;
	[tilespmem:s25+$0x440] =	vst.add.f32.msk $0xffff, v49  }
0x59f: {  	s7 =	sor.u32 $0x60, s23;
	v1 =	vadd.f32 v7, v1;
	v7 =	vmul.f32 v31, v31;
	v4 =	vadd.f32 v25, v4;
	v50 =	vld [tilespmem:s31+$0xE500]  }
0x5a0: {  	v5 =	vmul.f32 v21, v21;
	v47 =	vmul.f32 v58, v58;
	[tilespmem:s7+$0x0] =	vst.add.f32.msk $0xffff, v29  }
0x5a1: {  	v3 =	vadd.f32 v7, v3;
	v4 =	vadd.f32 v39, v4;
	v7 =	vmul.f32 v17, v17;
	[tilespmem:s26+$0x410] =	vst.add.f32.msk $0xffff, v32  }
0x5a2: {  	v0 =	vadd.f32 v5, v0;
	v58 =	vmul.f32 v9, v9;
	s15 =	sor.u32 $0x420, s28;
	v5 =	vmul.f32 v34, v34;
	v31 =	vld [tilespmem:s3+$0x70]  }
0x5a3: {  	v3 =	vadd.f32 v42, v3;
	v4 =	vadd.f32 v7, v4;
	v7 =	vmul.f32 v53, v53;
	v18 =	vld [tilespmem:s15+$0xE500]  }
0x5a4: {  	s9 =	sand.u32 $0x3, s29;
	v53 =	vmul.f32 v59, v59;
	v0 =	vadd.f32 v5, v0;
	v5 =	vmul.f32 v37, v37  }
0x5a5: {  	s16 =	sor.u32 $0x460, s17;
	v59 =	vmul.f32 v8, v8;
	v3 =	vadd.f32 v43, v3;
	v4 =	vadd.f32 v7, v4;
	s3 =	sshll.u32 s9, $0x8;
	[tilespmem:s25+$0x450] =	vst.add.f32.msk $0xffff, v50  }
0x5a6: {  	s18 =	sor.u32 $0x70, s23;
	v1 =	vadd.f32 v5, v1;
	v0 =	vadd.f32 v38, v0;
	v5 =	vmul.f32 v26, v26;
	s3 =	sadd.s32 $0x400, s3;
	v51 =	vld [tilespmem:s16+$0xE500]  }
0x5a7: {  	p2 =	sgt.u32 s21, $0x4;
	v7 =	vmul.f32 v57, v57;
	v57 =	vmul.f32 v63, v63;
	v10 =	vadd.f32 v45, v3;
	s3 =	sadd.s32 $0x100, s3;
	[tilespmem:s18+$0x0] =	vst.add.f32.msk $0xffff, v31  }
.Ltmp21:
0x5a8: {  	v1 =	vadd.f32 v46, v1;
	v0 =	vadd.f32 v5, v0;
	v5 =	vmul.f32 v52, v52;
	s31 =	sor.u32 $0x400, s3;
	[tilespmem:s26+$0x420] =	vst.add.f32.msk $0xffff, v18;
	(pc) =	sbr.rel @!p2 .LBB2_34-.Ltmp21, $4  }
0x5a9: {  	s2 =	sshll.u32 s2, $0x9;
	v3 =	vadd.f32 v7, v4;
	s7 =	sor.u32 $0x430, s28;
	v46 =	vmul.f32 v55, v55;
	v55 =	vmul.f32 v60, v60;
	v17 =	vld [tilespmem:s31+$0xE500]  }
0x5aa: {  	p0 =	por $0x1, $0x1;
	s2 =	sshra.s32 s2, $0x2;
	s9 =	simm.s32 $0x4406;
	v1 =	vadd.f32 v44, v1;
	v0 =	vadd.f32 v5, v0;
	v5 =	vmul.f32 v56, v56;
	v22 =	vld [tilespmem:s7+$0xE500]  }
0x5ab: {  	v52 =	vmul.f32 v61, v61;
	s15 =	simm.s32 $0x4;
	v60 =	vmul.f32 v48, v48;
	v6 =	vadd.f32 v47, v10;
	s16 =	sshll.u32 s11, $0x9;
	s31 =	sor.u32 $0x470, s17;
	[tilespmem:s25+$0x460] =	vst.add.f32.msk $0xffff, v51  }
0x5ac: {  	v61 =	vmul.f32 v2, v2;
	v62 =	vadd.f32 v46, v1;
	v63 =	vadd.f32 v5, v0;
	s11 =	sadd.s32 $0x4, s1;
	s18 =	simm.s32 $0x4404;
	s17 =	sshra.s32 s16, $0x2;
	v48 =	vld [tilespmem:s31+$0xE500]  }
.LBB2_35:
0x5ad: {  	_ = 	snop  }
0x5ae: {  	s1 =	sshll.u32 s11, $0x2;
	v0 =	vadd.f32 v53, v62  }
0x5af: {  	s4 =	sor.u32 $0x410, s3;
	s1 =	sshra.s32 s1, $0x2;
	[tilespmem:s23+$0x400] =	vst.add.f32.msk $0xffff, v17  }
0x5b0: {  	s9 =	sadd.s32 $0x4, s9;
	v1 =	vadd.f32 v55, v63;
	s1 =	sand.u32 $0xFFFFFF80, s1;
	v0 =	vadd.f32 v54, v0;
	v39 =	vld [tilespmem:s4+$0xE500]  }
0x5b1: {  	v2 =	vmul.f32 v41, v41;
	s16 =	sadd.s32 s1, s9;
	[tilespmem:s26+$0x430] =	vst.add.f32.msk $0xffff, v22  }
0x5b2: {  	s31 =	sor.u32 $0x440, s28;
	s18 =	sadd.s32 $0x4, s18;
	v7 =	vmul.f32 v51, v51;
	v1 =	vadd.f32 v59, v1;
	v8 =	vld [tilespmem:s16+$0x0];
	v0 =	vadd.f32 v61, v0  }
0x5b3: {  	s1 =	sadd.s32 s1, s18;
	v40 =	vld [tilespmem:s31+$0xE500]  }
0x5b4: {  	v1 =	vadd.f32 v2, v1;
	v2 =	vmul.f32 v48, v48;
	v9 =	vld [tilespmem:s1+$0x0];
	v0 =	vadd.f32 v7, v0  }
0x5b5: {  	[tilespmem:s23+$0x410] =	vst.add.f32.msk $0xffff, v39  }
0x5b6: {  	s4 =	sor.u32 $0x420, s3;
	[tilespmem:$0x1FCC0] =	vst v0;
	v0 =	vadd.f32 v2, v1;
	v2 =	vld [tilespmem:$0x1FD00]  }
0x5b7: {  	v42 =	vld [tilespmem:s4+$0xE500]  }
0x5b8: {  	s7 =	sor.u32 $0x450, s28;
	[tilespmem:s26+$0x440] =	vst.add.f32.msk $0xffff, v40  }
0x5b9: {  	v35 =	vld [tilespmem:s7+$0xE500]  }
0x5ba: {  	[tilespmem:s22+$0x470] =	vst.add.f32.msk $0xffff, v34  }
0x5bb: {  	(v2sf) =	vpush v33, $0x1;
	[tilespmem:s2+$0x1A500] =	vst.add.f32.msk $0xffff, v2  }
0x5bc: {  	s16 =	sor.u32 $0x430, s3;
	(v2sf) =	vpush v8, $0x0;
	[tilespmem:s23+$0x420] =	vst.add.f32.msk $0xffff, v42  }
0x5bd: {  	[tilespmem:$0x1FCD0] =	vst v0;
	v0 =	vmov v9;
	v44 =	vld [tilespmem:s16+$0xE500]  }
0x5be: {  	s22 =	sor.u32 $0x460, s28;
	(v2sf) =	vpush v0, $0x0;
	[tilespmem:s26+$0x450] =	vst.add.f32.msk $0xffff, v35  }
0x5bf: {  	v34 =	vld [tilespmem:s22+$0xE500]  }
0x5c0: {  	[tilespmem:s25+$0x470] =	vst.add.f32.msk $0xffff, v48  }
0x5c1: {  	[tilespmem:s17+$0x1A500] =	vst.add.f32.msk $0xffff, v2  }
0x5c2: {  	s31 =	sor.u32 $0x440, s3;
	[tilespmem:s23+$0x430] =	vst.add.f32.msk $0xffff, v44  }
0x5c3: {  	s19 =	sadd.s32 $0x200, s19;
	s10 =	sadd.s32 $0x400, s10;
	v46 =	vld [tilespmem:s31+$0xE500]  }
0x5c4: {  	s4 =	sadd.s32 $0x100, s19;
	s7 =	sor.u32 $0x470, s28;
	s2 =	sand.u32 $0x7FFFF800, s10;
	[tilespmem:s26+$0x460] =	vst.add.f32.msk $0xffff, v34  }
0x5c5: {  	s16 =	sadd.s32 $0xE500, s2;
	s17 =	sand.u32 $0x300, s4;
	v45 =	vld [tilespmem:s7+$0xE500]  }
0x5c6: {  	v7 =	vmul.f32 v36, v36;
	v36 =	vld [tilespmem:$0x1FE10];
	s1 =	sadd.s32 s17, s16  }
0x5c7: {  	v33 =	vld [tilespmem:s1+$0x0]  }
0x5c8: {  	s22 =	sor.u32 $0x450, s3;
	[tilespmem:s23+$0x440] =	vst.add.f32.msk $0xffff, v46  }
0x5c9: {  	v5 =	vmul.f32 v49, v49;
	v4 =	vadd.f32 v57, v6;
	s25 =	sshll.u32 s24, $0x9;
	v49 =	vld [tilespmem:s22+$0xE500]  }
0x5ca: {  	s4 =	spop (v2sf);
	s31 =	sshra.s32 s25, $0x2;
	[tilespmem:s26+$0x470] =	vst.add.f32.msk $0xffff, v45  }
0x5cb: {  	v6 =	vmul.f32 v50, v50;
	v4 =	vadd.f32 v60, v4;
	s2 =	sshll.u32 s4, $0x9;
	s7 =	sand.u32 $0x200, s19;
	s25 =	spop (v2sf);
	[tilespmem:s31+$0x1A500] =	vst.add.f32.msk $0xffff, v2  }
0x5cc: {  	s22 =	sshll.u32 s25, $0x8;
	s26 =	sshll.u32 s25, $0x7;
	s31 =	sor.u32 s7, s16;
	v50 =	vld [tilespmem:s0+$0x80]  }
0x5cd: {  	v38 =	vadd.f32 v6, v4;
	s24 =	spop (v2sf);
	s16 =	sor.u32 $0x460, s3;
	s7 =	sshll.u32 s4, $0x8;
	v6 =	vld [tilespmem:s31+$0x0]  }
0x5ce: {  	s17 =	sand.u32 $0xFFFFF800, s22;
	s22 =	sand.u32 $0x380, s26;
	s4 =	sshll.u32 s4, $0x7;
	[tilespmem:s23+$0x450] =	vst.add.f32.msk $0xffff, v49  }
0x5cf: {  	(v2sf) =	vpush v28, $0x1;
	s17 =	sor.u32 s22, s17;
	s22 =	sand.u32 $0xFFFFF800, s7;
	s4 =	sand.u32 $0x380, s4;
	v53 =	vld [tilespmem:s16+$0xE500]  }
0x5d0: {  	s26 =	sshll.u32 s24, $0x8;
	s7 =	sshll.u32 s24, $0x7;
	s4 =	sor.u32 s4, s22;
	[tilespmem:s17+$0x16500] =	vst.add.f32.msk $0xffff, v33  }
0x5d1: {  	s16 =	sand.u32 $0xFFFFF800, s26;
	s26 =	sand.u32 $0x380, s7;
	[tilespmem:s4+$0x16500] =	vst.add.f32.msk $0xffff, v50  }
0x5d2: {  	s16 =	sor.u32 s26, s16;
	v55 =	vld [tilespmem:s0+$0x90]  }
0x5d3: {  	v3 =	vadd.f32 v52, v3;
	[tilespmem:s16+$0x16500] =	vst.add.f32.msk $0xffff, v6  }
0x5d4: {  	s7 =	sor.u32 $0x470, s3;
	[tilespmem:s23+$0x460] =	vst.add.f32.msk $0xffff, v53  }
0x5d5: {  	v3 =	vadd.f32 v58, v3;
	[tilespmem:$0x1FCE0] =	vst v0;
	v0 =	vmov v8;
	s22 =	sadd.s32 $0x16500, s4;
	v58 =	vld [tilespmem:s7+$0xE500]  }
0x5d6: {  	[tilespmem:$0x1FCF0] =	vst v0;
	s26 =	sor.u32 $0x10, s22;
	v0 =	vld [tilespmem:s1+$0x10]  }
0x5d7: {  	[tilespmem:s26+$0x0] =	vst.add.f32.msk $0xffff, v55  }
0x5d8: {  	v57 =	vld [tilespmem:s0+$0xA0]  }
0x5d9: {  	s4 =	sshll.u32 s30, $0x9;
	v1 =	vld [tilespmem:s31+$0x10]  }
0x5da: {  	s3 =	sshra.s32 s4, $0x2;
	[tilespmem:s23+$0x470] =	vst.add.f32.msk $0xffff, v58  }
0x5db: {  	[tilespmem:s3+$0x1A500] =	vst.add.f32.msk $0xffff, v2  }
0x5dc: {  	v2 =	vld [tilespmem:$0x1FD10]  }
0x5dd: {  	s7 =	sor.u32 $0x20, s22;
	s23 =	sadd.s32 $0x16500, s17;
	v43 =	vld [tilespmem:s0+$0x180]  }
0x5de: {  	s30 =	smov.u32 s25;
	s4 =	spop (v2sf);
	s17 =	sor.u32 $0x10, s23;
	[tilespmem:s7+$0x0] =	vst.add.f32.msk $0xffff, v57  }
0x5df: {  	s26 =	sadd.s32 $0x16500, s16;
	s25 =	sshll.u32 s4, $0x7;
	s3 =	sshll.u32 s4, $0x8;
	[tilespmem:s17+$0x0] =	vst.add.f32.msk $0xffff, v0  }
0x5e0: {  	s7 =	sor.u32 $0x10, s26;
	s3 =	sand.u32 $0xFFFFF800, s3;
	s17 =	sand.u32 $0x380, s25;
	v60 =	vld [tilespmem:s0+$0xB0]  }
0x5e1: {  	[tilespmem:s7+$0x0] =	vst.add.f32.msk $0xffff, v1;
	s3 =	sor.u32 s17, s3  }
0x5e2: {  	v25 =	vmul.f32 v2, v2;
	v2 =	vmov v6;
	[tilespmem:s3+$0x16500] =	vst.add.f32.msk $0xffff, v43  }
0x5e3: {  	[tilespmem:$0x1FD10] =	vst v2;
	v2 =	vld [tilespmem:$0x1FD30]  }
0x5e4: {  	s25 =	sor.u32 $0x30, s22;
	v47 =	vld [tilespmem:s0+$0x190]  }
0x5e5: {  	v37 =	vadd.f32 v5, v3;
	[tilespmem:s25+$0x0] =	vst.add.f32.msk $0xffff, v60  }
0x5e6: {  	v4 =	vld [tilespmem:s1+$0x20]  }
0x5e7: {  	v25 =	vadd.f32 v25, v37;
	v37 =	vmul.f32 v57, v57;
	v57 =	vld [tilespmem:$0x1FCD0]  }
0x5e8: {  	v63 =	vld [tilespmem:s0+$0xC0]  }
0x5e9: {  	s25 =	sadd.s32 $0x16500, s3;
	v11 =	vld [tilespmem:s31+$0x20]  }
0x5ea: {  	s3 =	sor.u32 $0x10, s25;
	v26 =	vmul.f32 v2, v2;
	v2 =	vld [tilespmem:$0x1FD20]  }
0x5eb: {  	s4 =	sshll.u32 s4, $0x9;
	[tilespmem:s3+$0x0] =	vst.add.f32.msk $0xffff, v47  }
0x5ec: {  	s17 =	sshra.s32 s4, $0x2;
	s4 =	sor.u32 $0x40, s22;
	v48 =	vld [tilespmem:s0+$0x1A0]  }
0x5ed: {  	s7 =	sor.u32 $0x20, s23;
	[tilespmem:s4+$0x0] =	vst.add.f32.msk $0xffff, v63  }
0x5ee: {  	[tilespmem:s7+$0x0] =	vst.add.f32.msk $0xffff, v4  }
0x5ef: {  	s16 =	sor.u32 $0x20, s26;
	v3 =	vld [tilespmem:s0+$0xD0]  }
0x5f0: {  	[tilespmem:s16+$0x0] =	vst.add.f32.msk $0xffff, v11;
	v62 =	vmul.f32 v2, v2;
	v2 =	vmov v0;
	v0 =	vmov v1  }
0x5f1: {  	s4 =	sor.u32 $0x20, s25;
	[tilespmem:$0x1FD30] =	vst v0;
	v0 =	vld [tilespmem:$0x1FD50]  }
0x5f2: {  	[tilespmem:s4+$0x0] =	vst.add.f32.msk $0xffff, v48  }
0x5f3: {  	s7 =	sor.u32 $0x50, s22;
	v51 =	vld [tilespmem:s0+$0x1B0]  }
0x5f4: {  	[tilespmem:s7+$0x0] =	vst.add.f32.msk $0xffff, v3  }
0x5f5: {  	v8 =	vld [tilespmem:s0+$0xE0]  }
0x5f6: {  	v12 =	vld [tilespmem:s1+$0x30]  }
0x5f7: {  	v13 =	vld [tilespmem:s31+$0x30]  }
0x5f8: {  	s16 =	sor.u32 $0x30, s25;
	v27 =	vmul.f32 v0, v0;
	v0 =	vld [tilespmem:$0x1FD40]  }
0x5f9: {  	s4 =	sor.u32 $0x60, s22;
	[tilespmem:s16+$0x0] =	vst.add.f32.msk $0xffff, v51  }
0x5fa: {  	[tilespmem:s4+$0x0] =	vst.add.f32.msk $0xffff, v8  }
0x5fb: {  	s16 =	sor.u32 $0x30, s26;
	v9 =	vld [tilespmem:s0+$0xF0]  }
0x5fc: {  	v1 =	vmov v13;
	[tilespmem:s16+$0x0] =	vst.add.f32.msk $0xffff, v13;
	v13 =	vmul.f32 v17, v17;
	v17 =	vmul.f32 v32, v32  }
0x5fd: {  	s7 =	sor.u32 $0x30, s23;
	v52 =	vld [tilespmem:s0+$0x1C0];
	v32 =	vmul.f32 v40, v40;
	v40 =	vmul.f32 v46, v46  }
0x5fe: {  	[tilespmem:s7+$0x0] =	vst.add.f32.msk $0xffff, v12;
	v46 =	vmul.f32 v53, v53;
	v53 =	vmul.f32 v45, v45  }
0x5ff: {  	[tilespmem:$0x1FD20] =	vst v2;
	v45 =	vmul.f32 v58, v58;
	v58 =	vld [tilespmem:$0x1FCC0];
	v2 =	vmul.f32 v0, v0;
	v0 =	vmov v11  }
0x600: {  	[tilespmem:$0x1FD50] =	vst v0;
	v0 =	vld [tilespmem:$0x1FD60]  }
0x601: {  	s7 =	sor.u32 $0x40, s25;
	[tilespmem:$0x1FD60] =	vst v1;
	v1 =	vld [tilespmem:$0x1FD70]  }
0x602: {  	[tilespmem:s7+$0x0] =	vst.add.f32.msk $0xffff, v52  }
0x603: {  	s16 =	sor.u32 $0x70, s22;
	v54 =	vld [tilespmem:s0+$0x1D0]  }
0x604: {  	s3 =	sadd.s32 $0x80, s28;
	[tilespmem:s16+$0x0] =	vst.add.f32.msk $0xffff, v9  }
0x605: {  	s7 =	sor.u32 $0x400, s3;
	v19 =	vld [tilespmem:s1+$0x40]  }
0x606: {  	v5 =	vld [tilespmem:s7+$0xE500]  }
0x607: {  	v14 =	vld [tilespmem:s31+$0x40]  }
0x608: {  	v16 =	vmul.f32 v0, v0;
	v0 =	vld [tilespmem:$0x1FD80]  }
0x609: {  	v41 =	vmov v12;
	v28 =	vmul.f32 v1, v1;
	v1 =	vld [tilespmem:$0x1FDA0]  }
0x60a: {  	s16 =	sor.u32 $0x50, s25;
	[tilespmem:$0x1FD80] =	vst v41;
	v41 =	vld [tilespmem:$0x1FDF0]  }
0x60b: {  	[tilespmem:s16+$0x0] =	vst.add.f32.msk $0xffff, v54  }
0x60c: {  	v56 =	vld [tilespmem:s0+$0x1E0]  }
0x60d: {  	s16 =	sor.u32 $0x40, s23;
	[tilespmem:s22+$0x400] =	vst.add.f32.msk $0xffff, v5  }
0x60e: {  	s7 =	sor.u32 $0x410, s3;
	[tilespmem:s16+$0x0] =	vst.add.f32.msk $0xffff, v19  }
0x60f: {  	v20 =	vmov v33;
	v33 =	vmov v4;
	v4 =	vmov v14;
	v10 =	vld [tilespmem:s7+$0xE500]  }
0x610: {  	s7 =	sor.u32 $0x40, s26;
	[tilespmem:$0x1FD70] =	vst v4;
	v4 =	vld [tilespmem:$0x1FD90]  }
0x611: {  	s16 =	sor.u32 $0x60, s25;
	[tilespmem:s7+$0x0] =	vst.add.f32.msk $0xffff, v14  }
0x612: {  	[tilespmem:s16+$0x0] =	vst.add.f32.msk $0xffff, v56  }
0x613: {  	v59 =	vld [tilespmem:s0+$0x1F0]  }
0x614: {  	[tilespmem:s22+$0x410] =	vst.add.f32.msk $0xffff, v10  }
0x615: {  	s0 =	smov.u32 s31;
	s31 =	sor.u32 $0x420, s3;
	v24 =	vld [tilespmem:s1+$0x50]  }
0x616: {  	v21 =	vld [tilespmem:s31+$0xE500]  }
0x617: {  	v14 =	vmul.f32 v4, v4;
	v4 =	vld [tilespmem:$0x1FDB0]  }
0x618: {  	s7 =	sor.u32 $0x70, s25;
	v15 =	vld [tilespmem:s0+$0x50];
	s31 =	sadd.s32 $0x180, s28  }
0x619: {  	s16 =	sor.u32 $0x400, s31;
	[tilespmem:s7+$0x0] =	vst.add.f32.msk $0xffff, v59  }
0x61a: {  	v61 =	vld [tilespmem:s16+$0xE500]  }
0x61b: {  	s7 =	sor.u32 $0x430, s3;
	[tilespmem:s22+$0x420] =	vst.add.f32.msk $0xffff, v21  }
0x61c: {  	[tilespmem:$0x1FD40] =	vst v33;
	s16 =	sor.u32 $0x50, s23;
	v23 =	vld [tilespmem:s7+$0xE500]  }
0x61d: {  	s7 =	sor.u32 $0x50, s26;
	[tilespmem:s16+$0x0] =	vst.add.f32.msk $0xffff, v24  }
0x61e: {  	[tilespmem:s7+$0x0] =	vst.add.f32.msk $0xffff, v15  }
0x61f: {  	v6 =	vmov v19;
	s7 =	sor.u32 $0x410, s31;
	[tilespmem:s25+$0x400] =	vst.add.f32.msk $0xffff, v61  }
0x620: {  	[tilespmem:$0x1FDA0] =	vst v6;
	v6 =	vld [tilespmem:s7+$0xE500]  }
0x621: {  	v11 =	vmov v24;
	s16 =	sor.u32 $0x440, s3;
	[tilespmem:s22+$0x430] =	vst.add.f32.msk $0xffff, v23  }
0x622: {  	[tilespmem:$0x1FDB0] =	vst v11;
	v33 =	vmov v15;
	v11 =	vmul.f32 v29, v29;
	v29 =	vld [tilespmem:s16+$0xE500]  }
0x623: {  	[tilespmem:$0x1FD90] =	vst v33;
	v33 =	vld [tilespmem:s1+$0x60]  }
0x624: {  	v24 =	vmul.f32 v41, v41;
	v41 =	vld [tilespmem:s0+$0x60]  }
0x625: {  	s7 =	sor.u32 $0x420, s31;
	[tilespmem:s25+$0x410] =	vst.add.f32.msk $0xffff, v6  }
0x626: {  	v26 =	vadd.f32 v26, v38;
	v19 =	vmul.f32 v39, v39;
	v39 =	vld [tilespmem:s7+$0xE500]  }
0x627: {  	[tilespmem:s22+$0x440] =	vst.add.f32.msk $0xffff, v29  }
0x628: {  	v30 =	vmul.f32 v30, v30;
	v14 =	vadd.f32 v14, v26;
	s16 =	sor.u32 $0x450, s3;
	v26 =	vmul.f32 v29, v29;
	v29 =	vmovc v33;
	v33 =	vld [tilespmem:$0x1FCE0]  }
0x629: {  	v18 =	vmul.f32 v18, v18;
	v15 =	vmul.f32 v36, v36;
	s7 =	sor.u32 $0x60, s26;
	v36 =	vld [tilespmem:s16+$0xE500]  }
0x62a: {  	v12 =	vmul.f32 v31, v31;
	v31 =	vmul.f32 v22, v22;
	[tilespmem:s7+$0x0] =	vst.add.f32.msk $0xffff, v41  }
0x62b: {  	v22 =	vmul.f32 v44, v44;
	v44 =	vmul.f32 v49, v49;
	v49 =	vld [tilespmem:s0+$0x70]  }
0x62c: {  	p1 =	por !p1, !p1;
	v42 =	vmul.f32 v42, v42;
	v35 =	vmul.f32 v35, v35;
	s7 =	sor.u32 $0x430, s31;
	s16 =	simm.s32 $0x1;
	[tilespmem:s25+$0x420] =	vst.add.f32.msk $0xffff, v39  }
0x62d: {  	v34 =	vmul.f32 v34, v34;
	v50 =	vmul.f32 v50, v50;
	[tilespmem:$0x1FE10] =	vst v41;
	s16 =	simm.s32 @!p1 $0x0;
	v41 =	vld [tilespmem:s7+$0xE500]  }
0x62e: {  	v55 =	vmul.f32 v55, v55;
	v43 =	vmul.f32 v43, v43;
	v25 =	vadd.f32 v28, v25;
	s4 =	sshll.u32 s16, $0x9;
	s16 =	sor.u32 $0x460, s3;
	[tilespmem:s22+$0x450] =	vst.add.f32.msk $0xffff, v36  }
0x62f: {  	v47 =	vmul.f32 v47, v47;
	v27 =	vadd.f32 v27, v58;
	v58 =	vmul.f32 v60, v60;
	s28 =	sadd.s32 s4, s10;
	s7 =	sor.u32 $0x70, s26;
	v28 =	vld [tilespmem:s16+$0xE500]  }
0x630: {  	v60 =	vmul.f32 v63, v63;
	v16 =	vadd.f32 v16, v57;
	v63 =	vadd.f32 v30, v25;
	s4 =	sor.u32 $0x400, s28;
	[tilespmem:s7+$0x0] =	vst.add.f32.msk $0xffff, v49  }
0x631: {  	v3 =	vmul.f32 v3, v3;
	v14 =	vadd.f32 v17, v14;
	v15 =	vadd.f32 v15, v27;
	v27 =	vld [tilespmem:s4+$0xE500]  }
0x632: {  	v8 =	vmul.f32 v8, v8;
	v17 =	vadd.f32 v32, v63;
	v16 =	vadd.f32 v24, v16;
	s16 =	sor.u32 $0x440, s31;
	[tilespmem:s25+$0x430] =	vst.add.f32.msk $0xffff, v41  }
0x633: {  	v52 =	vmul.f32 v52, v52;
	v14 =	vadd.f32 v35, v14;
	v15 =	vadd.f32 v18, v15;
	[tilespmem:$0x1FDF0] =	vst v49;
	v49 =	vld [tilespmem:s16+$0xE500]  }
0x634: {  	v9 =	vmul.f32 v9, v9;
	v17 =	vadd.f32 v50, v17;
	v16 =	vadd.f32 v31, v16;
	[tilespmem:s22+$0x460] =	vst.add.f32.msk $0xffff, v28  }
0x635: {  	v14 =	vadd.f32 v55, v14;
	v15 =	vadd.f32 v34, v15;
	s3 =	sor.u32 $0x470, s3;
	v38 =	vmul.f32 v28, v28;
	v28 =	vld [tilespmem:$0x1FCF0]  }
0x636: {  	v5 =	vmul.f32 v5, v5;
	v17 =	vadd.f32 v60, v17;
	v16 =	vadd.f32 v53, v16;
	v34 =	vld [tilespmem:s3+$0xE500]  }
0x637: {  	v10 =	vmul.f32 v10, v10;
	v3 =	vadd.f32 v3, v14;
	v15 =	vadd.f32 v37, v15;
	s4 =	sor.u32 $0x410, s28;
	[tilespmem:s26+$0x400] =	vst.add.f32.msk $0xffff, v27  }
0x638: {  	v57 =	vmul.f32 v54, v54;
	v5 =	vadd.f32 v5, v17;
	v16 =	vadd.f32 v58, v16;
	v32 =	vld [tilespmem:s4+$0xE500]  }
0x639: {  	v3 =	vadd.f32 v10, v3;
	v8 =	vadd.f32 v8, v15;
	v15 =	vmul.f32 v36, v36;
	s7 =	sor.u32 $0x450, s31;
	[tilespmem:s25+$0x440] =	vst.add.f32.msk $0xffff, v49  }
0x63a: {  	v18 =	vmul.f32 v21, v21;
	v21 =	vmul.f32 v23, v23;
	v9 =	vadd.f32 v9, v16;
	s16 =	sor.u32 $0x60, s23;
	v50 =	vld [tilespmem:s7+$0xE500]  }
0x63b: {  	v1 =	vmul.f32 v1, v1;
	v5 =	vadd.f32 v26, v5;
	v3 =	vadd.f32 v15, v3;
	[tilespmem:s16+$0x0] =	vst.add.f32.msk $0xffff, v29  }
0x63c: {  	s29 =	sadd.s32 $0x2, s29;
	v9 =	vadd.f32 v21, v9;
	v8 =	vadd.f32 v18, v8;
	v16 =	vmul.f32 v34, v34;
	v31 =	vld [tilespmem:s1+$0x70]  }
0x63d: {  	v4 =	vmul.f32 v4, v4;
	v5 =	vadd.f32 v7, v5;
	v3 =	vadd.f32 v62, v3;
	s3 =	sand.u32 $0x3, s29;
	s4 =	sor.u32 $0x420, s28;
	[tilespmem:s26+$0x410] =	vst.add.f32.msk $0xffff, v32  }
0x63e: {  	v0 =	vmul.f32 v0, v0;
	v8 =	vadd.f32 v38, v8;
	s1 =	sshll.u32 s3, $0x8;
	v9 =	vadd.f32 v16, v9;
	v18 =	vld [tilespmem:s4+$0xE500]  }
0x63f: {  	v54 =	vmul.f32 v56, v56;
	v1 =	vadd.f32 v1, v5;
	v3 =	vadd.f32 v4, v3;
	s7 =	sor.u32 $0x460, s31;
	s1 =	sadd.s32 s10, s1;
	[tilespmem:s25+$0x450] =	vst.add.f32.msk $0xffff, v50  }
0x640: {  	s15 =	sadd.s32 $0x2, s15;
	v55 =	vmul.f32 v51, v51;
	v2 =	vadd.f32 v2, v8;
	s16 =	sor.u32 $0x70, s23;
	s3 =	sadd.s32 $0x100, s1;
	v0 =	vadd.f32 v0, v9;
	v51 =	vld [tilespmem:s7+$0xE500]  }
0x641: {  	p2 =	slt.u32 s15, s21;
	v59 =	vmul.f32 v59, v59;
	v1 =	vadd.f32 v13, v1;
	v3 =	vadd.f32 v19, v3;
	s1 =	sor.u32 $0x400, s3;
	[tilespmem:s16+$0x0] =	vst.add.f32.msk $0xffff, v31  }
.Ltmp22:
0x642: {  	v53 =	vmul.f32 v48, v48;
	v2 =	vadd.f32 v11, v2;
	v0 =	vadd.f32 v12, v0;
	v17 =	vld [tilespmem:s1+$0xE500];
	(pc) =	sbr.rel @p2 .LBB2_35-.Ltmp22, $4  }
0x643: {  	v58 =	vmul.f32 v61, v61;
	v1 =	vadd.f32 v40, v1;
	v4 =	vadd.f32 v44, v3;
	s16 =	sor.u32 $0x430, s28;
	[tilespmem:s26+$0x420] =	vst.add.f32.msk $0xffff, v18  }
0x644: {  	v60 =	vmul.f32 v6, v6;
	v2 =	vadd.f32 v42, v2;
	v0 =	vadd.f32 v22, v0;
	v22 =	vld [tilespmem:s16+$0xE500]  }
0x645: {  	v61 =	vmul.f32 v39, v39;
	v3 =	vadd.f32 v43, v1;
	s31 =	sor.u32 $0x470, s31;
	v6 =	vadd.f32 v47, v4;
	[tilespmem:s25+$0x460] =	vst.add.f32.msk $0xffff, v51  }
0x646: {  	s11 =	sadd.s32 $0x4, s11;
	s2 =	sshra.s32 s2, $0x2;
	v36 =	vmovc v20;
	v30 =	vmov v27;
	v62 =	vadd.f32 v46, v2;
	v63 =	vadd.f32 v45, v0;
	v48 =	vld [tilespmem:s31+$0xE500]  }
0x647: {  	v42 =	vld [tilespmem:$0x1FD10]  }
0x648: {  	v43 =	vld [tilespmem:$0x1FD30]  }
0x649: {  	v44 =	vld [tilespmem:$0x1FD20]  }
0x64a: {  	v45 =	vld [tilespmem:$0x1FD50]  }
0x64b: {  	v37 =	vld [tilespmem:$0x1FD40]  }
0x64c: {  	v0 =	vld [tilespmem:$0x1FDB0]  }
0x64d: {  	[tilespmem:$0x1FDC0] =	vst v32;
	v47 =	vld [tilespmem:$0x1FD60]  }
0x64e: {  	[tilespmem:$0x1FDD0] =	vst v31;
	v38 =	vld [tilespmem:$0x1FD80]  }
0x64f: {  	[tilespmem:$0x1FDE0] =	vst v30;
	s9 =	smov.u32 s0;
	s11 =	smov.u32 s30;
	v46 =	vld [tilespmem:$0x1FD70]  }
0x650: {  	[tilespmem:$0x1FE00] =	vst v29;
	v39 =	vld [tilespmem:$0x1FDA0];
	s15 =	simm.s32 $0x1C500;
	s16 =	simm.s32 $0x1C580;
	s31 =	rddreg [dreg:$0xf]  }
0x651: {  	v20 =	vmov v33;
	v56 =	vmov v28;
	v35 =	vmov v36;
	v40 =	vld [tilespmem:$0x1FD90];
	s18 =	simm.s32 $0x1C600;
	s19 =	simm.s32 $0x1C680;
	s30 =	rddreg [dreg:$0x10];
	[tilespmem:$0x1FE20] =	vst v0  }
.LBB2_37:
0x652: {  	[tilespmem:s23+$0x400] =	vst.add.f32.msk $0xffff, v17;
	s0 =	sor.u32 $0x410, s3  }
0x653: {  	v12 =	vld [tilespmem:s0+$0xE500];
	_ =	sdelay $0x1  }
0x654: {  	[tilespmem:s26+$0x430] =	vst.add.f32.msk $0xffff, v22;
	s4 =	sor.u32 $0x440, s28  }
0x655: {  	v0 =	vld [tilespmem:s4+$0xE500];
	_ =	sdelay $0x1  }
0x656: {  	s7 =	sor.u32 $0x420, s3;
	[tilespmem:s23+$0x410] =	vst.add.f32.msk $0xffff, v12  }
0x657: {  	v13 =	vld [tilespmem:s7+$0xE500];
	_ =	sdelay $0x1  }
0x658: {  	s10 =	sor.u32 $0x450, s28;
	[tilespmem:s26+$0x440] =	vst.add.f32.msk $0xffff, v0  }
0x659: {  	v21 =	vld [tilespmem:s10+$0xE500];
	_ =	sdelay $0x1  }
0x65a: {  	s29 =	sor.u32 $0x430, s3;
	[tilespmem:s23+$0x420] =	vst.add.f32.msk $0xffff, v13  }
0x65b: {  	v23 =	vld [tilespmem:s29+$0xE500];
	_ =	sdelay $0x1  }
0x65c: {  	(v2sf) =	vpush v20, $0x1;
	s1 =	sor.u32 $0x460, s28;
	[tilespmem:s26+$0x450] =	vst.add.f32.msk $0xffff, v21  }
0x65d: {  	v4 =	vld [tilespmem:s1+$0xE500];
	_ =	sdelay $0x1  }
0x65e: {  	s4 =	sor.u32 $0x440, s3;
	[tilespmem:s23+$0x430] =	vst.add.f32.msk $0xffff, v23  }
0x65f: {  	v25 =	vld [tilespmem:s4+$0xE500];
	_ =	sdelay $0x1  }
0x660: {  	s7 =	sor.u32 $0x470, s28;
	[tilespmem:s26+$0x460] =	vst.add.f32.msk $0xffff, v4  }
0x661: {  	v11 =	vld [tilespmem:s7+$0xE500];
	_ =	sdelay $0x1  }
0x662: {  	s10 =	sor.u32 $0x450, s3;
	[tilespmem:s23+$0x440] =	vst.add.f32.msk $0xffff, v25  }
0x663: {  	v26 =	vld [tilespmem:s10+$0xE500]  }
0x664: {  	v1 =	vimm.f32 $0.0e+00;
	s1 =	sshll.u32 s24, $0x9  }
0x665: {  	v19 =	vsel vm1, $0x3F800000, v1;
	[tilespmem:s26+$0x470] =	vst.add.f32.msk $0xffff, v11;
	s26 =	sshra.s32 s1, $0x2  }
0x666: {  	[tilespmem:s26+$0x1A500] =	vst.add.f32.msk $0xffff, v19  }
0x667: {  	v24 =	vld [tilespmem:s9+$0x80]  }
0x668: {  	s29 =	sor.u32 $0x460, s3;
	s0 =	spop (v2sf);
	(v2sf) =	vpush v56, $0x1;
	[tilespmem:s23+$0x450] =	vst.add.f32.msk $0xffff, v26  }
0x669: {  	s4 =	sshll.u32 s0, $0x8;
	s7 =	sshll.u32 s0, $0x7;
	v28 =	vld [tilespmem:s29+$0xE500]  }
0x66a: {  	s24 =	sand.u32 $0x380, s7;
	s10 =	sand.u32 $0xFFFFF800, s4  }
0x66b: {  	s1 =	sor.u32 s24, s10  }
0x66c: {  	[tilespmem:s1+$0x16500] =	vst.add.f32.msk $0xffff, v24  }
0x66d: {  	v27 =	vld [tilespmem:s9+$0x90]  }
0x66e: {  	s26 =	sor.u32 $0x470, s3;
	[tilespmem:s23+$0x460] =	vst.add.f32.msk $0xffff, v28  }
0x66f: {  	v30 =	vld [tilespmem:s26+$0xE500]  }
0x670: {  	s1 =	sadd.s32 $0x16500, s1  }
0x671: {  	s29 =	sor.u32 $0x10, s1  }
0x672: {  	[tilespmem:s29+$0x0] =	vst.add.f32.msk $0xffff, v27  }
0x673: {  	s4 =	sshll.u32 s11, $0x9;
	v29 =	vld [tilespmem:s9+$0xA0]  }
0x674: {  	s3 =	sshra.s32 s4, $0x2;
	[tilespmem:s23+$0x470] =	vst.add.f32.msk $0xffff, v30  }
0x675: {  	[tilespmem:s3+$0x1A500] =	vst.add.f32.msk $0xffff, v19  }
0x676: {  	v8 =	vld [tilespmem:s9+$0x180]  }
0x677: {  	s7 =	sor.u32 $0x20, s1;
	s3 =	spop (v2sf)  }
0x678: {  	[tilespmem:s7+$0x0] =	vst.add.f32.msk $0xffff, v29;
	s10 =	sshll.u32 s3, $0x8;
	s11 =	sshll.u32 s3, $0x7  }
0x679: {  	v31 =	vld [tilespmem:s9+$0xB0];
	s4 =	sand.u32 $0xFFFFF800, s10;
	s7 =	sand.u32 $0x380, s11  }
0x67a: {  	s4 =	sor.u32 s7, s4  }
0x67b: {  	[tilespmem:s4+$0x16500] =	vst.add.f32.msk $0xffff, v8  }
0x67c: {  	v7 =	vld [tilespmem:s9+$0x190]  }
0x67d: {  	s23 =	sor.u32 $0x30, s1  }
0x67e: {  	[tilespmem:s23+$0x0] =	vst.add.f32.msk $0xffff, v31  }
0x67f: {  	s10 =	sadd.s32 $0x16500, s4;
	v32 =	vld [tilespmem:s9+$0xC0]  }
0x680: {  	s4 =	sor.u32 $0x10, s10  }
0x681: {  	[tilespmem:s4+$0x0] =	vst.add.f32.msk $0xffff, v7  }
0x682: {  	v9 =	vld [tilespmem:s9+$0x1A0]  }
0x683: {  	s24 =	sor.u32 $0x40, s1  }
0x684: {  	[tilespmem:s24+$0x0] =	vst.add.f32.msk $0xffff, v32  }
0x685: {  	v14 =	vld [tilespmem:s9+$0xD0]  }
0x686: {  	s26 =	sor.u32 $0x20, s10  }
0x687: {  	[tilespmem:s26+$0x0] =	vst.add.f32.msk $0xffff, v9  }
0x688: {  	v2 =	vld [tilespmem:s9+$0x1B0]  }
0x689: {  	s29 =	sor.u32 $0x50, s1  }
0x68a: {  	[tilespmem:s29+$0x0] =	vst.add.f32.msk $0xffff, v14  }
0x68b: {  	v16 =	vld [tilespmem:s9+$0xE0]  }
0x68c: {  	s7 =	sor.u32 $0x30, s10  }
0x68d: {  	[tilespmem:s7+$0x0] =	vst.add.f32.msk $0xffff, v2  }
0x68e: {  	v5 =	vld [tilespmem:s9+$0x1C0]  }
0x68f: {  	s11 =	sor.u32 $0x60, s1  }
0x690: {  	[tilespmem:s11+$0x0] =	vst.add.f32.msk $0xffff, v16  }
0x691: {  	v33 =	vld [tilespmem:s9+$0xF0]  }
0x692: {  	s23 =	sor.u32 $0x40, s10  }
0x693: {  	[tilespmem:s23+$0x0] =	vst.add.f32.msk $0xffff, v5  }
0x694: {  	v1 =	vld [tilespmem:s9+$0x1D0]  }
0x695: {  	s24 =	sor.u32 $0x70, s1;
	s11 =	sadd.s32 $0x80, s28  }
0x696: {  	s26 =	sor.u32 $0x400, s11;
	[tilespmem:s24+$0x0] =	vst.add.f32.msk $0xffff, v33  }
0x697: {  	v36 =	vld [tilespmem:s26+$0xE500]  }
0x698: {  	s29 =	sor.u32 $0x50, s10  }
0x699: {  	[tilespmem:s29+$0x0] =	vst.add.f32.msk $0xffff, v1  }
0x69a: {  	v20 =	vld [tilespmem:s9+$0x1E0];
	_ =	sdelay $0x1  }
0x69b: {  	s7 =	sor.u32 $0x410, s11;
	[tilespmem:s1+$0x400] =	vst.add.f32.msk $0xffff, v36  }
0x69c: {  	v56 =	vld [tilespmem:s7+$0xE500]  }
0x69d: {  	s23 =	sor.u32 $0x60, s10  }
0x69e: {  	[tilespmem:s23+$0x0] =	vst.add.f32.msk $0xffff, v20  }
0x69f: {  	v10 =	vld [tilespmem:s9+$0x1F0];
	_ =	sdelay $0x1  }
0x6a0: {  	s24 =	sor.u32 $0x420, s11;
	[tilespmem:s1+$0x410] =	vst.add.f32.msk $0xffff, v56  }
0x6a1: {  	v15 =	vld [tilespmem:s24+$0xE500]  }
0x6a2: {  	s26 =	sor.u32 $0x70, s10;
	s9 =	sadd.s32 $0x180, s28  }
0x6a3: {  	s28 =	sor.u32 $0x400, s9;
	[tilespmem:s26+$0x0] =	vst.add.f32.msk $0xffff, v10  }
0x6a4: {  	v52 =	vadd.f32 @p0 v52, v3;
	v3 =	vld [tilespmem:s28+$0xE500];
	_ =	sdelay $0x1  }
0x6a5: {  	v55 =	vadd.f32 @p0 v55, v63;
	s29 =	sor.u32 $0x430, s11;
	[tilespmem:s1+$0x420] =	vst.add.f32.msk $0xffff, v15  }
0x6a6: {  	v6 =	vadd.f32 @p0 v57, v6;
	v57 =	vld [tilespmem:s29+$0xE500]  }
0x6a7: {  	v41 =	vmul.f32 @p0 v41, v41;
	v55 =	vadd.f32 @p0 v59, v55  }
0x6a8: {  	v53 =	vadd.f32 @p0 v53, v62;
	[tilespmem:s10+$0x400] =	vst.add.f32.msk $0xffff, v3  }
0x6a9: {  	v41 =	vadd.f32 @p0 v41, v55;
	v55 =	vld [tilespmem:$0x1FE20]  }
0x6aa: {  	v49 =	vmul.f32 @p0 v49, v49;
	v53 =	vadd.f32 @p0 v54, v53;
	v59 =	vld [tilespmem:$0x1FE10]  }
0x6ab: {  	v50 =	vmul.f32 @p0 v50, v50;
	v51 =	vmul.f32 @p0 v51, v51;
	[tilespmem:s1+$0x430] =	vst.add.f32.msk $0xffff, v57  }
0x6ac: {  	v42 =	vmul.f32 v42, v42;
	v43 =	vmul.f32 v43, v43;
	v53 =	vadd.f32 @p0 v61, v53;
	v61 =	vld [tilespmem:$0x1FDF0]  }
0x6ad: {  	v54 =	vmul.f32 v35, v35;
	v52 =	vadd.f32 @p0 v58, v52;
	v58 =	vadd.f32 @p0 v60, v6;
	v60 =	vld [tilespmem:$0x1FE00]  }
0x6ae: {  	v35 =	vmul.f32 v44, v44;
	v44 =	vmul.f32 v45, v45;
	s7 =	sor.u32 $0x410, s9  }
0x6af: {  	v45 =	vmul.f32 v47, v47;
	v47 =	vmul.f32 v40, v40;
	v6 =	vld [tilespmem:s7+$0xE500]  }
0x6b0: {  	v62 =	vld [tilespmem:$0x1FDD0];
	v40 =	vmul.f32 v55, v55;
	v55 =	vmul.f32 v59, v59  }
0x6b1: {  	s23 =	sor.u32 $0x440, s11;
	v63 =	vld [tilespmem:$0x1FDE0];
	v59 =	vmul.f32 v61, v61;
	v61 =	vmul.f32 @p0 v48, v48  }
0x6b2: {  	v37 =	vmul.f32 v37, v37;
	v49 =	vadd.f32 @p0 v49, v52;
	v52 =	vmul.f32 v60, v60;
	v60 =	vld [tilespmem:s23+$0xE500]  }
0x6b3: {  	v17 =	vmul.f32 v17, v17;
	v18 =	vmul.f32 v18, v18;
	v41 =	vadd.f32 @p0 v61, v41;
	v61 =	vld [tilespmem:$0x1FDC0]  }
0x6b4: {  	v22 =	vmul.f32 v22, v22;
	v38 =	vmul.f32 v38, v38;
	s24 =	sor.u32 $0x420, s9;
	[tilespmem:s10+$0x410] =	vst.add.f32.msk $0xffff, v6  }
0x6b5: {  	v46 =	vmul.f32 v46, v46;
	v50 =	vadd.f32 @p0 v50, v58;
	v58 =	vmul.f32 v62, v62;
	v62 =	vld [tilespmem:s24+$0xE500]  }
0x6b6: {  	v39 =	vmul.f32 v39, v39;
	v51 =	vadd.f32 @p0 v51, v53;
	v12 =	vmul.f32 v12, v12  }
0x6b7: {  	v0 =	vmul.f32 v0, v0;
	v53 =	vmul.f32 v63, v63;
	v63 =	vimm.f32 $0.0e+00  }
0x6b8: {  	v13 =	vmul.f32 v13, v13;
	v21 =	vmul.f32 v21, v21;
	s26 =	sor.u32 $0x450, s11;
	v49 =	vpsel p0, v49, v63;
	[tilespmem:s1+$0x440] =	vst.add.f32.msk $0xffff, v60  }
0x6b9: {  	v23 =	vmul.f32 v23, v23;
	v42 =	vadd.f32 v42, v49;
	v49 =	vpsel p0, v50, v63;
	v50 =	vld [tilespmem:s26+$0xE500]  }
0x6ba: {  	v4 =	vmul.f32 v4, v4;
	s28 =	sor.u32 $0x430, s9;
	v43 =	vadd.f32 v43, v49;
	v49 =	vpsel p0, v51, v63;
	[tilespmem:s10+$0x420] =	vst.add.f32.msk $0xffff, v62  }
0x6bb: {  	v25 =	vmul.f32 v25, v25;
	v11 =	vmul.f32 v11, v11;
	v44 =	vadd.f32 v44, v49;
	v49 =	vld [tilespmem:s28+$0xE500]  }
0x6bc: {  	v26 =	vmul.f32 v26, v26;
	v24 =	vmul.f32 v24, v24  }
0x6bd: {  	v28 =	vmul.f32 v28, v28;
	v27 =	vmul.f32 v27, v27  }
0x6be: {  	v30 =	vmul.f32 v30, v30;
	v29 =	vmul.f32 v29, v29;
	s29 =	sor.u32 $0x460, s11;
	v41 =	vpsel p0, v41, v63;
	[tilespmem:s1+$0x450] =	vst.add.f32.msk $0xffff, v50  }
0x6bf: {  	v31 =	vmul.f32 v31, v31;
	v32 =	vmul.f32 v32, v32;
	v41 =	vadd.f32 v45, v41;
	v51 =	vld [tilespmem:s29+$0xE500]  }
0x6c0: {  	v14 =	vmul.f32 v14, v14;
	s7 =	sor.u32 $0x440, s9;
	v42 =	vadd.f32 v46, v42;
	v44 =	vadd.f32 v55, v44;
	[tilespmem:s10+$0x430] =	vst.add.f32.msk $0xffff, v49  }
0x6c1: {  	v43 =	vadd.f32 v47, v43;
	v61 =	vmul.f32 v61, v61;
	v41 =	vadd.f32 v59, v41;
	v63 =	vld [tilespmem:s7+$0xE500]  }
0x6c2: {  	v16 =	vmul.f32 v16, v16;
	v42 =	vadd.f32 v53, v42;
	v18 =	vadd.f32 v18, v44  }
0x6c3: {  	v33 =	vmul.f32 v33, v33;
	v43 =	vadd.f32 v61, v43;
	v22 =	vadd.f32 v22, v41  }
0x6c4: {  	v36 =	vmul.f32 v36, v36;
	s11 =	sor.u32 $0x470, s11;
	v0 =	vadd.f32 v0, v42;
	v4 =	vadd.f32 v4, v18;
	[tilespmem:s1+$0x460] =	vst.add.f32.msk $0xffff, v51  }
0x6c5: {  	v15 =	vmul.f32 v15, v15;
	v21 =	vadd.f32 v21, v43;
	v11 =	vadd.f32 v11, v22;
	v44 =	vld [tilespmem:s11+$0xE500]  }
0x6c6: {  	s23 =	sor.u32 $0x450, s9;
	v46 =	vmul.f32 v57, v57;
	v0 =	vadd.f32 v24, v0;
	v4 =	vadd.f32 v29, v4;
	[tilespmem:s10+$0x440] =	vst.add.f32.msk $0xffff, v63  }
0x6c7: {  	v47 =	vmul.f32 v60, v60;
	v21 =	vadd.f32 v27, v21;
	v11 =	vadd.f32 v31, v11;
	v53 =	vld [tilespmem:s23+$0xE500]  }
0x6c8: {  	v43 =	vmul.f32 v56, v56;
	v0 =	vadd.f32 v32, v0;
	v4 =	vadd.f32 v16, v4  }
0x6c9: {  	v50 =	vmul.f32 v50, v50;
	v14 =	vadd.f32 v14, v21;
	v11 =	vadd.f32 v33, v11  }
0x6ca: {  	v0 =	vadd.f32 v36, v0;
	v4 =	vadd.f32 v15, v4;
	v51 =	vmul.f32 v51, v51  }
0x6cb: {  	v14 =	vadd.f32 v43, v14;
	v11 =	vadd.f32 v46, v11;
	v55 =	vmul.f32 v44, v44  }
0x6cc: {  	v8 =	vmul.f32 v8, v8;
	s24 =	sor.u32 $0x460, s9;
	v0 =	vadd.f32 v47, v0;
	v4 =	vadd.f32 v51, v4;
	[tilespmem:s10+$0x450] =	vst.add.f32.msk $0xffff, v53  }
0x6cd: {  	v7 =	vmul.f32 v7, v7;
	v14 =	vadd.f32 v50, v14;
	v11 =	vadd.f32 v55, v11;
	v56 =	vld [tilespmem:s24+$0xE500]  }
0x6ce: {  	v9 =	vmul.f32 v9, v9;
	v0 =	vadd.f32 v54, v0;
	v4 =	vadd.f32 v37, v4  }
0x6cf: {  	v2 =	vmul.f32 v2, v2;
	v14 =	vadd.f32 v35, v14;
	v11 =	vadd.f32 v38, v11  }
0x6d0: {  	v5 =	vmul.f32 v5, v5;
	v0 =	vadd.f32 v39, v0;
	v4 =	vadd.f32 v52, v4  }
0x6d1: {  	v1 =	vmul.f32 v1, v1;
	[tilespmem:s22+$0x470] =	vst.add.f32.msk @p0 $0xffff, v34;
	v14 =	vadd.f32 v40, v14;
	v11 =	vadd.f32 v58, v11  }
0x6d2: {  	v10 =	vmul.f32 v10, v10;
	v0 =	vadd.f32 v17, v0;
	v4 =	vadd.f32 v13, v4;
	[tilespmem:s10+$0x460] =	vst.add.f32.msk $0xffff, v56  }
0x6d3: {  	v3 =	vmul.f32 v3, v3;
	s26 =	sor.u32 $0x470, s9;
	v12 =	vadd.f32 v12, v14;
	v11 =	vadd.f32 v23, v11;
	v13 =	vld [tilespmem:$0x1FD00]  }
0x6d4: {  	v6 =	vmul.f32 v6, v6;
	v0 =	vadd.f32 v25, v0;
	v4 =	vadd.f32 v28, v4;
	v59 =	vld [tilespmem:s26+$0xE500]  }
0x6d5: {  	s0 =	sshll.u32 s0, $0x9;
	v57 =	vmul.f32 v20, v20;
	v12 =	vadd.f32 v26, v12;
	v11 =	vadd.f32 v30, v11;
	[tilespmem:s25+$0x470] =	vst.add.f32.msk @p0 $0xffff, v48  }
0x6d6: {  	s0 =	sshra.s32 s0, $0x2;
	v60 =	vmul.f32 v49, v49;
	v0 =	vadd.f32 v8, v0;
	v4 =	vadd.f32 v9, v4;
	[tilespmem:s1+$0x470] =	vst.add.f32.msk $0xffff, v44  }
0x6d7: {  	v61 =	vmul.f32 v53, v53;
	v7 =	vadd.f32 v7, v12;
	[tilespmem:s0+$0x1A500] =	vst.add.f32.msk $0xffff, v19;
	v2 =	vadd.f32 v2, v11  }
0x6d8: {  	v0 =	vadd.f32 v5, v0;
	v58 =	vmul.f32 v62, v62;
	v4 =	vadd.f32 v57, v4;
	[tilespmem:s2+$0x1A500] =	vst.add.f32.msk @p0 $0xffff, v13  }
.Ltmp23:
0x6d9: {  	s28 =	sshll.u32 s3, $0x9;
	v5 =	vmul.f32 v63, v63;
	v1 =	vadd.f32 v1, v7;
	v2 =	vadd.f32 v10, v2;
	[tilespmem:s17+$0x1A500] =	vst.add.f32.msk @p0 $0xffff, v13;
	(pc) =	sbr.rel .LBB2_29-.Ltmp23, $4  }
0x6da: {  	s29 =	sshra.s32 s28, $0x2;
	v0 =	vadd.f32 v3, v0;
	v3 =	vmul.f32 v56, v56;
	v4 =	vadd.f32 v58, v4;
	[tilespmem:s10+$0x470] =	vst.add.f32.msk $0xffff, v59  }
0x6db: {  	v1 =	vadd.f32 v6, v1;
	v63 =	vmul.f32 v59, v59;
	v62 =	vadd.f32 v60, v2;
	[tilespmem:s29+$0x1A500] =	vst.add.f32.msk $0xffff, v19  }
0x6dc: {  	v36 =	vlaneseq.u32;
	v0 =	vadd.f32 v5, v0;
	v3 =	vadd.f32 v3, v4;
	v34 =	vld [tilespmem:$0x1FFE0]  }
0x6dd: {  	v37 =	vimm.s32 $0x0;
	v2 =	vadd.f32 v61, v1;
	v35 =	vld [tilespmem:$0x1FFF0];
	s11 =	rddreg [dreg:$0x12];
	v1 =	vadd.f32 v63, v62  }
.LBB2_28:
0x6de: {  	v0 =	vimm.f32 $0.0e+00  }
0x6df: {  	v2 =	vimm.f32 $0.0e+00;
	v3 =	vimm.f32 $0.0e+00;
	v1 =	vimm.f32 $0.0e+00  }
.LBB2_29:
0x6e0: {  	p0 =	seq.s32 s21, s20  }
.Ltmp24:
0x6e1: {  	_ = 	snop;
	(pc) =	sbr.rel @!p0 .LBB2_38-.Ltmp24, $1  }
0x6e2: {  	_ =	sdelay $0x3  }
.Ltmp25:
0x6e3: {  	(pc) =	sbr.rel .LBB2_40-.Ltmp25, $2  }
0x6e4: {  	_ =	sdelay $0x2  }
0x6e5: {  	v48 =	vimm.f32 $0.0e+00  }
.LBB2_38:
0x6e6: {  	p0 =	sgt.s32 s30, $0x0;
	s0 =	smov.u32 s30  }
0x6e7: {  	s0 =	simm.s32 @!p0 $0x0  }
0x6e8: {  	s2 =	smin.u32 s0, $0x80  }
0x6e9: {  	s1 =	sshrl.u32 s2, $0x2  }
0x6ea: {  	v48 =	vimm.f32 $0.0e+00;
	s2 =	sand.u32 $0xFC, s2;
	s0 =	sshll.u32 s1, $0x9;
	s1 =	sshll.u32 s1, $0xA  }
.LBB2_39:
0x6eb: {  	s3 =	sadd.s32 s2, s5  }
0x6ec: {  	s4 =	sand.u32 $0x7E, s2;
	s3 =	sand.u32 $0xFFFFFF80, s3  }
0x6ed: {  	s3 =	sor.u32 s4, s3  }
0x6ee: {  	v4 =	vld [tilespmem:s3+$0x4400];
	_ =	sdelay $0x4  }
0x6ef: {  	(v2sf) =	vpush v4, $0x0;
	_ =	sdelay $0xb  }
0x6f0: {  	s7 =	sand.u32 $0x7FFFF800, s1;
	s9 =	sand.u32 $0x300, s0  }
0x6f1: {  	s3 =	sor.u32 s9, s7  }
0x6f2: {  	v5 =	vld [tilespmem:s3+$0xE500]  }
0x6f3: {  	s10 =	spop (v2sf)  }
0x6f4: {  	s7 =	sshll.u32 s10, $0x8;
	s9 =	sshll.u32 s10, $0x7  }
0x6f5: {  	s7 =	sand.u32 $0xFFFFF800, s7;
	s9 =	sand.u32 $0x380, s9  }
0x6f6: {  	s7 =	sor.u32 s9, s7  }
0x6f7: {  	[tilespmem:s7+$0x16500] =	vst.add.f32.msk $0xffff, v5  }
0x6f8: {  	v6 =	vld [tilespmem:s3+$0xE510];
	_ =	sdelay $0x2  }
0x6f9: {  	s7 =	sadd.s32 $0x16500, s7  }
0x6fa: {  	s17 =	sor.u32 $0x10, s7  }
0x6fb: {  	[tilespmem:s17+$0x0] =	vst.add.f32.msk $0xffff, v6  }
0x6fc: {  	v7 =	vld [tilespmem:s3+$0xE520];
	_ =	sdelay $0x3  }
0x6fd: {  	s22 =	sor.u32 $0x20, s7  }
0x6fe: {  	[tilespmem:s22+$0x0] =	vst.add.f32.msk $0xffff, v7  }
0x6ff: {  	v8 =	vld [tilespmem:s3+$0xE530];
	_ =	sdelay $0x3  }
0x700: {  	s23 =	sor.u32 $0x30, s7  }
0x701: {  	[tilespmem:s23+$0x0] =	vst.add.f32.msk $0xffff, v8  }
0x702: {  	v9 =	vld [tilespmem:s3+$0xE540];
	_ =	sdelay $0x3  }
0x703: {  	s24 =	sor.u32 $0x40, s7  }
0x704: {  	[tilespmem:s24+$0x0] =	vst.add.f32.msk $0xffff, v9  }
0x705: {  	v10 =	vld [tilespmem:s3+$0xE550];
	_ =	sdelay $0x3  }
0x706: {  	s25 =	sor.u32 $0x50, s7  }
0x707: {  	[tilespmem:s25+$0x0] =	vst.add.f32.msk $0xffff, v10  }
0x708: {  	v11 =	vld [tilespmem:s3+$0xE560];
	_ =	sdelay $0x3  }
0x709: {  	s26 =	sor.u32 $0x60, s7  }
0x70a: {  	[tilespmem:s26+$0x0] =	vst.add.f32.msk $0xffff, v11  }
0x70b: {  	v12 =	vld [tilespmem:s3+$0xE570];
	_ =	sdelay $0x3  }
0x70c: {  	s28 =	sor.u32 $0x70, s7  }
0x70d: {  	[tilespmem:s28+$0x0] =	vst.add.f32.msk $0xffff, v12  }
0x70e: {  	v13 =	vld [tilespmem:s3+$0xE900];
	_ =	sdelay $0x4  }
0x70f: {  	[tilespmem:s7+$0x400] =	vst.add.f32.msk $0xffff, v13  }
0x710: {  	v14 =	vld [tilespmem:s3+$0xE910];
	_ =	sdelay $0x4  }
0x711: {  	[tilespmem:s7+$0x410] =	vst.add.f32.msk $0xffff, v14  }
0x712: {  	v15 =	vld [tilespmem:s3+$0xE920];
	_ =	sdelay $0x4  }
0x713: {  	[tilespmem:s7+$0x420] =	vst.add.f32.msk $0xffff, v15  }
0x714: {  	v16 =	vld [tilespmem:s3+$0xE930];
	_ =	sdelay $0x4  }
0x715: {  	[tilespmem:s7+$0x430] =	vst.add.f32.msk $0xffff, v16  }
0x716: {  	v17 =	vld [tilespmem:s3+$0xE940];
	_ =	sdelay $0x4  }
0x717: {  	[tilespmem:s7+$0x440] =	vst.add.f32.msk $0xffff, v17  }
0x718: {  	v18 =	vld [tilespmem:s3+$0xE950];
	_ =	sdelay $0x4  }
0x719: {  	(v2sf) =	vpush v4, $0x1;
	[tilespmem:s7+$0x450] =	vst.add.f32.msk $0xffff, v18  }
0x71a: {  	v4 =	vld [tilespmem:s3+$0xE960];
	_ =	sdelay $0x4  }
0x71b: {  	[tilespmem:s7+$0x460] =	vst.add.f32.msk $0xffff, v4  }
0x71c: {  	v19 =	vld [tilespmem:s3+$0xE970];
	_ =	sdelay $0x3  }
0x71d: {  	s4 =	sshll.u32 s10, $0x9  }
0x71e: {  	v20 =	vsel vm1, $0x3F800000, v48;
	s4 =	sshra.s32 s4, $0x2;
	[tilespmem:s7+$0x470] =	vst.add.f32.msk $0xffff, v19  }
0x71f: {  	[tilespmem:s4+$0x1A500] =	vst.add.f32.msk $0xffff, v20  }
0x720: {  	v21 =	vld [tilespmem:s3+$0xE580]  }
0x721: {  	s29 =	spop (v2sf)  }
0x722: {  	s10 =	sshll.u32 s29, $0x8;
	s17 =	sshll.u32 s29, $0x7  }
0x723: {  	s7 =	sand.u32 $0x380, s17;
	s4 =	sand.u32 $0xFFFFF800, s10  }
0x724: {  	s4 =	sor.u32 s7, s4  }
0x725: {  	[tilespmem:s4+$0x16500] =	vst.add.f32.msk $0xffff, v21  }
0x726: {  	v22 =	vld [tilespmem:s3+$0xE590];
	_ =	sdelay $0x2  }
0x727: {  	s10 =	sadd.s32 $0x16500, s4  }
0x728: {  	s4 =	sor.u32 $0x10, s10  }
0x729: {  	[tilespmem:s4+$0x0] =	vst.add.f32.msk $0xffff, v22  }
0x72a: {  	v23 =	vld [tilespmem:s3+$0xE5A0];
	_ =	sdelay $0x3  }
0x72b: {  	s22 =	sor.u32 $0x20, s10  }
0x72c: {  	[tilespmem:s22+$0x0] =	vst.add.f32.msk $0xffff, v23  }
0x72d: {  	v24 =	vld [tilespmem:s3+$0xE5B0];
	_ =	sdelay $0x3  }
0x72e: {  	s23 =	sor.u32 $0x30, s10  }
0x72f: {  	[tilespmem:s23+$0x0] =	vst.add.f32.msk $0xffff, v24  }
0x730: {  	v25 =	vld [tilespmem:s3+$0xE5C0];
	_ =	sdelay $0x3  }
0x731: {  	s24 =	sor.u32 $0x40, s10  }
0x732: {  	[tilespmem:s24+$0x0] =	vst.add.f32.msk $0xffff, v25  }
0x733: {  	v26 =	vld [tilespmem:s3+$0xE5D0];
	_ =	sdelay $0x3  }
0x734: {  	s25 =	sor.u32 $0x50, s10  }
0x735: {  	[tilespmem:s25+$0x0] =	vst.add.f32.msk $0xffff, v26  }
0x736: {  	v27 =	vld [tilespmem:s3+$0xE5E0];
	_ =	sdelay $0x3  }
0x737: {  	s26 =	sor.u32 $0x60, s10  }
0x738: {  	[tilespmem:s26+$0x0] =	vst.add.f32.msk $0xffff, v27  }
0x739: {  	v28 =	vld [tilespmem:s3+$0xE5F0];
	_ =	sdelay $0x3  }
0x73a: {  	s28 =	sor.u32 $0x70, s10  }
0x73b: {  	[tilespmem:s28+$0x0] =	vst.add.f32.msk $0xffff, v28  }
0x73c: {  	v29 =	vld [tilespmem:s3+$0xE980];
	_ =	sdelay $0x4  }
0x73d: {  	[tilespmem:s10+$0x400] =	vst.add.f32.msk $0xffff, v29  }
0x73e: {  	v30 =	vld [tilespmem:s3+$0xE990];
	_ =	sdelay $0x4  }
0x73f: {  	[tilespmem:s10+$0x410] =	vst.add.f32.msk $0xffff, v30  }
0x740: {  	v31 =	vld [tilespmem:s3+$0xE9A0];
	_ =	sdelay $0x4  }
0x741: {  	[tilespmem:s10+$0x420] =	vst.add.f32.msk $0xffff, v31  }
0x742: {  	v32 =	vld [tilespmem:s3+$0xE9B0];
	_ =	sdelay $0x4  }
0x743: {  	[tilespmem:s10+$0x430] =	vst.add.f32.msk $0xffff, v32  }
0x744: {  	v33 =	vld [tilespmem:s3+$0xE9C0];
	_ =	sdelay $0x2  }
0x745: {  	v5 =	vmul.f32 v5, v5;
	v6 =	vmul.f32 v6, v6  }
0x746: {  	v7 =	vmul.f32 v7, v7  }
0x747: {  	v0 =	vadd.f32 v5, v0;
	v2 =	vadd.f32 v6, v2;
	v5 =	vmul.f32 v8, v8;
	[tilespmem:s10+$0x440] =	vst.add.f32.msk $0xffff, v33  }
0x748: {  	v3 =	vadd.f32 v7, v3;
	v47 =	vmul.f32 v9, v9;
	v49 =	vmul.f32 v10, v10;
	v50 =	vld [tilespmem:s3+$0xE9D0]  }
0x749: {  	v1 =	vadd.f32 v5, v1;
	v5 =	vmul.f32 v11, v11;
	v51 =	vmul.f32 v12, v12  }
0x74a: {  	v0 =	vadd.f32 v47, v0;
	v2 =	vadd.f32 v49, v2;
	v52 =	vmul.f32 v13, v13  }
0x74b: {  	v3 =	vadd.f32 v5, v3;
	v1 =	vadd.f32 v51, v1;
	v5 =	vmul.f32 v14, v14  }
0x74c: {  	v0 =	vadd.f32 v52, v0;
	v53 =	vmul.f32 v15, v15;
	v54 =	vmul.f32 v16, v16  }
0x74d: {  	v2 =	vadd.f32 v5, v2;
	v5 =	vmul.f32 v17, v17;
	v55 =	vmul.f32 v18, v18;
	[tilespmem:s10+$0x450] =	vst.add.f32.msk $0xffff, v50  }
0x74e: {  	v3 =	vadd.f32 v53, v3;
	v1 =	vadd.f32 v54, v1;
	v4 =	vmul.f32 v4, v4;
	v56 =	vld [tilespmem:s3+$0xE9E0]  }
0x74f: {  	v0 =	vadd.f32 v5, v0;
	v2 =	vadd.f32 v55, v2;
	v5 =	vmul.f32 v19, v19  }
0x750: {  	v3 =	vadd.f32 v4, v3;
	v4 =	vmul.f32 v21, v21;
	v57 =	vmul.f32 v22, v22  }
0x751: {  	v1 =	vadd.f32 v5, v1;
	v5 =	vmul.f32 v23, v23;
	v58 =	vmul.f32 v24, v24  }
0x752: {  	v0 =	vadd.f32 v4, v0;
	v2 =	vadd.f32 v57, v2;
	v4 =	vmul.f32 v25, v25  }
0x753: {  	v3 =	vadd.f32 v5, v3;
	v1 =	vadd.f32 v58, v1;
	v5 =	vmul.f32 v26, v26;
	[tilespmem:s10+$0x460] =	vst.add.f32.msk $0xffff, v56  }
0x754: {  	v0 =	vadd.f32 v4, v0;
	v4 =	vmul.f32 v27, v27;
	v59 =	vmul.f32 v28, v28;
	v60 =	vld [tilespmem:s3+$0xE9F0]  }
0x755: {  	s21 =	sadd.s32 $0x1, s21;
	v2 =	vadd.f32 v5, v2;
	v5 =	vmul.f32 v29, v29;
	v61 =	vmul.f32 v30, v30  }
0x756: {  	p0 =	slt.u32 s21, s20;
	v3 =	vadd.f32 v4, v3;
	v1 =	vadd.f32 v59, v1;
	v4 =	vmul.f32 v31, v31  }
.Ltmp26:
0x757: {  	v0 =	vadd.f32 v5, v0;
	v2 =	vadd.f32 v61, v2;
	v5 =	vmul.f32 v32, v32;
	(pc) =	sbr.rel @p0 .LBB2_39-.Ltmp26, $4  }
0x758: {  	v3 =	vadd.f32 v4, v3;
	v4 =	vmul.f32 v33, v33;
	v62 =	vmul.f32 v50, v50  }
0x759: {  	s29 =	sshll.u32 s29, $0x9;
	v1 =	vadd.f32 v5, v1;
	v5 =	vmul.f32 v56, v56;
	v63 =	vmul.f32 v60, v60  }
0x75a: {  	v0 =	vadd.f32 v4, v0;
	v2 =	vadd.f32 v62, v2;
	s3 =	sshra.s32 s29, $0x2;
	[tilespmem:s10+$0x470] =	vst.add.f32.msk $0xffff, v60  }
0x75b: {  	s0 =	sadd.s32 $0x100, s0;
	s1 =	sadd.s32 $0x200, s1;
	s2 =	sadd.s32 $0x2, s2;
	v3 =	vadd.f32 v5, v3;
	[tilespmem:s3+$0x1A500] =	vst.add.f32.msk $0xffff, v20;
	v1 =	vadd.f32 v63, v1  }
.LBB2_40:
0x75c: {  	s0 =	sand.u32 $0x1, s8  }
0x75d: {  	p0 =	seq.s32 s0, $0x0  }
.Ltmp27:
0x75e: {  	_ = 	snop;
	(pc) =	sbr.rel @p0 .LBB2_42-.Ltmp27, $4  }
0x75f: {  	[tilespmem:s15+$0x0] =	vst.add.f32.msk $0xffff, v0  }
0x760: {  	[tilespmem:s16+$0x0] =	vst.add.f32.msk $0xffff, v2  }
0x761: {  	[tilespmem:s18+$0x0] =	vst.add.f32.msk $0xffff, v3  }
0x762: {  	[tilespmem:s19+$0x0] =	vst.add.f32.msk $0xffff, v1  }
0x763: {  	s0 =	sadd.s32 $0xFFFFFFFF, s8  }
0x764: {  	s1 =	sadd.s32 s11, s0  }
0x765: {  	s2 =	sand.u32 $0x7E, s0;
	s1 =	sand.u32 $0xFFFFFF80, s1  }
0x766: {  	s1 =	sor.u32 s2, s1  }
0x767: {  	v0 =	vld [tilespmem:s1+$0x4400];
	_ =	sdelay $0x4  }
0x768: {  	(v2sf) =	vpush v0, $0x0;
	_ =	sdelay $0xa  }
0x769: {  	s17 =	sshll.u32 s0, $0x8;
	s0 =	sshll.u32 s0, $0x7  }
0x76a: {  	s0 =	sand.u32 $0x300, s0;
	s1 =	sand.u32 $0xF800, s17  }
0x76b: {  	s1 =	sor.u32 s0, s1  }
0x76c: {  	v50 =	vld [tilespmem:s1+$0xE500]  }
0x76d: {  	s20 =	spop (v2sf)  }
0x76e: {  	s21 =	sshll.u32 s20, $0x8;
	s3 =	sshll.u32 s20, $0x7  }
0x76f: {  	s2 =	sand.u32 $0xFFFFF800, s21;
	s3 =	sand.u32 $0x380, s3  }
0x770: {  	s2 =	sor.u32 s3, s2  }
0x771: {  	[tilespmem:s2+$0x16500] =	vst.add.f32.msk $0xffff, v50  }
0x772: {  	v1 =	vld [tilespmem:s1+$0xE510];
	_ =	sdelay $0x2  }
0x773: {  	s2 =	sadd.s32 $0x16500, s2  }
0x774: {  	s22 =	sor.u32 $0x10, s2  }
0x775: {  	[tilespmem:s22+$0x0] =	vst.add.f32.msk $0xffff, v1  }
0x776: {  	v2 =	vld [tilespmem:s1+$0xE520];
	_ =	sdelay $0x3  }
0x777: {  	s23 =	sor.u32 $0x20, s2  }
0x778: {  	[tilespmem:s23+$0x0] =	vst.add.f32.msk $0xffff, v2  }
0x779: {  	v3 =	vld [tilespmem:s1+$0xE530];
	_ =	sdelay $0x3  }
0x77a: {  	s24 =	sor.u32 $0x30, s2  }
0x77b: {  	[tilespmem:s24+$0x0] =	vst.add.f32.msk $0xffff, v3  }
0x77c: {  	v4 =	vld [tilespmem:s1+$0xE540];
	_ =	sdelay $0x3  }
0x77d: {  	s25 =	sor.u32 $0x40, s2  }
0x77e: {  	[tilespmem:s25+$0x0] =	vst.add.f32.msk $0xffff, v4  }
0x77f: {  	v5 =	vld [tilespmem:s1+$0xE550];
	_ =	sdelay $0x3  }
0x780: {  	s26 =	sor.u32 $0x50, s2  }
0x781: {  	[tilespmem:s26+$0x0] =	vst.add.f32.msk $0xffff, v5  }
0x782: {  	v6 =	vld [tilespmem:s1+$0xE560];
	_ =	sdelay $0x3  }
0x783: {  	s28 =	sor.u32 $0x60, s2  }
0x784: {  	[tilespmem:s28+$0x0] =	vst.add.f32.msk $0xffff, v6  }
0x785: {  	v7 =	vld [tilespmem:s1+$0xE570];
	_ =	sdelay $0x3  }
0x786: {  	s29 =	sor.u32 $0x70, s2  }
0x787: {  	[tilespmem:s29+$0x0] =	vst.add.f32.msk $0xffff, v7  }
0x788: {  	v8 =	vld [tilespmem:s1+$0xE900];
	_ =	sdelay $0x4  }
0x789: {  	[tilespmem:s2+$0x400] =	vst.add.f32.msk $0xffff, v8  }
0x78a: {  	v9 =	vld [tilespmem:s1+$0xE910];
	_ =	sdelay $0x4  }
0x78b: {  	[tilespmem:s2+$0x410] =	vst.add.f32.msk $0xffff, v9  }
0x78c: {  	v10 =	vld [tilespmem:s1+$0xE920];
	_ =	sdelay $0x4  }
0x78d: {  	[tilespmem:s2+$0x420] =	vst.add.f32.msk $0xffff, v10  }
0x78e: {  	v11 =	vld [tilespmem:s1+$0xE930];
	_ =	sdelay $0x4  }
0x78f: {  	[tilespmem:s2+$0x430] =	vst.add.f32.msk $0xffff, v11  }
0x790: {  	v12 =	vld [tilespmem:s1+$0xE940];
	_ =	sdelay $0x4  }
0x791: {  	[tilespmem:s2+$0x440] =	vst.add.f32.msk $0xffff, v12  }
0x792: {  	v13 =	vld [tilespmem:s1+$0xE950];
	_ =	sdelay $0x4  }
0x793: {  	[tilespmem:s2+$0x450] =	vst.add.f32.msk $0xffff, v13  }
0x794: {  	v14 =	vld [tilespmem:s1+$0xE960];
	_ =	sdelay $0x2  }
0x795: {  	v0 =	vmul.f32 v50, v50;
	v1 =	vmul.f32 v1, v1  }
0x796: {  	v2 =	vmul.f32 v2, v2;
	v3 =	vmul.f32 v3, v3  }
0x797: {  	v4 =	vmul.f32 v4, v4;
	v5 =	vmul.f32 v5, v5;
	[tilespmem:s2+$0x460] =	vst.add.f32.msk $0xffff, v14  }
0x798: {  	v61 =	vsel vm1, $0x3F800000, v48;
	v51 =	vmul.f32 v6, v6;
	v52 =	vmul.f32 v7, v7;
	v53 =	vld [tilespmem:s1+$0xE970]  }
0x799: {  	v0 =	vadd.f32 v4, v0;
	v1 =	vadd.f32 v5, v1;
	v54 =	vmul.f32 v8, v8  }
0x79a: {  	v2 =	vadd.f32 v51, v2;
	v3 =	vadd.f32 v52, v3;
	v55 =	vmul.f32 v9, v9  }
0x79b: {  	v0 =	vadd.f32 v54, v0;
	v56 =	vmul.f32 v10, v10;
	v57 =	vmul.f32 v12, v12  }
0x79c: {  	s0 =	sshll.u32 s20, $0x9;
	v1 =	vadd.f32 v55, v1;
	v58 =	vmul.f32 v11, v11;
	v59 =	vmul.f32 v13, v13  }
0x79d: {  	s0 =	sshra.s32 s0, $0x2;
	v2 =	vadd.f32 v56, v2;
	v0 =	vadd.f32 v57, v0;
	v60 =	vmul.f32 v14, v14;
	[tilespmem:s2+$0x470] =	vst.add.f32.msk $0xffff, v53  }
.Ltmp28:
0x79e: {  	v3 =	vadd.f32 v58, v3;
	v1 =	vadd.f32 v59, v1;
	v62 =	vmul.f32 v53, v53;
	[tilespmem:s0+$0x1A500] =	vst.add.f32.msk $0xffff, v61;
	(pc) =	sbr.rel .LBB2_42-.Ltmp28, $4  }
0x79f: {  	v2 =	vadd.f32 v60, v2;
	[tilespmem:s15+$0x0] =	vst.add.f32.msk $0xffff, v0  }
0x7a0: {  	v63 =	vadd.f32 v62, v3;
	[tilespmem:s16+$0x0] =	vst.add.f32.msk $0xffff, v1  }
0x7a1: {  	[tilespmem:s18+$0x0] =	vst.add.f32.msk $0xffff, v2  }
0x7a2: {  	[tilespmem:s19+$0x0] =	vst.add.f32.msk $0xffff, v63  }
.LBB2_14:
0x7a3: {  	[tilespmem:$0x1FF30] =	vst v27  }
0x7a4: {  	[tilespmem:$0x1FF40] =	vst v26  }
.Ltmp29:
0x7a5: {  	[tilespmem:$0x1FF50] =	vst v25;
	(pc) =	sbr.rel .LBB2_19-.Ltmp29, $4  }
0x7a6: {  	[tilespmem:$0x1FF60] =	vst v16  }
0x7a7: {  	[tilespmem:$0x1FF70] =	vst v24  }
0x7a8: {  	[tilespmem:$0x1FF80] =	vst v2  }
0x7a9: {  	[tilespmem:$0x1FF90] =	vst v40;
	v44 =	vmov v31;
	v40 =	vmov v47;
	v47 =	vmov v32  }
.LBB2_16:
0x7aa: {  	v42 =	vld [tilespmem:$0x1FE80]  }
0x7ab: {  	v43 =	vld [tilespmem:$0x1FEA0]  }
0x7ac: {  	v44 =	vld [tilespmem:$0x1FE90]  }
0x7ad: {  	v45 =	vld [tilespmem:$0x1FEC0]  }
0x7ae: {  	v37 =	vld [tilespmem:$0x1FEB0]  }
0x7af: {  	v0 =	vld [tilespmem:$0x1FF20]  }
.Ltmp30:
0x7b0: {  	[tilespmem:$0x1FF30] =	vst v32;
	v47 =	vld [tilespmem:$0x1FED0];
	(pc) =	sbr.rel .LBB2_19-.Ltmp30, $4  }
0x7b1: {  	[tilespmem:$0x1FF40] =	vst v31;
	v38 =	vld [tilespmem:$0x1FEF0]  }
0x7b2: {  	[tilespmem:$0x1FF50] =	vst v30;
	s9 =	smov.u32 s0;
	v46 =	vld [tilespmem:$0x1FEE0]  }
0x7b3: {  	[tilespmem:$0x1FF70] =	vst v29;
	s11 =	smov.u32 s31;
	v39 =	vld [tilespmem:$0x1FF10];
	s15 =	simm.s32 $0x1C500;
	s16 =	simm.s32 $0x1C580  }
0x7b4: {  	v20 =	vmov v33;
	v56 =	vmov v28;
	v35 =	vmov v36;
	v40 =	vld [tilespmem:$0x1FF00];
	s18 =	simm.s32 $0x1C600;
	s19 =	simm.s32 $0x1C680;
	s31 =	rddreg [dreg:$0xf];
	[tilespmem:$0x1FF90] =	vst v0  }
.LBB2_32:
0x7b5: {  	[tilespmem:$0x1FDC0] =	vst v27  }
0x7b6: {  	[tilespmem:$0x1FDD0] =	vst v26  }
.Ltmp31:
0x7b7: {  	[tilespmem:$0x1FDE0] =	vst v25;
	(pc) =	sbr.rel .LBB2_37-.Ltmp31, $4  }
0x7b8: {  	[tilespmem:$0x1FDF0] =	vst v16  }
0x7b9: {  	[tilespmem:$0x1FE00] =	vst v24  }
0x7ba: {  	[tilespmem:$0x1FE10] =	vst v2  }
0x7bb: {  	[tilespmem:$0x1FE20] =	vst v40;
	v44 =	vmov v31;
	v40 =	vmov v47;
	v47 =	vmov v32  }
.LBB2_34:
0x7bc: {  	v42 =	vld [tilespmem:$0x1FD10]  }
0x7bd: {  	v43 =	vld [tilespmem:$0x1FD30]  }
0x7be: {  	v44 =	vld [tilespmem:$0x1FD20]  }
0x7bf: {  	v45 =	vld [tilespmem:$0x1FD50]  }
0x7c0: {  	v37 =	vld [tilespmem:$0x1FD40]  }
0x7c1: {  	v0 =	vld [tilespmem:$0x1FDB0]  }
.Ltmp32:
0x7c2: {  	[tilespmem:$0x1FDC0] =	vst v32;
	v47 =	vld [tilespmem:$0x1FD60];
	(pc) =	sbr.rel .LBB2_37-.Ltmp32, $4  }
0x7c3: {  	[tilespmem:$0x1FDD0] =	vst v31;
	v38 =	vld [tilespmem:$0x1FD80]  }
0x7c4: {  	[tilespmem:$0x1FDE0] =	vst v30;
	s9 =	smov.u32 s0;
	s11 =	smov.u32 s30;
	v46 =	vld [tilespmem:$0x1FD70]  }
0x7c5: {  	[tilespmem:$0x1FE00] =	vst v29;
	v39 =	vld [tilespmem:$0x1FDA0];
	s15 =	simm.s32 $0x1C500;
	s16 =	simm.s32 $0x1C580;
	s31 =	rddreg [dreg:$0xf]  }
0x7c6: {  	v20 =	vmov v33;
	v56 =	vmov v28;
	v35 =	vmov v36;
	v40 =	vld [tilespmem:$0x1FD90];
	s18 =	simm.s32 $0x1C600;
	s19 =	simm.s32 $0x1C680;
	s30 =	rddreg [dreg:$0x10];
	[tilespmem:$0x1FE20] =	vst v0  }
.LBB2_44:
0x7c7: {  	_ =	sfence.sel $0x180000  }
0x7c8: {  	[bflag:$0x0] =	sbarrier.arrive $0xFFFF  }
0x7c9: {  	_ =	strace $0x90000047  }
0x7ca: {  	s0 =	stileid.u32;
	[bflag:$0x2] =	sbarrier.arrive $0xFFFF  }
0x7cb: {  	p0 =	sne.s32 s0, $0x0;
	s0 =	rddreg [dreg:$0x4]  }
0x7cc: {  	s0 =	sadd.s32 @!p0 $0x100000, s0  }
0x7cd: {  	[sflag:s0] =	ssyncadd.tile.s32 @!p0 $0x1;
	_ =	shalt  }
.Lfunc_end2:
_tile_overlayer_lowered:
.L_overlay_start_2:
0x7ce: {  	(tag) =	ssettag $0x2  }
0x7cf: {  	s0 =	rddreg [dreg:$0x0];
	s2 =	stileid.u32  }
0x7d0: {  	s1 =	rddreg [dreg:$0x1];
	p0 =	sne.s32 s2, $0x0  }
0x7d1: {  	s3 =	rddreg [dreg:$0x2];
	[bflag:$0x3] =	sbarrier.arrive $0xFFFF;
	s2 =	simm.s32 @!p0 $0x1C03  }
0x7d2: {  	[timem:s3], [sflag:s2] =	dma.local @!p0 [hbm:s0], s1  }
0x7d3: {  	s0 =	simm.s32 @!p0 $0x3  }
0x7d4: {  	_ =	swait.ge @!p0 [sflag:s0], s1  }
0x7d5: {  	s1 =	ssub.s32 @!p0 $0x0, s1;
	[sflag:s0] =	ssyncset.done @!p0 $0x0  }
0x7d6: {  	[sflag:s0] =	ssyncadd.s32 @!p0 s1  }
0x7d7: {  	[bflag:$0x3] =	sbarrier.arrive $0xFFFF  }
0x7d8: {  	_ =	shalt  }

</sc_bundles>
